<compile_context>
chip_gen: v7x
topology: tpu7x:2x2x1
jax: 0.10.2.dev20260603
libtpu: 0.0.44.dev20260713+nightly
codegen_flags: <defaults>
</compile_context>

<pallas_src>
import functools

import jax
import jax.numpy as jnp
from jax import lax
from jax.experimental import pallas as pl
from jax.experimental.pallas import tpu as pltpu
from jax.experimental.pallas import tpu_sc as plsc

_VOCAB = 100000
_SEQ = 8192
_L = 16
_NS = 16
_VP = 102400
_RPW = _VP // _NS
_NV = _RPW // _L
_TPW = _SEQ // _NS
_TR = _TPW // 128
_K = 5
_PAD_BASE = _VP - _L
_GAIN_UP = 1.5
_GAIN_DOWN = 0.6

_mesh = plsc.VectorSubcoreMesh(
    core_axis_name="c", subcore_axis_name="s", num_cores=2, num_subcores=_NS
)


def _lane_shuffle(v, perm):
    return v.at[perm].get(mode="promise_in_bounds")


def _lane_max_splat(v, lane):
    for sh in (8, 4, 2, 1):
        v = jnp.maximum(v, _lane_shuffle(v, lane ^ sh))
    return v


def _lane_sum_splat(v, lane):
    for sh in (8, 4, 2, 1):
        v = v + _lane_shuffle(v, lane ^ sh)
    return v


def _insert_top(tops, key):
    out = []
    for j, t in enumerate(tops):
        hi = jnp.maximum(t, key)
        if j + 1 < len(tops):
            key = jnp.minimum(t, key)
        out.append(hi)
    return out


@functools.partial(
    pl.kernel,
    out_type=(
        jax.ShapeDtypeStruct((_VP,), jnp.float32),
        jax.ShapeDtypeStruct((_L,), jnp.float32),
    ),
    mesh=_mesh,
    scratch_types=[
        pltpu.VMEM_SHARED((_VP,), jnp.float32),
        pltpu.VMEM_SHARED((_NS * _K * _L,), jnp.int32),
        pltpu.VMEM_SHARED((_NS * _L,), jnp.float32),
        pltpu.VMEM((_TR, 128), jnp.int32),
        pltpu.VMEM((_TR, 128), jnp.float32),
        pltpu.VMEM((_TR, 128), jnp.float32),
        pltpu.VMEM((_TR, 128), jnp.float32),
        pltpu.VMEM((_TR, 128), jnp.float32),
        pltpu.VMEM((_TR, 128), jnp.float32),
        pltpu.VMEM((_RPW,), jnp.float32),
        pltpu.VMEM((_RPW,), jnp.float32),
        pltpu.VMEM((_K * _L,), jnp.int32),
        pltpu.VMEM((_NS * _K * _L,), jnp.int32),
        pltpu.VMEM((_NS * _L,), jnp.float32),
        pltpu.VMEM((_L,), jnp.int32),
        pltpu.VMEM((_L,), jnp.float32),
        pltpu.VMEM((_L,), jnp.float32),
        pltpu.SemaphoreType.DMA,
    ],
)
def _spiking_sc_kernel(
    tok_hbm, m0_hbm, m1_hbm, m2_hbm, gains_hbm, svc_hbm,
    hist, topst, svcst,
    tok_v, val_v, cntg_v, mk0_v, mk1_v, mk2_v, cnt_v, g_v,
    stage_v, allstage_v, allsvc_v, widx_v, wval_v, svco_v, sem,
):
    c = lax.axis_index("c")
    s = lax.axis_index("s")
    rbase = s * _RPW
    lane = lax.iota(jnp.int32, _L)
    zf = jnp.zeros((_L,), jnp.float32)
    zi = jnp.zeros((_L,), jnp.int32)

    def _zero_body(i, carry):
        for u in range(4):
            cnt_v[pl.ds(pl.multiple_of(i * (4 * _L) + u * _L, _L), _L)] = zf
        return carry

    lax.fori_loop(0, _NV // 4, _zero_body, 0)
    pltpu.sync_copy(cnt_v, hist.at[pl.ds(rbase, _RPW)])
    plsc.subcore_barrier()

    pltpu.sync_copy(tok_hbm.at[pl.ds(s * _TR, _TR)], tok_v)
    ones = jnp.ones((_L,), jnp.float32)
    for j in range(_TR):
        for k in range(128 // _L):
            val_v[j, pl.ds(k * _L, _L)] = ones
    for j in range(_TR):
        pltpu.sync_copy(val_v.at[j], hist.at[tok_v.at[j]], add=True)
    plsc.subcore_barrier()

    pltpu.sync_copy(hist.at[pl.ds(rbase, _RPW)], cnt_v)
    for j in range(_TR):
        pltpu.sync_copy(hist.at[tok_v.at[j]], cntg_v.at[j])
    for msrc, mdst in ((m0_hbm, mk0_v), (m1_hbm, mk1_v), (m2_hbm, mk2_v)):
        pltpu.sync_copy(msrc.at[pl.ds(s * _TR, _TR)], mdst)

    def _scan_body(i, carry):
        t1, t2, t3, t4, t5, kidx = carry
        tops = [t1, t2, t3, t4, t5]
        for u in range(8):
            off = pl.multiple_of(i * (8 * _L) + u * _L, _L)
            cnt = cnt_v[pl.ds(off, _L)]
            g_v[pl.ds(off, _L)] = jnp.where(cnt > 0.0, _GAIN_DOWN, 1.0)
            key = (cnt.astype(jnp.int32) << 17) | (kidx - u * _L)
            tops = _insert_top(tops, key)
        t1, t2, t3, t4, t5 = tops
        return t1, t2, t3, t4, t5, kidx - 8 * _L

    kidx0 = (0x1FFFF - rbase) - lane
    t1, t2, t3, t4, t5, _ = lax.fori_loop(
        0, _NV // 8, _scan_body, (zi, zi, zi, zi, zi, kidx0)
    )

    @pl.when(c == 0)
    def _():
        pltpu.sync_copy(g_v, gains_hbm.at[pl.ds(rbase, _RPW)])

    for j, t in enumerate((t1, t2, t3, t4, t5)):
        stage_v[pl.ds(j * _L, _L)] = t
    pltpu.sync_copy(stage_v, topst.at[pl.ds(s * _K * _L, _K * _L)])

    a0 = zf
    a1 = zf
    a2 = zf
    for j in range(_TR):
        for k in range(128 // _L):
            cg = cntg_v[j, pl.ds(k * _L, _L)]
            a0 = a0 + cg * mk0_v[j, pl.ds(k * _L, _L)]
            a1 = a1 + cg * mk1_v[j, pl.ds(k * _L, _L)]
            a2 = a2 + cg * mk2_v[j, pl.ds(k * _L, _L)]
    sa0 = _lane_sum_splat(a0, lane)
    sa1 = _lane_sum_splat(a1, lane)
    sa2 = _lane_sum_splat(a2, lane)
    svco_v[...] = jnp.where(
        lane == 0, sa0, jnp.where(lane == 1, sa1, jnp.where(lane == 2, sa2, 0.0))
    )
    pltpu.sync_copy(svco_v, svcst.at[pl.ds(s * _L, _L)])
    plsc.subcore_barrier()

    @pl.when((c == 0) & (s == 0))
    def _():
        pltpu.sync_copy(topst, allstage_v)
        pltpu.sync_copy(svcst, allsvc_v)
        g = [allstage_v[pl.ds(j * _L, _L)] for j in range(_K)]
        for t in range(1, _NS):
            for j in range(_K):
                g = _insert_top(g, allstage_v[pl.ds(t * _K * _L + j * _L, _L)])
        widx = _PAD_BASE + lane
        prev = None
        for p in range(_K):
            if prev is None:
                cand = g[0]
            else:
                cand = zi
                for t in g:
                    cand = jnp.maximum(cand, jnp.where(t < prev, t, 0))
            m = _lane_max_splat(cand, lane)
            ok = m >= (1 << 17)
            idx = 0x1FFFF - (m & 0x1FFFF)
            widx = jnp.where((lane == p) & ok, idx, widx)
            prev = m
        widx_v[...] = widx
        wval_v[...] = jnp.full((_L,), _GAIN_UP, jnp.float32)
        pltpu.async_copy(wval_v, gains_hbm.at[widx_v], sem).wait()
        acc = zf
        for t in range(_NS):
            acc = acc + allsvc_v[pl.ds(t * _L, _L)]
        svco_v[...] = acc
        pltpu.sync_copy(svco_v, svc_hbm)


@jax.jit
def kernel(token_sequence, svc_mask, svc_thresholds, svc_decay):
    del svc_thresholds, svc_decay
    tok = token_sequence.astype(jnp.int32).reshape(_SEQ // 128, 128)
    mf = (svc_mask > 0).astype(jnp.float32)
    m0 = mf[:, 0].reshape(_SEQ // 128, 128)
    m1 = mf[:, 1].reshape(_SEQ // 128, 128)
    m2 = mf[:, 2].reshape(_SEQ // 128, 128)
    gains_pad, svc_pad = _spiking_sc_kernel(tok, m0, m1, m2)
    return gains_pad[:_VOCAB], svc_pad[:3]

# --- scband reference (transcript-rebuilt; emitter-appended) ---
"""Pipeline reference for scband-spiking-attention-svc-9234179687031 (READ-ONLY COPY).

The authoritative reference and input builder live on the scoring server;
editing this copy changes nothing except your own understanding.
"""

import jax, jax.numpy as jnp
import numpy as np

VOCAB = 100000
SEQ_LEN = 8192
SVC = 3
DECAY = 0.7
THETA = 1.0
K_WINNERS = 5
GAIN_UP = 1.5
GAIN_DOWN = 0.6


def setup_inputs(seed: int = 0) -> dict:
    key = jax.random.key(seed)
    k1, k2 = jax.random.split(key, 2)
    return {
        "token_sequence": jax.random.randint(k1, (SEQ_LEN,), 0, VOCAB),
        "svc_mask": jax.random.randint(k2, (SEQ_LEN, SVC), 0, 2),
        "svc_thresholds": jnp.ones((SVC,), jnp.float32),
        "svc_decay": jnp.full((SVC,), DECAY, dtype=jnp.float32),
    }


@jax.jit
def _lif_scan(tokens):
    # Sequential LIF membrane update over the token stream (scatter into vocab-sized state).
    def step(carry, tok):
        v, sc = carry
        valid = (tok >= 0) & (tok < VOCAB)
        tc = jnp.clip(tok, 0, VOCAB - 1)
        vi = DECAY * v[tc] + 1.0
        sp = ((vi >= THETA) & valid).astype(jnp.float32)
        sc = sc.at[tc].add(sp)
        new_v = jnp.where(valid, vi - THETA * sp, v[tc])
        v = v.at[tc].set(new_v)
        return (v, sc), None

    init = (jnp.zeros((VOCAB,), jnp.float32), jnp.zeros((VOCAB,), jnp.float32))
    (v, sc), _ = jax.lax.scan(step, init, tokens)
    return v, sc


def reference(token_sequence, svc_mask, svc_thresholds, svc_decay):
    # svc_thresholds / svc_decay are parameters of the module but unused in forward (faithful to torch code).
    _, spike_counts = _lif_scan(token_sequence)

    # k-WTA attention gains: active-but-losing neurons -> gain_down, winners -> gain_up, inactive -> 1.0
    gains = jnp.where(spike_counts > 0, GAIN_DOWN, 1.0).astype(jnp.float32)
    vals, idxs = jax.lax.top_k(spike_counts, K_WINNERS)
    # a top-k slot only counts as a winner if its spike count is > 0 (emulates k=min(k_winners, n_active))
    gains = gains.at[idxs].set(jnp.where(vals > 0, GAIN_UP, gains[idxs]))

    # per-SVC-component spike totals: gather spike_counts at each token, masked sum per component
    sc_tok = spike_counts[jnp.clip(token_sequence, 0, VOCAB - 1)]
    svc_spikes = jnp.sum((svc_mask > 0).astype(jnp.float32) * sc_tok[:, None], axis=0)

    return gains, svc_spikes

if __name__ == "__main__":
    import jax
    _d = setup_inputs()
    print(jax.jit(kernel)(*tuple(_d.values())))

</pallas_src>

<mosaic_0001>
#map = affine_map<(d0, d1) -> (0, 0)>
#map1 = affine_map<(d0, d1) -> (0)>
module attributes {stable_mosaic.version = 14 : i64} {
  func.func @_spiking_sc_kernel(%arg0: i32, %arg1: i32, %arg2: memref<64x128xi32, #tpu.memory_space<hbm>>, %arg3: memref<64x128xf32, #tpu.memory_space<hbm>>, %arg4: memref<64x128xf32, #tpu.memory_space<hbm>>, %arg5: memref<64x128xf32, #tpu.memory_space<hbm>>, %arg6: memref<102400xf32, #tpu.memory_space<hbm>>, %arg7: memref<16xf32, #tpu.memory_space<hbm>>, %arg8: memref<102400xf32, #tpu.memory_space<vmem_shared>>, %arg9: memref<1280xi32, #tpu.memory_space<vmem_shared>>, %arg10: memref<256xf32, #tpu.memory_space<vmem_shared>>, %arg11: memref<4x128xi32, #tpu.memory_space<vmem>>, %arg12: memref<4x128xf32, #tpu.memory_space<vmem>>, %arg13: memref<4x128xf32, #tpu.memory_space<vmem>>, %arg14: memref<4x128xf32, #tpu.memory_space<vmem>>, %arg15: memref<4x128xf32, #tpu.memory_space<vmem>>, %arg16: memref<4x128xf32, #tpu.memory_space<vmem>>, %arg17: memref<6400xf32, #tpu.memory_space<vmem>>, %arg18: memref<6400xf32, #tpu.memory_space<vmem>>, %arg19: memref<80xi32, #tpu.memory_space<vmem>>, %arg20: memref<1280xi32, #tpu.memory_space<vmem>>, %arg21: memref<256xf32, #tpu.memory_space<vmem>>, %arg22: memref<16xi32, #tpu.memory_space<vmem>>, %arg23: memref<16xf32, #tpu.memory_space<vmem>>, %arg24: memref<16xf32, #tpu.memory_space<vmem>>, %arg25: memref<!tpu.dma_semaphore, #tpu.memory_space<semaphore_mem>>) attributes {dimension_semantics = [#tpu.dimension_semantics<core_parallel>, #tpu.dimension_semantics<subcore_parallel>], iteration_bounds = array<i64: 2, 16>, scalar_prefetch = 0 : i64, scratch_operands = 18 : i64, tpu.core_type = #tpu.core_type<sc_vector_subcore>, window_params = [{transform_indices = #map}, {transform_indices = #map}, {transform_indices = #map}, {transform_indices = #map}, {transform_indices = #map1}, {transform_indices = #map1}]} {
    %mul3A = arith.constant 6400 : i32
    %mul3A_0 = arith.muli %arg1, %mul3A : i32
    %iota3A = tpu.iota {dimensions = array<i32: 0>} : vector<16xi32>
    %broadcast_in_dim3A = arith.constant 0.000000e+00 : f32
    %broadcast_in_dim3A_1 = vector.broadcast %broadcast_in_dim3A : f32 to vector<16xf32>
    %broadcast_in_dim3A_2 = arith.constant 0 : i32
    %broadcast_in_dim3A_3 = vector.broadcast %broadcast_in_dim3A_2 : i32 to vector<16xi32>
    %scan3A = arith.constant 0 : i32
    %scan3A_4 = arith.constant 0 : i32
    %scan3A_5 = arith.constant 100 : i32
    %scan3A_6 = arith.addi %scan3A_4, %scan3A_5 : i32
    %scan3A_7 = arith.constant 1 : i32
    scf.for %scan3A_1282 = %scan3A_4 to %scan3A_6 step %scan3A_7  : i32 {
      %mul3A_1283 = arith.constant 64 : i32
      %mul3A_1284 = arith.muli %scan3A_1282, %mul3A_1283 : i32
      %add3A_1285 = arith.constant 0 : i32
      %add3A_1286 = arith.addi %mul3A_1284, %add3A_1285 : i32
      %multiple_of3A = tpu.assume_multiple %add3A_1286, 16 : i32
      %swap3A_1287 = arith.index_cast %multiple_of3A : i32 to index
      %swap3A_1288 = tpu.vector_load %arg17[%swap3A_1287] {strides = array<i32>} : memref<6400xf32, #tpu.memory_space<vmem>>, vector<16xf32>,
      %swap3A_1289 = vector.shape_cast %swap3A_1288 : vector<16xf32> to vector<16xf32>
      %swap3A_1290 = vector.shape_cast %broadcast_in_dim3A_1 : vector<16xf32> to vector<16xf32>
      tpu.vector_store %arg17[%swap3A_1287], %swap3A_1290 {strides = array<i32>} : memref<6400xf32, #tpu.memory_space<vmem>>, vector<16xf32>,
      %mul3A_1291 = arith.constant 64 : i32
      %mul3A_1292 = arith.muli %scan3A_1282, %mul3A_1291 : i32
      %add3A_1293 = arith.constant 16 : i32
      %add3A_1294 = arith.addi %mul3A_1292, %add3A_1293 : i32
      %multiple_of3A_1295 = tpu.assume_multiple %add3A_1294, 16 : i32
      %swap3A_1296 = arith.index_cast %multiple_of3A_1295 : i32 to index
      %swap3A_1297 = tpu.vector_load %arg17[%swap3A_1296] {strides = array<i32>} : memref<6400xf32, #tpu.memory_space<vmem>>, vector<16xf32>,
      %swap3A_1298 = vector.shape_cast %swap3A_1297 : vector<16xf32> to vector<16xf32>
      %swap3A_1299 = vector.shape_cast %broadcast_in_dim3A_1 : vector<16xf32> to vector<16xf32>
      tpu.vector_store %arg17[%swap3A_1296], %swap3A_1299 {strides = array<i32>} : memref<6400xf32, #tpu.memory_space<vmem>>, vector<16xf32>,
      %mul3A_1300 = arith.constant 64 : i32
      %mul3A_1301 = arith.muli %scan3A_1282, %mul3A_1300 : i32
      %add3A_1302 = arith.constant 32 : i32
      %add3A_1303 = arith.addi %mul3A_1301, %add3A_1302 : i32
      %multiple_of3A_1304 = tpu.assume_multiple %add3A_1303, 16 : i32
      %swap3A_1305 = arith.index_cast %multiple_of3A_1304 : i32 to index
      %swap3A_1306 = tpu.vector_load %arg17[%swap3A_1305] {strides = array<i32>} : memref<6400xf32, #tpu.memory_space<vmem>>, vector<16xf32>,
      %swap3A_1307 = vector.shape_cast %swap3A_1306 : vector<16xf32> to vector<16xf32>
      %swap3A_1308 = vector.shape_cast %broadcast_in_dim3A_1 : vector<16xf32> to vector<16xf32>
      tpu.vector_store %arg17[%swap3A_1305], %swap3A_1308 {strides = array<i32>} : memref<6400xf32, #tpu.memory_space<vmem>>, vector<16xf32>,
      %mul3A_1309 = arith.constant 64 : i32
      %mul3A_1310 = arith.muli %scan3A_1282, %mul3A_1309 : i32
      %add3A_1311 = arith.constant 48 : i32
      %add3A_1312 = arith.addi %mul3A_1310, %add3A_1311 : i32
      %multiple_of3A_1313 = tpu.assume_multiple %add3A_1312, 16 : i32
      %swap3A_1314 = arith.index_cast %multiple_of3A_1313 : i32 to index
      %swap3A_1315 = tpu.vector_load %arg17[%swap3A_1314] {strides = array<i32>} : memref<6400xf32, #tpu.memory_space<vmem>>, vector<16xf32>,
      %swap3A_1316 = vector.shape_cast %swap3A_1315 : vector<16xf32> to vector<16xf32>
      %swap3A_1317 = vector.shape_cast %broadcast_in_dim3A_1 : vector<16xf32> to vector<16xf32>
      tpu.vector_store %arg17[%swap3A_1314], %swap3A_1317 {strides = array<i32>} : memref<6400xf32, #tpu.memory_space<vmem>>, vector<16xf32>,
    }
    %scan3A_8 = arith.constant 100 : i32
    "tpu.region"() ({
      %run_scoped3A_1282 = tpu.sem_alloc : memref<!tpu.dma_semaphore, #tpu.memory_space<semaphore_mem>>
      %dma_start3A = tpu.memref_slice %arg8[%mul3A_0] : memref<102400xf32, #tpu.memory_space<vmem_shared>> -> memref<6400xf32, #tpu.memory_space<vmem_shared>>
      %dma_start3A_1283 = tpu.memref_slice %arg8[%mul3A_0] : memref<102400xf32, #tpu.memory_space<vmem_shared>> -> memref<6400xf32, #tpu.memory_space<vmem_shared>>
      tpu.enqueue_dma source(%arg17 : memref<6400xf32, #tpu.memory_space<vmem>>) target(%dma_start3A_1283 : memref<6400xf32, #tpu.memory_space<vmem_shared>>) target_semaphore(%run_scoped3A_1282 : memref<!tpu.dma_semaphore, #tpu.memory_space<semaphore_mem>>)
      %dma_wait3A = tpu.memref_slice %arg8[%mul3A_0] : memref<102400xf32, #tpu.memory_space<vmem_shared>> -> memref<6400xf32, #tpu.memory_space<vmem_shared>>
      %dma_wait3A_1284 = tpu.memref_slice %arg8[%mul3A_0] : memref<102400xf32, #tpu.memory_space<vmem_shared>> -> memref<6400xf32, #tpu.memory_space<vmem_shared>>
      tpu.wait_dma2 semaphore(%run_scoped3A_1282 : memref<!tpu.dma_semaphore, #tpu.memory_space<semaphore_mem>>) src(%arg17 : memref<6400xf32, #tpu.memory_space<vmem>>) dst(%dma_wait3A_1284 : memref<6400xf32, #tpu.memory_space<vmem_shared>>)
      tpu.yield
    }) : () -> ()
    %barrier3A = arith.constant 0 : index
    tpu.barrier barrier_id(%barrier3A)
    %mul3A_9 = arith.constant 4 : i32
    %mul3A_10 = arith.muli %arg1, %mul3A_9 : i32
    "tpu.region"() ({
      %run_scoped3A_1282 = tpu.sem_alloc : memref<!tpu.dma_semaphore, #tpu.memory_space<semaphore_mem>>
      %dma_start3A = arith.constant 0 : i32
      %dma_start3A_1283 = tpu.memref_slice %arg2[%mul3A_10, %dma_start3A] : memref<64x128xi32, #tpu.memory_space<hbm>> -> memref<4x128xi32, #tpu.memory_space<hbm>>
      %dma_start3A_1284 = arith.constant 0 : i32
      %dma_start3A_1285 = tpu.memref_slice %arg2[%mul3A_10, %dma_start3A_1284] : memref<64x128xi32, #tpu.memory_space<hbm>> -> memref<4x128xi32, #tpu.memory_space<hbm>>
      tpu.enqueue_dma source(%dma_start3A_1285 : memref<4x128xi32, #tpu.memory_space<hbm>>) target(%arg11 : memref<4x128xi32, #tpu.memory_space<vmem>>) target_semaphore(%run_scoped3A_1282 : memref<!tpu.dma_semaphore, #tpu.memory_space<semaphore_mem>>)
      %dma_wait3A = arith.constant 0 : i32
      %dma_wait3A_1286 = tpu.memref_slice %arg2[%mul3A_10, %dma_wait3A] : memref<64x128xi32, #tpu.memory_space<hbm>> -> memref<4x128xi32, #tpu.memory_space<hbm>>
      %dma_wait3A_1287 = arith.constant 0 : i32
      %dma_wait3A_1288 = tpu.memref_slice %arg2[%mul3A_10, %dma_wait3A_1287] : memref<64x128xi32, #tpu.memory_space<hbm>> -> memref<4x128xi32, #tpu.memory_space<hbm>>
      tpu.wait_dma2 semaphore(%run_scoped3A_1282 : memref<!tpu.dma_semaphore, #tpu.memory_space<semaphore_mem>>) src(%dma_wait3A_1288 : memref<4x128xi32, #tpu.memory_space<hbm>>) dst(%arg11 : memref<4x128xi32, #tpu.memory_space<vmem>>)
      tpu.yield
    }) : () -> ()
    %broadcast_in_dim3A_11 = arith.constant 1.000000e+00 : f32
    %broadcast_in_dim3A_12 = vector.broadcast %broadcast_in_dim3A_11 : f32 to vector<16xf32>
    %swap3A = arith.constant 0 : i32
    %swap3A_13 = arith.index_cast %swap3A : i32 to index
    %swap3A_14 = arith.constant 0 : index
    %swap3A_15 = tpu.vector_load %arg12[%swap3A_13, %swap3A_14] {strides = array<i32>} : memref<4x128xf32, #tpu.memory_space<vmem>>, vector<1x16xf32>,
    %swap3A_16 = vector.shape_cast %swap3A_15 : vector<1x16xf32> to vector<16xf32>
    %swap3A_17 = vector.shape_cast %broadcast_in_dim3A_12 : vector<16xf32> to vector<1x16xf32>
    tpu.vector_store %arg12[%swap3A_13, %swap3A_14], %swap3A_17 {strides = array<i32>} : memref<4x128xf32, #tpu.memory_space<vmem>>, vector<1x16xf32>,
    %swap3A_18 = arith.constant 0 : i32
    %swap3A_19 = arith.index_cast %swap3A_18 : i32 to index
    %swap3A_20 = arith.constant 16 : index
    %swap3A_21 = tpu.vector_load %arg12[%swap3A_19, %swap3A_20] {strides = array<i32>} : memref<4x128xf32, #tpu.memory_space<vmem>>, vector<1x16xf32>,
    %swap3A_22 = vector.shape_cast %swap3A_21 : vector<1x16xf32> to vector<16xf32>
    %swap3A_23 = vector.shape_cast %broadcast_in_dim3A_12 : vector<16xf32> to vector<1x16xf32>
    tpu.vector_store %arg12[%swap3A_19, %swap3A_20], %swap3A_23 {strides = array<i32>} : memref<4x128xf32, #tpu.memory_space<vmem>>, vector<1x16xf32>,
    %swap3A_24 = arith.constant 0 : i32
    %swap3A_25 = arith.index_cast %swap3A_24 : i32 to index
    %swap3A_26 = arith.constant 32 : index
    %swap3A_27 = tpu.vector_load %arg12[%swap3A_25, %swap3A_26] {strides = array<i32>} : memref<4x128xf32, #tpu.memory_space<vmem>>, vector<1x16xf32>,
    %swap3A_28 = vector.shape_cast %swap3A_27 : vector<1x16xf32> to vector<16xf32>
    %swap3A_29 = vector.shape_cast %broadcast_in_dim3A_12 : vector<16xf32> to vector<1x16xf32>
    tpu.vector_store %arg12[%swap3A_25, %swap3A_26], %swap3A_29 {strides = array<i32>} : memref<4x128xf32, #tpu.memory_space<vmem>>, vector<1x16xf32>,
    %swap3A_30 = arith.constant 0 : i32
    %swap3A_31 = arith.index_cast %swap3A_30 : i32 to index
    %swap3A_32 = arith.constant 48 : index
    %swap3A_33 = tpu.vector_load %arg12[%swap3A_31, %swap3A_32] {strides = array<i32>} : memref<4x128xf32, #tpu.memory_space<vmem>>, vector<1x16xf32>,
    %swap3A_34 = vector.shape_cast %swap3A_33 : vector<1x16xf32> to vector<16xf32>
    %swap3A_35 = vector.shape_cast %broadcast_in_dim3A_12 : vector<16xf32> to vector<1x16xf32>
    tpu.vector_store %arg12[%swap3A_31, %swap3A_32], %swap3A_35 {strides = array<i32>} : memref<4x128xf32, #tpu.memory_space<vmem>>, vector<1x16xf32>,
    %swap3A_36 = arith.constant 0 : i32
    %swap3A_37 = arith.index_cast %swap3A_36 : i32 to index
    %swap3A_38 = arith.constant 64 : index
    %swap3A_39 = tpu.vector_load %arg12[%swap3A_37, %swap3A_38] {strides = array<i32>} : memref<4x128xf32, #tpu.memory_space<vmem>>, vector<1x16xf32>,
    %swap3A_40 = vector.shape_cast %swap3A_39 : vector<1x16xf32> to vector<16xf32>
    %swap3A_41 = vector.shape_cast %broadcast_in_dim3A_12 : vector<16xf32> to vector<1x16xf32>
    tpu.vector_store %arg12[%swap3A_37, %swap3A_38], %swap3A_41 {strides = array<i32>} : memref<4x128xf32, #tpu.memory_space<vmem>>, vector<1x16xf32>,
    %swap3A_42 = arith.constant 0 : i32
    %swap3A_43 = arith.index_cast %swap3A_42 : i32 to index
    %swap3A_44 = arith.constant 80 : index
    %swap3A_45 = tpu.vector_load %arg12[%swap3A_43, %swap3A_44] {strides = array<i32>} : memref<4x128xf32, #tpu.memory_space<vmem>>, vector<1x16xf32>,
    %swap3A_46 = vector.shape_cast %swap3A_45 : vector<1x16xf32> to vector<16xf32>
    %swap3A_47 = vector.shape_cast %broadcast_in_dim3A_12 : vector<16xf32> to vector<1x16xf32>
    tpu.vector_store %arg12[%swap3A_43, %swap3A_44], %swap3A_47 {strides = array<i32>} : memref<4x128xf32, #tpu.memory_space<vmem>>, vector<1x16xf32>,
    %swap3A_48 = arith.constant 0 : i32
    %swap3A_49 = arith.index_cast %swap3A_48 : i32 to index
    %swap3A_50 = arith.constant 96 : index
    %swap3A_51 = tpu.vector_load %arg12[%swap3A_49, %swap3A_50] {strides = array<i32>} : memref<4x128xf32, #tpu.memory_space<vmem>>, vector<1x16xf32>,
    %swap3A_52 = vector.shape_cast %swap3A_51 : vector<1x16xf32> to vector<16xf32>
    %swap3A_53 = vector.shape_cast %broadcast_in_dim3A_12 : vector<16xf32> to vector<1x16xf32>
    tpu.vector_store %arg12[%swap3A_49, %swap3A_50], %swap3A_53 {strides = array<i32>} : memref<4x128xf32, #tpu.memory_space<vmem>>, vector<1x16xf32>,
    %swap3A_54 = arith.constant 0 : i32
    %swap3A_55 = arith.index_cast %swap3A_54 : i32 to index
    %swap3A_56 = arith.constant 112 : index
    %swap3A_57 = tpu.vector_load %arg12[%swap3A_55, %swap3A_56] {strides = array<i32>} : memref<4x128xf32, #tpu.memory_space<vmem>>, vector<1x16xf32>,
    %swap3A_58 = vector.shape_cast %swap3A_57 : vector<1x16xf32> to vector<16xf32>
    %swap3A_59 = vector.shape_cast %broadcast_in_dim3A_12 : vector<16xf32> to vector<1x16xf32>
    tpu.vector_store %arg12[%swap3A_55, %swap3A_56], %swap3A_59 {strides = array<i32>} : memref<4x128xf32, #tpu.memory_space<vmem>>, vector<1x16xf32>,
    %swap3A_60 = arith.constant 1 : i32
    %swap3A_61 = arith.index_cast %swap3A_60 : i32 to index
    %swap3A_62 = arith.constant 0 : index
    %swap3A_63 = tpu.vector_load %arg12[%swap3A_61, %swap3A_62] {strides = array<i32>} : memref<4x128xf32, #tpu.memory_space<vmem>>, vector<1x16xf32>,
    %swap3A_64 = vector.shape_cast %swap3A_63 : vector<1x16xf32> to vector<16xf32>
    %swap3A_65 = vector.shape_cast %broadcast_in_dim3A_12 : vector<16xf32> to vector<1x16xf32>
    tpu.vector_store %arg12[%swap3A_61, %swap3A_62], %swap3A_65 {strides = array<i32>} : memref<4x128xf32, #tpu.memory_space<vmem>>, vector<1x16xf32>,
    %swap3A_66 = arith.constant 1 : i32
    %swap3A_67 = arith.index_cast %swap3A_66 : i32 to index
    %swap3A_68 = arith.constant 16 : index
    %swap3A_69 = tpu.vector_load %arg12[%swap3A_67, %swap3A_68] {strides = array<i32>} : memref<4x128xf32, #tpu.memory_space<vmem>>, vector<1x16xf32>,
    %swap3A_70 = vector.shape_cast %swap3A_69 : vector<1x16xf32> to vector<16xf32>
    %swap3A_71 = vector.shape_cast %broadcast_in_dim3A_12 : vector<16xf32> to vector<1x16xf32>
    tpu.vector_store %arg12[%swap3A_67, %swap3A_68], %swap3A_71 {strides = array<i32>} : memref<4x128xf32, #tpu.memory_space<vmem>>, vector<1x16xf32>,
    %swap3A_72 = arith.constant 1 : i32
    %swap3A_73 = arith.index_cast %swap3A_72 : i32 to index
    %swap3A_74 = arith.constant 32 : index
    %swap3A_75 = tpu.vector_load %arg12[%swap3A_73, %swap3A_74] {strides = array<i32>} : memref<4x128xf32, #tpu.memory_space<vmem>>, vector<1x16xf32>,
    %swap3A_76 = vector.shape_cast %swap3A_75 : vector<1x16xf32> to vector<16xf32>
    %swap3A_77 = vector.shape_cast %broadcast_in_dim3A_12 : vector<16xf32> to vector<1x16xf32>
    tpu.vector_store %arg12[%swap3A_73, %swap3A_74], %swap3A_77 {strides = array<i32>} : memref<4x128xf32, #tpu.memory_space<vmem>>, vector<1x16xf32>,
    %swap3A_78 = arith.constant 1 : i32
    %swap3A_79 = arith.index_cast %swap3A_78 : i32 to index
    %swap3A_80 = arith.constant 48 : index
    %swap3A_81 = tpu.vector_load %arg12[%swap3A_79, %swap3A_80] {strides = array<i32>} : memref<4x128xf32, #tpu.memory_space<vmem>>, vector<1x16xf32>,
    %swap3A_82 = vector.shape_cast %swap3A_81 : vector<1x16xf32> to vector<16xf32>
    %swap3A_83 = vector.shape_cast %broadcast_in_dim3A_12 : vector<16xf32> to vector<1x16xf32>
    tpu.vector_store %arg12[%swap3A_79, %swap3A_80], %swap3A_83 {strides = array<i32>} : memref<4x128xf32, #tpu.memory_space<vmem>>, vector<1x16xf32>,
    %swap3A_84 = arith.constant 1 : i32
    %swap3A_85 = arith.index_cast %swap3A_84 : i32 to index
    %swap3A_86 = arith.constant 64 : index
    %swap3A_87 = tpu.vector_load %arg12[%swap3A_85, %swap3A_86] {strides = array<i32>} : memref<4x128xf32, #tpu.memory_space<vmem>>, vector<1x16xf32>,
    %swap3A_88 = vector.shape_cast %swap3A_87 : vector<1x16xf32> to vector<16xf32>
    %swap3A_89 = vector.shape_cast %broadcast_in_dim3A_12 : vector<16xf32> to vector<1x16xf32>
    tpu.vector_store %arg12[%swap3A_85, %swap3A_86], %swap3A_89 {strides = array<i32>} : memref<4x128xf32, #tpu.memory_space<vmem>>, vector<1x16xf32>,
    %swap3A_90 = arith.constant 1 : i32
    %swap3A_91 = arith.index_cast %swap3A_90 : i32 to index
    %swap3A_92 = arith.constant 80 : index
    %swap3A_93 = tpu.vector_load %arg12[%swap3A_91, %swap3A_92] {strides = array<i32>} : memref<4x128xf32, #tpu.memory_space<vmem>>, vector<1x16xf32>,
    %swap3A_94 = vector.shape_cast %swap3A_93 : vector<1x16xf32> to vector<16xf32>
    %swap3A_95 = vector.shape_cast %broadcast_in_dim3A_12 : vector<16xf32> to vector<1x16xf32>
    tpu.vector_store %arg12[%swap3A_91, %swap3A_92], %swap3A_95 {strides = array<i32>} : memref<4x128xf32, #tpu.memory_space<vmem>>, vector<1x16xf32>,
    %swap3A_96 = arith.constant 1 : i32
    %swap3A_97 = arith.index_cast %swap3A_96 : i32 to index
    %swap3A_98 = arith.constant 96 : index
    %swap3A_99 = tpu.vector_load %arg12[%swap3A_97, %swap3A_98] {strides = array<i32>} : memref<4x128xf32, #tpu.memory_space<vmem>>, vector<1x16xf32>,
    %swap3A_100 = vector.shape_cast %swap3A_99 : vector<1x16xf32> to vector<16xf32>
    %swap3A_101 = vector.shape_cast %broadcast_in_dim3A_12 : vector<16xf32> to vector<1x16xf32>
    tpu.vector_store %arg12[%swap3A_97, %swap3A_98], %swap3A_101 {strides = array<i32>} : memref<4x128xf32, #tpu.memory_space<vmem>>, vector<1x16xf32>,
    %swap3A_102 = arith.constant 1 : i32
    %swap3A_103 = arith.index_cast %swap3A_102 : i32 to index
    %swap3A_104 = arith.constant 112 : index
    %swap3A_105 = tpu.vector_load %arg12[%swap3A_103, %swap3A_104] {strides = array<i32>} : memref<4x128xf32, #tpu.memory_space<vmem>>, vector<1x16xf32>,
    %swap3A_106 = vector.shape_cast %swap3A_105 : vector<1x16xf32> to vector<16xf32>
    %swap3A_107 = vector.shape_cast %broadcast_in_dim3A_12 : vector<16xf32> to vector<1x16xf32>
    tpu.vector_store %arg12[%swap3A_103, %swap3A_104], %swap3A_107 {strides = array<i32>} : memref<4x128xf32, #tpu.memory_space<vmem>>, vector<1x16xf32>,
    %swap3A_108 = arith.constant 2 : i32
    %swap3A_109 = arith.index_cast %swap3A_108 : i32 to index
    %swap3A_110 = arith.constant 0 : index
    %swap3A_111 = tpu.vector_load %arg12[%swap3A_109, %swap3A_110] {strides = array<i32>} : memref<4x128xf32, #tpu.memory_space<vmem>>, vector<1x16xf32>,
    %swap3A_112 = vector.shape_cast %swap3A_111 : vector<1x16xf32> to vector<16xf32>
    %swap3A_113 = vector.shape_cast %broadcast_in_dim3A_12 : vector<16xf32> to vector<1x16xf32>
    tpu.vector_store %arg12[%swap3A_109, %swap3A_110], %swap3A_113 {strides = array<i32>} : memref<4x128xf32, #tpu.memory_space<vmem>>, vector<1x16xf32>,
    %swap3A_114 = arith.constant 2 : i32
    %swap3A_115 = arith.index_cast %swap3A_114 : i32 to index
    %swap3A_116 = arith.constant 16 : index
    %swap3A_117 = tpu.vector_load %arg12[%swap3A_115, %swap3A_116] {strides = array<i32>} : memref<4x128xf32, #tpu.memory_space<vmem>>, vector<1x16xf32>,
    %swap3A_118 = vector.shape_cast %swap3A_117 : vector<1x16xf32> to vector<16xf32>
    %swap3A_119 = vector.shape_cast %broadcast_in_dim3A_12 : vector<16xf32> to vector<1x16xf32>
    tpu.vector_store %arg12[%swap3A_115, %swap3A_116], %swap3A_119 {strides = array<i32>} : memref<4x128xf32, #tpu.memory_space<vmem>>, vector<1x16xf32>,
    %swap3A_120 = arith.constant 2 : i32
    %swap3A_121 = arith.index_cast %swap3A_120 : i32 to index
    %swap3A_122 = arith.constant 32 : index
    %swap3A_123 = tpu.vector_load %arg12[%swap3A_121, %swap3A_122] {strides = array<i32>} : memref<4x128xf32, #tpu.memory_space<vmem>>, vector<1x16xf32>,
    %swap3A_124 = vector.shape_cast %swap3A_123 : vector<1x16xf32> to vector<16xf32>
    %swap3A_125 = vector.shape_cast %broadcast_in_dim3A_12 : vector<16xf32> to vector<1x16xf32>
    tpu.vector_store %arg12[%swap3A_121, %swap3A_122], %swap3A_125 {strides = array<i32>} : memref<4x128xf32, #tpu.memory_space<vmem>>, vector<1x16xf32>,
    %swap3A_126 = arith.constant 2 : i32
    %swap3A_127 = arith.index_cast %swap3A_126 : i32 to index
    %swap3A_128 = arith.constant 48 : index
    %swap3A_129 = tpu.vector_load %arg12[%swap3A_127, %swap3A_128] {strides = array<i32>} : memref<4x128xf32, #tpu.memory_space<vmem>>, vector<1x16xf32>,
    %swap3A_130 = vector.shape_cast %swap3A_129 : vector<1x16xf32> to vector<16xf32>
    %swap3A_131 = vector.shape_cast %broadcast_in_dim3A_12 : vector<16xf32> to vector<1x16xf32>
    tpu.vector_store %arg12[%swap3A_127, %swap3A_128], %swap3A_131 {strides = array<i32>} : memref<4x128xf32, #tpu.memory_space<vmem>>, vector<1x16xf32>,
    %swap3A_132 = arith.constant 2 : i32
    %swap3A_133 = arith.index_cast %swap3A_132 : i32 to index
    %swap3A_134 = arith.constant 64 : index
    %swap3A_135 = tpu.vector_load %arg12[%swap3A_133, %swap3A_134] {strides = array<i32>} : memref<4x128xf32, #tpu.memory_space<vmem>>, vector<1x16xf32>,
    %swap3A_136 = vector.shape_cast %swap3A_135 : vector<1x16xf32> to vector<16xf32>
    %swap3A_137 = vector.shape_cast %broadcast_in_dim3A_12 : vector<16xf32> to vector<1x16xf32>
    tpu.vector_store %arg12[%swap3A_133, %swap3A_134], %swap3A_137 {strides = array<i32>} : memref<4x128xf32, #tpu.memory_space<vmem>>, vector<1x16xf32>,
    %swap3A_138 = arith.constant 2 : i32
    %swap3A_139 = arith.index_cast %swap3A_138 : i32 to index
    %swap3A_140 = arith.constant 80 : index
    %swap3A_141 = tpu.vector_load %arg12[%swap3A_139, %swap3A_140] {strides = array<i32>} : memref<4x128xf32, #tpu.memory_space<vmem>>, vector<1x16xf32>,
    %swap3A_142 = vector.shape_cast %swap3A_141 : vector<1x16xf32> to vector<16xf32>
    %swap3A_143 = vector.shape_cast %broadcast_in_dim3A_12 : vector<16xf32> to vector<1x16xf32>
    tpu.vector_store %arg12[%swap3A_139, %swap3A_140], %swap3A_143 {strides = array<i32>} : memref<4x128xf32, #tpu.memory_space<vmem>>, vector<1x16xf32>,
    %swap3A_144 = arith.constant 2 : i32
    %swap3A_145 = arith.index_cast %swap3A_144 : i32 to index
    %swap3A_146 = arith.constant 96 : index
    %swap3A_147 = tpu.vector_load %arg12[%swap3A_145, %swap3A_146] {strides = array<i32>} : memref<4x128xf32, #tpu.memory_space<vmem>>, vector<1x16xf32>,
    %swap3A_148 = vector.shape_cast %swap3A_147 : vector<1x16xf32> to vector<16xf32>
    %swap3A_149 = vector.shape_cast %broadcast_in_dim3A_12 : vector<16xf32> to vector<1x16xf32>
    tpu.vector_store %arg12[%swap3A_145, %swap3A_146], %swap3A_149 {strides = array<i32>} : memref<4x128xf32, #tpu.memory_space<vmem>>, vector<1x16xf32>,
    %swap3A_150 = arith.constant 2 : i32
    %swap3A_151 = arith.index_cast %swap3A_150 : i32 to index
    %swap3A_152 = arith.constant 112 : index
    %swap3A_153 = tpu.vector_load %arg12[%swap3A_151, %swap3A_152] {strides = array<i32>} : memref<4x128xf32, #tpu.memory_space<vmem>>, vector<1x16xf32>,
    %swap3A_154 = vector.shape_cast %swap3A_153 : vector<1x16xf32> to vector<16xf32>
    %swap3A_155 = vector.shape_cast %broadcast_in_dim3A_12 : vector<16xf32> to vector<1x16xf32>
    tpu.vector_store %arg12[%swap3A_151, %swap3A_152], %swap3A_155 {strides = array<i32>} : memref<4x128xf32, #tpu.memory_space<vmem>>, vector<1x16xf32>,
    %swap3A_156 = arith.constant 3 : i32
    %swap3A_157 = arith.index_cast %swap3A_156 : i32 to index
    %swap3A_158 = arith.constant 0 : index
    %swap3A_159 = tpu.vector_load %arg12[%swap3A_157, %swap3A_158] {strides = array<i32>} : memref<4x128xf32, #tpu.memory_space<vmem>>, vector<1x16xf32>,
    %swap3A_160 = vector.shape_cast %swap3A_159 : vector<1x16xf32> to vector<16xf32>
    %swap3A_161 = vector.shape_cast %broadcast_in_dim3A_12 : vector<16xf32> to vector<1x16xf32>
    tpu.vector_store %arg12[%swap3A_157, %swap3A_158], %swap3A_161 {strides = array<i32>} : memref<4x128xf32, #tpu.memory_space<vmem>>, vector<1x16xf32>,
    %swap3A_162 = arith.constant 3 : i32
    %swap3A_163 = arith.index_cast %swap3A_162 : i32 to index
    %swap3A_164 = arith.constant 16 : index
    %swap3A_165 = tpu.vector_load %arg12[%swap3A_163, %swap3A_164] {strides = array<i32>} : memref<4x128xf32, #tpu.memory_space<vmem>>, vector<1x16xf32>,
    %swap3A_166 = vector.shape_cast %swap3A_165 : vector<1x16xf32> to vector<16xf32>
    %swap3A_167 = vector.shape_cast %broadcast_in_dim3A_12 : vector<16xf32> to vector<1x16xf32>
    tpu.vector_store %arg12[%swap3A_163, %swap3A_164], %swap3A_167 {strides = array<i32>} : memref<4x128xf32, #tpu.memory_space<vmem>>, vector<1x16xf32>,
    %swap3A_168 = arith.constant 3 : i32
    %swap3A_169 = arith.index_cast %swap3A_168 : i32 to index
    %swap3A_170 = arith.constant 32 : index
    %swap3A_171 = tpu.vector_load %arg12[%swap3A_169, %swap3A_170] {strides = array<i32>} : memref<4x128xf32, #tpu.memory_space<vmem>>, vector<1x16xf32>,
    %swap3A_172 = vector.shape_cast %swap3A_171 : vector<1x16xf32> to vector<16xf32>
    %swap3A_173 = vector.shape_cast %broadcast_in_dim3A_12 : vector<16xf32> to vector<1x16xf32>
    tpu.vector_store %arg12[%swap3A_169, %swap3A_170], %swap3A_173 {strides = array<i32>} : memref<4x128xf32, #tpu.memory_space<vmem>>, vector<1x16xf32>,
    %swap3A_174 = arith.constant 3 : i32
    %swap3A_175 = arith.index_cast %swap3A_174 : i32 to index
    %swap3A_176 = arith.constant 48 : index
    %swap3A_177 = tpu.vector_load %arg12[%swap3A_175, %swap3A_176] {strides = array<i32>} : memref<4x128xf32, #tpu.memory_space<vmem>>, vector<1x16xf32>,
    %swap3A_178 = vector.shape_cast %swap3A_177 : vector<1x16xf32> to vector<16xf32>
    %swap3A_179 = vector.shape_cast %broadcast_in_dim3A_12 : vector<16xf32> to vector<1x16xf32>
    tpu.vector_store %arg12[%swap3A_175, %swap3A_176], %swap3A_179 {strides = array<i32>} : memref<4x128xf32, #tpu.memory_space<vmem>>, vector<1x16xf32>,
    %swap3A_180 = arith.constant 3 : i32
    %swap3A_181 = arith.index_cast %swap3A_180 : i32 to index
    %swap3A_182 = arith.constant 64 : index
    %swap3A_183 = tpu.vector_load %arg12[%swap3A_181, %swap3A_182] {strides = array<i32>} : memref<4x128xf32, #tpu.memory_space<vmem>>, vector<1x16xf32>,
    %swap3A_184 = vector.shape_cast %swap3A_183 : vector<1x16xf32> to vector<16xf32>
    %swap3A_185 = vector.shape_cast %broadcast_in_dim3A_12 : vector<16xf32> to vector<1x16xf32>
    tpu.vector_store %arg12[%swap3A_181, %swap3A_182], %swap3A_185 {strides = array<i32>} : memref<4x128xf32, #tpu.memory_space<vmem>>, vector<1x16xf32>,
    %swap3A_186 = arith.constant 3 : i32
    %swap3A_187 = arith.index_cast %swap3A_186 : i32 to index
    %swap3A_188 = arith.constant 80 : index
    %swap3A_189 = tpu.vector_load %arg12[%swap3A_187, %swap3A_188] {strides = array<i32>} : memref<4x128xf32, #tpu.memory_space<vmem>>, vector<1x16xf32>,
    %swap3A_190 = vector.shape_cast %swap3A_189 : vector<1x16xf32> to vector<16xf32>
    %swap3A_191 = vector.shape_cast %broadcast_in_dim3A_12 : vector<16xf32> to vector<1x16xf32>
    tpu.vector_store %arg12[%swap3A_187, %swap3A_188], %swap3A_191 {strides = array<i32>} : memref<4x128xf32, #tpu.memory_space<vmem>>, vector<1x16xf32>,
    %swap3A_192 = arith.constant 3 : i32
    %swap3A_193 = arith.index_cast %swap3A_192 : i32 to index
    %swap3A_194 = arith.constant 96 : index
    %swap3A_195 = tpu.vector_load %arg12[%swap3A_193, %swap3A_194] {strides = array<i32>} : memref<4x128xf32, #tpu.memory_space<vmem>>, vector<1x16xf32>,
    %swap3A_196 = vector.shape_cast %swap3A_195 : vector<1x16xf32> to vector<16xf32>
    %swap3A_197 = vector.shape_cast %broadcast_in_dim3A_12 : vector<16xf32> to vector<1x16xf32>
    tpu.vector_store %arg12[%swap3A_193, %swap3A_194], %swap3A_197 {strides = array<i32>} : memref<4x128xf32, #tpu.memory_space<vmem>>, vector<1x16xf32>,
    %swap3A_198 = arith.constant 3 : i32
    %swap3A_199 = arith.index_cast %swap3A_198 : i32 to index
    %swap3A_200 = arith.constant 112 : index
    %swap3A_201 = tpu.vector_load %arg12[%swap3A_199, %swap3A_200] {strides = array<i32>} : memref<4x128xf32, #tpu.memory_space<vmem>>, vector<1x16xf32>,
    %swap3A_202 = vector.shape_cast %swap3A_201 : vector<1x16xf32> to vector<16xf32>
    %swap3A_203 = vector.shape_cast %broadcast_in_dim3A_12 : vector<16xf32> to vector<1x16xf32>
    tpu.vector_store %arg12[%swap3A_199, %swap3A_200], %swap3A_203 {strides = array<i32>} : memref<4x128xf32, #tpu.memory_space<vmem>>, vector<1x16xf32>,
    %run_scoped3A = arith.constant 0 : i32
    %run_scoped3A_204 = arith.constant 0 : i32
    "tpu.region"() ({
      %run_scoped3A_1282 = tpu.sem_alloc : memref<!tpu.dma_semaphore, #tpu.memory_space<semaphore_mem>>
      %dma_start3A = arith.constant 0 : i32
      %dma_start3A_1283 = tpu.memref_slice %arg12[%run_scoped3A, %dma_start3A] : memref<4x128xf32, #tpu.memory_space<vmem>> -> memref<1x128xf32, #tpu.memory_space<vmem>>
      %dma_start3A_1284 = tpu.memref_squeeze %dma_start3A_1283 : memref<1x128xf32, #tpu.memory_space<vmem>> -> memref<128xf32, #tpu.memory_space<vmem>>
      %dma_start3A_1285 = arith.constant 0 : i32
      %dma_start3A_1286 = tpu.memref_slice %arg11[%run_scoped3A_204, %dma_start3A_1285] : memref<4x128xi32, #tpu.memory_space<vmem>> -> memref<1x128xi32, #tpu.memory_space<vmem>>
      %dma_start3A_1287 = tpu.memref_squeeze %dma_start3A_1286 : memref<1x128xi32, #tpu.memory_space<vmem>> -> memref<128xi32, #tpu.memory_space<vmem>>
      %dma_start3A_1288 = arith.constant 0 : i32
      %dma_start3A_1289 = tpu.memref_slice %arg8[%dma_start3A_1288] : memref<102400xf32, #tpu.memory_space<vmem_shared>> -> memref<102400xf32, #tpu.memory_space<vmem_shared>>
      tpu.enqueue_indirect_dma source(%dma_start3A_1284 : memref<128xf32, #tpu.memory_space<vmem>>) target(%dma_start3A_1289 : memref<102400xf32, #tpu.memory_space<vmem_shared>>) offsets(%dma_start3A_1287 : memref<128xi32, #tpu.memory_space<vmem>>) semaphore(%run_scoped3A_1282 : memref<!tpu.dma_semaphore, #tpu.memory_space<semaphore_mem>>) {add = true}
      %dma_wait3A = arith.constant 0 : i32
      %dma_wait3A_1290 = tpu.memref_slice %arg12[%run_scoped3A, %dma_wait3A] : memref<4x128xf32, #tpu.memory_space<vmem>> -> memref<1x128xf32, #tpu.memory_space<vmem>>
      %dma_wait3A_1291 = tpu.memref_squeeze %dma_wait3A_1290 : memref<1x128xf32, #tpu.memory_space<vmem>> -> memref<128xf32, #tpu.memory_space<vmem>>
      %dma_wait3A_1292 = arith.constant 0 : i32
      %dma_wait3A_1293 = tpu.memref_slice %arg11[%run_scoped3A_204, %dma_wait3A_1292] : memref<4x128xi32, #tpu.memory_space<vmem>> -> memref<1x128xi32, #tpu.memory_space<vmem>>
      %dma_wait3A_1294 = tpu.memref_squeeze %dma_wait3A_1293 : memref<1x128xi32, #tpu.memory_space<vmem>> -> memref<128xi32, #tpu.memory_space<vmem>>
      %dma_wait3A_1295 = arith.constant 0 : i32
      %dma_wait3A_1296 = tpu.memref_slice %arg8[%dma_wait3A_1295] : memref<102400xf32, #tpu.memory_space<vmem_shared>> -> memref<102400xf32, #tpu.memory_space<vmem_shared>>
      tpu.wait_indirect_dma semaphore(%run_scoped3A_1282 : memref<!tpu.dma_semaphore, #tpu.memory_space<semaphore_mem>>) src(%dma_wait3A_1291 : memref<128xf32, #tpu.memory_space<vmem>>) dst(%dma_wait3A_1296 : memref<102400xf32, #tpu.memory_space<vmem_shared>>)
      tpu.yield
    }) : () -> ()
    %run_scoped3A_205 = arith.constant 1 : i32
    %run_scoped3A_206 = arith.constant 1 : i32
    "tpu.region"() ({
      %run_scoped3A_1282 = tpu.sem_alloc : memref<!tpu.dma_semaphore, #tpu.memory_space<semaphore_mem>>
      %dma_start3A = arith.constant 0 : i32
      %dma_start3A_1283 = tpu.memref_slice %arg12[%run_scoped3A_205, %dma_start3A] : memref<4x128xf32, #tpu.memory_space<vmem>> -> memref<1x128xf32, #tpu.memory_space<vmem>>
      %dma_start3A_1284 = tpu.memref_squeeze %dma_start3A_1283 : memref<1x128xf32, #tpu.memory_space<vmem>> -> memref<128xf32, #tpu.memory_space<vmem>>
      %dma_start3A_1285 = arith.constant 0 : i32
      %dma_start3A_1286 = tpu.memref_slice %arg11[%run_scoped3A_206, %dma_start3A_1285] : memref<4x128xi32, #tpu.memory_space<vmem>> -> memref<1x128xi32, #tpu.memory_space<vmem>>
      %dma_start3A_1287 = tpu.memref_squeeze %dma_start3A_1286 : memref<1x128xi32, #tpu.memory_space<vmem>> -> memref<128xi32, #tpu.memory_space<vmem>>
      %dma_start3A_1288 = arith.constant 0 : i32
      %dma_start3A_1289 = tpu.memref_slice %arg8[%dma_start3A_1288] : memref<102400xf32, #tpu.memory_space<vmem_shared>> -> memref<102400xf32, #tpu.memory_space<vmem_shared>>
      tpu.enqueue_indirect_dma source(%dma_start3A_1284 : memref<128xf32, #tpu.memory_space<vmem>>) target(%dma_start3A_1289 : memref<102400xf32, #tpu.memory_space<vmem_shared>>) offsets(%dma_start3A_1287 : memref<128xi32, #tpu.memory_space<vmem>>) semaphore(%run_scoped3A_1282 : memref<!tpu.dma_semaphore, #tpu.memory_space<semaphore_mem>>) {add = true}
      %dma_wait3A = arith.constant 0 : i32
      %dma_wait3A_1290 = tpu.memref_slice %arg12[%run_scoped3A_205, %dma_wait3A] : memref<4x128xf32, #tpu.memory_space<vmem>> -> memref<1x128xf32, #tpu.memory_space<vmem>>
      %dma_wait3A_1291 = tpu.memref_squeeze %dma_wait3A_1290 : memref<1x128xf32, #tpu.memory_space<vmem>> -> memref<128xf32, #tpu.memory_space<vmem>>
      %dma_wait3A_1292 = arith.constant 0 : i32
      %dma_wait3A_1293 = tpu.memref_slice %arg11[%run_scoped3A_206, %dma_wait3A_1292] : memref<4x128xi32, #tpu.memory_space<vmem>> -> memref<1x128xi32, #tpu.memory_space<vmem>>
      %dma_wait3A_1294 = tpu.memref_squeeze %dma_wait3A_1293 : memref<1x128xi32, #tpu.memory_space<vmem>> -> memref<128xi32, #tpu.memory_space<vmem>>
      %dma_wait3A_1295 = arith.constant 0 : i32
      %dma_wait3A_1296 = tpu.memref_slice %arg8[%dma_wait3A_1295] : memref<102400xf32, #tpu.memory_space<vmem_shared>> -> memref<102400xf32, #tpu.memory_space<vmem_shared>>
      tpu.wait_indirect_dma semaphore(%run_scoped3A_1282 : memref<!tpu.dma_semaphore, #tpu.memory_space<semaphore_mem>>) src(%dma_wait3A_1291 : memref<128xf32, #tpu.memory_space<vmem>>) dst(%dma_wait3A_1296 : memref<102400xf32, #tpu.memory_space<vmem_shared>>)
      tpu.yield
    }) : () -> ()
    %run_scoped3A_207 = arith.constant 2 : i32
    %run_scoped3A_208 = arith.constant 2 : i32
    "tpu.region"() ({
      %run_scoped3A_1282 = tpu.sem_alloc : memref<!tpu.dma_semaphore, #tpu.memory_space<semaphore_mem>>
      %dma_start3A = arith.constant 0 : i32
      %dma_start3A_1283 = tpu.memref_slice %arg12[%run_scoped3A_207, %dma_start3A] : memref<4x128xf32, #tpu.memory_space<vmem>> -> memref<1x128xf32, #tpu.memory_space<vmem>>
      %dma_start3A_1284 = tpu.memref_squeeze %dma_start3A_1283 : memref<1x128xf32, #tpu.memory_space<vmem>> -> memref<128xf32, #tpu.memory_space<vmem>>
      %dma_start3A_1285 = arith.constant 0 : i32
      %dma_start3A_1286 = tpu.memref_slice %arg11[%run_scoped3A_208, %dma_start3A_1285] : memref<4x128xi32, #tpu.memory_space<vmem>> -> memref<1x128xi32, #tpu.memory_space<vmem>>
      %dma_start3A_1287 = tpu.memref_squeeze %dma_start3A_1286 : memref<1x128xi32, #tpu.memory_space<vmem>> -> memref<128xi32, #tpu.memory_space<vmem>>
      %dma_start3A_1288 = arith.constant 0 : i32
      %dma_start3A_1289 = tpu.memref_slice %arg8[%dma_start3A_1288] : memref<102400xf32, #tpu.memory_space<vmem_shared>> -> memref<102400xf32, #tpu.memory_space<vmem_shared>>
      tpu.enqueue_indirect_dma source(%dma_start3A_1284 : memref<128xf32, #tpu.memory_space<vmem>>) target(%dma_start3A_1289 : memref<102400xf32, #tpu.memory_space<vmem_shared>>) offsets(%dma_start3A_1287 : memref<128xi32, #tpu.memory_space<vmem>>) semaphore(%run_scoped3A_1282 : memref<!tpu.dma_semaphore, #tpu.memory_space<semaphore_mem>>) {add = true}
      %dma_wait3A = arith.constant 0 : i32
      %dma_wait3A_1290 = tpu.memref_slice %arg12[%run_scoped3A_207, %dma_wait3A] : memref<4x128xf32, #tpu.memory_space<vmem>> -> memref<1x128xf32, #tpu.memory_space<vmem>>
      %dma_wait3A_1291 = tpu.memref_squeeze %dma_wait3A_1290 : memref<1x128xf32, #tpu.memory_space<vmem>> -> memref<128xf32, #tpu.memory_space<vmem>>
      %dma_wait3A_1292 = arith.constant 0 : i32
      %dma_wait3A_1293 = tpu.memref_slice %arg11[%run_scoped3A_208, %dma_wait3A_1292] : memref<4x128xi32, #tpu.memory_space<vmem>> -> memref<1x128xi32, #tpu.memory_space<vmem>>
      %dma_wait3A_1294 = tpu.memref_squeeze %dma_wait3A_1293 : memref<1x128xi32, #tpu.memory_space<vmem>> -> memref<128xi32, #tpu.memory_space<vmem>>
      %dma_wait3A_1295 = arith.constant 0 : i32
      %dma_wait3A_1296 = tpu.memref_slice %arg8[%dma_wait3A_1295] : memref<102400xf32, #tpu.memory_space<vmem_shared>> -> memref<102400xf32, #tpu.memory_space<vmem_shared>>
      tpu.wait_indirect_dma semaphore(%run_scoped3A_1282 : memref<!tpu.dma_semaphore, #tpu.memory_space<semaphore_mem>>) src(%dma_wait3A_1291 : memref<128xf32, #tpu.memory_space<vmem>>) dst(%dma_wait3A_1296 : memref<102400xf32, #tpu.memory_space<vmem_shared>>)
      tpu.yield
    }) : () -> ()
    %run_scoped3A_209 = arith.constant 3 : i32
    %run_scoped3A_210 = arith.constant 3 : i32
    "tpu.region"() ({
      %run_scoped3A_1282 = tpu.sem_alloc : memref<!tpu.dma_semaphore, #tpu.memory_space<semaphore_mem>>
      %dma_start3A = arith.constant 0 : i32
      %dma_start3A_1283 = tpu.memref_slice %arg12[%run_scoped3A_209, %dma_start3A] : memref<4x128xf32, #tpu.memory_space<vmem>> -> memref<1x128xf32, #tpu.memory_space<vmem>>
      %dma_start3A_1284 = tpu.memref_squeeze %dma_start3A_1283 : memref<1x128xf32, #tpu.memory_space<vmem>> -> memref<128xf32, #tpu.memory_space<vmem>>
      %dma_start3A_1285 = arith.constant 0 : i32
      %dma_start3A_1286 = tpu.memref_slice %arg11[%run_scoped3A_210, %dma_start3A_1285] : memref<4x128xi32, #tpu.memory_space<vmem>> -> memref<1x128xi32, #tpu.memory_space<vmem>>
      %dma_start3A_1287 = tpu.memref_squeeze %dma_start3A_1286 : memref<1x128xi32, #tpu.memory_space<vmem>> -> memref<128xi32, #tpu.memory_space<vmem>>
      %dma_start3A_1288 = arith.constant 0 : i32
      %dma_start3A_1289 = tpu.memref_slice %arg8[%dma_start3A_1288] : memref<102400xf32, #tpu.memory_space<vmem_shared>> -> memref<102400xf32, #tpu.memory_space<vmem_shared>>
      tpu.enqueue_indirect_dma source(%dma_start3A_1284 : memref<128xf32, #tpu.memory_space<vmem>>) target(%dma_start3A_1289 : memref<102400xf32, #tpu.memory_space<vmem_shared>>) offsets(%dma_start3A_1287 : memref<128xi32, #tpu.memory_space<vmem>>) semaphore(%run_scoped3A_1282 : memref<!tpu.dma_semaphore, #tpu.memory_space<semaphore_mem>>) {add = true}
      %dma_wait3A = arith.constant 0 : i32
      %dma_wait3A_1290 = tpu.memref_slice %arg12[%run_scoped3A_209, %dma_wait3A] : memref<4x128xf32, #tpu.memory_space<vmem>> -> memref<1x128xf32, #tpu.memory_space<vmem>>
      %dma_wait3A_1291 = tpu.memref_squeeze %dma_wait3A_1290 : memref<1x128xf32, #tpu.memory_space<vmem>> -> memref<128xf32, #tpu.memory_space<vmem>>
      %dma_wait3A_1292 = arith.constant 0 : i32
      %dma_wait3A_1293 = tpu.memref_slice %arg11[%run_scoped3A_210, %dma_wait3A_1292] : memref<4x128xi32, #tpu.memory_space<vmem>> -> memref<1x128xi32, #tpu.memory_space<vmem>>
      %dma_wait3A_1294 = tpu.memref_squeeze %dma_wait3A_1293 : memref<1x128xi32, #tpu.memory_space<vmem>> -> memref<128xi32, #tpu.memory_space<vmem>>
      %dma_wait3A_1295 = arith.constant 0 : i32
      %dma_wait3A_1296 = tpu.memref_slice %arg8[%dma_wait3A_1295] : memref<102400xf32, #tpu.memory_space<vmem_shared>> -> memref<102400xf32, #tpu.memory_space<vmem_shared>>
      tpu.wait_indirect_dma semaphore(%run_scoped3A_1282 : memref<!tpu.dma_semaphore, #tpu.memory_space<semaphore_mem>>) src(%dma_wait3A_1291 : memref<128xf32, #tpu.memory_space<vmem>>) dst(%dma_wait3A_1296 : memref<102400xf32, #tpu.memory_space<vmem_shared>>)
      tpu.yield
    }) : () -> ()
    %barrier3A_211 = arith.constant 0 : index
    tpu.barrier barrier_id(%barrier3A_211)
    "tpu.region"() ({
      %run_scoped3A_1282 = tpu.sem_alloc : memref<!tpu.dma_semaphore, #tpu.memory_space<semaphore_mem>>
      %dma_start3A = tpu.memref_slice %arg8[%mul3A_0] : memref<102400xf32, #tpu.memory_space<vmem_shared>> -> memref<6400xf32, #tpu.memory_space<vmem_shared>>
      %dma_start3A_1283 = tpu.memref_slice %arg8[%mul3A_0] : memref<102400xf32, #tpu.memory_space<vmem_shared>> -> memref<6400xf32, #tpu.memory_space<vmem_shared>>
      tpu.enqueue_dma source(%dma_start3A_1283 : memref<6400xf32, #tpu.memory_space<vmem_shared>>) target(%arg17 : memref<6400xf32, #tpu.memory_space<vmem>>) target_semaphore(%run_scoped3A_1282 : memref<!tpu.dma_semaphore, #tpu.memory_space<semaphore_mem>>)
      %dma_wait3A = tpu.memref_slice %arg8[%mul3A_0] : memref<102400xf32, #tpu.memory_space<vmem_shared>> -> memref<6400xf32, #tpu.memory_space<vmem_shared>>
      %dma_wait3A_1284 = tpu.memref_slice %arg8[%mul3A_0] : memref<102400xf32, #tpu.memory_space<vmem_shared>> -> memref<6400xf32, #tpu.memory_space<vmem_shared>>
      tpu.wait_dma2 semaphore(%run_scoped3A_1282 : memref<!tpu.dma_semaphore, #tpu.memory_space<semaphore_mem>>) src(%dma_wait3A_1284 : memref<6400xf32, #tpu.memory_space<vmem_shared>>) dst(%arg17 : memref<6400xf32, #tpu.memory_space<vmem>>)
      tpu.yield
    }) : () -> ()
    %run_scoped3A_212 = arith.constant 0 : i32
    %run_scoped3A_213 = arith.constant 0 : i32
    "tpu.region"() ({
      %run_scoped3A_1282 = tpu.sem_alloc : memref<!tpu.dma_semaphore, #tpu.memory_space<semaphore_mem>>
      %dma_start3A = arith.constant 0 : i32
      %dma_start3A_1283 = tpu.memref_slice %arg13[%run_scoped3A_213, %dma_start3A] : memref<4x128xf32, #tpu.memory_space<vmem>> -> memref<1x128xf32, #tpu.memory_space<vmem>>
      %dma_start3A_1284 = tpu.memref_squeeze %dma_start3A_1283 : memref<1x128xf32, #tpu.memory_space<vmem>> -> memref<128xf32, #tpu.memory_space<vmem>>
      %dma_start3A_1285 = arith.constant 0 : i32
      %dma_start3A_1286 = tpu.memref_slice %arg11[%run_scoped3A_212, %dma_start3A_1285] : memref<4x128xi32, #tpu.memory_space<vmem>> -> memref<1x128xi32, #tpu.memory_space<vmem>>
      %dma_start3A_1287 = tpu.memref_squeeze %dma_start3A_1286 : memref<1x128xi32, #tpu.memory_space<vmem>> -> memref<128xi32, #tpu.memory_space<vmem>>
      %dma_start3A_1288 = arith.constant 0 : i32
      %dma_start3A_1289 = tpu.memref_slice %arg8[%dma_start3A_1288] : memref<102400xf32, #tpu.memory_space<vmem_shared>> -> memref<102400xf32, #tpu.memory_space<vmem_shared>>
      tpu.enqueue_indirect_dma source(%dma_start3A_1289 : memref<102400xf32, #tpu.memory_space<vmem_shared>>) target(%dma_start3A_1284 : memref<128xf32, #tpu.memory_space<vmem>>) offsets(%dma_start3A_1287 : memref<128xi32, #tpu.memory_space<vmem>>) semaphore(%run_scoped3A_1282 : memref<!tpu.dma_semaphore, #tpu.memory_space<semaphore_mem>>)
      %dma_wait3A = arith.constant 0 : i32
      %dma_wait3A_1290 = tpu.memref_slice %arg13[%run_scoped3A_213, %dma_wait3A] : memref<4x128xf32, #tpu.memory_space<vmem>> -> memref<1x128xf32, #tpu.memory_space<vmem>>
      %dma_wait3A_1291 = tpu.memref_squeeze %dma_wait3A_1290 : memref<1x128xf32, #tpu.memory_space<vmem>> -> memref<128xf32, #tpu.memory_space<vmem>>
      %dma_wait3A_1292 = arith.constant 0 : i32
      %dma_wait3A_1293 = tpu.memref_slice %arg11[%run_scoped3A_212, %dma_wait3A_1292] : memref<4x128xi32, #tpu.memory_space<vmem>> -> memref<1x128xi32, #tpu.memory_space<vmem>>
      %dma_wait3A_1294 = tpu.memref_squeeze %dma_wait3A_1293 : memref<1x128xi32, #tpu.memory_space<vmem>> -> memref<128xi32, #tpu.memory_space<vmem>>
      %dma_wait3A_1295 = arith.constant 0 : i32
      %dma_wait3A_1296 = tpu.memref_slice %arg8[%dma_wait3A_1295] : memref<102400xf32, #tpu.memory_space<vmem_shared>> -> memref<102400xf32, #tpu.memory_space<vmem_shared>>
      tpu.wait_indirect_dma semaphore(%run_scoped3A_1282 : memref<!tpu.dma_semaphore, #tpu.memory_space<semaphore_mem>>) src(%dma_wait3A_1296 : memref<102400xf32, #tpu.memory_space<vmem_shared>>) dst(%dma_wait3A_1291 : memref<128xf32, #tpu.memory_space<vmem>>)
      tpu.yield
    }) : () -> ()
    %run_scoped3A_214 = arith.constant 1 : i32
    %run_scoped3A_215 = arith.constant 1 : i32
    "tpu.region"() ({
      %run_scoped3A_1282 = tpu.sem_alloc : memref<!tpu.dma_semaphore, #tpu.memory_space<semaphore_mem>>
      %dma_start3A = arith.constant 0 : i32
      %dma_start3A_1283 = tpu.memref_slice %arg13[%run_scoped3A_215, %dma_start3A] : memref<4x128xf32, #tpu.memory_space<vmem>> -> memref<1x128xf32, #tpu.memory_space<vmem>>
      %dma_start3A_1284 = tpu.memref_squeeze %dma_start3A_1283 : memref<1x128xf32, #tpu.memory_space<vmem>> -> memref<128xf32, #tpu.memory_space<vmem>>
      %dma_start3A_1285 = arith.constant 0 : i32
      %dma_start3A_1286 = tpu.memref_slice %arg11[%run_scoped3A_214, %dma_start3A_1285] : memref<4x128xi32, #tpu.memory_space<vmem>> -> memref<1x128xi32, #tpu.memory_space<vmem>>
      %dma_start3A_1287 = tpu.memref_squeeze %dma_start3A_1286 : memref<1x128xi32, #tpu.memory_space<vmem>> -> memref<128xi32, #tpu.memory_space<vmem>>
      %dma_start3A_1288 = arith.constant 0 : i32
      %dma_start3A_1289 = tpu.memref_slice %arg8[%dma_start3A_1288] : memref<102400xf32, #tpu.memory_space<vmem_shared>> -> memref<102400xf32, #tpu.memory_space<vmem_shared>>
      tpu.enqueue_indirect_dma source(%dma_start3A_1289 : memref<102400xf32, #tpu.memory_space<vmem_shared>>) target(%dma_start3A_1284 : memref<128xf32, #tpu.memory_space<vmem>>) offsets(%dma_start3A_1287 : memref<128xi32, #tpu.memory_space<vmem>>) semaphore(%run_scoped3A_1282 : memref<!tpu.dma_semaphore, #tpu.memory_space<semaphore_mem>>)
      %dma_wait3A = arith.constant 0 : i32
      %dma_wait3A_1290 = tpu.memref_slice %arg13[%run_scoped3A_215, %dma_wait3A] : memref<4x128xf32, #tpu.memory_space<vmem>> -> memref<1x128xf32, #tpu.memory_space<vmem>>
      %dma_wait3A_1291 = tpu.memref_squeeze %dma_wait3A_1290 : memref<1x128xf32, #tpu.memory_space<vmem>> -> memref<128xf32, #tpu.memory_space<vmem>>
      %dma_wait3A_1292 = arith.constant 0 : i32
      %dma_wait3A_1293 = tpu.memref_slice %arg11[%run_scoped3A_214, %dma_wait3A_1292] : memref<4x128xi32, #tpu.memory_space<vmem>> -> memref<1x128xi32, #tpu.memory_space<vmem>>
      %dma_wait3A_1294 = tpu.memref_squeeze %dma_wait3A_1293 : memref<1x128xi32, #tpu.memory_space<vmem>> -> memref<128xi32, #tpu.memory_space<vmem>>
      %dma_wait3A_1295 = arith.constant 0 : i32
      %dma_wait3A_1296 = tpu.memref_slice %arg8[%dma_wait3A_1295] : memref<102400xf32, #tpu.memory_space<vmem_shared>> -> memref<102400xf32, #tpu.memory_space<vmem_shared>>
      tpu.wait_indirect_dma semaphore(%run_scoped3A_1282 : memref<!tpu.dma_semaphore, #tpu.memory_space<semaphore_mem>>) src(%dma_wait3A_1296 : memref<102400xf32, #tpu.memory_space<vmem_shared>>) dst(%dma_wait3A_1291 : memref<128xf32, #tpu.memory_space<vmem>>)
      tpu.yield
    }) : () -> ()
    %run_scoped3A_216 = arith.constant 2 : i32
    %run_scoped3A_217 = arith.constant 2 : i32
    "tpu.region"() ({
      %run_scoped3A_1282 = tpu.sem_alloc : memref<!tpu.dma_semaphore, #tpu.memory_space<semaphore_mem>>
      %dma_start3A = arith.constant 0 : i32
      %dma_start3A_1283 = tpu.memref_slice %arg13[%run_scoped3A_217, %dma_start3A] : memref<4x128xf32, #tpu.memory_space<vmem>> -> memref<1x128xf32, #tpu.memory_space<vmem>>
      %dma_start3A_1284 = tpu.memref_squeeze %dma_start3A_1283 : memref<1x128xf32, #tpu.memory_space<vmem>> -> memref<128xf32, #tpu.memory_space<vmem>>
      %dma_start3A_1285 = arith.constant 0 : i32
      %dma_start3A_1286 = tpu.memref_slice %arg11[%run_scoped3A_216, %dma_start3A_1285] : memref<4x128xi32, #tpu.memory_space<vmem>> -> memref<1x128xi32, #tpu.memory_space<vmem>>
      %dma_start3A_1287 = tpu.memref_squeeze %dma_start3A_1286 : memref<1x128xi32, #tpu.memory_space<vmem>> -> memref<128xi32, #tpu.memory_space<vmem>>
      %dma_start3A_1288 = arith.constant 0 : i32
      %dma_start3A_1289 = tpu.memref_slice %arg8[%dma_start3A_1288] : memref<102400xf32, #tpu.memory_space<vmem_shared>> -> memref<102400xf32, #tpu.memory_space<vmem_shared>>
      tpu.enqueue_indirect_dma source(%dma_start3A_1289 : memref<102400xf32, #tpu.memory_space<vmem_shared>>) target(%dma_start3A_1284 : memref<128xf32, #tpu.memory_space<vmem>>) offsets(%dma_start3A_1287 : memref<128xi32, #tpu.memory_space<vmem>>) semaphore(%run_scoped3A_1282 : memref<!tpu.dma_semaphore, #tpu.memory_space<semaphore_mem>>)
      %dma_wait3A = arith.constant 0 : i32
      %dma_wait3A_1290 = tpu.memref_slice %arg13[%run_scoped3A_217, %dma_wait3A] : memref<4x128xf32, #tpu.memory_space<vmem>> -> memref<1x128xf32, #tpu.memory_space<vmem>>
      %dma_wait3A_1291 = tpu.memref_squeeze %dma_wait3A_1290 : memref<1x128xf32, #tpu.memory_space<vmem>> -> memref<128xf32, #tpu.memory_space<vmem>>
      %dma_wait3A_1292 = arith.constant 0 : i32
      %dma_wait3A_1293 = tpu.memref_slice %arg11[%run_scoped3A_216, %dma_wait3A_1292] : memref<4x128xi32, #tpu.memory_space<vmem>> -> memref<1x128xi32, #tpu.memory_space<vmem>>
      %dma_wait3A_1294 = tpu.memref_squeeze %dma_wait3A_1293 : memref<1x128xi32, #tpu.memory_space<vmem>> -> memref<128xi32, #tpu.memory_space<vmem>>
      %dma_wait3A_1295 = arith.constant 0 : i32
      %dma_wait3A_1296 = tpu.memref_slice %arg8[%dma_wait3A_1295] : memref<102400xf32, #tpu.memory_space<vmem_shared>> -> memref<102400xf32, #tpu.memory_space<vmem_shared>>
      tpu.wait_indirect_dma semaphore(%run_scoped3A_1282 : memref<!tpu.dma_semaphore, #tpu.memory_space<semaphore_mem>>) src(%dma_wait3A_1296 : memref<102400xf32, #tpu.memory_space<vmem_shared>>) dst(%dma_wait3A_1291 : memref<128xf32, #tpu.memory_space<vmem>>)
      tpu.yield
    }) : () -> ()
    %run_scoped3A_218 = arith.constant 3 : i32
    %run_scoped3A_219 = arith.constant 3 : i32
    "tpu.region"() ({
      %run_scoped3A_1282 = tpu.sem_alloc : memref<!tpu.dma_semaphore, #tpu.memory_space<semaphore_mem>>
      %dma_start3A = arith.constant 0 : i32
      %dma_start3A_1283 = tpu.memref_slice %arg13[%run_scoped3A_219, %dma_start3A] : memref<4x128xf32, #tpu.memory_space<vmem>> -> memref<1x128xf32, #tpu.memory_space<vmem>>
      %dma_start3A_1284 = tpu.memref_squeeze %dma_start3A_1283 : memref<1x128xf32, #tpu.memory_space<vmem>> -> memref<128xf32, #tpu.memory_space<vmem>>
      %dma_start3A_1285 = arith.constant 0 : i32
      %dma_start3A_1286 = tpu.memref_slice %arg11[%run_scoped3A_218, %dma_start3A_1285] : memref<4x128xi32, #tpu.memory_space<vmem>> -> memref<1x128xi32, #tpu.memory_space<vmem>>
      %dma_start3A_1287 = tpu.memref_squeeze %dma_start3A_1286 : memref<1x128xi32, #tpu.memory_space<vmem>> -> memref<128xi32, #tpu.memory_space<vmem>>
      %dma_start3A_1288 = arith.constant 0 : i32
      %dma_start3A_1289 = tpu.memref_slice %arg8[%dma_start3A_1288] : memref<102400xf32, #tpu.memory_space<vmem_shared>> -> memref<102400xf32, #tpu.memory_space<vmem_shared>>
      tpu.enqueue_indirect_dma source(%dma_start3A_1289 : memref<102400xf32, #tpu.memory_space<vmem_shared>>) target(%dma_start3A_1284 : memref<128xf32, #tpu.memory_space<vmem>>) offsets(%dma_start3A_1287 : memref<128xi32, #tpu.memory_space<vmem>>) semaphore(%run_scoped3A_1282 : memref<!tpu.dma_semaphore, #tpu.memory_space<semaphore_mem>>)
      %dma_wait3A = arith.constant 0 : i32
      %dma_wait3A_1290 = tpu.memref_slice %arg13[%run_scoped3A_219, %dma_wait3A] : memref<4x128xf32, #tpu.memory_space<vmem>> -> memref<1x128xf32, #tpu.memory_space<vmem>>
      %dma_wait3A_1291 = tpu.memref_squeeze %dma_wait3A_1290 : memref<1x128xf32, #tpu.memory_space<vmem>> -> memref<128xf32, #tpu.memory_space<vmem>>
      %dma_wait3A_1292 = arith.constant 0 : i32
      %dma_wait3A_1293 = tpu.memref_slice %arg11[%run_scoped3A_218, %dma_wait3A_1292] : memref<4x128xi32, #tpu.memory_space<vmem>> -> memref<1x128xi32, #tpu.memory_space<vmem>>
      %dma_wait3A_1294 = tpu.memref_squeeze %dma_wait3A_1293 : memref<1x128xi32, #tpu.memory_space<vmem>> -> memref<128xi32, #tpu.memory_space<vmem>>
      %dma_wait3A_1295 = arith.constant 0 : i32
      %dma_wait3A_1296 = tpu.memref_slice %arg8[%dma_wait3A_1295] : memref<102400xf32, #tpu.memory_space<vmem_shared>> -> memref<102400xf32, #tpu.memory_space<vmem_shared>>
      tpu.wait_indirect_dma semaphore(%run_scoped3A_1282 : memref<!tpu.dma_semaphore, #tpu.memory_space<semaphore_mem>>) src(%dma_wait3A_1296 : memref<102400xf32, #tpu.memory_space<vmem_shared>>) dst(%dma_wait3A_1291 : memref<128xf32, #tpu.memory_space<vmem>>)
      tpu.yield
    }) : () -> ()
    %mul3A_220 = arith.constant 4 : i32
    %mul3A_221 = arith.muli %arg1, %mul3A_220 : i32
    "tpu.region"() ({
      %run_scoped3A_1282 = tpu.sem_alloc : memref<!tpu.dma_semaphore, #tpu.memory_space<semaphore_mem>>
      %dma_start3A = arith.constant 0 : i32
      %dma_start3A_1283 = tpu.memref_slice %arg3[%mul3A_221, %dma_start3A] : memref<64x128xf32, #tpu.memory_space<hbm>> -> memref<4x128xf32, #tpu.memory_space<hbm>>
      %dma_start3A_1284 = arith.constant 0 : i32
      %dma_start3A_1285 = tpu.memref_slice %arg3[%mul3A_221, %dma_start3A_1284] : memref<64x128xf32, #tpu.memory_space<hbm>> -> memref<4x128xf32, #tpu.memory_space<hbm>>
      tpu.enqueue_dma source(%dma_start3A_1285 : memref<4x128xf32, #tpu.memory_space<hbm>>) target(%arg14 : memref<4x128xf32, #tpu.memory_space<vmem>>) target_semaphore(%run_scoped3A_1282 : memref<!tpu.dma_semaphore, #tpu.memory_space<semaphore_mem>>)
      %dma_wait3A = arith.constant 0 : i32
      %dma_wait3A_1286 = tpu.memref_slice %arg3[%mul3A_221, %dma_wait3A] : memref<64x128xf32, #tpu.memory_space<hbm>> -> memref<4x128xf32, #tpu.memory_space<hbm>>
      %dma_wait3A_1287 = arith.constant 0 : i32
      %dma_wait3A_1288 = tpu.memref_slice %arg3[%mul3A_221, %dma_wait3A_1287] : memref<64x128xf32, #tpu.memory_space<hbm>> -> memref<4x128xf32, #tpu.memory_space<hbm>>
      tpu.wait_dma2 semaphore(%run_scoped3A_1282 : memref<!tpu.dma_semaphore, #tpu.memory_space<semaphore_mem>>) src(%dma_wait3A_1288 : memref<4x128xf32, #tpu.memory_space<hbm>>) dst(%arg14 : memref<4x128xf32, #tpu.memory_space<vmem>>)
      tpu.yield
    }) : () -> ()
    %mul3A_222 = arith.constant 4 : i32
    %mul3A_223 = arith.muli %arg1, %mul3A_222 : i32
    "tpu.region"() ({
      %run_scoped3A_1282 = tpu.sem_alloc : memref<!tpu.dma_semaphore, #tpu.memory_space<semaphore_mem>>
      %dma_start3A = arith.constant 0 : i32
      %dma_start3A_1283 = tpu.memref_slice %arg4[%mul3A_223, %dma_start3A] : memref<64x128xf32, #tpu.memory_space<hbm>> -> memref<4x128xf32, #tpu.memory_space<hbm>>
      %dma_start3A_1284 = arith.constant 0 : i32
      %dma_start3A_1285 = tpu.memref_slice %arg4[%mul3A_223, %dma_start3A_1284] : memref<64x128xf32, #tpu.memory_space<hbm>> -> memref<4x128xf32, #tpu.memory_space<hbm>>
      tpu.enqueue_dma source(%dma_start3A_1285 : memref<4x128xf32, #tpu.memory_space<hbm>>) target(%arg15 : memref<4x128xf32, #tpu.memory_space<vmem>>) target_semaphore(%run_scoped3A_1282 : memref<!tpu.dma_semaphore, #tpu.memory_space<semaphore_mem>>)
      %dma_wait3A = arith.constant 0 : i32
      %dma_wait3A_1286 = tpu.memref_slice %arg4[%mul3A_223, %dma_wait3A] : memref<64x128xf32, #tpu.memory_space<hbm>> -> memref<4x128xf32, #tpu.memory_space<hbm>>
      %dma_wait3A_1287 = arith.constant 0 : i32
      %dma_wait3A_1288 = tpu.memref_slice %arg4[%mul3A_223, %dma_wait3A_1287] : memref<64x128xf32, #tpu.memory_space<hbm>> -> memref<4x128xf32, #tpu.memory_space<hbm>>
      tpu.wait_dma2 semaphore(%run_scoped3A_1282 : memref<!tpu.dma_semaphore, #tpu.memory_space<semaphore_mem>>) src(%dma_wait3A_1288 : memref<4x128xf32, #tpu.memory_space<hbm>>) dst(%arg15 : memref<4x128xf32, #tpu.memory_space<vmem>>)
      tpu.yield
    }) : () -> ()
    %mul3A_224 = arith.constant 4 : i32
    %mul3A_225 = arith.muli %arg1, %mul3A_224 : i32
    "tpu.region"() ({
      %run_scoped3A_1282 = tpu.sem_alloc : memref<!tpu.dma_semaphore, #tpu.memory_space<semaphore_mem>>
      %dma_start3A = arith.constant 0 : i32
      %dma_start3A_1283 = tpu.memref_slice %arg5[%mul3A_225, %dma_start3A] : memref<64x128xf32, #tpu.memory_space<hbm>> -> memref<4x128xf32, #tpu.memory_space<hbm>>
      %dma_start3A_1284 = arith.constant 0 : i32
      %dma_start3A_1285 = tpu.memref_slice %arg5[%mul3A_225, %dma_start3A_1284] : memref<64x128xf32, #tpu.memory_space<hbm>> -> memref<4x128xf32, #tpu.memory_space<hbm>>
      tpu.enqueue_dma source(%dma_start3A_1285 : memref<4x128xf32, #tpu.memory_space<hbm>>) target(%arg16 : memref<4x128xf32, #tpu.memory_space<vmem>>) target_semaphore(%run_scoped3A_1282 : memref<!tpu.dma_semaphore, #tpu.memory_space<semaphore_mem>>)
      %dma_wait3A = arith.constant 0 : i32
      %dma_wait3A_1286 = tpu.memref_slice %arg5[%mul3A_225, %dma_wait3A] : memref<64x128xf32, #tpu.memory_space<hbm>> -> memref<4x128xf32, #tpu.memory_space<hbm>>
      %dma_wait3A_1287 = arith.constant 0 : i32
      %dma_wait3A_1288 = tpu.memref_slice %arg5[%mul3A_225, %dma_wait3A_1287] : memref<64x128xf32, #tpu.memory_space<hbm>> -> memref<4x128xf32, #tpu.memory_space<hbm>>
      tpu.wait_dma2 semaphore(%run_scoped3A_1282 : memref<!tpu.dma_semaphore, #tpu.memory_space<semaphore_mem>>) src(%dma_wait3A_1288 : memref<4x128xf32, #tpu.memory_space<hbm>>) dst(%arg16 : memref<4x128xf32, #tpu.memory_space<vmem>>)
      tpu.yield
    }) : () -> ()
    %sub3A = arith.constant 131071 : i32
    %sub3A_226 = arith.subi %sub3A, %mul3A_0 : i32
    %sub3A_227 = vector.broadcast %sub3A_226 : i32 to vector<16xi32>
    %sub3A_228 = arith.subi %sub3A_227, %iota3A : vector<16xi32>
    %scan3A_229 = arith.constant 0 : i32
    %scan3A_230 = arith.constant 50 : i32
    %scan3A_231 = arith.addi %scan3A_229, %scan3A_230 : i32
    %scan3A_232 = arith.constant 1 : i32
    %scan3A_233:6 = scf.for %scan3A_1282 = %scan3A_229 to %scan3A_231 step %scan3A_232 iter_args(%scan3A_1283 = %broadcast_in_dim3A_3, %scan3A_1284 = %broadcast_in_dim3A_3, %scan3A_1285 = %broadcast_in_dim3A_3, %scan3A_1286 = %broadcast_in_dim3A_3, %scan3A_1287 = %broadcast_in_dim3A_3, %scan3A_1288 = %sub3A_228) -> (vector<16xi32>, vector<16xi32>, vector<16xi32>, vector<16xi32>, vector<16xi32>, vector<16xi32>)  : i32 {
      %mul3A_1289 = arith.constant 128 : i32
      %mul3A_1290 = arith.muli %scan3A_1282, %mul3A_1289 : i32
      %add3A_1291 = arith.constant 0 : i32
      %add3A_1292 = arith.addi %mul3A_1290, %add3A_1291 : i32
      %multiple_of3A = tpu.assume_multiple %add3A_1292, 16 : i32
      %get3A_1293 = arith.index_cast %multiple_of3A : i32 to index
      %get3A_1294 = tpu.vector_load %arg17[%get3A_1293] {strides = array<i32>} : memref<6400xf32, #tpu.memory_space<vmem>>, vector<16xf32>,
      %get3A_1295 = vector.shape_cast %get3A_1294 : vector<16xf32> to vector<16xf32>
      %gt3A = arith.constant 0.000000e+00 : f32
      %gt3A_1296 = vector.broadcast %gt3A : f32 to vector<16xf32>
      %gt3A_1297 = arith.cmpf ogt, %get3A_1295, %gt3A_1296 : vector<16xf32>
      %jit3A_1298 = arith.constant 6.000000e-01 : f32
      %jit3A_1299 = arith.constant 1.000000e+00 : f32
      %broadcast_in_dim3A_1300 = vector.broadcast %jit3A_1298 : f32 to vector<16xf32>
      %broadcast_in_dim3A_1301 = vector.broadcast %jit3A_1299 : f32 to vector<16xf32>
      %select_n3A_1302 = arith.select %gt3A_1297, %broadcast_in_dim3A_1300, %broadcast_in_dim3A_1301 : vector<16xi1>, vector<16xf32>
      %swap3A_1303 = arith.index_cast %multiple_of3A : i32 to index
      %swap3A_1304 = tpu.vector_load %arg18[%swap3A_1303] {strides = array<i32>} : memref<6400xf32, #tpu.memory_space<vmem>>, vector<16xf32>,
      %swap3A_1305 = vector.shape_cast %swap3A_1304 : vector<16xf32> to vector<16xf32>
      %swap3A_1306 = vector.shape_cast %select_n3A_1302 : vector<16xf32> to vector<16xf32>
      tpu.vector_store %arg18[%swap3A_1303], %swap3A_1306 {strides = array<i32>} : memref<6400xf32, #tpu.memory_space<vmem>>, vector<16xf32>,
      %convert_element_type3A_1307 = arith.fptosi %get3A_1295 : vector<16xf32> to vector<16xi32>
      %shift_left3A = arith.constant 17 : i32
      %shift_left3A_1308 = vector.broadcast %shift_left3A : i32 to vector<16xi32>
      %shift_left3A_1309 = arith.shli %convert_element_type3A_1307, %shift_left3A_1308 : vector<16xi32>
      %sub3A_1310 = arith.constant 0 : i32
      %sub3A_1311 = vector.broadcast %sub3A_1310 : i32 to vector<16xi32>
      %sub3A_1312 = arith.subi %scan3A_1288, %sub3A_1311 : vector<16xi32>
      %or3A = arith.ori %shift_left3A_1309, %sub3A_1312 : vector<16xi32>
      %max3A = arith.maxsi %scan3A_1283, %or3A : vector<16xi32>
      %min3A = arith.minsi %scan3A_1283, %or3A : vector<16xi32>
      %max3A_1313 = arith.maxsi %scan3A_1284, %min3A : vector<16xi32>
      %min3A_1314 = arith.minsi %scan3A_1284, %min3A : vector<16xi32>
      %max3A_1315 = arith.maxsi %scan3A_1285, %min3A_1314 : vector<16xi32>
      %min3A_1316 = arith.minsi %scan3A_1285, %min3A_1314 : vector<16xi32>
      %max3A_1317 = arith.maxsi %scan3A_1286, %min3A_1316 : vector<16xi32>
      %min3A_1318 = arith.minsi %scan3A_1286, %min3A_1316 : vector<16xi32>
      %max3A_1319 = arith.maxsi %scan3A_1287, %min3A_1318 : vector<16xi32>
      %mul3A_1320 = arith.constant 128 : i32
      %mul3A_1321 = arith.muli %scan3A_1282, %mul3A_1320 : i32
      %add3A_1322 = arith.constant 16 : i32
      %add3A_1323 = arith.addi %mul3A_1321, %add3A_1322 : i32
      %multiple_of3A_1324 = tpu.assume_multiple %add3A_1323, 16 : i32
      %get3A_1325 = arith.index_cast %multiple_of3A_1324 : i32 to index
      %get3A_1326 = tpu.vector_load %arg17[%get3A_1325] {strides = array<i32>} : memref<6400xf32, #tpu.memory_space<vmem>>, vector<16xf32>,
      %get3A_1327 = vector.shape_cast %get3A_1326 : vector<16xf32> to vector<16xf32>
      %gt3A_1328 = arith.constant 0.000000e+00 : f32
      %gt3A_1329 = vector.broadcast %gt3A_1328 : f32 to vector<16xf32>
      %gt3A_1330 = arith.cmpf ogt, %get3A_1327, %gt3A_1329 : vector<16xf32>
      %jit3A_1331 = arith.constant 6.000000e-01 : f32
      %jit3A_1332 = arith.constant 1.000000e+00 : f32
      %broadcast_in_dim3A_1333 = vector.broadcast %jit3A_1331 : f32 to vector<16xf32>
      %broadcast_in_dim3A_1334 = vector.broadcast %jit3A_1332 : f32 to vector<16xf32>
      %select_n3A_1335 = arith.select %gt3A_1330, %broadcast_in_dim3A_1333, %broadcast_in_dim3A_1334 : vector<16xi1>, vector<16xf32>
      %swap3A_1336 = arith.index_cast %multiple_of3A_1324 : i32 to index
      %swap3A_1337 = tpu.vector_load %arg18[%swap3A_1336] {strides = array<i32>} : memref<6400xf32, #tpu.memory_space<vmem>>, vector<16xf32>,
      %swap3A_1338 = vector.shape_cast %swap3A_1337 : vector<16xf32> to vector<16xf32>
      %swap3A_1339 = vector.shape_cast %select_n3A_1335 : vector<16xf32> to vector<16xf32>
      tpu.vector_store %arg18[%swap3A_1336], %swap3A_1339 {strides = array<i32>} : memref<6400xf32, #tpu.memory_space<vmem>>, vector<16xf32>,
      %convert_element_type3A_1340 = arith.fptosi %get3A_1327 : vector<16xf32> to vector<16xi32>
      %shift_left3A_1341 = arith.constant 17 : i32
      %shift_left3A_1342 = vector.broadcast %shift_left3A_1341 : i32 to vector<16xi32>
      %shift_left3A_1343 = arith.shli %convert_element_type3A_1340, %shift_left3A_1342 : vector<16xi32>
      %sub3A_1344 = arith.constant 16 : i32
      %sub3A_1345 = vector.broadcast %sub3A_1344 : i32 to vector<16xi32>
      %sub3A_1346 = arith.subi %scan3A_1288, %sub3A_1345 : vector<16xi32>
      %or3A_1347 = arith.ori %shift_left3A_1343, %sub3A_1346 : vector<16xi32>
      %max3A_1348 = arith.maxsi %max3A, %or3A_1347 : vector<16xi32>
      %min3A_1349 = arith.minsi %max3A, %or3A_1347 : vector<16xi32>
      %max3A_1350 = arith.maxsi %max3A_1313, %min3A_1349 : vector<16xi32>
      %min3A_1351 = arith.minsi %max3A_1313, %min3A_1349 : vector<16xi32>
      %max3A_1352 = arith.maxsi %max3A_1315, %min3A_1351 : vector<16xi32>
      %min3A_1353 = arith.minsi %max3A_1315, %min3A_1351 : vector<16xi32>
      %max3A_1354 = arith.maxsi %max3A_1317, %min3A_1353 : vector<16xi32>
      %min3A_1355 = arith.minsi %max3A_1317, %min3A_1353 : vector<16xi32>
      %max3A_1356 = arith.maxsi %max3A_1319, %min3A_1355 : vector<16xi32>
      %mul3A_1357 = arith.constant 128 : i32
      %mul3A_1358 = arith.muli %scan3A_1282, %mul3A_1357 : i32
      %add3A_1359 = arith.constant 32 : i32
      %add3A_1360 = arith.addi %mul3A_1358, %add3A_1359 : i32
      %multiple_of3A_1361 = tpu.assume_multiple %add3A_1360, 16 : i32
      %get3A_1362 = arith.index_cast %multiple_of3A_1361 : i32 to index
      %get3A_1363 = tpu.vector_load %arg17[%get3A_1362] {strides = array<i32>} : memref<6400xf32, #tpu.memory_space<vmem>>, vector<16xf32>,
      %get3A_1364 = vector.shape_cast %get3A_1363 : vector<16xf32> to vector<16xf32>
      %gt3A_1365 = arith.constant 0.000000e+00 : f32
      %gt3A_1366 = vector.broadcast %gt3A_1365 : f32 to vector<16xf32>
      %gt3A_1367 = arith.cmpf ogt, %get3A_1364, %gt3A_1366 : vector<16xf32>
      %jit3A_1368 = arith.constant 6.000000e-01 : f32
      %jit3A_1369 = arith.constant 1.000000e+00 : f32
      %broadcast_in_dim3A_1370 = vector.broadcast %jit3A_1368 : f32 to vector<16xf32>
      %broadcast_in_dim3A_1371 = vector.broadcast %jit3A_1369 : f32 to vector<16xf32>
      %select_n3A_1372 = arith.select %gt3A_1367, %broadcast_in_dim3A_1370, %broadcast_in_dim3A_1371 : vector<16xi1>, vector<16xf32>
      %swap3A_1373 = arith.index_cast %multiple_of3A_1361 : i32 to index
      %swap3A_1374 = tpu.vector_load %arg18[%swap3A_1373] {strides = array<i32>} : memref<6400xf32, #tpu.memory_space<vmem>>, vector<16xf32>,
      %swap3A_1375 = vector.shape_cast %swap3A_1374 : vector<16xf32> to vector<16xf32>
      %swap3A_1376 = vector.shape_cast %select_n3A_1372 : vector<16xf32> to vector<16xf32>
      tpu.vector_store %arg18[%swap3A_1373], %swap3A_1376 {strides = array<i32>} : memref<6400xf32, #tpu.memory_space<vmem>>, vector<16xf32>,
      %convert_element_type3A_1377 = arith.fptosi %get3A_1364 : vector<16xf32> to vector<16xi32>
      %shift_left3A_1378 = arith.constant 17 : i32
      %shift_left3A_1379 = vector.broadcast %shift_left3A_1378 : i32 to vector<16xi32>
      %shift_left3A_1380 = arith.shli %convert_element_type3A_1377, %shift_left3A_1379 : vector<16xi32>
      %sub3A_1381 = arith.constant 32 : i32
      %sub3A_1382 = vector.broadcast %sub3A_1381 : i32 to vector<16xi32>
      %sub3A_1383 = arith.subi %scan3A_1288, %sub3A_1382 : vector<16xi32>
      %or3A_1384 = arith.ori %shift_left3A_1380, %sub3A_1383 : vector<16xi32>
      %max3A_1385 = arith.maxsi %max3A_1348, %or3A_1384 : vector<16xi32>
      %min3A_1386 = arith.minsi %max3A_1348, %or3A_1384 : vector<16xi32>
      %max3A_1387 = arith.maxsi %max3A_1350, %min3A_1386 : vector<16xi32>
      %min3A_1388 = arith.minsi %max3A_1350, %min3A_1386 : vector<16xi32>
      %max3A_1389 = arith.maxsi %max3A_1352, %min3A_1388 : vector<16xi32>
      %min3A_1390 = arith.minsi %max3A_1352, %min3A_1388 : vector<16xi32>
      %max3A_1391 = arith.maxsi %max3A_1354, %min3A_1390 : vector<16xi32>
      %min3A_1392 = arith.minsi %max3A_1354, %min3A_1390 : vector<16xi32>
      %max3A_1393 = arith.maxsi %max3A_1356, %min3A_1392 : vector<16xi32>
      %mul3A_1394 = arith.constant 128 : i32
      %mul3A_1395 = arith.muli %scan3A_1282, %mul3A_1394 : i32
      %add3A_1396 = arith.constant 48 : i32
      %add3A_1397 = arith.addi %mul3A_1395, %add3A_1396 : i32
      %multiple_of3A_1398 = tpu.assume_multiple %add3A_1397, 16 : i32
      %get3A_1399 = arith.index_cast %multiple_of3A_1398 : i32 to index
      %get3A_1400 = tpu.vector_load %arg17[%get3A_1399] {strides = array<i32>} : memref<6400xf32, #tpu.memory_space<vmem>>, vector<16xf32>,
      %get3A_1401 = vector.shape_cast %get3A_1400 : vector<16xf32> to vector<16xf32>
      %gt3A_1402 = arith.constant 0.000000e+00 : f32
      %gt3A_1403 = vector.broadcast %gt3A_1402 : f32 to vector<16xf32>
      %gt3A_1404 = arith.cmpf ogt, %get3A_1401, %gt3A_1403 : vector<16xf32>
      %jit3A_1405 = arith.constant 6.000000e-01 : f32
      %jit3A_1406 = arith.constant 1.000000e+00 : f32
      %broadcast_in_dim3A_1407 = vector.broadcast %jit3A_1405 : f32 to vector<16xf32>
      %broadcast_in_dim3A_1408 = vector.broadcast %jit3A_1406 : f32 to vector<16xf32>
      %select_n3A_1409 = arith.select %gt3A_1404, %broadcast_in_dim3A_1407, %broadcast_in_dim3A_1408 : vector<16xi1>, vector<16xf32>
      %swap3A_1410 = arith.index_cast %multiple_of3A_1398 : i32 to index
      %swap3A_1411 = tpu.vector_load %arg18[%swap3A_1410] {strides = array<i32>} : memref<6400xf32, #tpu.memory_space<vmem>>, vector<16xf32>,
      %swap3A_1412 = vector.shape_cast %swap3A_1411 : vector<16xf32> to vector<16xf32>
      %swap3A_1413 = vector.shape_cast %select_n3A_1409 : vector<16xf32> to vector<16xf32>
      tpu.vector_store %arg18[%swap3A_1410], %swap3A_1413 {strides = array<i32>} : memref<6400xf32, #tpu.memory_space<vmem>>, vector<16xf32>,
      %convert_element_type3A_1414 = arith.fptosi %get3A_1401 : vector<16xf32> to vector<16xi32>
      %shift_left3A_1415 = arith.constant 17 : i32
      %shift_left3A_1416 = vector.broadcast %shift_left3A_1415 : i32 to vector<16xi32>
      %shift_left3A_1417 = arith.shli %convert_element_type3A_1414, %shift_left3A_1416 : vector<16xi32>
      %sub3A_1418 = arith.constant 48 : i32
      %sub3A_1419 = vector.broadcast %sub3A_1418 : i32 to vector<16xi32>
      %sub3A_1420 = arith.subi %scan3A_1288, %sub3A_1419 : vector<16xi32>
      %or3A_1421 = arith.ori %shift_left3A_1417, %sub3A_1420 : vector<16xi32>
      %max3A_1422 = arith.maxsi %max3A_1385, %or3A_1421 : vector<16xi32>
      %min3A_1423 = arith.minsi %max3A_1385, %or3A_1421 : vector<16xi32>
      %max3A_1424 = arith.maxsi %max3A_1387, %min3A_1423 : vector<16xi32>
      %min3A_1425 = arith.minsi %max3A_1387, %min3A_1423 : vector<16xi32>
      %max3A_1426 = arith.maxsi %max3A_1389, %min3A_1425 : vector<16xi32>
      %min3A_1427 = arith.minsi %max3A_1389, %min3A_1425 : vector<16xi32>
      %max3A_1428 = arith.maxsi %max3A_1391, %min3A_1427 : vector<16xi32>
      %min3A_1429 = arith.minsi %max3A_1391, %min3A_1427 : vector<16xi32>
      %max3A_1430 = arith.maxsi %max3A_1393, %min3A_1429 : vector<16xi32>
      %mul3A_1431 = arith.constant 128 : i32
      %mul3A_1432 = arith.muli %scan3A_1282, %mul3A_1431 : i32
      %add3A_1433 = arith.constant 64 : i32
      %add3A_1434 = arith.addi %mul3A_1432, %add3A_1433 : i32
      %multiple_of3A_1435 = tpu.assume_multiple %add3A_1434, 16 : i32
      %get3A_1436 = arith.index_cast %multiple_of3A_1435 : i32 to index
      %get3A_1437 = tpu.vector_load %arg17[%get3A_1436] {strides = array<i32>} : memref<6400xf32, #tpu.memory_space<vmem>>, vector<16xf32>,
      %get3A_1438 = vector.shape_cast %get3A_1437 : vector<16xf32> to vector<16xf32>
      %gt3A_1439 = arith.constant 0.000000e+00 : f32
      %gt3A_1440 = vector.broadcast %gt3A_1439 : f32 to vector<16xf32>
      %gt3A_1441 = arith.cmpf ogt, %get3A_1438, %gt3A_1440 : vector<16xf32>
      %jit3A_1442 = arith.constant 6.000000e-01 : f32
      %jit3A_1443 = arith.constant 1.000000e+00 : f32
      %broadcast_in_dim3A_1444 = vector.broadcast %jit3A_1442 : f32 to vector<16xf32>
      %broadcast_in_dim3A_1445 = vector.broadcast %jit3A_1443 : f32 to vector<16xf32>
      %select_n3A_1446 = arith.select %gt3A_1441, %broadcast_in_dim3A_1444, %broadcast_in_dim3A_1445 : vector<16xi1>, vector<16xf32>
      %swap3A_1447 = arith.index_cast %multiple_of3A_1435 : i32 to index
      %swap3A_1448 = tpu.vector_load %arg18[%swap3A_1447] {strides = array<i32>} : memref<6400xf32, #tpu.memory_space<vmem>>, vector<16xf32>,
      %swap3A_1449 = vector.shape_cast %swap3A_1448 : vector<16xf32> to vector<16xf32>
      %swap3A_1450 = vector.shape_cast %select_n3A_1446 : vector<16xf32> to vector<16xf32>
      tpu.vector_store %arg18[%swap3A_1447], %swap3A_1450 {strides = array<i32>} : memref<6400xf32, #tpu.memory_space<vmem>>, vector<16xf32>,
      %convert_element_type3A_1451 = arith.fptosi %get3A_1438 : vector<16xf32> to vector<16xi32>
      %shift_left3A_1452 = arith.constant 17 : i32
      %shift_left3A_1453 = vector.broadcast %shift_left3A_1452 : i32 to vector<16xi32>
      %shift_left3A_1454 = arith.shli %convert_element_type3A_1451, %shift_left3A_1453 : vector<16xi32>
      %sub3A_1455 = arith.constant 64 : i32
      %sub3A_1456 = vector.broadcast %sub3A_1455 : i32 to vector<16xi32>
      %sub3A_1457 = arith.subi %scan3A_1288, %sub3A_1456 : vector<16xi32>
      %or3A_1458 = arith.ori %shift_left3A_1454, %sub3A_1457 : vector<16xi32>
      %max3A_1459 = arith.maxsi %max3A_1422, %or3A_1458 : vector<16xi32>
      %min3A_1460 = arith.minsi %max3A_1422, %or3A_1458 : vector<16xi32>
      %max3A_1461 = arith.maxsi %max3A_1424, %min3A_1460 : vector<16xi32>
      %min3A_1462 = arith.minsi %max3A_1424, %min3A_1460 : vector<16xi32>
      %max3A_1463 = arith.maxsi %max3A_1426, %min3A_1462 : vector<16xi32>
      %min3A_1464 = arith.minsi %max3A_1426, %min3A_1462 : vector<16xi32>
      %max3A_1465 = arith.maxsi %max3A_1428, %min3A_1464 : vector<16xi32>
      %min3A_1466 = arith.minsi %max3A_1428, %min3A_1464 : vector<16xi32>
      %max3A_1467 = arith.maxsi %max3A_1430, %min3A_1466 : vector<16xi32>
      %mul3A_1468 = arith.constant 128 : i32
      %mul3A_1469 = arith.muli %scan3A_1282, %mul3A_1468 : i32
      %add3A_1470 = arith.constant 80 : i32
      %add3A_1471 = arith.addi %mul3A_1469, %add3A_1470 : i32
      %multiple_of3A_1472 = tpu.assume_multiple %add3A_1471, 16 : i32
      %get3A_1473 = arith.index_cast %multiple_of3A_1472 : i32 to index
      %get3A_1474 = tpu.vector_load %arg17[%get3A_1473] {strides = array<i32>} : memref<6400xf32, #tpu.memory_space<vmem>>, vector<16xf32>,
      %get3A_1475 = vector.shape_cast %get3A_1474 : vector<16xf32> to vector<16xf32>
      %gt3A_1476 = arith.constant 0.000000e+00 : f32
      %gt3A_1477 = vector.broadcast %gt3A_1476 : f32 to vector<16xf32>
      %gt3A_1478 = arith.cmpf ogt, %get3A_1475, %gt3A_1477 : vector<16xf32>
      %jit3A_1479 = arith.constant 6.000000e-01 : f32
      %jit3A_1480 = arith.constant 1.000000e+00 : f32
      %broadcast_in_dim3A_1481 = vector.broadcast %jit3A_1479 : f32 to vector<16xf32>
      %broadcast_in_dim3A_1482 = vector.broadcast %jit3A_1480 : f32 to vector<16xf32>
      %select_n3A_1483 = arith.select %gt3A_1478, %broadcast_in_dim3A_1481, %broadcast_in_dim3A_1482 : vector<16xi1>, vector<16xf32>
      %swap3A_1484 = arith.index_cast %multiple_of3A_1472 : i32 to index
      %swap3A_1485 = tpu.vector_load %arg18[%swap3A_1484] {strides = array<i32>} : memref<6400xf32, #tpu.memory_space<vmem>>, vector<16xf32>,
      %swap3A_1486 = vector.shape_cast %swap3A_1485 : vector<16xf32> to vector<16xf32>
      %swap3A_1487 = vector.shape_cast %select_n3A_1483 : vector<16xf32> to vector<16xf32>
      tpu.vector_store %arg18[%swap3A_1484], %swap3A_1487 {strides = array<i32>} : memref<6400xf32, #tpu.memory_space<vmem>>, vector<16xf32>,
      %convert_element_type3A_1488 = arith.fptosi %get3A_1475 : vector<16xf32> to vector<16xi32>
      %shift_left3A_1489 = arith.constant 17 : i32
      %shift_left3A_1490 = vector.broadcast %shift_left3A_1489 : i32 to vector<16xi32>
      %shift_left3A_1491 = arith.shli %convert_element_type3A_1488, %shift_left3A_1490 : vector<16xi32>
      %sub3A_1492 = arith.constant 80 : i32
      %sub3A_1493 = vector.broadcast %sub3A_1492 : i32 to vector<16xi32>
      %sub3A_1494 = arith.subi %scan3A_1288, %sub3A_1493 : vector<16xi32>
      %or3A_1495 = arith.ori %shift_left3A_1491, %sub3A_1494 : vector<16xi32>
      %max3A_1496 = arith.maxsi %max3A_1459, %or3A_1495 : vector<16xi32>
      %min3A_1497 = arith.minsi %max3A_1459, %or3A_1495 : vector<16xi32>
      %max3A_1498 = arith.maxsi %max3A_1461, %min3A_1497 : vector<16xi32>
      %min3A_1499 = arith.minsi %max3A_1461, %min3A_1497 : vector<16xi32>
      %max3A_1500 = arith.maxsi %max3A_1463, %min3A_1499 : vector<16xi32>
      %min3A_1501 = arith.minsi %max3A_1463, %min3A_1499 : vector<16xi32>
      %max3A_1502 = arith.maxsi %max3A_1465, %min3A_1501 : vector<16xi32>
      %min3A_1503 = arith.minsi %max3A_1465, %min3A_1501 : vector<16xi32>
      %max3A_1504 = arith.maxsi %max3A_1467, %min3A_1503 : vector<16xi32>
      %mul3A_1505 = arith.constant 128 : i32
      %mul3A_1506 = arith.muli %scan3A_1282, %mul3A_1505 : i32
      %add3A_1507 = arith.constant 96 : i32
      %add3A_1508 = arith.addi %mul3A_1506, %add3A_1507 : i32
      %multiple_of3A_1509 = tpu.assume_multiple %add3A_1508, 16 : i32
      %get3A_1510 = arith.index_cast %multiple_of3A_1509 : i32 to index
      %get3A_1511 = tpu.vector_load %arg17[%get3A_1510] {strides = array<i32>} : memref<6400xf32, #tpu.memory_space<vmem>>, vector<16xf32>,
      %get3A_1512 = vector.shape_cast %get3A_1511 : vector<16xf32> to vector<16xf32>
      %gt3A_1513 = arith.constant 0.000000e+00 : f32
      %gt3A_1514 = vector.broadcast %gt3A_1513 : f32 to vector<16xf32>
      %gt3A_1515 = arith.cmpf ogt, %get3A_1512, %gt3A_1514 : vector<16xf32>
      %jit3A_1516 = arith.constant 6.000000e-01 : f32
      %jit3A_1517 = arith.constant 1.000000e+00 : f32
      %broadcast_in_dim3A_1518 = vector.broadcast %jit3A_1516 : f32 to vector<16xf32>
      %broadcast_in_dim3A_1519 = vector.broadcast %jit3A_1517 : f32 to vector<16xf32>
      %select_n3A_1520 = arith.select %gt3A_1515, %broadcast_in_dim3A_1518, %broadcast_in_dim3A_1519 : vector<16xi1>, vector<16xf32>
      %swap3A_1521 = arith.index_cast %multiple_of3A_1509 : i32 to index
      %swap3A_1522 = tpu.vector_load %arg18[%swap3A_1521] {strides = array<i32>} : memref<6400xf32, #tpu.memory_space<vmem>>, vector<16xf32>,
      %swap3A_1523 = vector.shape_cast %swap3A_1522 : vector<16xf32> to vector<16xf32>
      %swap3A_1524 = vector.shape_cast %select_n3A_1520 : vector<16xf32> to vector<16xf32>
      tpu.vector_store %arg18[%swap3A_1521], %swap3A_1524 {strides = array<i32>} : memref<6400xf32, #tpu.memory_space<vmem>>, vector<16xf32>,
      %convert_element_type3A_1525 = arith.fptosi %get3A_1512 : vector<16xf32> to vector<16xi32>
      %shift_left3A_1526 = arith.constant 17 : i32
      %shift_left3A_1527 = vector.broadcast %shift_left3A_1526 : i32 to vector<16xi32>
      %shift_left3A_1528 = arith.shli %convert_element_type3A_1525, %shift_left3A_1527 : vector<16xi32>
      %sub3A_1529 = arith.constant 96 : i32
      %sub3A_1530 = vector.broadcast %sub3A_1529 : i32 to vector<16xi32>
      %sub3A_1531 = arith.subi %scan3A_1288, %sub3A_1530 : vector<16xi32>
      %or3A_1532 = arith.ori %shift_left3A_1528, %sub3A_1531 : vector<16xi32>
      %max3A_1533 = arith.maxsi %max3A_1496, %or3A_1532 : vector<16xi32>
      %min3A_1534 = arith.minsi %max3A_1496, %or3A_1532 : vector<16xi32>
      %max3A_1535 = arith.maxsi %max3A_1498, %min3A_1534 : vector<16xi32>
      %min3A_1536 = arith.minsi %max3A_1498, %min3A_1534 : vector<16xi32>
      %max3A_1537 = arith.maxsi %max3A_1500, %min3A_1536 : vector<16xi32>
      %min3A_1538 = arith.minsi %max3A_1500, %min3A_1536 : vector<16xi32>
      %max3A_1539 = arith.maxsi %max3A_1502, %min3A_1538 : vector<16xi32>
      %min3A_1540 = arith.minsi %max3A_1502, %min3A_1538 : vector<16xi32>
      %max3A_1541 = arith.maxsi %max3A_1504, %min3A_1540 : vector<16xi32>
      %mul3A_1542 = arith.constant 128 : i32
      %mul3A_1543 = arith.muli %scan3A_1282, %mul3A_1542 : i32
      %add3A_1544 = arith.constant 112 : i32
      %add3A_1545 = arith.addi %mul3A_1543, %add3A_1544 : i32
      %multiple_of3A_1546 = tpu.assume_multiple %add3A_1545, 16 : i32
      %get3A_1547 = arith.index_cast %multiple_of3A_1546 : i32 to index
      %get3A_1548 = tpu.vector_load %arg17[%get3A_1547] {strides = array<i32>} : memref<6400xf32, #tpu.memory_space<vmem>>, vector<16xf32>,
      %get3A_1549 = vector.shape_cast %get3A_1548 : vector<16xf32> to vector<16xf32>
      %gt3A_1550 = arith.constant 0.000000e+00 : f32
      %gt3A_1551 = vector.broadcast %gt3A_1550 : f32 to vector<16xf32>
      %gt3A_1552 = arith.cmpf ogt, %get3A_1549, %gt3A_1551 : vector<16xf32>
      %jit3A_1553 = arith.constant 6.000000e-01 : f32
      %jit3A_1554 = arith.constant 1.000000e+00 : f32
      %broadcast_in_dim3A_1555 = vector.broadcast %jit3A_1553 : f32 to vector<16xf32>
      %broadcast_in_dim3A_1556 = vector.broadcast %jit3A_1554 : f32 to vector<16xf32>
      %select_n3A_1557 = arith.select %gt3A_1552, %broadcast_in_dim3A_1555, %broadcast_in_dim3A_1556 : vector<16xi1>, vector<16xf32>
      %swap3A_1558 = arith.index_cast %multiple_of3A_1546 : i32 to index
      %swap3A_1559 = tpu.vector_load %arg18[%swap3A_1558] {strides = array<i32>} : memref<6400xf32, #tpu.memory_space<vmem>>, vector<16xf32>,
      %swap3A_1560 = vector.shape_cast %swap3A_1559 : vector<16xf32> to vector<16xf32>
      %swap3A_1561 = vector.shape_cast %select_n3A_1557 : vector<16xf32> to vector<16xf32>
      tpu.vector_store %arg18[%swap3A_1558], %swap3A_1561 {strides = array<i32>} : memref<6400xf32, #tpu.memory_space<vmem>>, vector<16xf32>,
      %convert_element_type3A_1562 = arith.fptosi %get3A_1549 : vector<16xf32> to vector<16xi32>
      %shift_left3A_1563 = arith.constant 17 : i32
      %shift_left3A_1564 = vector.broadcast %shift_left3A_1563 : i32 to vector<16xi32>
      %shift_left3A_1565 = arith.shli %convert_element_type3A_1562, %shift_left3A_1564 : vector<16xi32>
      %sub3A_1566 = arith.constant 112 : i32
      %sub3A_1567 = vector.broadcast %sub3A_1566 : i32 to vector<16xi32>
      %sub3A_1568 = arith.subi %scan3A_1288, %sub3A_1567 : vector<16xi32>
      %or3A_1569 = arith.ori %shift_left3A_1565, %sub3A_1568 : vector<16xi32>
      %max3A_1570 = arith.maxsi %max3A_1533, %or3A_1569 : vector<16xi32>
      %min3A_1571 = arith.minsi %max3A_1533, %or3A_1569 : vector<16xi32>
      %max3A_1572 = arith.maxsi %max3A_1535, %min3A_1571 : vector<16xi32>
      %min3A_1573 = arith.minsi %max3A_1535, %min3A_1571 : vector<16xi32>
      %max3A_1574 = arith.maxsi %max3A_1537, %min3A_1573 : vector<16xi32>
      %min3A_1575 = arith.minsi %max3A_1537, %min3A_1573 : vector<16xi32>
      %max3A_1576 = arith.maxsi %max3A_1539, %min3A_1575 : vector<16xi32>
      %min3A_1577 = arith.minsi %max3A_1539, %min3A_1575 : vector<16xi32>
      %max3A_1578 = arith.maxsi %max3A_1541, %min3A_1577 : vector<16xi32>
      %sub3A_1579 = arith.constant 128 : i32
      %sub3A_1580 = vector.broadcast %sub3A_1579 : i32 to vector<16xi32>
      %sub3A_1581 = arith.subi %scan3A_1288, %sub3A_1580 : vector<16xi32>
      scf.yield %max3A_1570, %max3A_1572, %max3A_1574, %max3A_1576, %max3A_1578, %sub3A_1581 : vector<16xi32>, vector<16xi32>, vector<16xi32>, vector<16xi32>, vector<16xi32>, vector<16xi32>
    }
    %scan3A_234 = arith.constant 50 : i32
    %eq3A = arith.constant 0 : i32
    %eq3A_235 = arith.cmpi eq, %arg0, %eq3A : i32
    %convert_element_type3A = arith.extui %eq3A_235 : i1 to i32
    %cond3A = arith.constant 0 : i32
    %cond3A_236 = arith.cmpi ne, %convert_element_type3A, %cond3A : i32
    scf.if %cond3A_236 {
      "tpu.region"() ({
        %run_scoped3A_1282 = tpu.sem_alloc : memref<!tpu.dma_semaphore, #tpu.memory_space<semaphore_mem>>
        %dma_start3A = tpu.memref_slice %arg6[%mul3A_0] : memref<102400xf32, #tpu.memory_space<hbm>> -> memref<6400xf32, #tpu.memory_space<hbm>>
        %dma_start3A_1283 = tpu.memref_slice %arg6[%mul3A_0] : memref<102400xf32, #tpu.memory_space<hbm>> -> memref<6400xf32, #tpu.memory_space<hbm>>
        tpu.enqueue_dma source(%arg18 : memref<6400xf32, #tpu.memory_space<vmem>>) target(%dma_start3A_1283 : memref<6400xf32, #tpu.memory_space<hbm>>) target_semaphore(%run_scoped3A_1282 : memref<!tpu.dma_semaphore, #tpu.memory_space<semaphore_mem>>)
        %dma_wait3A = tpu.memref_slice %arg6[%mul3A_0] : memref<102400xf32, #tpu.memory_space<hbm>> -> memref<6400xf32, #tpu.memory_space<hbm>>
        %dma_wait3A_1284 = tpu.memref_slice %arg6[%mul3A_0] : memref<102400xf32, #tpu.memory_space<hbm>> -> memref<6400xf32, #tpu.memory_space<hbm>>
        tpu.wait_dma2 semaphore(%run_scoped3A_1282 : memref<!tpu.dma_semaphore, #tpu.memory_space<semaphore_mem>>) src(%arg18 : memref<6400xf32, #tpu.memory_space<vmem>>) dst(%dma_wait3A_1284 : memref<6400xf32, #tpu.memory_space<hbm>>)
        tpu.yield
      }) : () -> ()
    } else {
    }
    %swap3A_237 = arith.constant 0 : index
    %swap3A_238 = tpu.vector_load %arg19[%swap3A_237] {strides = array<i32>} : memref<80xi32, #tpu.memory_space<vmem>>, vector<16xi32>,
    %swap3A_239 = vector.shape_cast %swap3A_238 : vector<16xi32> to vector<16xi32>
    %swap3A_240 = vector.shape_cast %scan3A_233#0 : vector<16xi32> to vector<16xi32>
    tpu.vector_store %arg19[%swap3A_237], %swap3A_240 {strides = array<i32>} : memref<80xi32, #tpu.memory_space<vmem>>, vector<16xi32>,
    %swap3A_241 = arith.constant 16 : index
    %swap3A_242 = tpu.vector_load %arg19[%swap3A_241] {strides = array<i32>} : memref<80xi32, #tpu.memory_space<vmem>>, vector<16xi32>,
    %swap3A_243 = vector.shape_cast %swap3A_242 : vector<16xi32> to vector<16xi32>
    %swap3A_244 = vector.shape_cast %scan3A_233#1 : vector<16xi32> to vector<16xi32>
    tpu.vector_store %arg19[%swap3A_241], %swap3A_244 {strides = array<i32>} : memref<80xi32, #tpu.memory_space<vmem>>, vector<16xi32>,
    %swap3A_245 = arith.constant 32 : index
    %swap3A_246 = tpu.vector_load %arg19[%swap3A_245] {strides = array<i32>} : memref<80xi32, #tpu.memory_space<vmem>>, vector<16xi32>,
    %swap3A_247 = vector.shape_cast %swap3A_246 : vector<16xi32> to vector<16xi32>
    %swap3A_248 = vector.shape_cast %scan3A_233#2 : vector<16xi32> to vector<16xi32>
    tpu.vector_store %arg19[%swap3A_245], %swap3A_248 {strides = array<i32>} : memref<80xi32, #tpu.memory_space<vmem>>, vector<16xi32>,
    %swap3A_249 = arith.constant 48 : index
    %swap3A_250 = tpu.vector_load %arg19[%swap3A_249] {strides = array<i32>} : memref<80xi32, #tpu.memory_space<vmem>>, vector<16xi32>,
    %swap3A_251 = vector.shape_cast %swap3A_250 : vector<16xi32> to vector<16xi32>
    %swap3A_252 = vector.shape_cast %scan3A_233#3 : vector<16xi32> to vector<16xi32>
    tpu.vector_store %arg19[%swap3A_249], %swap3A_252 {strides = array<i32>} : memref<80xi32, #tpu.memory_space<vmem>>, vector<16xi32>,
    %swap3A_253 = arith.constant 64 : index
    %swap3A_254 = tpu.vector_load %arg19[%swap3A_253] {strides = array<i32>} : memref<80xi32, #tpu.memory_space<vmem>>, vector<16xi32>,
    %swap3A_255 = vector.shape_cast %swap3A_254 : vector<16xi32> to vector<16xi32>
    %swap3A_256 = vector.shape_cast %scan3A_233#4 : vector<16xi32> to vector<16xi32>
    tpu.vector_store %arg19[%swap3A_253], %swap3A_256 {strides = array<i32>} : memref<80xi32, #tpu.memory_space<vmem>>, vector<16xi32>,
    %mul3A_257 = arith.constant 5 : i32
    %mul3A_258 = arith.muli %arg1, %mul3A_257 : i32
    %mul3A_259 = arith.constant 16 : i32
    %mul3A_260 = arith.muli %mul3A_258, %mul3A_259 : i32
    "tpu.region"() ({
      %run_scoped3A_1282 = tpu.sem_alloc : memref<!tpu.dma_semaphore, #tpu.memory_space<semaphore_mem>>
      %dma_start3A = tpu.memref_slice %arg9[%mul3A_260] : memref<1280xi32, #tpu.memory_space<vmem_shared>> -> memref<80xi32, #tpu.memory_space<vmem_shared>>
      %dma_start3A_1283 = tpu.memref_slice %arg9[%mul3A_260] : memref<1280xi32, #tpu.memory_space<vmem_shared>> -> memref<80xi32, #tpu.memory_space<vmem_shared>>
      tpu.enqueue_dma source(%arg19 : memref<80xi32, #tpu.memory_space<vmem>>) target(%dma_start3A_1283 : memref<80xi32, #tpu.memory_space<vmem_shared>>) target_semaphore(%run_scoped3A_1282 : memref<!tpu.dma_semaphore, #tpu.memory_space<semaphore_mem>>)
      %dma_wait3A = tpu.memref_slice %arg9[%mul3A_260] : memref<1280xi32, #tpu.memory_space<vmem_shared>> -> memref<80xi32, #tpu.memory_space<vmem_shared>>
      %dma_wait3A_1284 = tpu.memref_slice %arg9[%mul3A_260] : memref<1280xi32, #tpu.memory_space<vmem_shared>> -> memref<80xi32, #tpu.memory_space<vmem_shared>>
      tpu.wait_dma2 semaphore(%run_scoped3A_1282 : memref<!tpu.dma_semaphore, #tpu.memory_space<semaphore_mem>>) src(%arg19 : memref<80xi32, #tpu.memory_space<vmem>>) dst(%dma_wait3A_1284 : memref<80xi32, #tpu.memory_space<vmem_shared>>)
      tpu.yield
    }) : () -> ()
    %get3A = arith.constant 0 : i32
    %get3A_261 = arith.index_cast %get3A : i32 to index
    %get3A_262 = arith.constant 0 : index
    %get3A_263 = tpu.vector_load %arg13[%get3A_261, %get3A_262] {strides = array<i32>} : memref<4x128xf32, #tpu.memory_space<vmem>>, vector<1x16xf32>,
    %get3A_264 = vector.shape_cast %get3A_263 : vector<1x16xf32> to vector<16xf32>
    %get3A_265 = arith.constant 0 : i32
    %get3A_266 = arith.index_cast %get3A_265 : i32 to index
    %get3A_267 = arith.constant 0 : index
    %get3A_268 = tpu.vector_load %arg14[%get3A_266, %get3A_267] {strides = array<i32>} : memref<4x128xf32, #tpu.memory_space<vmem>>, vector<1x16xf32>,
    %get3A_269 = vector.shape_cast %get3A_268 : vector<1x16xf32> to vector<16xf32>
    %mul3A_270 = arith.mulf %get3A_264, %get3A_269 : vector<16xf32>
    %add3A = arith.addf %broadcast_in_dim3A_1, %mul3A_270 : vector<16xf32>
    %get3A_271 = arith.constant 0 : i32
    %get3A_272 = arith.index_cast %get3A_271 : i32 to index
    %get3A_273 = arith.constant 0 : index
    %get3A_274 = tpu.vector_load %arg15[%get3A_272, %get3A_273] {strides = array<i32>} : memref<4x128xf32, #tpu.memory_space<vmem>>, vector<1x16xf32>,
    %get3A_275 = vector.shape_cast %get3A_274 : vector<1x16xf32> to vector<16xf32>
    %mul3A_276 = arith.mulf %get3A_264, %get3A_275 : vector<16xf32>
    %add3A_277 = arith.addf %broadcast_in_dim3A_1, %mul3A_276 : vector<16xf32>
    %get3A_278 = arith.constant 0 : i32
    %get3A_279 = arith.index_cast %get3A_278 : i32 to index
    %get3A_280 = arith.constant 0 : index
    %get3A_281 = tpu.vector_load %arg16[%get3A_279, %get3A_280] {strides = array<i32>} : memref<4x128xf32, #tpu.memory_space<vmem>>, vector<1x16xf32>,
    %get3A_282 = vector.shape_cast %get3A_281 : vector<1x16xf32> to vector<16xf32>
    %mul3A_283 = arith.mulf %get3A_264, %get3A_282 : vector<16xf32>
    %add3A_284 = arith.addf %broadcast_in_dim3A_1, %mul3A_283 : vector<16xf32>
    %get3A_285 = arith.constant 0 : i32
    %get3A_286 = arith.index_cast %get3A_285 : i32 to index
    %get3A_287 = arith.constant 16 : index
    %get3A_288 = tpu.vector_load %arg13[%get3A_286, %get3A_287] {strides = array<i32>} : memref<4x128xf32, #tpu.memory_space<vmem>>, vector<1x16xf32>,
    %get3A_289 = vector.shape_cast %get3A_288 : vector<1x16xf32> to vector<16xf32>
    %get3A_290 = arith.constant 0 : i32
    %get3A_291 = arith.index_cast %get3A_290 : i32 to index
    %get3A_292 = arith.constant 16 : index
    %get3A_293 = tpu.vector_load %arg14[%get3A_291, %get3A_292] {strides = array<i32>} : memref<4x128xf32, #tpu.memory_space<vmem>>, vector<1x16xf32>,
    %get3A_294 = vector.shape_cast %get3A_293 : vector<1x16xf32> to vector<16xf32>
    %mul3A_295 = arith.mulf %get3A_289, %get3A_294 : vector<16xf32>
    %add3A_296 = arith.addf %add3A, %mul3A_295 : vector<16xf32>
    %get3A_297 = arith.constant 0 : i32
    %get3A_298 = arith.index_cast %get3A_297 : i32 to index
    %get3A_299 = arith.constant 16 : index
    %get3A_300 = tpu.vector_load %arg15[%get3A_298, %get3A_299] {strides = array<i32>} : memref<4x128xf32, #tpu.memory_space<vmem>>, vector<1x16xf32>,
    %get3A_301 = vector.shape_cast %get3A_300 : vector<1x16xf32> to vector<16xf32>
    %mul3A_302 = arith.mulf %get3A_289, %get3A_301 : vector<16xf32>
    %add3A_303 = arith.addf %add3A_277, %mul3A_302 : vector<16xf32>
    %get3A_304 = arith.constant 0 : i32
    %get3A_305 = arith.index_cast %get3A_304 : i32 to index
    %get3A_306 = arith.constant 16 : index
    %get3A_307 = tpu.vector_load %arg16[%get3A_305, %get3A_306] {strides = array<i32>} : memref<4x128xf32, #tpu.memory_space<vmem>>, vector<1x16xf32>,
    %get3A_308 = vector.shape_cast %get3A_307 : vector<1x16xf32> to vector<16xf32>
    %mul3A_309 = arith.mulf %get3A_289, %get3A_308 : vector<16xf32>
    %add3A_310 = arith.addf %add3A_284, %mul3A_309 : vector<16xf32>
    %get3A_311 = arith.constant 0 : i32
    %get3A_312 = arith.index_cast %get3A_311 : i32 to index
    %get3A_313 = arith.constant 32 : index
    %get3A_314 = tpu.vector_load %arg13[%get3A_312, %get3A_313] {strides = array<i32>} : memref<4x128xf32, #tpu.memory_space<vmem>>, vector<1x16xf32>,
    %get3A_315 = vector.shape_cast %get3A_314 : vector<1x16xf32> to vector<16xf32>
    %get3A_316 = arith.constant 0 : i32
    %get3A_317 = arith.index_cast %get3A_316 : i32 to index
    %get3A_318 = arith.constant 32 : index
    %get3A_319 = tpu.vector_load %arg14[%get3A_317, %get3A_318] {strides = array<i32>} : memref<4x128xf32, #tpu.memory_space<vmem>>, vector<1x16xf32>,
    %get3A_320 = vector.shape_cast %get3A_319 : vector<1x16xf32> to vector<16xf32>
    %mul3A_321 = arith.mulf %get3A_315, %get3A_320 : vector<16xf32>
    %add3A_322 = arith.addf %add3A_296, %mul3A_321 : vector<16xf32>
    %get3A_323 = arith.constant 0 : i32
    %get3A_324 = arith.index_cast %get3A_323 : i32 to index
    %get3A_325 = arith.constant 32 : index
    %get3A_326 = tpu.vector_load %arg15[%get3A_324, %get3A_325] {strides = array<i32>} : memref<4x128xf32, #tpu.memory_space<vmem>>, vector<1x16xf32>,
    %get3A_327 = vector.shape_cast %get3A_326 : vector<1x16xf32> to vector<16xf32>
    %mul3A_328 = arith.mulf %get3A_315, %get3A_327 : vector<16xf32>
    %add3A_329 = arith.addf %add3A_303, %mul3A_328 : vector<16xf32>
    %get3A_330 = arith.constant 0 : i32
    %get3A_331 = arith.index_cast %get3A_330 : i32 to index
    %get3A_332 = arith.constant 32 : index
    %get3A_333 = tpu.vector_load %arg16[%get3A_331, %get3A_332] {strides = array<i32>} : memref<4x128xf32, #tpu.memory_space<vmem>>, vector<1x16xf32>,
    %get3A_334 = vector.shape_cast %get3A_333 : vector<1x16xf32> to vector<16xf32>
    %mul3A_335 = arith.mulf %get3A_315, %get3A_334 : vector<16xf32>
    %add3A_336 = arith.addf %add3A_310, %mul3A_335 : vector<16xf32>
    %get3A_337 = arith.constant 0 : i32
    %get3A_338 = arith.index_cast %get3A_337 : i32 to index
    %get3A_339 = arith.constant 48 : index
    %get3A_340 = tpu.vector_load %arg13[%get3A_338, %get3A_339] {strides = array<i32>} : memref<4x128xf32, #tpu.memory_space<vmem>>, vector<1x16xf32>,
    %get3A_341 = vector.shape_cast %get3A_340 : vector<1x16xf32> to vector<16xf32>
    %get3A_342 = arith.constant 0 : i32
    %get3A_343 = arith.index_cast %get3A_342 : i32 to index
    %get3A_344 = arith.constant 48 : index
    %get3A_345 = tpu.vector_load %arg14[%get3A_343, %get3A_344] {strides = array<i32>} : memref<4x128xf32, #tpu.memory_space<vmem>>, vector<1x16xf32>,
    %get3A_346 = vector.shape_cast %get3A_345 : vector<1x16xf32> to vector<16xf32>
    %mul3A_347 = arith.mulf %get3A_341, %get3A_346 : vector<16xf32>
    %add3A_348 = arith.addf %add3A_322, %mul3A_347 : vector<16xf32>
    %get3A_349 = arith.constant 0 : i32
    %get3A_350 = arith.index_cast %get3A_349 : i32 to index
    %get3A_351 = arith.constant 48 : index
    %get3A_352 = tpu.vector_load %arg15[%get3A_350, %get3A_351] {strides = array<i32>} : memref<4x128xf32, #tpu.memory_space<vmem>>, vector<1x16xf32>,
    %get3A_353 = vector.shape_cast %get3A_352 : vector<1x16xf32> to vector<16xf32>
    %mul3A_354 = arith.mulf %get3A_341, %get3A_353 : vector<16xf32>
    %add3A_355 = arith.addf %add3A_329, %mul3A_354 : vector<16xf32>
    %get3A_356 = arith.constant 0 : i32
    %get3A_357 = arith.index_cast %get3A_356 : i32 to index
    %get3A_358 = arith.constant 48 : index
    %get3A_359 = tpu.vector_load %arg16[%get3A_357, %get3A_358] {strides = array<i32>} : memref<4x128xf32, #tpu.memory_space<vmem>>, vector<1x16xf32>,
    %get3A_360 = vector.shape_cast %get3A_359 : vector<1x16xf32> to vector<16xf32>
    %mul3A_361 = arith.mulf %get3A_341, %get3A_360 : vector<16xf32>
    %add3A_362 = arith.addf %add3A_336, %mul3A_361 : vector<16xf32>
    %get3A_363 = arith.constant 0 : i32
    %get3A_364 = arith.index_cast %get3A_363 : i32 to index
    %get3A_365 = arith.constant 64 : index
    %get3A_366 = tpu.vector_load %arg13[%get3A_364, %get3A_365] {strides = array<i32>} : memref<4x128xf32, #tpu.memory_space<vmem>>, vector<1x16xf32>,
    %get3A_367 = vector.shape_cast %get3A_366 : vector<1x16xf32> to vector<16xf32>
    %get3A_368 = arith.constant 0 : i32
    %get3A_369 = arith.index_cast %get3A_368 : i32 to index
    %get3A_370 = arith.constant 64 : index
    %get3A_371 = tpu.vector_load %arg14[%get3A_369, %get3A_370] {strides = array<i32>} : memref<4x128xf32, #tpu.memory_space<vmem>>, vector<1x16xf32>,
    %get3A_372 = vector.shape_cast %get3A_371 : vector<1x16xf32> to vector<16xf32>
    %mul3A_373 = arith.mulf %get3A_367, %get3A_372 : vector<16xf32>
    %add3A_374 = arith.addf %add3A_348, %mul3A_373 : vector<16xf32>
    %get3A_375 = arith.constant 0 : i32
    %get3A_376 = arith.index_cast %get3A_375 : i32 to index
    %get3A_377 = arith.constant 64 : index
    %get3A_378 = tpu.vector_load %arg15[%get3A_376, %get3A_377] {strides = array<i32>} : memref<4x128xf32, #tpu.memory_space<vmem>>, vector<1x16xf32>,
    %get3A_379 = vector.shape_cast %get3A_378 : vector<1x16xf32> to vector<16xf32>
    %mul3A_380 = arith.mulf %get3A_367, %get3A_379 : vector<16xf32>
    %add3A_381 = arith.addf %add3A_355, %mul3A_380 : vector<16xf32>
    %get3A_382 = arith.constant 0 : i32
    %get3A_383 = arith.index_cast %get3A_382 : i32 to index
    %get3A_384 = arith.constant 64 : index
    %get3A_385 = tpu.vector_load %arg16[%get3A_383, %get3A_384] {strides = array<i32>} : memref<4x128xf32, #tpu.memory_space<vmem>>, vector<1x16xf32>,
    %get3A_386 = vector.shape_cast %get3A_385 : vector<1x16xf32> to vector<16xf32>
    %mul3A_387 = arith.mulf %get3A_367, %get3A_386 : vector<16xf32>
    %add3A_388 = arith.addf %add3A_362, %mul3A_387 : vector<16xf32>
    %get3A_389 = arith.constant 0 : i32
    %get3A_390 = arith.index_cast %get3A_389 : i32 to index
    %get3A_391 = arith.constant 80 : index
    %get3A_392 = tpu.vector_load %arg13[%get3A_390, %get3A_391] {strides = array<i32>} : memref<4x128xf32, #tpu.memory_space<vmem>>, vector<1x16xf32>,
    %get3A_393 = vector.shape_cast %get3A_392 : vector<1x16xf32> to vector<16xf32>
    %get3A_394 = arith.constant 0 : i32
    %get3A_395 = arith.index_cast %get3A_394 : i32 to index
    %get3A_396 = arith.constant 80 : index
    %get3A_397 = tpu.vector_load %arg14[%get3A_395, %get3A_396] {strides = array<i32>} : memref<4x128xf32, #tpu.memory_space<vmem>>, vector<1x16xf32>,
    %get3A_398 = vector.shape_cast %get3A_397 : vector<1x16xf32> to vector<16xf32>
    %mul3A_399 = arith.mulf %get3A_393, %get3A_398 : vector<16xf32>
    %add3A_400 = arith.addf %add3A_374, %mul3A_399 : vector<16xf32>
    %get3A_401 = arith.constant 0 : i32
    %get3A_402 = arith.index_cast %get3A_401 : i32 to index
    %get3A_403 = arith.constant 80 : index
    %get3A_404 = tpu.vector_load %arg15[%get3A_402, %get3A_403] {strides = array<i32>} : memref<4x128xf32, #tpu.memory_space<vmem>>, vector<1x16xf32>,
    %get3A_405 = vector.shape_cast %get3A_404 : vector<1x16xf32> to vector<16xf32>
    %mul3A_406 = arith.mulf %get3A_393, %get3A_405 : vector<16xf32>
    %add3A_407 = arith.addf %add3A_381, %mul3A_406 : vector<16xf32>
    %get3A_408 = arith.constant 0 : i32
    %get3A_409 = arith.index_cast %get3A_408 : i32 to index
    %get3A_410 = arith.constant 80 : index
    %get3A_411 = tpu.vector_load %arg16[%get3A_409, %get3A_410] {strides = array<i32>} : memref<4x128xf32, #tpu.memory_space<vmem>>, vector<1x16xf32>,
    %get3A_412 = vector.shape_cast %get3A_411 : vector<1x16xf32> to vector<16xf32>
    %mul3A_413 = arith.mulf %get3A_393, %get3A_412 : vector<16xf32>
    %add3A_414 = arith.addf %add3A_388, %mul3A_413 : vector<16xf32>
    %get3A_415 = arith.constant 0 : i32
    %get3A_416 = arith.index_cast %get3A_415 : i32 to index
    %get3A_417 = arith.constant 96 : index
    %get3A_418 = tpu.vector_load %arg13[%get3A_416, %get3A_417] {strides = array<i32>} : memref<4x128xf32, #tpu.memory_space<vmem>>, vector<1x16xf32>,
    %get3A_419 = vector.shape_cast %get3A_418 : vector<1x16xf32> to vector<16xf32>
    %get3A_420 = arith.constant 0 : i32
    %get3A_421 = arith.index_cast %get3A_420 : i32 to index
    %get3A_422 = arith.constant 96 : index
    %get3A_423 = tpu.vector_load %arg14[%get3A_421, %get3A_422] {strides = array<i32>} : memref<4x128xf32, #tpu.memory_space<vmem>>, vector<1x16xf32>,
    %get3A_424 = vector.shape_cast %get3A_423 : vector<1x16xf32> to vector<16xf32>
    %mul3A_425 = arith.mulf %get3A_419, %get3A_424 : vector<16xf32>
    %add3A_426 = arith.addf %add3A_400, %mul3A_425 : vector<16xf32>
    %get3A_427 = arith.constant 0 : i32
    %get3A_428 = arith.index_cast %get3A_427 : i32 to index
    %get3A_429 = arith.constant 96 : index
    %get3A_430 = tpu.vector_load %arg15[%get3A_428, %get3A_429] {strides = array<i32>} : memref<4x128xf32, #tpu.memory_space<vmem>>, vector<1x16xf32>,
    %get3A_431 = vector.shape_cast %get3A_430 : vector<1x16xf32> to vector<16xf32>
    %mul3A_432 = arith.mulf %get3A_419, %get3A_431 : vector<16xf32>
    %add3A_433 = arith.addf %add3A_407, %mul3A_432 : vector<16xf32>
    %get3A_434 = arith.constant 0 : i32
    %get3A_435 = arith.index_cast %get3A_434 : i32 to index
    %get3A_436 = arith.constant 96 : index
    %get3A_437 = tpu.vector_load %arg16[%get3A_435, %get3A_436] {strides = array<i32>} : memref<4x128xf32, #tpu.memory_space<vmem>>, vector<1x16xf32>,
    %get3A_438 = vector.shape_cast %get3A_437 : vector<1x16xf32> to vector<16xf32>
    %mul3A_439 = arith.mulf %get3A_419, %get3A_438 : vector<16xf32>
    %add3A_440 = arith.addf %add3A_414, %mul3A_439 : vector<16xf32>
    %get3A_441 = arith.constant 0 : i32
    %get3A_442 = arith.index_cast %get3A_441 : i32 to index
    %get3A_443 = arith.constant 112 : index
    %get3A_444 = tpu.vector_load %arg13[%get3A_442, %get3A_443] {strides = array<i32>} : memref<4x128xf32, #tpu.memory_space<vmem>>, vector<1x16xf32>,
    %get3A_445 = vector.shape_cast %get3A_444 : vector<1x16xf32> to vector<16xf32>
    %get3A_446 = arith.constant 0 : i32
    %get3A_447 = arith.index_cast %get3A_446 : i32 to index
    %get3A_448 = arith.constant 112 : index
    %get3A_449 = tpu.vector_load %arg14[%get3A_447, %get3A_448] {strides = array<i32>} : memref<4x128xf32, #tpu.memory_space<vmem>>, vector<1x16xf32>,
    %get3A_450 = vector.shape_cast %get3A_449 : vector<1x16xf32> to vector<16xf32>
    %mul3A_451 = arith.mulf %get3A_445, %get3A_450 : vector<16xf32>
    %add3A_452 = arith.addf %add3A_426, %mul3A_451 : vector<16xf32>
    %get3A_453 = arith.constant 0 : i32
    %get3A_454 = arith.index_cast %get3A_453 : i32 to index
    %get3A_455 = arith.constant 112 : index
    %get3A_456 = tpu.vector_load %arg15[%get3A_454, %get3A_455] {strides = array<i32>} : memref<4x128xf32, #tpu.memory_space<vmem>>, vector<1x16xf32>,
    %get3A_457 = vector.shape_cast %get3A_456 : vector<1x16xf32> to vector<16xf32>
    %mul3A_458 = arith.mulf %get3A_445, %get3A_457 : vector<16xf32>
    %add3A_459 = arith.addf %add3A_433, %mul3A_458 : vector<16xf32>
    %get3A_460 = arith.constant 0 : i32
    %get3A_461 = arith.index_cast %get3A_460 : i32 to index
    %get3A_462 = arith.constant 112 : index
    %get3A_463 = tpu.vector_load %arg16[%get3A_461, %get3A_462] {strides = array<i32>} : memref<4x128xf32, #tpu.memory_space<vmem>>, vector<1x16xf32>,
    %get3A_464 = vector.shape_cast %get3A_463 : vector<1x16xf32> to vector<16xf32>
    %mul3A_465 = arith.mulf %get3A_445, %get3A_464 : vector<16xf32>
    %add3A_466 = arith.addf %add3A_440, %mul3A_465 : vector<16xf32>
    %get3A_467 = arith.constant 1 : i32
    %get3A_468 = arith.index_cast %get3A_467 : i32 to index
    %get3A_469 = arith.constant 0 : index
    %get3A_470 = tpu.vector_load %arg13[%get3A_468, %get3A_469] {strides = array<i32>} : memref<4x128xf32, #tpu.memory_space<vmem>>, vector<1x16xf32>,
    %get3A_471 = vector.shape_cast %get3A_470 : vector<1x16xf32> to vector<16xf32>
    %get3A_472 = arith.constant 1 : i32
    %get3A_473 = arith.index_cast %get3A_472 : i32 to index
    %get3A_474 = arith.constant 0 : index
    %get3A_475 = tpu.vector_load %arg14[%get3A_473, %get3A_474] {strides = array<i32>} : memref<4x128xf32, #tpu.memory_space<vmem>>, vector<1x16xf32>,
    %get3A_476 = vector.shape_cast %get3A_475 : vector<1x16xf32> to vector<16xf32>
    %mul3A_477 = arith.mulf %get3A_471, %get3A_476 : vector<16xf32>
    %add3A_478 = arith.addf %add3A_452, %mul3A_477 : vector<16xf32>
    %get3A_479 = arith.constant 1 : i32
    %get3A_480 = arith.index_cast %get3A_479 : i32 to index
    %get3A_481 = arith.constant 0 : index
    %get3A_482 = tpu.vector_load %arg15[%get3A_480, %get3A_481] {strides = array<i32>} : memref<4x128xf32, #tpu.memory_space<vmem>>, vector<1x16xf32>,
    %get3A_483 = vector.shape_cast %get3A_482 : vector<1x16xf32> to vector<16xf32>
    %mul3A_484 = arith.mulf %get3A_471, %get3A_483 : vector<16xf32>
    %add3A_485 = arith.addf %add3A_459, %mul3A_484 : vector<16xf32>
    %get3A_486 = arith.constant 1 : i32
    %get3A_487 = arith.index_cast %get3A_486 : i32 to index
    %get3A_488 = arith.constant 0 : index
    %get3A_489 = tpu.vector_load %arg16[%get3A_487, %get3A_488] {strides = array<i32>} : memref<4x128xf32, #tpu.memory_space<vmem>>, vector<1x16xf32>,
    %get3A_490 = vector.shape_cast %get3A_489 : vector<1x16xf32> to vector<16xf32>
    %mul3A_491 = arith.mulf %get3A_471, %get3A_490 : vector<16xf32>
    %add3A_492 = arith.addf %add3A_466, %mul3A_491 : vector<16xf32>
    %get3A_493 = arith.constant 1 : i32
    %get3A_494 = arith.index_cast %get3A_493 : i32 to index
    %get3A_495 = arith.constant 16 : index
    %get3A_496 = tpu.vector_load %arg13[%get3A_494, %get3A_495] {strides = array<i32>} : memref<4x128xf32, #tpu.memory_space<vmem>>, vector<1x16xf32>,
    %get3A_497 = vector.shape_cast %get3A_496 : vector<1x16xf32> to vector<16xf32>
    %get3A_498 = arith.constant 1 : i32
    %get3A_499 = arith.index_cast %get3A_498 : i32 to index
    %get3A_500 = arith.constant 16 : index
    %get3A_501 = tpu.vector_load %arg14[%get3A_499, %get3A_500] {strides = array<i32>} : memref<4x128xf32, #tpu.memory_space<vmem>>, vector<1x16xf32>,
    %get3A_502 = vector.shape_cast %get3A_501 : vector<1x16xf32> to vector<16xf32>
    %mul3A_503 = arith.mulf %get3A_497, %get3A_502 : vector<16xf32>
    %add3A_504 = arith.addf %add3A_478, %mul3A_503 : vector<16xf32>
    %get3A_505 = arith.constant 1 : i32
    %get3A_506 = arith.index_cast %get3A_505 : i32 to index
    %get3A_507 = arith.constant 16 : index
    %get3A_508 = tpu.vector_load %arg15[%get3A_506, %get3A_507] {strides = array<i32>} : memref<4x128xf32, #tpu.memory_space<vmem>>, vector<1x16xf32>,
    %get3A_509 = vector.shape_cast %get3A_508 : vector<1x16xf32> to vector<16xf32>
    %mul3A_510 = arith.mulf %get3A_497, %get3A_509 : vector<16xf32>
    %add3A_511 = arith.addf %add3A_485, %mul3A_510 : vector<16xf32>
    %get3A_512 = arith.constant 1 : i32
    %get3A_513 = arith.index_cast %get3A_512 : i32 to index
    %get3A_514 = arith.constant 16 : index
    %get3A_515 = tpu.vector_load %arg16[%get3A_513, %get3A_514] {strides = array<i32>} : memref<4x128xf32, #tpu.memory_space<vmem>>, vector<1x16xf32>,
    %get3A_516 = vector.shape_cast %get3A_515 : vector<1x16xf32> to vector<16xf32>
    %mul3A_517 = arith.mulf %get3A_497, %get3A_516 : vector<16xf32>
    %add3A_518 = arith.addf %add3A_492, %mul3A_517 : vector<16xf32>
    %get3A_519 = arith.constant 1 : i32
    %get3A_520 = arith.index_cast %get3A_519 : i32 to index
    %get3A_521 = arith.constant 32 : index
    %get3A_522 = tpu.vector_load %arg13[%get3A_520, %get3A_521] {strides = array<i32>} : memref<4x128xf32, #tpu.memory_space<vmem>>, vector<1x16xf32>,
    %get3A_523 = vector.shape_cast %get3A_522 : vector<1x16xf32> to vector<16xf32>
    %get3A_524 = arith.constant 1 : i32
    %get3A_525 = arith.index_cast %get3A_524 : i32 to index
    %get3A_526 = arith.constant 32 : index
    %get3A_527 = tpu.vector_load %arg14[%get3A_525, %get3A_526] {strides = array<i32>} : memref<4x128xf32, #tpu.memory_space<vmem>>, vector<1x16xf32>,
    %get3A_528 = vector.shape_cast %get3A_527 : vector<1x16xf32> to vector<16xf32>
    %mul3A_529 = arith.mulf %get3A_523, %get3A_528 : vector<16xf32>
    %add3A_530 = arith.addf %add3A_504, %mul3A_529 : vector<16xf32>
    %get3A_531 = arith.constant 1 : i32
    %get3A_532 = arith.index_cast %get3A_531 : i32 to index
    %get3A_533 = arith.constant 32 : index
    %get3A_534 = tpu.vector_load %arg15[%get3A_532, %get3A_533] {strides = array<i32>} : memref<4x128xf32, #tpu.memory_space<vmem>>, vector<1x16xf32>,
    %get3A_535 = vector.shape_cast %get3A_534 : vector<1x16xf32> to vector<16xf32>
    %mul3A_536 = arith.mulf %get3A_523, %get3A_535 : vector<16xf32>
    %add3A_537 = arith.addf %add3A_511, %mul3A_536 : vector<16xf32>
    %get3A_538 = arith.constant 1 : i32
    %get3A_539 = arith.index_cast %get3A_538 : i32 to index
    %get3A_540 = arith.constant 32 : index
    %get3A_541 = tpu.vector_load %arg16[%get3A_539, %get3A_540] {strides = array<i32>} : memref<4x128xf32, #tpu.memory_space<vmem>>, vector<1x16xf32>,
    %get3A_542 = vector.shape_cast %get3A_541 : vector<1x16xf32> to vector<16xf32>
    %mul3A_543 = arith.mulf %get3A_523, %get3A_542 : vector<16xf32>
    %add3A_544 = arith.addf %add3A_518, %mul3A_543 : vector<16xf32>
    %get3A_545 = arith.constant 1 : i32
    %get3A_546 = arith.index_cast %get3A_545 : i32 to index
    %get3A_547 = arith.constant 48 : index
    %get3A_548 = tpu.vector_load %arg13[%get3A_546, %get3A_547] {strides = array<i32>} : memref<4x128xf32, #tpu.memory_space<vmem>>, vector<1x16xf32>,
    %get3A_549 = vector.shape_cast %get3A_548 : vector<1x16xf32> to vector<16xf32>
    %get3A_550 = arith.constant 1 : i32
    %get3A_551 = arith.index_cast %get3A_550 : i32 to index
    %get3A_552 = arith.constant 48 : index
    %get3A_553 = tpu.vector_load %arg14[%get3A_551, %get3A_552] {strides = array<i32>} : memref<4x128xf32, #tpu.memory_space<vmem>>, vector<1x16xf32>,
    %get3A_554 = vector.shape_cast %get3A_553 : vector<1x16xf32> to vector<16xf32>
    %mul3A_555 = arith.mulf %get3A_549, %get3A_554 : vector<16xf32>
    %add3A_556 = arith.addf %add3A_530, %mul3A_555 : vector<16xf32>
    %get3A_557 = arith.constant 1 : i32
    %get3A_558 = arith.index_cast %get3A_557 : i32 to index
    %get3A_559 = arith.constant 48 : index
    %get3A_560 = tpu.vector_load %arg15[%get3A_558, %get3A_559] {strides = array<i32>} : memref<4x128xf32, #tpu.memory_space<vmem>>, vector<1x16xf32>,
    %get3A_561 = vector.shape_cast %get3A_560 : vector<1x16xf32> to vector<16xf32>
    %mul3A_562 = arith.mulf %get3A_549, %get3A_561 : vector<16xf32>
    %add3A_563 = arith.addf %add3A_537, %mul3A_562 : vector<16xf32>
    %get3A_564 = arith.constant 1 : i32
    %get3A_565 = arith.index_cast %get3A_564 : i32 to index
    %get3A_566 = arith.constant 48 : index
    %get3A_567 = tpu.vector_load %arg16[%get3A_565, %get3A_566] {strides = array<i32>} : memref<4x128xf32, #tpu.memory_space<vmem>>, vector<1x16xf32>,
    %get3A_568 = vector.shape_cast %get3A_567 : vector<1x16xf32> to vector<16xf32>
    %mul3A_569 = arith.mulf %get3A_549, %get3A_568 : vector<16xf32>
    %add3A_570 = arith.addf %add3A_544, %mul3A_569 : vector<16xf32>
    %get3A_571 = arith.constant 1 : i32
    %get3A_572 = arith.index_cast %get3A_571 : i32 to index
    %get3A_573 = arith.constant 64 : index
    %get3A_574 = tpu.vector_load %arg13[%get3A_572, %get3A_573] {strides = array<i32>} : memref<4x128xf32, #tpu.memory_space<vmem>>, vector<1x16xf32>,
    %get3A_575 = vector.shape_cast %get3A_574 : vector<1x16xf32> to vector<16xf32>
    %get3A_576 = arith.constant 1 : i32
    %get3A_577 = arith.index_cast %get3A_576 : i32 to index
    %get3A_578 = arith.constant 64 : index
    %get3A_579 = tpu.vector_load %arg14[%get3A_577, %get3A_578] {strides = array<i32>} : memref<4x128xf32, #tpu.memory_space<vmem>>, vector<1x16xf32>,
    %get3A_580 = vector.shape_cast %get3A_579 : vector<1x16xf32> to vector<16xf32>
    %mul3A_581 = arith.mulf %get3A_575, %get3A_580 : vector<16xf32>
    %add3A_582 = arith.addf %add3A_556, %mul3A_581 : vector<16xf32>
    %get3A_583 = arith.constant 1 : i32
    %get3A_584 = arith.index_cast %get3A_583 : i32 to index
    %get3A_585 = arith.constant 64 : index
    %get3A_586 = tpu.vector_load %arg15[%get3A_584, %get3A_585] {strides = array<i32>} : memref<4x128xf32, #tpu.memory_space<vmem>>, vector<1x16xf32>,
    %get3A_587 = vector.shape_cast %get3A_586 : vector<1x16xf32> to vector<16xf32>
    %mul3A_588 = arith.mulf %get3A_575, %get3A_587 : vector<16xf32>
    %add3A_589 = arith.addf %add3A_563, %mul3A_588 : vector<16xf32>
    %get3A_590 = arith.constant 1 : i32
    %get3A_591 = arith.index_cast %get3A_590 : i32 to index
    %get3A_592 = arith.constant 64 : index
    %get3A_593 = tpu.vector_load %arg16[%get3A_591, %get3A_592] {strides = array<i32>} : memref<4x128xf32, #tpu.memory_space<vmem>>, vector<1x16xf32>,
    %get3A_594 = vector.shape_cast %get3A_593 : vector<1x16xf32> to vector<16xf32>
    %mul3A_595 = arith.mulf %get3A_575, %get3A_594 : vector<16xf32>
    %add3A_596 = arith.addf %add3A_570, %mul3A_595 : vector<16xf32>
    %get3A_597 = arith.constant 1 : i32
    %get3A_598 = arith.index_cast %get3A_597 : i32 to index
    %get3A_599 = arith.constant 80 : index
    %get3A_600 = tpu.vector_load %arg13[%get3A_598, %get3A_599] {strides = array<i32>} : memref<4x128xf32, #tpu.memory_space<vmem>>, vector<1x16xf32>,
    %get3A_601 = vector.shape_cast %get3A_600 : vector<1x16xf32> to vector<16xf32>
    %get3A_602 = arith.constant 1 : i32
    %get3A_603 = arith.index_cast %get3A_602 : i32 to index
    %get3A_604 = arith.constant 80 : index
    %get3A_605 = tpu.vector_load %arg14[%get3A_603, %get3A_604] {strides = array<i32>} : memref<4x128xf32, #tpu.memory_space<vmem>>, vector<1x16xf32>,
    %get3A_606 = vector.shape_cast %get3A_605 : vector<1x16xf32> to vector<16xf32>
    %mul3A_607 = arith.mulf %get3A_601, %get3A_606 : vector<16xf32>
    %add3A_608 = arith.addf %add3A_582, %mul3A_607 : vector<16xf32>
    %get3A_609 = arith.constant 1 : i32
    %get3A_610 = arith.index_cast %get3A_609 : i32 to index
    %get3A_611 = arith.constant 80 : index
    %get3A_612 = tpu.vector_load %arg15[%get3A_610, %get3A_611] {strides = array<i32>} : memref<4x128xf32, #tpu.memory_space<vmem>>, vector<1x16xf32>,
    %get3A_613 = vector.shape_cast %get3A_612 : vector<1x16xf32> to vector<16xf32>
    %mul3A_614 = arith.mulf %get3A_601, %get3A_613 : vector<16xf32>
    %add3A_615 = arith.addf %add3A_589, %mul3A_614 : vector<16xf32>
    %get3A_616 = arith.constant 1 : i32
    %get3A_617 = arith.index_cast %get3A_616 : i32 to index
    %get3A_618 = arith.constant 80 : index
    %get3A_619 = tpu.vector_load %arg16[%get3A_617, %get3A_618] {strides = array<i32>} : memref<4x128xf32, #tpu.memory_space<vmem>>, vector<1x16xf32>,
    %get3A_620 = vector.shape_cast %get3A_619 : vector<1x16xf32> to vector<16xf32>
    %mul3A_621 = arith.mulf %get3A_601, %get3A_620 : vector<16xf32>
    %add3A_622 = arith.addf %add3A_596, %mul3A_621 : vector<16xf32>
    %get3A_623 = arith.constant 1 : i32
    %get3A_624 = arith.index_cast %get3A_623 : i32 to index
    %get3A_625 = arith.constant 96 : index
    %get3A_626 = tpu.vector_load %arg13[%get3A_624, %get3A_625] {strides = array<i32>} : memref<4x128xf32, #tpu.memory_space<vmem>>, vector<1x16xf32>,
    %get3A_627 = vector.shape_cast %get3A_626 : vector<1x16xf32> to vector<16xf32>
    %get3A_628 = arith.constant 1 : i32
    %get3A_629 = arith.index_cast %get3A_628 : i32 to index
    %get3A_630 = arith.constant 96 : index
    %get3A_631 = tpu.vector_load %arg14[%get3A_629, %get3A_630] {strides = array<i32>} : memref<4x128xf32, #tpu.memory_space<vmem>>, vector<1x16xf32>,
    %get3A_632 = vector.shape_cast %get3A_631 : vector<1x16xf32> to vector<16xf32>
    %mul3A_633 = arith.mulf %get3A_627, %get3A_632 : vector<16xf32>
    %add3A_634 = arith.addf %add3A_608, %mul3A_633 : vector<16xf32>
    %get3A_635 = arith.constant 1 : i32
    %get3A_636 = arith.index_cast %get3A_635 : i32 to index
    %get3A_637 = arith.constant 96 : index
    %get3A_638 = tpu.vector_load %arg15[%get3A_636, %get3A_637] {strides = array<i32>} : memref<4x128xf32, #tpu.memory_space<vmem>>, vector<1x16xf32>,
    %get3A_639 = vector.shape_cast %get3A_638 : vector<1x16xf32> to vector<16xf32>
    %mul3A_640 = arith.mulf %get3A_627, %get3A_639 : vector<16xf32>
    %add3A_641 = arith.addf %add3A_615, %mul3A_640 : vector<16xf32>
    %get3A_642 = arith.constant 1 : i32
    %get3A_643 = arith.index_cast %get3A_642 : i32 to index
    %get3A_644 = arith.constant 96 : index
    %get3A_645 = tpu.vector_load %arg16[%get3A_643, %get3A_644] {strides = array<i32>} : memref<4x128xf32, #tpu.memory_space<vmem>>, vector<1x16xf32>,
    %get3A_646 = vector.shape_cast %get3A_645 : vector<1x16xf32> to vector<16xf32>
    %mul3A_647 = arith.mulf %get3A_627, %get3A_646 : vector<16xf32>
    %add3A_648 = arith.addf %add3A_622, %mul3A_647 : vector<16xf32>
    %get3A_649 = arith.constant 1 : i32
    %get3A_650 = arith.index_cast %get3A_649 : i32 to index
    %get3A_651 = arith.constant 112 : index
    %get3A_652 = tpu.vector_load %arg13[%get3A_650, %get3A_651] {strides = array<i32>} : memref<4x128xf32, #tpu.memory_space<vmem>>, vector<1x16xf32>,
    %get3A_653 = vector.shape_cast %get3A_652 : vector<1x16xf32> to vector<16xf32>
    %get3A_654 = arith.constant 1 : i32
    %get3A_655 = arith.index_cast %get3A_654 : i32 to index
    %get3A_656 = arith.constant 112 : index
    %get3A_657 = tpu.vector_load %arg14[%get3A_655, %get3A_656] {strides = array<i32>} : memref<4x128xf32, #tpu.memory_space<vmem>>, vector<1x16xf32>,
    %get3A_658 = vector.shape_cast %get3A_657 : vector<1x16xf32> to vector<16xf32>
    %mul3A_659 = arith.mulf %get3A_653, %get3A_658 : vector<16xf32>
    %add3A_660 = arith.addf %add3A_634, %mul3A_659 : vector<16xf32>
    %get3A_661 = arith.constant 1 : i32
    %get3A_662 = arith.index_cast %get3A_661 : i32 to index
    %get3A_663 = arith.constant 112 : index
    %get3A_664 = tpu.vector_load %arg15[%get3A_662, %get3A_663] {strides = array<i32>} : memref<4x128xf32, #tpu.memory_space<vmem>>, vector<1x16xf32>,
    %get3A_665 = vector.shape_cast %get3A_664 : vector<1x16xf32> to vector<16xf32>
    %mul3A_666 = arith.mulf %get3A_653, %get3A_665 : vector<16xf32>
    %add3A_667 = arith.addf %add3A_641, %mul3A_666 : vector<16xf32>
    %get3A_668 = arith.constant 1 : i32
    %get3A_669 = arith.index_cast %get3A_668 : i32 to index
    %get3A_670 = arith.constant 112 : index
    %get3A_671 = tpu.vector_load %arg16[%get3A_669, %get3A_670] {strides = array<i32>} : memref<4x128xf32, #tpu.memory_space<vmem>>, vector<1x16xf32>,
    %get3A_672 = vector.shape_cast %get3A_671 : vector<1x16xf32> to vector<16xf32>
    %mul3A_673 = arith.mulf %get3A_653, %get3A_672 : vector<16xf32>
    %add3A_674 = arith.addf %add3A_648, %mul3A_673 : vector<16xf32>
    %get3A_675 = arith.constant 2 : i32
    %get3A_676 = arith.index_cast %get3A_675 : i32 to index
    %get3A_677 = arith.constant 0 : index
    %get3A_678 = tpu.vector_load %arg13[%get3A_676, %get3A_677] {strides = array<i32>} : memref<4x128xf32, #tpu.memory_space<vmem>>, vector<1x16xf32>,
    %get3A_679 = vector.shape_cast %get3A_678 : vector<1x16xf32> to vector<16xf32>
    %get3A_680 = arith.constant 2 : i32
    %get3A_681 = arith.index_cast %get3A_680 : i32 to index
    %get3A_682 = arith.constant 0 : index
    %get3A_683 = tpu.vector_load %arg14[%get3A_681, %get3A_682] {strides = array<i32>} : memref<4x128xf32, #tpu.memory_space<vmem>>, vector<1x16xf32>,
    %get3A_684 = vector.shape_cast %get3A_683 : vector<1x16xf32> to vector<16xf32>
    %mul3A_685 = arith.mulf %get3A_679, %get3A_684 : vector<16xf32>
    %add3A_686 = arith.addf %add3A_660, %mul3A_685 : vector<16xf32>
    %get3A_687 = arith.constant 2 : i32
    %get3A_688 = arith.index_cast %get3A_687 : i32 to index
    %get3A_689 = arith.constant 0 : index
    %get3A_690 = tpu.vector_load %arg15[%get3A_688, %get3A_689] {strides = array<i32>} : memref<4x128xf32, #tpu.memory_space<vmem>>, vector<1x16xf32>,
    %get3A_691 = vector.shape_cast %get3A_690 : vector<1x16xf32> to vector<16xf32>
    %mul3A_692 = arith.mulf %get3A_679, %get3A_691 : vector<16xf32>
    %add3A_693 = arith.addf %add3A_667, %mul3A_692 : vector<16xf32>
    %get3A_694 = arith.constant 2 : i32
    %get3A_695 = arith.index_cast %get3A_694 : i32 to index
    %get3A_696 = arith.constant 0 : index
    %get3A_697 = tpu.vector_load %arg16[%get3A_695, %get3A_696] {strides = array<i32>} : memref<4x128xf32, #tpu.memory_space<vmem>>, vector<1x16xf32>,
    %get3A_698 = vector.shape_cast %get3A_697 : vector<1x16xf32> to vector<16xf32>
    %mul3A_699 = arith.mulf %get3A_679, %get3A_698 : vector<16xf32>
    %add3A_700 = arith.addf %add3A_674, %mul3A_699 : vector<16xf32>
    %get3A_701 = arith.constant 2 : i32
    %get3A_702 = arith.index_cast %get3A_701 : i32 to index
    %get3A_703 = arith.constant 16 : index
    %get3A_704 = tpu.vector_load %arg13[%get3A_702, %get3A_703] {strides = array<i32>} : memref<4x128xf32, #tpu.memory_space<vmem>>, vector<1x16xf32>,
    %get3A_705 = vector.shape_cast %get3A_704 : vector<1x16xf32> to vector<16xf32>
    %get3A_706 = arith.constant 2 : i32
    %get3A_707 = arith.index_cast %get3A_706 : i32 to index
    %get3A_708 = arith.constant 16 : index
    %get3A_709 = tpu.vector_load %arg14[%get3A_707, %get3A_708] {strides = array<i32>} : memref<4x128xf32, #tpu.memory_space<vmem>>, vector<1x16xf32>,
    %get3A_710 = vector.shape_cast %get3A_709 : vector<1x16xf32> to vector<16xf32>
    %mul3A_711 = arith.mulf %get3A_705, %get3A_710 : vector<16xf32>
    %add3A_712 = arith.addf %add3A_686, %mul3A_711 : vector<16xf32>
    %get3A_713 = arith.constant 2 : i32
    %get3A_714 = arith.index_cast %get3A_713 : i32 to index
    %get3A_715 = arith.constant 16 : index
    %get3A_716 = tpu.vector_load %arg15[%get3A_714, %get3A_715] {strides = array<i32>} : memref<4x128xf32, #tpu.memory_space<vmem>>, vector<1x16xf32>,
    %get3A_717 = vector.shape_cast %get3A_716 : vector<1x16xf32> to vector<16xf32>
    %mul3A_718 = arith.mulf %get3A_705, %get3A_717 : vector<16xf32>
    %add3A_719 = arith.addf %add3A_693, %mul3A_718 : vector<16xf32>
    %get3A_720 = arith.constant 2 : i32
    %get3A_721 = arith.index_cast %get3A_720 : i32 to index
    %get3A_722 = arith.constant 16 : index
    %get3A_723 = tpu.vector_load %arg16[%get3A_721, %get3A_722] {strides = array<i32>} : memref<4x128xf32, #tpu.memory_space<vmem>>, vector<1x16xf32>,
    %get3A_724 = vector.shape_cast %get3A_723 : vector<1x16xf32> to vector<16xf32>
    %mul3A_725 = arith.mulf %get3A_705, %get3A_724 : vector<16xf32>
    %add3A_726 = arith.addf %add3A_700, %mul3A_725 : vector<16xf32>
    %get3A_727 = arith.constant 2 : i32
    %get3A_728 = arith.index_cast %get3A_727 : i32 to index
    %get3A_729 = arith.constant 32 : index
    %get3A_730 = tpu.vector_load %arg13[%get3A_728, %get3A_729] {strides = array<i32>} : memref<4x128xf32, #tpu.memory_space<vmem>>, vector<1x16xf32>,
    %get3A_731 = vector.shape_cast %get3A_730 : vector<1x16xf32> to vector<16xf32>
    %get3A_732 = arith.constant 2 : i32
    %get3A_733 = arith.index_cast %get3A_732 : i32 to index
    %get3A_734 = arith.constant 32 : index
    %get3A_735 = tpu.vector_load %arg14[%get3A_733, %get3A_734] {strides = array<i32>} : memref<4x128xf32, #tpu.memory_space<vmem>>, vector<1x16xf32>,
    %get3A_736 = vector.shape_cast %get3A_735 : vector<1x16xf32> to vector<16xf32>
    %mul3A_737 = arith.mulf %get3A_731, %get3A_736 : vector<16xf32>
    %add3A_738 = arith.addf %add3A_712, %mul3A_737 : vector<16xf32>
    %get3A_739 = arith.constant 2 : i32
    %get3A_740 = arith.index_cast %get3A_739 : i32 to index
    %get3A_741 = arith.constant 32 : index
    %get3A_742 = tpu.vector_load %arg15[%get3A_740, %get3A_741] {strides = array<i32>} : memref<4x128xf32, #tpu.memory_space<vmem>>, vector<1x16xf32>,
    %get3A_743 = vector.shape_cast %get3A_742 : vector<1x16xf32> to vector<16xf32>
    %mul3A_744 = arith.mulf %get3A_731, %get3A_743 : vector<16xf32>
    %add3A_745 = arith.addf %add3A_719, %mul3A_744 : vector<16xf32>
    %get3A_746 = arith.constant 2 : i32
    %get3A_747 = arith.index_cast %get3A_746 : i32 to index
    %get3A_748 = arith.constant 32 : index
    %get3A_749 = tpu.vector_load %arg16[%get3A_747, %get3A_748] {strides = array<i32>} : memref<4x128xf32, #tpu.memory_space<vmem>>, vector<1x16xf32>,
    %get3A_750 = vector.shape_cast %get3A_749 : vector<1x16xf32> to vector<16xf32>
    %mul3A_751 = arith.mulf %get3A_731, %get3A_750 : vector<16xf32>
    %add3A_752 = arith.addf %add3A_726, %mul3A_751 : vector<16xf32>
    %get3A_753 = arith.constant 2 : i32
    %get3A_754 = arith.index_cast %get3A_753 : i32 to index
    %get3A_755 = arith.constant 48 : index
    %get3A_756 = tpu.vector_load %arg13[%get3A_754, %get3A_755] {strides = array<i32>} : memref<4x128xf32, #tpu.memory_space<vmem>>, vector<1x16xf32>,
    %get3A_757 = vector.shape_cast %get3A_756 : vector<1x16xf32> to vector<16xf32>
    %get3A_758 = arith.constant 2 : i32
    %get3A_759 = arith.index_cast %get3A_758 : i32 to index
    %get3A_760 = arith.constant 48 : index
    %get3A_761 = tpu.vector_load %arg14[%get3A_759, %get3A_760] {strides = array<i32>} : memref<4x128xf32, #tpu.memory_space<vmem>>, vector<1x16xf32>,
    %get3A_762 = vector.shape_cast %get3A_761 : vector<1x16xf32> to vector<16xf32>
    %mul3A_763 = arith.mulf %get3A_757, %get3A_762 : vector<16xf32>
    %add3A_764 = arith.addf %add3A_738, %mul3A_763 : vector<16xf32>
    %get3A_765 = arith.constant 2 : i32
    %get3A_766 = arith.index_cast %get3A_765 : i32 to index
    %get3A_767 = arith.constant 48 : index
    %get3A_768 = tpu.vector_load %arg15[%get3A_766, %get3A_767] {strides = array<i32>} : memref<4x128xf32, #tpu.memory_space<vmem>>, vector<1x16xf32>,
    %get3A_769 = vector.shape_cast %get3A_768 : vector<1x16xf32> to vector<16xf32>
    %mul3A_770 = arith.mulf %get3A_757, %get3A_769 : vector<16xf32>
    %add3A_771 = arith.addf %add3A_745, %mul3A_770 : vector<16xf32>
    %get3A_772 = arith.constant 2 : i32
    %get3A_773 = arith.index_cast %get3A_772 : i32 to index
    %get3A_774 = arith.constant 48 : index
    %get3A_775 = tpu.vector_load %arg16[%get3A_773, %get3A_774] {strides = array<i32>} : memref<4x128xf32, #tpu.memory_space<vmem>>, vector<1x16xf32>,
    %get3A_776 = vector.shape_cast %get3A_775 : vector<1x16xf32> to vector<16xf32>
    %mul3A_777 = arith.mulf %get3A_757, %get3A_776 : vector<16xf32>
    %add3A_778 = arith.addf %add3A_752, %mul3A_777 : vector<16xf32>
    %get3A_779 = arith.constant 2 : i32
    %get3A_780 = arith.index_cast %get3A_779 : i32 to index
    %get3A_781 = arith.constant 64 : index
    %get3A_782 = tpu.vector_load %arg13[%get3A_780, %get3A_781] {strides = array<i32>} : memref<4x128xf32, #tpu.memory_space<vmem>>, vector<1x16xf32>,
    %get3A_783 = vector.shape_cast %get3A_782 : vector<1x16xf32> to vector<16xf32>
    %get3A_784 = arith.constant 2 : i32
    %get3A_785 = arith.index_cast %get3A_784 : i32 to index
    %get3A_786 = arith.constant 64 : index
    %get3A_787 = tpu.vector_load %arg14[%get3A_785, %get3A_786] {strides = array<i32>} : memref<4x128xf32, #tpu.memory_space<vmem>>, vector<1x16xf32>,
    %get3A_788 = vector.shape_cast %get3A_787 : vector<1x16xf32> to vector<16xf32>
    %mul3A_789 = arith.mulf %get3A_783, %get3A_788 : vector<16xf32>
    %add3A_790 = arith.addf %add3A_764, %mul3A_789 : vector<16xf32>
    %get3A_791 = arith.constant 2 : i32
    %get3A_792 = arith.index_cast %get3A_791 : i32 to index
    %get3A_793 = arith.constant 64 : index
    %get3A_794 = tpu.vector_load %arg15[%get3A_792, %get3A_793] {strides = array<i32>} : memref<4x128xf32, #tpu.memory_space<vmem>>, vector<1x16xf32>,
    %get3A_795 = vector.shape_cast %get3A_794 : vector<1x16xf32> to vector<16xf32>
    %mul3A_796 = arith.mulf %get3A_783, %get3A_795 : vector<16xf32>
    %add3A_797 = arith.addf %add3A_771, %mul3A_796 : vector<16xf32>
    %get3A_798 = arith.constant 2 : i32
    %get3A_799 = arith.index_cast %get3A_798 : i32 to index
    %get3A_800 = arith.constant 64 : index
    %get3A_801 = tpu.vector_load %arg16[%get3A_799, %get3A_800] {strides = array<i32>} : memref<4x128xf32, #tpu.memory_space<vmem>>, vector<1x16xf32>,
    %get3A_802 = vector.shape_cast %get3A_801 : vector<1x16xf32> to vector<16xf32>
    %mul3A_803 = arith.mulf %get3A_783, %get3A_802 : vector<16xf32>
    %add3A_804 = arith.addf %add3A_778, %mul3A_803 : vector<16xf32>
    %get3A_805 = arith.constant 2 : i32
    %get3A_806 = arith.index_cast %get3A_805 : i32 to index
    %get3A_807 = arith.constant 80 : index
    %get3A_808 = tpu.vector_load %arg13[%get3A_806, %get3A_807] {strides = array<i32>} : memref<4x128xf32, #tpu.memory_space<vmem>>, vector<1x16xf32>,
    %get3A_809 = vector.shape_cast %get3A_808 : vector<1x16xf32> to vector<16xf32>
    %get3A_810 = arith.constant 2 : i32
    %get3A_811 = arith.index_cast %get3A_810 : i32 to index
    %get3A_812 = arith.constant 80 : index
    %get3A_813 = tpu.vector_load %arg14[%get3A_811, %get3A_812] {strides = array<i32>} : memref<4x128xf32, #tpu.memory_space<vmem>>, vector<1x16xf32>,
    %get3A_814 = vector.shape_cast %get3A_813 : vector<1x16xf32> to vector<16xf32>
    %mul3A_815 = arith.mulf %get3A_809, %get3A_814 : vector<16xf32>
    %add3A_816 = arith.addf %add3A_790, %mul3A_815 : vector<16xf32>
    %get3A_817 = arith.constant 2 : i32
    %get3A_818 = arith.index_cast %get3A_817 : i32 to index
    %get3A_819 = arith.constant 80 : index
    %get3A_820 = tpu.vector_load %arg15[%get3A_818, %get3A_819] {strides = array<i32>} : memref<4x128xf32, #tpu.memory_space<vmem>>, vector<1x16xf32>,
    %get3A_821 = vector.shape_cast %get3A_820 : vector<1x16xf32> to vector<16xf32>
    %mul3A_822 = arith.mulf %get3A_809, %get3A_821 : vector<16xf32>
    %add3A_823 = arith.addf %add3A_797, %mul3A_822 : vector<16xf32>
    %get3A_824 = arith.constant 2 : i32
    %get3A_825 = arith.index_cast %get3A_824 : i32 to index
    %get3A_826 = arith.constant 80 : index
    %get3A_827 = tpu.vector_load %arg16[%get3A_825, %get3A_826] {strides = array<i32>} : memref<4x128xf32, #tpu.memory_space<vmem>>, vector<1x16xf32>,
    %get3A_828 = vector.shape_cast %get3A_827 : vector<1x16xf32> to vector<16xf32>
    %mul3A_829 = arith.mulf %get3A_809, %get3A_828 : vector<16xf32>
    %add3A_830 = arith.addf %add3A_804, %mul3A_829 : vector<16xf32>
    %get3A_831 = arith.constant 2 : i32
    %get3A_832 = arith.index_cast %get3A_831 : i32 to index
    %get3A_833 = arith.constant 96 : index
    %get3A_834 = tpu.vector_load %arg13[%get3A_832, %get3A_833] {strides = array<i32>} : memref<4x128xf32, #tpu.memory_space<vmem>>, vector<1x16xf32>,
    %get3A_835 = vector.shape_cast %get3A_834 : vector<1x16xf32> to vector<16xf32>
    %get3A_836 = arith.constant 2 : i32
    %get3A_837 = arith.index_cast %get3A_836 : i32 to index
    %get3A_838 = arith.constant 96 : index
    %get3A_839 = tpu.vector_load %arg14[%get3A_837, %get3A_838] {strides = array<i32>} : memref<4x128xf32, #tpu.memory_space<vmem>>, vector<1x16xf32>,
    %get3A_840 = vector.shape_cast %get3A_839 : vector<1x16xf32> to vector<16xf32>
    %mul3A_841 = arith.mulf %get3A_835, %get3A_840 : vector<16xf32>
    %add3A_842 = arith.addf %add3A_816, %mul3A_841 : vector<16xf32>
    %get3A_843 = arith.constant 2 : i32
    %get3A_844 = arith.index_cast %get3A_843 : i32 to index
    %get3A_845 = arith.constant 96 : index
    %get3A_846 = tpu.vector_load %arg15[%get3A_844, %get3A_845] {strides = array<i32>} : memref<4x128xf32, #tpu.memory_space<vmem>>, vector<1x16xf32>,
    %get3A_847 = vector.shape_cast %get3A_846 : vector<1x16xf32> to vector<16xf32>
    %mul3A_848 = arith.mulf %get3A_835, %get3A_847 : vector<16xf32>
    %add3A_849 = arith.addf %add3A_823, %mul3A_848 : vector<16xf32>
    %get3A_850 = arith.constant 2 : i32
    %get3A_851 = arith.index_cast %get3A_850 : i32 to index
    %get3A_852 = arith.constant 96 : index
    %get3A_853 = tpu.vector_load %arg16[%get3A_851, %get3A_852] {strides = array<i32>} : memref<4x128xf32, #tpu.memory_space<vmem>>, vector<1x16xf32>,
    %get3A_854 = vector.shape_cast %get3A_853 : vector<1x16xf32> to vector<16xf32>
    %mul3A_855 = arith.mulf %get3A_835, %get3A_854 : vector<16xf32>
    %add3A_856 = arith.addf %add3A_830, %mul3A_855 : vector<16xf32>
    %get3A_857 = arith.constant 2 : i32
    %get3A_858 = arith.index_cast %get3A_857 : i32 to index
    %get3A_859 = arith.constant 112 : index
    %get3A_860 = tpu.vector_load %arg13[%get3A_858, %get3A_859] {strides = array<i32>} : memref<4x128xf32, #tpu.memory_space<vmem>>, vector<1x16xf32>,
    %get3A_861 = vector.shape_cast %get3A_860 : vector<1x16xf32> to vector<16xf32>
    %get3A_862 = arith.constant 2 : i32
    %get3A_863 = arith.index_cast %get3A_862 : i32 to index
    %get3A_864 = arith.constant 112 : index
    %get3A_865 = tpu.vector_load %arg14[%get3A_863, %get3A_864] {strides = array<i32>} : memref<4x128xf32, #tpu.memory_space<vmem>>, vector<1x16xf32>,
    %get3A_866 = vector.shape_cast %get3A_865 : vector<1x16xf32> to vector<16xf32>
    %mul3A_867 = arith.mulf %get3A_861, %get3A_866 : vector<16xf32>
    %add3A_868 = arith.addf %add3A_842, %mul3A_867 : vector<16xf32>
    %get3A_869 = arith.constant 2 : i32
    %get3A_870 = arith.index_cast %get3A_869 : i32 to index
    %get3A_871 = arith.constant 112 : index
    %get3A_872 = tpu.vector_load %arg15[%get3A_870, %get3A_871] {strides = array<i32>} : memref<4x128xf32, #tpu.memory_space<vmem>>, vector<1x16xf32>,
    %get3A_873 = vector.shape_cast %get3A_872 : vector<1x16xf32> to vector<16xf32>
    %mul3A_874 = arith.mulf %get3A_861, %get3A_873 : vector<16xf32>
    %add3A_875 = arith.addf %add3A_849, %mul3A_874 : vector<16xf32>
    %get3A_876 = arith.constant 2 : i32
    %get3A_877 = arith.index_cast %get3A_876 : i32 to index
    %get3A_878 = arith.constant 112 : index
    %get3A_879 = tpu.vector_load %arg16[%get3A_877, %get3A_878] {strides = array<i32>} : memref<4x128xf32, #tpu.memory_space<vmem>>, vector<1x16xf32>,
    %get3A_880 = vector.shape_cast %get3A_879 : vector<1x16xf32> to vector<16xf32>
    %mul3A_881 = arith.mulf %get3A_861, %get3A_880 : vector<16xf32>
    %add3A_882 = arith.addf %add3A_856, %mul3A_881 : vector<16xf32>
    %get3A_883 = arith.constant 3 : i32
    %get3A_884 = arith.index_cast %get3A_883 : i32 to index
    %get3A_885 = arith.constant 0 : index
    %get3A_886 = tpu.vector_load %arg13[%get3A_884, %get3A_885] {strides = array<i32>} : memref<4x128xf32, #tpu.memory_space<vmem>>, vector<1x16xf32>,
    %get3A_887 = vector.shape_cast %get3A_886 : vector<1x16xf32> to vector<16xf32>
    %get3A_888 = arith.constant 3 : i32
    %get3A_889 = arith.index_cast %get3A_888 : i32 to index
    %get3A_890 = arith.constant 0 : index
    %get3A_891 = tpu.vector_load %arg14[%get3A_889, %get3A_890] {strides = array<i32>} : memref<4x128xf32, #tpu.memory_space<vmem>>, vector<1x16xf32>,
    %get3A_892 = vector.shape_cast %get3A_891 : vector<1x16xf32> to vector<16xf32>
    %mul3A_893 = arith.mulf %get3A_887, %get3A_892 : vector<16xf32>
    %add3A_894 = arith.addf %add3A_868, %mul3A_893 : vector<16xf32>
    %get3A_895 = arith.constant 3 : i32
    %get3A_896 = arith.index_cast %get3A_895 : i32 to index
    %get3A_897 = arith.constant 0 : index
    %get3A_898 = tpu.vector_load %arg15[%get3A_896, %get3A_897] {strides = array<i32>} : memref<4x128xf32, #tpu.memory_space<vmem>>, vector<1x16xf32>,
    %get3A_899 = vector.shape_cast %get3A_898 : vector<1x16xf32> to vector<16xf32>
    %mul3A_900 = arith.mulf %get3A_887, %get3A_899 : vector<16xf32>
    %add3A_901 = arith.addf %add3A_875, %mul3A_900 : vector<16xf32>
    %get3A_902 = arith.constant 3 : i32
    %get3A_903 = arith.index_cast %get3A_902 : i32 to index
    %get3A_904 = arith.constant 0 : index
    %get3A_905 = tpu.vector_load %arg16[%get3A_903, %get3A_904] {strides = array<i32>} : memref<4x128xf32, #tpu.memory_space<vmem>>, vector<1x16xf32>,
    %get3A_906 = vector.shape_cast %get3A_905 : vector<1x16xf32> to vector<16xf32>
    %mul3A_907 = arith.mulf %get3A_887, %get3A_906 : vector<16xf32>
    %add3A_908 = arith.addf %add3A_882, %mul3A_907 : vector<16xf32>
    %get3A_909 = arith.constant 3 : i32
    %get3A_910 = arith.index_cast %get3A_909 : i32 to index
    %get3A_911 = arith.constant 16 : index
    %get3A_912 = tpu.vector_load %arg13[%get3A_910, %get3A_911] {strides = array<i32>} : memref<4x128xf32, #tpu.memory_space<vmem>>, vector<1x16xf32>,
    %get3A_913 = vector.shape_cast %get3A_912 : vector<1x16xf32> to vector<16xf32>
    %get3A_914 = arith.constant 3 : i32
    %get3A_915 = arith.index_cast %get3A_914 : i32 to index
    %get3A_916 = arith.constant 16 : index
    %get3A_917 = tpu.vector_load %arg14[%get3A_915, %get3A_916] {strides = array<i32>} : memref<4x128xf32, #tpu.memory_space<vmem>>, vector<1x16xf32>,
    %get3A_918 = vector.shape_cast %get3A_917 : vector<1x16xf32> to vector<16xf32>
    %mul3A_919 = arith.mulf %get3A_913, %get3A_918 : vector<16xf32>
    %add3A_920 = arith.addf %add3A_894, %mul3A_919 : vector<16xf32>
    %get3A_921 = arith.constant 3 : i32
    %get3A_922 = arith.index_cast %get3A_921 : i32 to index
    %get3A_923 = arith.constant 16 : index
    %get3A_924 = tpu.vector_load %arg15[%get3A_922, %get3A_923] {strides = array<i32>} : memref<4x128xf32, #tpu.memory_space<vmem>>, vector<1x16xf32>,
    %get3A_925 = vector.shape_cast %get3A_924 : vector<1x16xf32> to vector<16xf32>
    %mul3A_926 = arith.mulf %get3A_913, %get3A_925 : vector<16xf32>
    %add3A_927 = arith.addf %add3A_901, %mul3A_926 : vector<16xf32>
    %get3A_928 = arith.constant 3 : i32
    %get3A_929 = arith.index_cast %get3A_928 : i32 to index
    %get3A_930 = arith.constant 16 : index
    %get3A_931 = tpu.vector_load %arg16[%get3A_929, %get3A_930] {strides = array<i32>} : memref<4x128xf32, #tpu.memory_space<vmem>>, vector<1x16xf32>,
    %get3A_932 = vector.shape_cast %get3A_931 : vector<1x16xf32> to vector<16xf32>
    %mul3A_933 = arith.mulf %get3A_913, %get3A_932 : vector<16xf32>
    %add3A_934 = arith.addf %add3A_908, %mul3A_933 : vector<16xf32>
    %get3A_935 = arith.constant 3 : i32
    %get3A_936 = arith.index_cast %get3A_935 : i32 to index
    %get3A_937 = arith.constant 32 : index
    %get3A_938 = tpu.vector_load %arg13[%get3A_936, %get3A_937] {strides = array<i32>} : memref<4x128xf32, #tpu.memory_space<vmem>>, vector<1x16xf32>,
    %get3A_939 = vector.shape_cast %get3A_938 : vector<1x16xf32> to vector<16xf32>
    %get3A_940 = arith.constant 3 : i32
    %get3A_941 = arith.index_cast %get3A_940 : i32 to index
    %get3A_942 = arith.constant 32 : index
    %get3A_943 = tpu.vector_load %arg14[%get3A_941, %get3A_942] {strides = array<i32>} : memref<4x128xf32, #tpu.memory_space<vmem>>, vector<1x16xf32>,
    %get3A_944 = vector.shape_cast %get3A_943 : vector<1x16xf32> to vector<16xf32>
    %mul3A_945 = arith.mulf %get3A_939, %get3A_944 : vector<16xf32>
    %add3A_946 = arith.addf %add3A_920, %mul3A_945 : vector<16xf32>
    %get3A_947 = arith.constant 3 : i32
    %get3A_948 = arith.index_cast %get3A_947 : i32 to index
    %get3A_949 = arith.constant 32 : index
    %get3A_950 = tpu.vector_load %arg15[%get3A_948, %get3A_949] {strides = array<i32>} : memref<4x128xf32, #tpu.memory_space<vmem>>, vector<1x16xf32>,
    %get3A_951 = vector.shape_cast %get3A_950 : vector<1x16xf32> to vector<16xf32>
    %mul3A_952 = arith.mulf %get3A_939, %get3A_951 : vector<16xf32>
    %add3A_953 = arith.addf %add3A_927, %mul3A_952 : vector<16xf32>
    %get3A_954 = arith.constant 3 : i32
    %get3A_955 = arith.index_cast %get3A_954 : i32 to index
    %get3A_956 = arith.constant 32 : index
    %get3A_957 = tpu.vector_load %arg16[%get3A_955, %get3A_956] {strides = array<i32>} : memref<4x128xf32, #tpu.memory_space<vmem>>, vector<1x16xf32>,
    %get3A_958 = vector.shape_cast %get3A_957 : vector<1x16xf32> to vector<16xf32>
    %mul3A_959 = arith.mulf %get3A_939, %get3A_958 : vector<16xf32>
    %add3A_960 = arith.addf %add3A_934, %mul3A_959 : vector<16xf32>
    %get3A_961 = arith.constant 3 : i32
    %get3A_962 = arith.index_cast %get3A_961 : i32 to index
    %get3A_963 = arith.constant 48 : index
    %get3A_964 = tpu.vector_load %arg13[%get3A_962, %get3A_963] {strides = array<i32>} : memref<4x128xf32, #tpu.memory_space<vmem>>, vector<1x16xf32>,
    %get3A_965 = vector.shape_cast %get3A_964 : vector<1x16xf32> to vector<16xf32>
    %get3A_966 = arith.constant 3 : i32
    %get3A_967 = arith.index_cast %get3A_966 : i32 to index
    %get3A_968 = arith.constant 48 : index
    %get3A_969 = tpu.vector_load %arg14[%get3A_967, %get3A_968] {strides = array<i32>} : memref<4x128xf32, #tpu.memory_space<vmem>>, vector<1x16xf32>,
    %get3A_970 = vector.shape_cast %get3A_969 : vector<1x16xf32> to vector<16xf32>
    %mul3A_971 = arith.mulf %get3A_965, %get3A_970 : vector<16xf32>
    %add3A_972 = arith.addf %add3A_946, %mul3A_971 : vector<16xf32>
    %get3A_973 = arith.constant 3 : i32
    %get3A_974 = arith.index_cast %get3A_973 : i32 to index
    %get3A_975 = arith.constant 48 : index
    %get3A_976 = tpu.vector_load %arg15[%get3A_974, %get3A_975] {strides = array<i32>} : memref<4x128xf32, #tpu.memory_space<vmem>>, vector<1x16xf32>,
    %get3A_977 = vector.shape_cast %get3A_976 : vector<1x16xf32> to vector<16xf32>
    %mul3A_978 = arith.mulf %get3A_965, %get3A_977 : vector<16xf32>
    %add3A_979 = arith.addf %add3A_953, %mul3A_978 : vector<16xf32>
    %get3A_980 = arith.constant 3 : i32
    %get3A_981 = arith.index_cast %get3A_980 : i32 to index
    %get3A_982 = arith.constant 48 : index
    %get3A_983 = tpu.vector_load %arg16[%get3A_981, %get3A_982] {strides = array<i32>} : memref<4x128xf32, #tpu.memory_space<vmem>>, vector<1x16xf32>,
    %get3A_984 = vector.shape_cast %get3A_983 : vector<1x16xf32> to vector<16xf32>
    %mul3A_985 = arith.mulf %get3A_965, %get3A_984 : vector<16xf32>
    %add3A_986 = arith.addf %add3A_960, %mul3A_985 : vector<16xf32>
    %get3A_987 = arith.constant 3 : i32
    %get3A_988 = arith.index_cast %get3A_987 : i32 to index
    %get3A_989 = arith.constant 64 : index
    %get3A_990 = tpu.vector_load %arg13[%get3A_988, %get3A_989] {strides = array<i32>} : memref<4x128xf32, #tpu.memory_space<vmem>>, vector<1x16xf32>,
    %get3A_991 = vector.shape_cast %get3A_990 : vector<1x16xf32> to vector<16xf32>
    %get3A_992 = arith.constant 3 : i32
    %get3A_993 = arith.index_cast %get3A_992 : i32 to index
    %get3A_994 = arith.constant 64 : index
    %get3A_995 = tpu.vector_load %arg14[%get3A_993, %get3A_994] {strides = array<i32>} : memref<4x128xf32, #tpu.memory_space<vmem>>, vector<1x16xf32>,
    %get3A_996 = vector.shape_cast %get3A_995 : vector<1x16xf32> to vector<16xf32>
    %mul3A_997 = arith.mulf %get3A_991, %get3A_996 : vector<16xf32>
    %add3A_998 = arith.addf %add3A_972, %mul3A_997 : vector<16xf32>
    %get3A_999 = arith.constant 3 : i32
    %get3A_1000 = arith.index_cast %get3A_999 : i32 to index
    %get3A_1001 = arith.constant 64 : index
    %get3A_1002 = tpu.vector_load %arg15[%get3A_1000, %get3A_1001] {strides = array<i32>} : memref<4x128xf32, #tpu.memory_space<vmem>>, vector<1x16xf32>,
    %get3A_1003 = vector.shape_cast %get3A_1002 : vector<1x16xf32> to vector<16xf32>
    %mul3A_1004 = arith.mulf %get3A_991, %get3A_1003 : vector<16xf32>
    %add3A_1005 = arith.addf %add3A_979, %mul3A_1004 : vector<16xf32>
    %get3A_1006 = arith.constant 3 : i32
    %get3A_1007 = arith.index_cast %get3A_1006 : i32 to index
    %get3A_1008 = arith.constant 64 : index
    %get3A_1009 = tpu.vector_load %arg16[%get3A_1007, %get3A_1008] {strides = array<i32>} : memref<4x128xf32, #tpu.memory_space<vmem>>, vector<1x16xf32>,
    %get3A_1010 = vector.shape_cast %get3A_1009 : vector<1x16xf32> to vector<16xf32>
    %mul3A_1011 = arith.mulf %get3A_991, %get3A_1010 : vector<16xf32>
    %add3A_1012 = arith.addf %add3A_986, %mul3A_1011 : vector<16xf32>
    %get3A_1013 = arith.constant 3 : i32
    %get3A_1014 = arith.index_cast %get3A_1013 : i32 to index
    %get3A_1015 = arith.constant 80 : index
    %get3A_1016 = tpu.vector_load %arg13[%get3A_1014, %get3A_1015] {strides = array<i32>} : memref<4x128xf32, #tpu.memory_space<vmem>>, vector<1x16xf32>,
    %get3A_1017 = vector.shape_cast %get3A_1016 : vector<1x16xf32> to vector<16xf32>
    %get3A_1018 = arith.constant 3 : i32
    %get3A_1019 = arith.index_cast %get3A_1018 : i32 to index
    %get3A_1020 = arith.constant 80 : index
    %get3A_1021 = tpu.vector_load %arg14[%get3A_1019, %get3A_1020] {strides = array<i32>} : memref<4x128xf32, #tpu.memory_space<vmem>>, vector<1x16xf32>,
    %get3A_1022 = vector.shape_cast %get3A_1021 : vector<1x16xf32> to vector<16xf32>
    %mul3A_1023 = arith.mulf %get3A_1017, %get3A_1022 : vector<16xf32>
    %add3A_1024 = arith.addf %add3A_998, %mul3A_1023 : vector<16xf32>
    %get3A_1025 = arith.constant 3 : i32
    %get3A_1026 = arith.index_cast %get3A_1025 : i32 to index
    %get3A_1027 = arith.constant 80 : index
    %get3A_1028 = tpu.vector_load %arg15[%get3A_1026, %get3A_1027] {strides = array<i32>} : memref<4x128xf32, #tpu.memory_space<vmem>>, vector<1x16xf32>,
    %get3A_1029 = vector.shape_cast %get3A_1028 : vector<1x16xf32> to vector<16xf32>
    %mul3A_1030 = arith.mulf %get3A_1017, %get3A_1029 : vector<16xf32>
    %add3A_1031 = arith.addf %add3A_1005, %mul3A_1030 : vector<16xf32>
    %get3A_1032 = arith.constant 3 : i32
    %get3A_1033 = arith.index_cast %get3A_1032 : i32 to index
    %get3A_1034 = arith.constant 80 : index
    %get3A_1035 = tpu.vector_load %arg16[%get3A_1033, %get3A_1034] {strides = array<i32>} : memref<4x128xf32, #tpu.memory_space<vmem>>, vector<1x16xf32>,
    %get3A_1036 = vector.shape_cast %get3A_1035 : vector<1x16xf32> to vector<16xf32>
    %mul3A_1037 = arith.mulf %get3A_1017, %get3A_1036 : vector<16xf32>
    %add3A_1038 = arith.addf %add3A_1012, %mul3A_1037 : vector<16xf32>
    %get3A_1039 = arith.constant 3 : i32
    %get3A_1040 = arith.index_cast %get3A_1039 : i32 to index
    %get3A_1041 = arith.constant 96 : index
    %get3A_1042 = tpu.vector_load %arg13[%get3A_1040, %get3A_1041] {strides = array<i32>} : memref<4x128xf32, #tpu.memory_space<vmem>>, vector<1x16xf32>,
    %get3A_1043 = vector.shape_cast %get3A_1042 : vector<1x16xf32> to vector<16xf32>
    %get3A_1044 = arith.constant 3 : i32
    %get3A_1045 = arith.index_cast %get3A_1044 : i32 to index
    %get3A_1046 = arith.constant 96 : index
    %get3A_1047 = tpu.vector_load %arg14[%get3A_1045, %get3A_1046] {strides = array<i32>} : memref<4x128xf32, #tpu.memory_space<vmem>>, vector<1x16xf32>,
    %get3A_1048 = vector.shape_cast %get3A_1047 : vector<1x16xf32> to vector<16xf32>
    %mul3A_1049 = arith.mulf %get3A_1043, %get3A_1048 : vector<16xf32>
    %add3A_1050 = arith.addf %add3A_1024, %mul3A_1049 : vector<16xf32>
    %get3A_1051 = arith.constant 3 : i32
    %get3A_1052 = arith.index_cast %get3A_1051 : i32 to index
    %get3A_1053 = arith.constant 96 : index
    %get3A_1054 = tpu.vector_load %arg15[%get3A_1052, %get3A_1053] {strides = array<i32>} : memref<4x128xf32, #tpu.memory_space<vmem>>, vector<1x16xf32>,
    %get3A_1055 = vector.shape_cast %get3A_1054 : vector<1x16xf32> to vector<16xf32>
    %mul3A_1056 = arith.mulf %get3A_1043, %get3A_1055 : vector<16xf32>
    %add3A_1057 = arith.addf %add3A_1031, %mul3A_1056 : vector<16xf32>
    %get3A_1058 = arith.constant 3 : i32
    %get3A_1059 = arith.index_cast %get3A_1058 : i32 to index
    %get3A_1060 = arith.constant 96 : index
    %get3A_1061 = tpu.vector_load %arg16[%get3A_1059, %get3A_1060] {strides = array<i32>} : memref<4x128xf32, #tpu.memory_space<vmem>>, vector<1x16xf32>,
    %get3A_1062 = vector.shape_cast %get3A_1061 : vector<1x16xf32> to vector<16xf32>
    %mul3A_1063 = arith.mulf %get3A_1043, %get3A_1062 : vector<16xf32>
    %add3A_1064 = arith.addf %add3A_1038, %mul3A_1063 : vector<16xf32>
    %get3A_1065 = arith.constant 3 : i32
    %get3A_1066 = arith.index_cast %get3A_1065 : i32 to index
    %get3A_1067 = arith.constant 112 : index
    %get3A_1068 = tpu.vector_load %arg13[%get3A_1066, %get3A_1067] {strides = array<i32>} : memref<4x128xf32, #tpu.memory_space<vmem>>, vector<1x16xf32>,
    %get3A_1069 = vector.shape_cast %get3A_1068 : vector<1x16xf32> to vector<16xf32>
    %get3A_1070 = arith.constant 3 : i32
    %get3A_1071 = arith.index_cast %get3A_1070 : i32 to index
    %get3A_1072 = arith.constant 112 : index
    %get3A_1073 = tpu.vector_load %arg14[%get3A_1071, %get3A_1072] {strides = array<i32>} : memref<4x128xf32, #tpu.memory_space<vmem>>, vector<1x16xf32>,
    %get3A_1074 = vector.shape_cast %get3A_1073 : vector<1x16xf32> to vector<16xf32>
    %mul3A_1075 = arith.mulf %get3A_1069, %get3A_1074 : vector<16xf32>
    %add3A_1076 = arith.addf %add3A_1050, %mul3A_1075 : vector<16xf32>
    %get3A_1077 = arith.constant 3 : i32
    %get3A_1078 = arith.index_cast %get3A_1077 : i32 to index
    %get3A_1079 = arith.constant 112 : index
    %get3A_1080 = tpu.vector_load %arg15[%get3A_1078, %get3A_1079] {strides = array<i32>} : memref<4x128xf32, #tpu.memory_space<vmem>>, vector<1x16xf32>,
    %get3A_1081 = vector.shape_cast %get3A_1080 : vector<1x16xf32> to vector<16xf32>
    %mul3A_1082 = arith.mulf %get3A_1069, %get3A_1081 : vector<16xf32>
    %add3A_1083 = arith.addf %add3A_1057, %mul3A_1082 : vector<16xf32>
    %get3A_1084 = arith.constant 3 : i32
    %get3A_1085 = arith.index_cast %get3A_1084 : i32 to index
    %get3A_1086 = arith.constant 112 : index
    %get3A_1087 = tpu.vector_load %arg16[%get3A_1085, %get3A_1086] {strides = array<i32>} : memref<4x128xf32, #tpu.memory_space<vmem>>, vector<1x16xf32>,
    %get3A_1088 = vector.shape_cast %get3A_1087 : vector<1x16xf32> to vector<16xf32>
    %mul3A_1089 = arith.mulf %get3A_1069, %get3A_1088 : vector<16xf32>
    %add3A_1090 = arith.addf %add3A_1064, %mul3A_1089 : vector<16xf32>
    %xor3A = arith.constant 8 : i32
    %xor3A_1091 = vector.broadcast %xor3A : i32 to vector<16xi32>
    %xor3A_1092 = arith.xori %iota3A, %xor3A_1091 : vector<16xi32>
    %lt3A = arith.constant 0 : i32
    %lt3A_1093 = vector.broadcast %lt3A : i32 to vector<16xi32>
    %lt3A_1094 = arith.cmpi slt, %xor3A_1092, %lt3A_1093 : vector<16xi32>
    %add3A_1095 = arith.constant 16 : i32
    %add3A_1096 = vector.broadcast %add3A_1095 : i32 to vector<16xi32>
    %add3A_1097 = arith.addi %xor3A_1092, %add3A_1096 : vector<16xi32>
    %select_n3A = arith.select %lt3A_1094, %add3A_1097, %xor3A_1092 : vector<16xi1>, vector<16xi32>
    %broadcast_in_dim3A_1098 = vector.shape_cast %select_n3A : vector<16xi32> to vector<16x1xi32>
    %gather3A = vector.shape_cast %broadcast_in_dim3A_1098 : vector<16x1xi32> to vector<16xi32>
    %gather3A_1099 = tpu.dynamic_gather %add3A_1076[%gather3A] in [0] : vector<16xf32>, vector<16xi32> -> vector<16xf32>
    %add3A_1100 = arith.addf %add3A_1076, %gather3A_1099 : vector<16xf32>
    %xor3A_1101 = arith.constant 4 : i32
    %xor3A_1102 = vector.broadcast %xor3A_1101 : i32 to vector<16xi32>
    %xor3A_1103 = arith.xori %iota3A, %xor3A_1102 : vector<16xi32>
    %lt3A_1104 = arith.constant 0 : i32
    %lt3A_1105 = vector.broadcast %lt3A_1104 : i32 to vector<16xi32>
    %lt3A_1106 = arith.cmpi slt, %xor3A_1103, %lt3A_1105 : vector<16xi32>
    %add3A_1107 = arith.constant 16 : i32
    %add3A_1108 = vector.broadcast %add3A_1107 : i32 to vector<16xi32>
    %add3A_1109 = arith.addi %xor3A_1103, %add3A_1108 : vector<16xi32>
    %select_n3A_1110 = arith.select %lt3A_1106, %add3A_1109, %xor3A_1103 : vector<16xi1>, vector<16xi32>
    %broadcast_in_dim3A_1111 = vector.shape_cast %select_n3A_1110 : vector<16xi32> to vector<16x1xi32>
    %gather3A_1112 = vector.shape_cast %broadcast_in_dim3A_1111 : vector<16x1xi32> to vector<16xi32>
    %gather3A_1113 = tpu.dynamic_gather %add3A_1100[%gather3A_1112] in [0] : vector<16xf32>, vector<16xi32> -> vector<16xf32>
    %add3A_1114 = arith.addf %add3A_1100, %gather3A_1113 : vector<16xf32>
    %xor3A_1115 = arith.constant 2 : i32
    %xor3A_1116 = vector.broadcast %xor3A_1115 : i32 to vector<16xi32>
    %xor3A_1117 = arith.xori %iota3A, %xor3A_1116 : vector<16xi32>
    %lt3A_1118 = arith.constant 0 : i32
    %lt3A_1119 = vector.broadcast %lt3A_1118 : i32 to vector<16xi32>
    %lt3A_1120 = arith.cmpi slt, %xor3A_1117, %lt3A_1119 : vector<16xi32>
    %add3A_1121 = arith.constant 16 : i32
    %add3A_1122 = vector.broadcast %add3A_1121 : i32 to vector<16xi32>
    %add3A_1123 = arith.addi %xor3A_1117, %add3A_1122 : vector<16xi32>
    %select_n3A_1124 = arith.select %lt3A_1120, %add3A_1123, %xor3A_1117 : vector<16xi1>, vector<16xi32>
    %broadcast_in_dim3A_1125 = vector.shape_cast %select_n3A_1124 : vector<16xi32> to vector<16x1xi32>
    %gather3A_1126 = vector.shape_cast %broadcast_in_dim3A_1125 : vector<16x1xi32> to vector<16xi32>
    %gather3A_1127 = tpu.dynamic_gather %add3A_1114[%gather3A_1126] in [0] : vector<16xf32>, vector<16xi32> -> vector<16xf32>
    %add3A_1128 = arith.addf %add3A_1114, %gather3A_1127 : vector<16xf32>
    %xor3A_1129 = arith.constant 1 : i32
    %xor3A_1130 = vector.broadcast %xor3A_1129 : i32 to vector<16xi32>
    %xor3A_1131 = arith.xori %iota3A, %xor3A_1130 : vector<16xi32>
    %lt3A_1132 = arith.constant 0 : i32
    %lt3A_1133 = vector.broadcast %lt3A_1132 : i32 to vector<16xi32>
    %lt3A_1134 = arith.cmpi slt, %xor3A_1131, %lt3A_1133 : vector<16xi32>
    %add3A_1135 = arith.constant 16 : i32
    %add3A_1136 = vector.broadcast %add3A_1135 : i32 to vector<16xi32>
    %add3A_1137 = arith.addi %xor3A_1131, %add3A_1136 : vector<16xi32>
    %select_n3A_1138 = arith.select %lt3A_1134, %add3A_1137, %xor3A_1131 : vector<16xi1>, vector<16xi32>
    %broadcast_in_dim3A_1139 = vector.shape_cast %select_n3A_1138 : vector<16xi32> to vector<16x1xi32>
    %gather3A_1140 = vector.shape_cast %broadcast_in_dim3A_1139 : vector<16x1xi32> to vector<16xi32>
    %gather3A_1141 = tpu.dynamic_gather %add3A_1128[%gather3A_1140] in [0] : vector<16xf32>, vector<16xi32> -> vector<16xf32>
    %add3A_1142 = arith.addf %add3A_1128, %gather3A_1141 : vector<16xf32>
    %xor3A_1143 = arith.constant 8 : i32
    %xor3A_1144 = vector.broadcast %xor3A_1143 : i32 to vector<16xi32>
    %xor3A_1145 = arith.xori %iota3A, %xor3A_1144 : vector<16xi32>
    %lt3A_1146 = arith.constant 0 : i32
    %lt3A_1147 = vector.broadcast %lt3A_1146 : i32 to vector<16xi32>
    %lt3A_1148 = arith.cmpi slt, %xor3A_1145, %lt3A_1147 : vector<16xi32>
    %add3A_1149 = arith.constant 16 : i32
    %add3A_1150 = vector.broadcast %add3A_1149 : i32 to vector<16xi32>
    %add3A_1151 = arith.addi %xor3A_1145, %add3A_1150 : vector<16xi32>
    %select_n3A_1152 = arith.select %lt3A_1148, %add3A_1151, %xor3A_1145 : vector<16xi1>, vector<16xi32>
    %broadcast_in_dim3A_1153 = vector.shape_cast %select_n3A_1152 : vector<16xi32> to vector<16x1xi32>
    %gather3A_1154 = vector.shape_cast %broadcast_in_dim3A_1153 : vector<16x1xi32> to vector<16xi32>
    %gather3A_1155 = tpu.dynamic_gather %add3A_1083[%gather3A_1154] in [0] : vector<16xf32>, vector<16xi32> -> vector<16xf32>
    %add3A_1156 = arith.addf %add3A_1083, %gather3A_1155 : vector<16xf32>
    %xor3A_1157 = arith.constant 4 : i32
    %xor3A_1158 = vector.broadcast %xor3A_1157 : i32 to vector<16xi32>
    %xor3A_1159 = arith.xori %iota3A, %xor3A_1158 : vector<16xi32>
    %lt3A_1160 = arith.constant 0 : i32
    %lt3A_1161 = vector.broadcast %lt3A_1160 : i32 to vector<16xi32>
    %lt3A_1162 = arith.cmpi slt, %xor3A_1159, %lt3A_1161 : vector<16xi32>
    %add3A_1163 = arith.constant 16 : i32
    %add3A_1164 = vector.broadcast %add3A_1163 : i32 to vector<16xi32>
    %add3A_1165 = arith.addi %xor3A_1159, %add3A_1164 : vector<16xi32>
    %select_n3A_1166 = arith.select %lt3A_1162, %add3A_1165, %xor3A_1159 : vector<16xi1>, vector<16xi32>
    %broadcast_in_dim3A_1167 = vector.shape_cast %select_n3A_1166 : vector<16xi32> to vector<16x1xi32>
    %gather3A_1168 = vector.shape_cast %broadcast_in_dim3A_1167 : vector<16x1xi32> to vector<16xi32>
    %gather3A_1169 = tpu.dynamic_gather %add3A_1156[%gather3A_1168] in [0] : vector<16xf32>, vector<16xi32> -> vector<16xf32>
    %add3A_1170 = arith.addf %add3A_1156, %gather3A_1169 : vector<16xf32>
    %xor3A_1171 = arith.constant 2 : i32
    %xor3A_1172 = vector.broadcast %xor3A_1171 : i32 to vector<16xi32>
    %xor3A_1173 = arith.xori %iota3A, %xor3A_1172 : vector<16xi32>
    %lt3A_1174 = arith.constant 0 : i32
    %lt3A_1175 = vector.broadcast %lt3A_1174 : i32 to vector<16xi32>
    %lt3A_1176 = arith.cmpi slt, %xor3A_1173, %lt3A_1175 : vector<16xi32>
    %add3A_1177 = arith.constant 16 : i32
    %add3A_1178 = vector.broadcast %add3A_1177 : i32 to vector<16xi32>
    %add3A_1179 = arith.addi %xor3A_1173, %add3A_1178 : vector<16xi32>
    %select_n3A_1180 = arith.select %lt3A_1176, %add3A_1179, %xor3A_1173 : vector<16xi1>, vector<16xi32>
    %broadcast_in_dim3A_1181 = vector.shape_cast %select_n3A_1180 : vector<16xi32> to vector<16x1xi32>
    %gather3A_1182 = vector.shape_cast %broadcast_in_dim3A_1181 : vector<16x1xi32> to vector<16xi32>
    %gather3A_1183 = tpu.dynamic_gather %add3A_1170[%gather3A_1182] in [0] : vector<16xf32>, vector<16xi32> -> vector<16xf32>
    %add3A_1184 = arith.addf %add3A_1170, %gather3A_1183 : vector<16xf32>
    %xor3A_1185 = arith.constant 1 : i32
    %xor3A_1186 = vector.broadcast %xor3A_1185 : i32 to vector<16xi32>
    %xor3A_1187 = arith.xori %iota3A, %xor3A_1186 : vector<16xi32>
    %lt3A_1188 = arith.constant 0 : i32
    %lt3A_1189 = vector.broadcast %lt3A_1188 : i32 to vector<16xi32>
    %lt3A_1190 = arith.cmpi slt, %xor3A_1187, %lt3A_1189 : vector<16xi32>
    %add3A_1191 = arith.constant 16 : i32
    %add3A_1192 = vector.broadcast %add3A_1191 : i32 to vector<16xi32>
    %add3A_1193 = arith.addi %xor3A_1187, %add3A_1192 : vector<16xi32>
    %select_n3A_1194 = arith.select %lt3A_1190, %add3A_1193, %xor3A_1187 : vector<16xi1>, vector<16xi32>
    %broadcast_in_dim3A_1195 = vector.shape_cast %select_n3A_1194 : vector<16xi32> to vector<16x1xi32>
    %gather3A_1196 = vector.shape_cast %broadcast_in_dim3A_1195 : vector<16x1xi32> to vector<16xi32>
    %gather3A_1197 = tpu.dynamic_gather %add3A_1184[%gather3A_1196] in [0] : vector<16xf32>, vector<16xi32> -> vector<16xf32>
    %add3A_1198 = arith.addf %add3A_1184, %gather3A_1197 : vector<16xf32>
    %xor3A_1199 = arith.constant 8 : i32
    %xor3A_1200 = vector.broadcast %xor3A_1199 : i32 to vector<16xi32>
    %xor3A_1201 = arith.xori %iota3A, %xor3A_1200 : vector<16xi32>
    %lt3A_1202 = arith.constant 0 : i32
    %lt3A_1203 = vector.broadcast %lt3A_1202 : i32 to vector<16xi32>
    %lt3A_1204 = arith.cmpi slt, %xor3A_1201, %lt3A_1203 : vector<16xi32>
    %add3A_1205 = arith.constant 16 : i32
    %add3A_1206 = vector.broadcast %add3A_1205 : i32 to vector<16xi32>
    %add3A_1207 = arith.addi %xor3A_1201, %add3A_1206 : vector<16xi32>
    %select_n3A_1208 = arith.select %lt3A_1204, %add3A_1207, %xor3A_1201 : vector<16xi1>, vector<16xi32>
    %broadcast_in_dim3A_1209 = vector.shape_cast %select_n3A_1208 : vector<16xi32> to vector<16x1xi32>
    %gather3A_1210 = vector.shape_cast %broadcast_in_dim3A_1209 : vector<16x1xi32> to vector<16xi32>
    %gather3A_1211 = tpu.dynamic_gather %add3A_1090[%gather3A_1210] in [0] : vector<16xf32>, vector<16xi32> -> vector<16xf32>
    %add3A_1212 = arith.addf %add3A_1090, %gather3A_1211 : vector<16xf32>
    %xor3A_1213 = arith.constant 4 : i32
    %xor3A_1214 = vector.broadcast %xor3A_1213 : i32 to vector<16xi32>
    %xor3A_1215 = arith.xori %iota3A, %xor3A_1214 : vector<16xi32>
    %lt3A_1216 = arith.constant 0 : i32
    %lt3A_1217 = vector.broadcast %lt3A_1216 : i32 to vector<16xi32>
    %lt3A_1218 = arith.cmpi slt, %xor3A_1215, %lt3A_1217 : vector<16xi32>
    %add3A_1219 = arith.constant 16 : i32
    %add3A_1220 = vector.broadcast %add3A_1219 : i32 to vector<16xi32>
    %add3A_1221 = arith.addi %xor3A_1215, %add3A_1220 : vector<16xi32>
    %select_n3A_1222 = arith.select %lt3A_1218, %add3A_1221, %xor3A_1215 : vector<16xi1>, vector<16xi32>
    %broadcast_in_dim3A_1223 = vector.shape_cast %select_n3A_1222 : vector<16xi32> to vector<16x1xi32>
    %gather3A_1224 = vector.shape_cast %broadcast_in_dim3A_1223 : vector<16x1xi32> to vector<16xi32>
    %gather3A_1225 = tpu.dynamic_gather %add3A_1212[%gather3A_1224] in [0] : vector<16xf32>, vector<16xi32> -> vector<16xf32>
    %add3A_1226 = arith.addf %add3A_1212, %gather3A_1225 : vector<16xf32>
    %xor3A_1227 = arith.constant 2 : i32
    %xor3A_1228 = vector.broadcast %xor3A_1227 : i32 to vector<16xi32>
    %xor3A_1229 = arith.xori %iota3A, %xor3A_1228 : vector<16xi32>
    %lt3A_1230 = arith.constant 0 : i32
    %lt3A_1231 = vector.broadcast %lt3A_1230 : i32 to vector<16xi32>
    %lt3A_1232 = arith.cmpi slt, %xor3A_1229, %lt3A_1231 : vector<16xi32>
    %add3A_1233 = arith.constant 16 : i32
    %add3A_1234 = vector.broadcast %add3A_1233 : i32 to vector<16xi32>
    %add3A_1235 = arith.addi %xor3A_1229, %add3A_1234 : vector<16xi32>
    %select_n3A_1236 = arith.select %lt3A_1232, %add3A_1235, %xor3A_1229 : vector<16xi1>, vector<16xi32>
    %broadcast_in_dim3A_1237 = vector.shape_cast %select_n3A_1236 : vector<16xi32> to vector<16x1xi32>
    %gather3A_1238 = vector.shape_cast %broadcast_in_dim3A_1237 : vector<16x1xi32> to vector<16xi32>
    %gather3A_1239 = tpu.dynamic_gather %add3A_1226[%gather3A_1238] in [0] : vector<16xf32>, vector<16xi32> -> vector<16xf32>
    %add3A_1240 = arith.addf %add3A_1226, %gather3A_1239 : vector<16xf32>
    %xor3A_1241 = arith.constant 1 : i32
    %xor3A_1242 = vector.broadcast %xor3A_1241 : i32 to vector<16xi32>
    %xor3A_1243 = arith.xori %iota3A, %xor3A_1242 : vector<16xi32>
    %lt3A_1244 = arith.constant 0 : i32
    %lt3A_1245 = vector.broadcast %lt3A_1244 : i32 to vector<16xi32>
    %lt3A_1246 = arith.cmpi slt, %xor3A_1243, %lt3A_1245 : vector<16xi32>
    %add3A_1247 = arith.constant 16 : i32
    %add3A_1248 = vector.broadcast %add3A_1247 : i32 to vector<16xi32>
    %add3A_1249 = arith.addi %xor3A_1243, %add3A_1248 : vector<16xi32>
    %select_n3A_1250 = arith.select %lt3A_1246, %add3A_1249, %xor3A_1243 : vector<16xi1>, vector<16xi32>
    %broadcast_in_dim3A_1251 = vector.shape_cast %select_n3A_1250 : vector<16xi32> to vector<16x1xi32>
    %gather3A_1252 = vector.shape_cast %broadcast_in_dim3A_1251 : vector<16x1xi32> to vector<16xi32>
    %gather3A_1253 = tpu.dynamic_gather %add3A_1240[%gather3A_1252] in [0] : vector<16xf32>, vector<16xi32> -> vector<16xf32>
    %add3A_1254 = arith.addf %add3A_1240, %gather3A_1253 : vector<16xf32>
    %eq3A_1255 = arith.constant 0 : i32
    %eq3A_1256 = vector.broadcast %eq3A_1255 : i32 to vector<16xi32>
    %eq3A_1257 = arith.cmpi eq, %iota3A, %eq3A_1256 : vector<16xi32>
    %eq3A_1258 = arith.constant 1 : i32
    %eq3A_1259 = vector.broadcast %eq3A_1258 : i32 to vector<16xi32>
    %eq3A_1260 = arith.cmpi eq, %iota3A, %eq3A_1259 : vector<16xi32>
    %eq3A_1261 = arith.constant 2 : i32
    %eq3A_1262 = vector.broadcast %eq3A_1261 : i32 to vector<16xi32>
    %eq3A_1263 = arith.cmpi eq, %iota3A, %eq3A_1262 : vector<16xi32>
    %jit3A = arith.constant 0.000000e+00 : f32
    %broadcast_in_dim3A_1264 = vector.broadcast %jit3A : f32 to vector<16xf32>
    %select_n3A_1265 = arith.select %eq3A_1263, %add3A_1254, %broadcast_in_dim3A_1264 : vector<16xi1>, vector<16xf32>
    %select_n3A_1266 = arith.select %eq3A_1260, %add3A_1198, %select_n3A_1265 : vector<16xi1>, vector<16xf32>
    %select_n3A_1267 = arith.select %eq3A_1257, %add3A_1142, %select_n3A_1266 : vector<16xi1>, vector<16xf32>
    %swap3A_1268 = arith.constant 0 : index
    %swap3A_1269 = tpu.vector_load %arg24[%swap3A_1268] {strides = array<i32>} : memref<16xf32, #tpu.memory_space<vmem>>, vector<16xf32>,
    %swap3A_1270 = vector.shape_cast %swap3A_1269 : vector<16xf32> to vector<16xf32>
    %swap3A_1271 = vector.shape_cast %select_n3A_1267 : vector<16xf32> to vector<16xf32>
    tpu.vector_store %arg24[%swap3A_1268], %swap3A_1271 {strides = array<i32>} : memref<16xf32, #tpu.memory_space<vmem>>, vector<16xf32>,
    %mul3A_1272 = arith.constant 16 : i32
    %mul3A_1273 = arith.muli %arg1, %mul3A_1272 : i32
    "tpu.region"() ({
      %run_scoped3A_1282 = tpu.sem_alloc : memref<!tpu.dma_semaphore, #tpu.memory_space<semaphore_mem>>
      %dma_start3A = tpu.memref_slice %arg10[%mul3A_1273] : memref<256xf32, #tpu.memory_space<vmem_shared>> -> memref<16xf32, #tpu.memory_space<vmem_shared>>
      %dma_start3A_1283 = tpu.memref_slice %arg10[%mul3A_1273] : memref<256xf32, #tpu.memory_space<vmem_shared>> -> memref<16xf32, #tpu.memory_space<vmem_shared>>
      tpu.enqueue_dma source(%arg24 : memref<16xf32, #tpu.memory_space<vmem>>) target(%dma_start3A_1283 : memref<16xf32, #tpu.memory_space<vmem_shared>>) target_semaphore(%run_scoped3A_1282 : memref<!tpu.dma_semaphore, #tpu.memory_space<semaphore_mem>>)
      %dma_wait3A = tpu.memref_slice %arg10[%mul3A_1273] : memref<256xf32, #tpu.memory_space<vmem_shared>> -> memref<16xf32, #tpu.memory_space<vmem_shared>>
      %dma_wait3A_1284 = tpu.memref_slice %arg10[%mul3A_1273] : memref<256xf32, #tpu.memory_space<vmem_shared>> -> memref<16xf32, #tpu.memory_space<vmem_shared>>
      tpu.wait_dma2 semaphore(%run_scoped3A_1282 : memref<!tpu.dma_semaphore, #tpu.memory_space<semaphore_mem>>) src(%arg24 : memref<16xf32, #tpu.memory_space<vmem>>) dst(%dma_wait3A_1284 : memref<16xf32, #tpu.memory_space<vmem_shared>>)
      tpu.yield
    }) : () -> ()
    %barrier3A_1274 = arith.constant 0 : index
    tpu.barrier barrier_id(%barrier3A_1274)
    %eq3A_1275 = arith.constant 0 : i32
    %eq3A_1276 = arith.cmpi eq, %arg0, %eq3A_1275 : i32
    %eq3A_1277 = arith.constant 0 : i32
    %eq3A_1278 = arith.cmpi eq, %arg1, %eq3A_1277 : i32
    %and3A = arith.andi %eq3A_1276, %eq3A_1278 : i1
    %convert_element_type3A_1279 = arith.extui %and3A : i1 to i32
    %cond3A_1280 = arith.constant 0 : i32
    %cond3A_1281 = arith.cmpi ne, %convert_element_type3A_1279, %cond3A_1280 : i32
    scf.if %cond3A_1281 {
      "tpu.region"() ({
        %run_scoped3A_2727 = tpu.sem_alloc : memref<!tpu.dma_semaphore, #tpu.memory_space<semaphore_mem>>
        tpu.enqueue_dma source(%arg9 : memref<1280xi32, #tpu.memory_space<vmem_shared>>) target(%arg20 : memref<1280xi32, #tpu.memory_space<vmem>>) target_semaphore(%run_scoped3A_2727 : memref<!tpu.dma_semaphore, #tpu.memory_space<semaphore_mem>>)
        tpu.wait_dma2 semaphore(%run_scoped3A_2727 : memref<!tpu.dma_semaphore, #tpu.memory_space<semaphore_mem>>) src(%arg9 : memref<1280xi32, #tpu.memory_space<vmem_shared>>) dst(%arg20 : memref<1280xi32, #tpu.memory_space<vmem>>)
        tpu.yield
      }) : () -> ()
      "tpu.region"() ({
        %run_scoped3A_2727 = tpu.sem_alloc : memref<!tpu.dma_semaphore, #tpu.memory_space<semaphore_mem>>
        tpu.enqueue_dma source(%arg10 : memref<256xf32, #tpu.memory_space<vmem_shared>>) target(%arg21 : memref<256xf32, #tpu.memory_space<vmem>>) target_semaphore(%run_scoped3A_2727 : memref<!tpu.dma_semaphore, #tpu.memory_space<semaphore_mem>>)
        tpu.wait_dma2 semaphore(%run_scoped3A_2727 : memref<!tpu.dma_semaphore, #tpu.memory_space<semaphore_mem>>) src(%arg10 : memref<256xf32, #tpu.memory_space<vmem_shared>>) dst(%arg21 : memref<256xf32, #tpu.memory_space<vmem>>)
        tpu.yield
      }) : () -> ()
      %get3A_1282 = arith.constant 0 : index
      %get3A_1283 = tpu.vector_load %arg20[%get3A_1282] {strides = array<i32>} : memref<1280xi32, #tpu.memory_space<vmem>>, vector<16xi32>,
      %get3A_1284 = vector.shape_cast %get3A_1283 : vector<16xi32> to vector<16xi32>
      %get3A_1285 = arith.constant 16 : index
      %get3A_1286 = tpu.vector_load %arg20[%get3A_1285] {strides = array<i32>} : memref<1280xi32, #tpu.memory_space<vmem>>, vector<16xi32>,
      %get3A_1287 = vector.shape_cast %get3A_1286 : vector<16xi32> to vector<16xi32>
      %get3A_1288 = arith.constant 32 : index
      %get3A_1289 = tpu.vector_load %arg20[%get3A_1288] {strides = array<i32>} : memref<1280xi32, #tpu.memory_space<vmem>>, vector<16xi32>,
      %get3A_1290 = vector.shape_cast %get3A_1289 : vector<16xi32> to vector<16xi32>
      %get3A_1291 = arith.constant 48 : index
      %get3A_1292 = tpu.vector_load %arg20[%get3A_1291] {strides = array<i32>} : memref<1280xi32, #tpu.memory_space<vmem>>, vector<16xi32>,
      %get3A_1293 = vector.shape_cast %get3A_1292 : vector<16xi32> to vector<16xi32>
      %get3A_1294 = arith.constant 64 : index
      %get3A_1295 = tpu.vector_load %arg20[%get3A_1294] {strides = array<i32>} : memref<1280xi32, #tpu.memory_space<vmem>>, vector<16xi32>,
      %get3A_1296 = vector.shape_cast %get3A_1295 : vector<16xi32> to vector<16xi32>
      %get3A_1297 = arith.constant 80 : index
      %get3A_1298 = tpu.vector_load %arg20[%get3A_1297] {strides = array<i32>} : memref<1280xi32, #tpu.memory_space<vmem>>, vector<16xi32>,
      %get3A_1299 = vector.shape_cast %get3A_1298 : vector<16xi32> to vector<16xi32>
      %max3A = arith.maxsi %get3A_1284, %get3A_1299 : vector<16xi32>
      %min3A = arith.minsi %get3A_1284, %get3A_1299 : vector<16xi32>
      %max3A_1300 = arith.maxsi %get3A_1287, %min3A : vector<16xi32>
      %min3A_1301 = arith.minsi %get3A_1287, %min3A : vector<16xi32>
      %max3A_1302 = arith.maxsi %get3A_1290, %min3A_1301 : vector<16xi32>
      %min3A_1303 = arith.minsi %get3A_1290, %min3A_1301 : vector<16xi32>
      %max3A_1304 = arith.maxsi %get3A_1293, %min3A_1303 : vector<16xi32>
      %min3A_1305 = arith.minsi %get3A_1293, %min3A_1303 : vector<16xi32>
      %max3A_1306 = arith.maxsi %get3A_1296, %min3A_1305 : vector<16xi32>
      %get3A_1307 = arith.constant 96 : index
      %get3A_1308 = tpu.vector_load %arg20[%get3A_1307] {strides = array<i32>} : memref<1280xi32, #tpu.memory_space<vmem>>, vector<16xi32>,
      %get3A_1309 = vector.shape_cast %get3A_1308 : vector<16xi32> to vector<16xi32>
      %max3A_1310 = arith.maxsi %max3A, %get3A_1309 : vector<16xi32>
      %min3A_1311 = arith.minsi %max3A, %get3A_1309 : vector<16xi32>
      %max3A_1312 = arith.maxsi %max3A_1300, %min3A_1311 : vector<16xi32>
      %min3A_1313 = arith.minsi %max3A_1300, %min3A_1311 : vector<16xi32>
      %max3A_1314 = arith.maxsi %max3A_1302, %min3A_1313 : vector<16xi32>
      %min3A_1315 = arith.minsi %max3A_1302, %min3A_1313 : vector<16xi32>
      %max3A_1316 = arith.maxsi %max3A_1304, %min3A_1315 : vector<16xi32>
      %min3A_1317 = arith.minsi %max3A_1304, %min3A_1315 : vector<16xi32>
      %max3A_1318 = arith.maxsi %max3A_1306, %min3A_1317 : vector<16xi32>
      %get3A_1319 = arith.constant 112 : index
      %get3A_1320 = tpu.vector_load %arg20[%get3A_1319] {strides = array<i32>} : memref<1280xi32, #tpu.memory_space<vmem>>, vector<16xi32>,
      %get3A_1321 = vector.shape_cast %get3A_1320 : vector<16xi32> to vector<16xi32>
      %max3A_1322 = arith.maxsi %max3A_1310, %get3A_1321 : vector<16xi32>
      %min3A_1323 = arith.minsi %max3A_1310, %get3A_1321 : vector<16xi32>
      %max3A_1324 = arith.maxsi %max3A_1312, %min3A_1323 : vector<16xi32>
      %min3A_1325 = arith.minsi %max3A_1312, %min3A_1323 : vector<16xi32>
      %max3A_1326 = arith.maxsi %max3A_1314, %min3A_1325 : vector<16xi32>
      %min3A_1327 = arith.minsi %max3A_1314, %min3A_1325 : vector<16xi32>
      %max3A_1328 = arith.maxsi %max3A_1316, %min3A_1327 : vector<16xi32>
      %min3A_1329 = arith.minsi %max3A_1316, %min3A_1327 : vector<16xi32>
      %max3A_1330 = arith.maxsi %max3A_1318, %min3A_1329 : vector<16xi32>
      %get3A_1331 = arith.constant 128 : index
      %get3A_1332 = tpu.vector_load %arg20[%get3A_1331] {strides = array<i32>} : memref<1280xi32, #tpu.memory_space<vmem>>, vector<16xi32>,
      %get3A_1333 = vector.shape_cast %get3A_1332 : vector<16xi32> to vector<16xi32>
      %max3A_1334 = arith.maxsi %max3A_1322, %get3A_1333 : vector<16xi32>
      %min3A_1335 = arith.minsi %max3A_1322, %get3A_1333 : vector<16xi32>
      %max3A_1336 = arith.maxsi %max3A_1324, %min3A_1335 : vector<16xi32>
      %min3A_1337 = arith.minsi %max3A_1324, %min3A_1335 : vector<16xi32>
      %max3A_1338 = arith.maxsi %max3A_1326, %min3A_1337 : vector<16xi32>
      %min3A_1339 = arith.minsi %max3A_1326, %min3A_1337 : vector<16xi32>
      %max3A_1340 = arith.maxsi %max3A_1328, %min3A_1339 : vector<16xi32>
      %min3A_1341 = arith.minsi %max3A_1328, %min3A_1339 : vector<16xi32>
      %max3A_1342 = arith.maxsi %max3A_1330, %min3A_1341 : vector<16xi32>
      %get3A_1343 = arith.constant 144 : index
      %get3A_1344 = tpu.vector_load %arg20[%get3A_1343] {strides = array<i32>} : memref<1280xi32, #tpu.memory_space<vmem>>, vector<16xi32>,
      %get3A_1345 = vector.shape_cast %get3A_1344 : vector<16xi32> to vector<16xi32>
      %max3A_1346 = arith.maxsi %max3A_1334, %get3A_1345 : vector<16xi32>
      %min3A_1347 = arith.minsi %max3A_1334, %get3A_1345 : vector<16xi32>
      %max3A_1348 = arith.maxsi %max3A_1336, %min3A_1347 : vector<16xi32>
      %min3A_1349 = arith.minsi %max3A_1336, %min3A_1347 : vector<16xi32>
      %max3A_1350 = arith.maxsi %max3A_1338, %min3A_1349 : vector<16xi32>
      %min3A_1351 = arith.minsi %max3A_1338, %min3A_1349 : vector<16xi32>
      %max3A_1352 = arith.maxsi %max3A_1340, %min3A_1351 : vector<16xi32>
      %min3A_1353 = arith.minsi %max3A_1340, %min3A_1351 : vector<16xi32>
      %max3A_1354 = arith.maxsi %max3A_1342, %min3A_1353 : vector<16xi32>
      %get3A_1355 = arith.constant 160 : index
      %get3A_1356 = tpu.vector_load %arg20[%get3A_1355] {strides = array<i32>} : memref<1280xi32, #tpu.memory_space<vmem>>, vector<16xi32>,
      %get3A_1357 = vector.shape_cast %get3A_1356 : vector<16xi32> to vector<16xi32>
      %max3A_1358 = arith.maxsi %max3A_1346, %get3A_1357 : vector<16xi32>
      %min3A_1359 = arith.minsi %max3A_1346, %get3A_1357 : vector<16xi32>
      %max3A_1360 = arith.maxsi %max3A_1348, %min3A_1359 : vector<16xi32>
      %min3A_1361 = arith.minsi %max3A_1348, %min3A_1359 : vector<16xi32>
      %max3A_1362 = arith.maxsi %max3A_1350, %min3A_1361 : vector<16xi32>
      %min3A_1363 = arith.minsi %max3A_1350, %min3A_1361 : vector<16xi32>
      %max3A_1364 = arith.maxsi %max3A_1352, %min3A_1363 : vector<16xi32>
      %min3A_1365 = arith.minsi %max3A_1352, %min3A_1363 : vector<16xi32>
      %max3A_1366 = arith.maxsi %max3A_1354, %min3A_1365 : vector<16xi32>
      %get3A_1367 = arith.constant 176 : index
      %get3A_1368 = tpu.vector_load %arg20[%get3A_1367] {strides = array<i32>} : memref<1280xi32, #tpu.memory_space<vmem>>, vector<16xi32>,
      %get3A_1369 = vector.shape_cast %get3A_1368 : vector<16xi32> to vector<16xi32>
      %max3A_1370 = arith.maxsi %max3A_1358, %get3A_1369 : vector<16xi32>
      %min3A_1371 = arith.minsi %max3A_1358, %get3A_1369 : vector<16xi32>
      %max3A_1372 = arith.maxsi %max3A_1360, %min3A_1371 : vector<16xi32>
      %min3A_1373 = arith.minsi %max3A_1360, %min3A_1371 : vector<16xi32>
      %max3A_1374 = arith.maxsi %max3A_1362, %min3A_1373 : vector<16xi32>
      %min3A_1375 = arith.minsi %max3A_1362, %min3A_1373 : vector<16xi32>
      %max3A_1376 = arith.maxsi %max3A_1364, %min3A_1375 : vector<16xi32>
      %min3A_1377 = arith.minsi %max3A_1364, %min3A_1375 : vector<16xi32>
      %max3A_1378 = arith.maxsi %max3A_1366, %min3A_1377 : vector<16xi32>
      %get3A_1379 = arith.constant 192 : index
      %get3A_1380 = tpu.vector_load %arg20[%get3A_1379] {strides = array<i32>} : memref<1280xi32, #tpu.memory_space<vmem>>, vector<16xi32>,
      %get3A_1381 = vector.shape_cast %get3A_1380 : vector<16xi32> to vector<16xi32>
      %max3A_1382 = arith.maxsi %max3A_1370, %get3A_1381 : vector<16xi32>
      %min3A_1383 = arith.minsi %max3A_1370, %get3A_1381 : vector<16xi32>
      %max3A_1384 = arith.maxsi %max3A_1372, %min3A_1383 : vector<16xi32>
      %min3A_1385 = arith.minsi %max3A_1372, %min3A_1383 : vector<16xi32>
      %max3A_1386 = arith.maxsi %max3A_1374, %min3A_1385 : vector<16xi32>
      %min3A_1387 = arith.minsi %max3A_1374, %min3A_1385 : vector<16xi32>
      %max3A_1388 = arith.maxsi %max3A_1376, %min3A_1387 : vector<16xi32>
      %min3A_1389 = arith.minsi %max3A_1376, %min3A_1387 : vector<16xi32>
      %max3A_1390 = arith.maxsi %max3A_1378, %min3A_1389 : vector<16xi32>
      %get3A_1391 = arith.constant 208 : index
      %get3A_1392 = tpu.vector_load %arg20[%get3A_1391] {strides = array<i32>} : memref<1280xi32, #tpu.memory_space<vmem>>, vector<16xi32>,
      %get3A_1393 = vector.shape_cast %get3A_1392 : vector<16xi32> to vector<16xi32>
      %max3A_1394 = arith.maxsi %max3A_1382, %get3A_1393 : vector<16xi32>
      %min3A_1395 = arith.minsi %max3A_1382, %get3A_1393 : vector<16xi32>
      %max3A_1396 = arith.maxsi %max3A_1384, %min3A_1395 : vector<16xi32>
      %min3A_1397 = arith.minsi %max3A_1384, %min3A_1395 : vector<16xi32>
      %max3A_1398 = arith.maxsi %max3A_1386, %min3A_1397 : vector<16xi32>
      %min3A_1399 = arith.minsi %max3A_1386, %min3A_1397 : vector<16xi32>
      %max3A_1400 = arith.maxsi %max3A_1388, %min3A_1399 : vector<16xi32>
      %min3A_1401 = arith.minsi %max3A_1388, %min3A_1399 : vector<16xi32>
      %max3A_1402 = arith.maxsi %max3A_1390, %min3A_1401 : vector<16xi32>
      %get3A_1403 = arith.constant 224 : index
      %get3A_1404 = tpu.vector_load %arg20[%get3A_1403] {strides = array<i32>} : memref<1280xi32, #tpu.memory_space<vmem>>, vector<16xi32>,
      %get3A_1405 = vector.shape_cast %get3A_1404 : vector<16xi32> to vector<16xi32>
      %max3A_1406 = arith.maxsi %max3A_1394, %get3A_1405 : vector<16xi32>
      %min3A_1407 = arith.minsi %max3A_1394, %get3A_1405 : vector<16xi32>
      %max3A_1408 = arith.maxsi %max3A_1396, %min3A_1407 : vector<16xi32>
      %min3A_1409 = arith.minsi %max3A_1396, %min3A_1407 : vector<16xi32>
      %max3A_1410 = arith.maxsi %max3A_1398, %min3A_1409 : vector<16xi32>
      %min3A_1411 = arith.minsi %max3A_1398, %min3A_1409 : vector<16xi32>
      %max3A_1412 = arith.maxsi %max3A_1400, %min3A_1411 : vector<16xi32>
      %min3A_1413 = arith.minsi %max3A_1400, %min3A_1411 : vector<16xi32>
      %max3A_1414 = arith.maxsi %max3A_1402, %min3A_1413 : vector<16xi32>
      %get3A_1415 = arith.constant 240 : index
      %get3A_1416 = tpu.vector_load %arg20[%get3A_1415] {strides = array<i32>} : memref<1280xi32, #tpu.memory_space<vmem>>, vector<16xi32>,
      %get3A_1417 = vector.shape_cast %get3A_1416 : vector<16xi32> to vector<16xi32>
      %max3A_1418 = arith.maxsi %max3A_1406, %get3A_1417 : vector<16xi32>
      %min3A_1419 = arith.minsi %max3A_1406, %get3A_1417 : vector<16xi32>
      %max3A_1420 = arith.maxsi %max3A_1408, %min3A_1419 : vector<16xi32>
      %min3A_1421 = arith.minsi %max3A_1408, %min3A_1419 : vector<16xi32>
      %max3A_1422 = arith.maxsi %max3A_1410, %min3A_1421 : vector<16xi32>
      %min3A_1423 = arith.minsi %max3A_1410, %min3A_1421 : vector<16xi32>
      %max3A_1424 = arith.maxsi %max3A_1412, %min3A_1423 : vector<16xi32>
      %min3A_1425 = arith.minsi %max3A_1412, %min3A_1423 : vector<16xi32>
      %max3A_1426 = arith.maxsi %max3A_1414, %min3A_1425 : vector<16xi32>
      %get3A_1427 = arith.constant 256 : index
      %get3A_1428 = tpu.vector_load %arg20[%get3A_1427] {strides = array<i32>} : memref<1280xi32, #tpu.memory_space<vmem>>, vector<16xi32>,
      %get3A_1429 = vector.shape_cast %get3A_1428 : vector<16xi32> to vector<16xi32>
      %max3A_1430 = arith.maxsi %max3A_1418, %get3A_1429 : vector<16xi32>
      %min3A_1431 = arith.minsi %max3A_1418, %get3A_1429 : vector<16xi32>
      %max3A_1432 = arith.maxsi %max3A_1420, %min3A_1431 : vector<16xi32>
      %min3A_1433 = arith.minsi %max3A_1420, %min3A_1431 : vector<16xi32>
      %max3A_1434 = arith.maxsi %max3A_1422, %min3A_1433 : vector<16xi32>
      %min3A_1435 = arith.minsi %max3A_1422, %min3A_1433 : vector<16xi32>
      %max3A_1436 = arith.maxsi %max3A_1424, %min3A_1435 : vector<16xi32>
      %min3A_1437 = arith.minsi %max3A_1424, %min3A_1435 : vector<16xi32>
      %max3A_1438 = arith.maxsi %max3A_1426, %min3A_1437 : vector<16xi32>
      %get3A_1439 = arith.constant 272 : index
      %get3A_1440 = tpu.vector_load %arg20[%get3A_1439] {strides = array<i32>} : memref<1280xi32, #tpu.memory_space<vmem>>, vector<16xi32>,
      %get3A_1441 = vector.shape_cast %get3A_1440 : vector<16xi32> to vector<16xi32>
      %max3A_1442 = arith.maxsi %max3A_1430, %get3A_1441 : vector<16xi32>
      %min3A_1443 = arith.minsi %max3A_1430, %get3A_1441 : vector<16xi32>
      %max3A_1444 = arith.maxsi %max3A_1432, %min3A_1443 : vector<16xi32>
      %min3A_1445 = arith.minsi %max3A_1432, %min3A_1443 : vector<16xi32>
      %max3A_1446 = arith.maxsi %max3A_1434, %min3A_1445 : vector<16xi32>
      %min3A_1447 = arith.minsi %max3A_1434, %min3A_1445 : vector<16xi32>
      %max3A_1448 = arith.maxsi %max3A_1436, %min3A_1447 : vector<16xi32>
      %min3A_1449 = arith.minsi %max3A_1436, %min3A_1447 : vector<16xi32>
      %max3A_1450 = arith.maxsi %max3A_1438, %min3A_1449 : vector<16xi32>
      %get3A_1451 = arith.constant 288 : index
      %get3A_1452 = tpu.vector_load %arg20[%get3A_1451] {strides = array<i32>} : memref<1280xi32, #tpu.memory_space<vmem>>, vector<16xi32>,
      %get3A_1453 = vector.shape_cast %get3A_1452 : vector<16xi32> to vector<16xi32>
      %max3A_1454 = arith.maxsi %max3A_1442, %get3A_1453 : vector<16xi32>
      %min3A_1455 = arith.minsi %max3A_1442, %get3A_1453 : vector<16xi32>
      %max3A_1456 = arith.maxsi %max3A_1444, %min3A_1455 : vector<16xi32>
      %min3A_1457 = arith.minsi %max3A_1444, %min3A_1455 : vector<16xi32>
      %max3A_1458 = arith.maxsi %max3A_1446, %min3A_1457 : vector<16xi32>
      %min3A_1459 = arith.minsi %max3A_1446, %min3A_1457 : vector<16xi32>
      %max3A_1460 = arith.maxsi %max3A_1448, %min3A_1459 : vector<16xi32>
      %min3A_1461 = arith.minsi %max3A_1448, %min3A_1459 : vector<16xi32>
      %max3A_1462 = arith.maxsi %max3A_1450, %min3A_1461 : vector<16xi32>
      %get3A_1463 = arith.constant 304 : index
      %get3A_1464 = tpu.vector_load %arg20[%get3A_1463] {strides = array<i32>} : memref<1280xi32, #tpu.memory_space<vmem>>, vector<16xi32>,
      %get3A_1465 = vector.shape_cast %get3A_1464 : vector<16xi32> to vector<16xi32>
      %max3A_1466 = arith.maxsi %max3A_1454, %get3A_1465 : vector<16xi32>
      %min3A_1467 = arith.minsi %max3A_1454, %get3A_1465 : vector<16xi32>
      %max3A_1468 = arith.maxsi %max3A_1456, %min3A_1467 : vector<16xi32>
      %min3A_1469 = arith.minsi %max3A_1456, %min3A_1467 : vector<16xi32>
      %max3A_1470 = arith.maxsi %max3A_1458, %min3A_1469 : vector<16xi32>
      %min3A_1471 = arith.minsi %max3A_1458, %min3A_1469 : vector<16xi32>
      %max3A_1472 = arith.maxsi %max3A_1460, %min3A_1471 : vector<16xi32>
      %min3A_1473 = arith.minsi %max3A_1460, %min3A_1471 : vector<16xi32>
      %max3A_1474 = arith.maxsi %max3A_1462, %min3A_1473 : vector<16xi32>
      %get3A_1475 = arith.constant 320 : index
      %get3A_1476 = tpu.vector_load %arg20[%get3A_1475] {strides = array<i32>} : memref<1280xi32, #tpu.memory_space<vmem>>, vector<16xi32>,
      %get3A_1477 = vector.shape_cast %get3A_1476 : vector<16xi32> to vector<16xi32>
      %max3A_1478 = arith.maxsi %max3A_1466, %get3A_1477 : vector<16xi32>
      %min3A_1479 = arith.minsi %max3A_1466, %get3A_1477 : vector<16xi32>
      %max3A_1480 = arith.maxsi %max3A_1468, %min3A_1479 : vector<16xi32>
      %min3A_1481 = arith.minsi %max3A_1468, %min3A_1479 : vector<16xi32>
      %max3A_1482 = arith.maxsi %max3A_1470, %min3A_1481 : vector<16xi32>
      %min3A_1483 = arith.minsi %max3A_1470, %min3A_1481 : vector<16xi32>
      %max3A_1484 = arith.maxsi %max3A_1472, %min3A_1483 : vector<16xi32>
      %min3A_1485 = arith.minsi %max3A_1472, %min3A_1483 : vector<16xi32>
      %max3A_1486 = arith.maxsi %max3A_1474, %min3A_1485 : vector<16xi32>
      %get3A_1487 = arith.constant 336 : index
      %get3A_1488 = tpu.vector_load %arg20[%get3A_1487] {strides = array<i32>} : memref<1280xi32, #tpu.memory_space<vmem>>, vector<16xi32>,
      %get3A_1489 = vector.shape_cast %get3A_1488 : vector<16xi32> to vector<16xi32>
      %max3A_1490 = arith.maxsi %max3A_1478, %get3A_1489 : vector<16xi32>
      %min3A_1491 = arith.minsi %max3A_1478, %get3A_1489 : vector<16xi32>
      %max3A_1492 = arith.maxsi %max3A_1480, %min3A_1491 : vector<16xi32>
      %min3A_1493 = arith.minsi %max3A_1480, %min3A_1491 : vector<16xi32>
      %max3A_1494 = arith.maxsi %max3A_1482, %min3A_1493 : vector<16xi32>
      %min3A_1495 = arith.minsi %max3A_1482, %min3A_1493 : vector<16xi32>
      %max3A_1496 = arith.maxsi %max3A_1484, %min3A_1495 : vector<16xi32>
      %min3A_1497 = arith.minsi %max3A_1484, %min3A_1495 : vector<16xi32>
      %max3A_1498 = arith.maxsi %max3A_1486, %min3A_1497 : vector<16xi32>
      %get3A_1499 = arith.constant 352 : index
      %get3A_1500 = tpu.vector_load %arg20[%get3A_1499] {strides = array<i32>} : memref<1280xi32, #tpu.memory_space<vmem>>, vector<16xi32>,
      %get3A_1501 = vector.shape_cast %get3A_1500 : vector<16xi32> to vector<16xi32>
      %max3A_1502 = arith.maxsi %max3A_1490, %get3A_1501 : vector<16xi32>
      %min3A_1503 = arith.minsi %max3A_1490, %get3A_1501 : vector<16xi32>
      %max3A_1504 = arith.maxsi %max3A_1492, %min3A_1503 : vector<16xi32>
      %min3A_1505 = arith.minsi %max3A_1492, %min3A_1503 : vector<16xi32>
      %max3A_1506 = arith.maxsi %max3A_1494, %min3A_1505 : vector<16xi32>
      %min3A_1507 = arith.minsi %max3A_1494, %min3A_1505 : vector<16xi32>
      %max3A_1508 = arith.maxsi %max3A_1496, %min3A_1507 : vector<16xi32>
      %min3A_1509 = arith.minsi %max3A_1496, %min3A_1507 : vector<16xi32>
      %max3A_1510 = arith.maxsi %max3A_1498, %min3A_1509 : vector<16xi32>
      %get3A_1511 = arith.constant 368 : index
      %get3A_1512 = tpu.vector_load %arg20[%get3A_1511] {strides = array<i32>} : memref<1280xi32, #tpu.memory_space<vmem>>, vector<16xi32>,
      %get3A_1513 = vector.shape_cast %get3A_1512 : vector<16xi32> to vector<16xi32>
      %max3A_1514 = arith.maxsi %max3A_1502, %get3A_1513 : vector<16xi32>
      %min3A_1515 = arith.minsi %max3A_1502, %get3A_1513 : vector<16xi32>
      %max3A_1516 = arith.maxsi %max3A_1504, %min3A_1515 : vector<16xi32>
      %min3A_1517 = arith.minsi %max3A_1504, %min3A_1515 : vector<16xi32>
      %max3A_1518 = arith.maxsi %max3A_1506, %min3A_1517 : vector<16xi32>
      %min3A_1519 = arith.minsi %max3A_1506, %min3A_1517 : vector<16xi32>
      %max3A_1520 = arith.maxsi %max3A_1508, %min3A_1519 : vector<16xi32>
      %min3A_1521 = arith.minsi %max3A_1508, %min3A_1519 : vector<16xi32>
      %max3A_1522 = arith.maxsi %max3A_1510, %min3A_1521 : vector<16xi32>
      %get3A_1523 = arith.constant 384 : index
      %get3A_1524 = tpu.vector_load %arg20[%get3A_1523] {strides = array<i32>} : memref<1280xi32, #tpu.memory_space<vmem>>, vector<16xi32>,
      %get3A_1525 = vector.shape_cast %get3A_1524 : vector<16xi32> to vector<16xi32>
      %max3A_1526 = arith.maxsi %max3A_1514, %get3A_1525 : vector<16xi32>
      %min3A_1527 = arith.minsi %max3A_1514, %get3A_1525 : vector<16xi32>
      %max3A_1528 = arith.maxsi %max3A_1516, %min3A_1527 : vector<16xi32>
      %min3A_1529 = arith.minsi %max3A_1516, %min3A_1527 : vector<16xi32>
      %max3A_1530 = arith.maxsi %max3A_1518, %min3A_1529 : vector<16xi32>
      %min3A_1531 = arith.minsi %max3A_1518, %min3A_1529 : vector<16xi32>
      %max3A_1532 = arith.maxsi %max3A_1520, %min3A_1531 : vector<16xi32>
      %min3A_1533 = arith.minsi %max3A_1520, %min3A_1531 : vector<16xi32>
      %max3A_1534 = arith.maxsi %max3A_1522, %min3A_1533 : vector<16xi32>
      %get3A_1535 = arith.constant 400 : index
      %get3A_1536 = tpu.vector_load %arg20[%get3A_1535] {strides = array<i32>} : memref<1280xi32, #tpu.memory_space<vmem>>, vector<16xi32>,
      %get3A_1537 = vector.shape_cast %get3A_1536 : vector<16xi32> to vector<16xi32>
      %max3A_1538 = arith.maxsi %max3A_1526, %get3A_1537 : vector<16xi32>
      %min3A_1539 = arith.minsi %max3A_1526, %get3A_1537 : vector<16xi32>
      %max3A_1540 = arith.maxsi %max3A_1528, %min3A_1539 : vector<16xi32>
      %min3A_1541 = arith.minsi %max3A_1528, %min3A_1539 : vector<16xi32>
      %max3A_1542 = arith.maxsi %max3A_1530, %min3A_1541 : vector<16xi32>
      %min3A_1543 = arith.minsi %max3A_1530, %min3A_1541 : vector<16xi32>
      %max3A_1544 = arith.maxsi %max3A_1532, %min3A_1543 : vector<16xi32>
      %min3A_1545 = arith.minsi %max3A_1532, %min3A_1543 : vector<16xi32>
      %max3A_1546 = arith.maxsi %max3A_1534, %min3A_1545 : vector<16xi32>
      %get3A_1547 = arith.constant 416 : index
      %get3A_1548 = tpu.vector_load %arg20[%get3A_1547] {strides = array<i32>} : memref<1280xi32, #tpu.memory_space<vmem>>, vector<16xi32>,
      %get3A_1549 = vector.shape_cast %get3A_1548 : vector<16xi32> to vector<16xi32>
      %max3A_1550 = arith.maxsi %max3A_1538, %get3A_1549 : vector<16xi32>
      %min3A_1551 = arith.minsi %max3A_1538, %get3A_1549 : vector<16xi32>
      %max3A_1552 = arith.maxsi %max3A_1540, %min3A_1551 : vector<16xi32>
      %min3A_1553 = arith.minsi %max3A_1540, %min3A_1551 : vector<16xi32>
      %max3A_1554 = arith.maxsi %max3A_1542, %min3A_1553 : vector<16xi32>
      %min3A_1555 = arith.minsi %max3A_1542, %min3A_1553 : vector<16xi32>
      %max3A_1556 = arith.maxsi %max3A_1544, %min3A_1555 : vector<16xi32>
      %min3A_1557 = arith.minsi %max3A_1544, %min3A_1555 : vector<16xi32>
      %max3A_1558 = arith.maxsi %max3A_1546, %min3A_1557 : vector<16xi32>
      %get3A_1559 = arith.constant 432 : index
      %get3A_1560 = tpu.vector_load %arg20[%get3A_1559] {strides = array<i32>} : memref<1280xi32, #tpu.memory_space<vmem>>, vector<16xi32>,
      %get3A_1561 = vector.shape_cast %get3A_1560 : vector<16xi32> to vector<16xi32>
      %max3A_1562 = arith.maxsi %max3A_1550, %get3A_1561 : vector<16xi32>
      %min3A_1563 = arith.minsi %max3A_1550, %get3A_1561 : vector<16xi32>
      %max3A_1564 = arith.maxsi %max3A_1552, %min3A_1563 : vector<16xi32>
      %min3A_1565 = arith.minsi %max3A_1552, %min3A_1563 : vector<16xi32>
      %max3A_1566 = arith.maxsi %max3A_1554, %min3A_1565 : vector<16xi32>
      %min3A_1567 = arith.minsi %max3A_1554, %min3A_1565 : vector<16xi32>
      %max3A_1568 = arith.maxsi %max3A_1556, %min3A_1567 : vector<16xi32>
      %min3A_1569 = arith.minsi %max3A_1556, %min3A_1567 : vector<16xi32>
      %max3A_1570 = arith.maxsi %max3A_1558, %min3A_1569 : vector<16xi32>
      %get3A_1571 = arith.constant 448 : index
      %get3A_1572 = tpu.vector_load %arg20[%get3A_1571] {strides = array<i32>} : memref<1280xi32, #tpu.memory_space<vmem>>, vector<16xi32>,
      %get3A_1573 = vector.shape_cast %get3A_1572 : vector<16xi32> to vector<16xi32>
      %max3A_1574 = arith.maxsi %max3A_1562, %get3A_1573 : vector<16xi32>
      %min3A_1575 = arith.minsi %max3A_1562, %get3A_1573 : vector<16xi32>
      %max3A_1576 = arith.maxsi %max3A_1564, %min3A_1575 : vector<16xi32>
      %min3A_1577 = arith.minsi %max3A_1564, %min3A_1575 : vector<16xi32>
      %max3A_1578 = arith.maxsi %max3A_1566, %min3A_1577 : vector<16xi32>
      %min3A_1579 = arith.minsi %max3A_1566, %min3A_1577 : vector<16xi32>
      %max3A_1580 = arith.maxsi %max3A_1568, %min3A_1579 : vector<16xi32>
      %min3A_1581 = arith.minsi %max3A_1568, %min3A_1579 : vector<16xi32>
      %max3A_1582 = arith.maxsi %max3A_1570, %min3A_1581 : vector<16xi32>
      %get3A_1583 = arith.constant 464 : index
      %get3A_1584 = tpu.vector_load %arg20[%get3A_1583] {strides = array<i32>} : memref<1280xi32, #tpu.memory_space<vmem>>, vector<16xi32>,
      %get3A_1585 = vector.shape_cast %get3A_1584 : vector<16xi32> to vector<16xi32>
      %max3A_1586 = arith.maxsi %max3A_1574, %get3A_1585 : vector<16xi32>
      %min3A_1587 = arith.minsi %max3A_1574, %get3A_1585 : vector<16xi32>
      %max3A_1588 = arith.maxsi %max3A_1576, %min3A_1587 : vector<16xi32>
      %min3A_1589 = arith.minsi %max3A_1576, %min3A_1587 : vector<16xi32>
      %max3A_1590 = arith.maxsi %max3A_1578, %min3A_1589 : vector<16xi32>
      %min3A_1591 = arith.minsi %max3A_1578, %min3A_1589 : vector<16xi32>
      %max3A_1592 = arith.maxsi %max3A_1580, %min3A_1591 : vector<16xi32>
      %min3A_1593 = arith.minsi %max3A_1580, %min3A_1591 : vector<16xi32>
      %max3A_1594 = arith.maxsi %max3A_1582, %min3A_1593 : vector<16xi32>
      %get3A_1595 = arith.constant 480 : index
      %get3A_1596 = tpu.vector_load %arg20[%get3A_1595] {strides = array<i32>} : memref<1280xi32, #tpu.memory_space<vmem>>, vector<16xi32>,
      %get3A_1597 = vector.shape_cast %get3A_1596 : vector<16xi32> to vector<16xi32>
      %max3A_1598 = arith.maxsi %max3A_1586, %get3A_1597 : vector<16xi32>
      %min3A_1599 = arith.minsi %max3A_1586, %get3A_1597 : vector<16xi32>
      %max3A_1600 = arith.maxsi %max3A_1588, %min3A_1599 : vector<16xi32>
      %min3A_1601 = arith.minsi %max3A_1588, %min3A_1599 : vector<16xi32>
      %max3A_1602 = arith.maxsi %max3A_1590, %min3A_1601 : vector<16xi32>
      %min3A_1603 = arith.minsi %max3A_1590, %min3A_1601 : vector<16xi32>
      %max3A_1604 = arith.maxsi %max3A_1592, %min3A_1603 : vector<16xi32>
      %min3A_1605 = arith.minsi %max3A_1592, %min3A_1603 : vector<16xi32>
      %max3A_1606 = arith.maxsi %max3A_1594, %min3A_1605 : vector<16xi32>
      %get3A_1607 = arith.constant 496 : index
      %get3A_1608 = tpu.vector_load %arg20[%get3A_1607] {strides = array<i32>} : memref<1280xi32, #tpu.memory_space<vmem>>, vector<16xi32>,
      %get3A_1609 = vector.shape_cast %get3A_1608 : vector<16xi32> to vector<16xi32>
      %max3A_1610 = arith.maxsi %max3A_1598, %get3A_1609 : vector<16xi32>
      %min3A_1611 = arith.minsi %max3A_1598, %get3A_1609 : vector<16xi32>
      %max3A_1612 = arith.maxsi %max3A_1600, %min3A_1611 : vector<16xi32>
      %min3A_1613 = arith.minsi %max3A_1600, %min3A_1611 : vector<16xi32>
      %max3A_1614 = arith.maxsi %max3A_1602, %min3A_1613 : vector<16xi32>
      %min3A_1615 = arith.minsi %max3A_1602, %min3A_1613 : vector<16xi32>
      %max3A_1616 = arith.maxsi %max3A_1604, %min3A_1615 : vector<16xi32>
      %min3A_1617 = arith.minsi %max3A_1604, %min3A_1615 : vector<16xi32>
      %max3A_1618 = arith.maxsi %max3A_1606, %min3A_1617 : vector<16xi32>
      %get3A_1619 = arith.constant 512 : index
      %get3A_1620 = tpu.vector_load %arg20[%get3A_1619] {strides = array<i32>} : memref<1280xi32, #tpu.memory_space<vmem>>, vector<16xi32>,
      %get3A_1621 = vector.shape_cast %get3A_1620 : vector<16xi32> to vector<16xi32>
      %max3A_1622 = arith.maxsi %max3A_1610, %get3A_1621 : vector<16xi32>
      %min3A_1623 = arith.minsi %max3A_1610, %get3A_1621 : vector<16xi32>
      %max3A_1624 = arith.maxsi %max3A_1612, %min3A_1623 : vector<16xi32>
      %min3A_1625 = arith.minsi %max3A_1612, %min3A_1623 : vector<16xi32>
      %max3A_1626 = arith.maxsi %max3A_1614, %min3A_1625 : vector<16xi32>
      %min3A_1627 = arith.minsi %max3A_1614, %min3A_1625 : vector<16xi32>
      %max3A_1628 = arith.maxsi %max3A_1616, %min3A_1627 : vector<16xi32>
      %min3A_1629 = arith.minsi %max3A_1616, %min3A_1627 : vector<16xi32>
      %max3A_1630 = arith.maxsi %max3A_1618, %min3A_1629 : vector<16xi32>
      %get3A_1631 = arith.constant 528 : index
      %get3A_1632 = tpu.vector_load %arg20[%get3A_1631] {strides = array<i32>} : memref<1280xi32, #tpu.memory_space<vmem>>, vector<16xi32>,
      %get3A_1633 = vector.shape_cast %get3A_1632 : vector<16xi32> to vector<16xi32>
      %max3A_1634 = arith.maxsi %max3A_1622, %get3A_1633 : vector<16xi32>
      %min3A_1635 = arith.minsi %max3A_1622, %get3A_1633 : vector<16xi32>
      %max3A_1636 = arith.maxsi %max3A_1624, %min3A_1635 : vector<16xi32>
      %min3A_1637 = arith.minsi %max3A_1624, %min3A_1635 : vector<16xi32>
      %max3A_1638 = arith.maxsi %max3A_1626, %min3A_1637 : vector<16xi32>
      %min3A_1639 = arith.minsi %max3A_1626, %min3A_1637 : vector<16xi32>
      %max3A_1640 = arith.maxsi %max3A_1628, %min3A_1639 : vector<16xi32>
      %min3A_1641 = arith.minsi %max3A_1628, %min3A_1639 : vector<16xi32>
      %max3A_1642 = arith.maxsi %max3A_1630, %min3A_1641 : vector<16xi32>
      %get3A_1643 = arith.constant 544 : index
      %get3A_1644 = tpu.vector_load %arg20[%get3A_1643] {strides = array<i32>} : memref<1280xi32, #tpu.memory_space<vmem>>, vector<16xi32>,
      %get3A_1645 = vector.shape_cast %get3A_1644 : vector<16xi32> to vector<16xi32>
      %max3A_1646 = arith.maxsi %max3A_1634, %get3A_1645 : vector<16xi32>
      %min3A_1647 = arith.minsi %max3A_1634, %get3A_1645 : vector<16xi32>
      %max3A_1648 = arith.maxsi %max3A_1636, %min3A_1647 : vector<16xi32>
      %min3A_1649 = arith.minsi %max3A_1636, %min3A_1647 : vector<16xi32>
      %max3A_1650 = arith.maxsi %max3A_1638, %min3A_1649 : vector<16xi32>
      %min3A_1651 = arith.minsi %max3A_1638, %min3A_1649 : vector<16xi32>
      %max3A_1652 = arith.maxsi %max3A_1640, %min3A_1651 : vector<16xi32>
      %min3A_1653 = arith.minsi %max3A_1640, %min3A_1651 : vector<16xi32>
      %max3A_1654 = arith.maxsi %max3A_1642, %min3A_1653 : vector<16xi32>
      %get3A_1655 = arith.constant 560 : index
      %get3A_1656 = tpu.vector_load %arg20[%get3A_1655] {strides = array<i32>} : memref<1280xi32, #tpu.memory_space<vmem>>, vector<16xi32>,
      %get3A_1657 = vector.shape_cast %get3A_1656 : vector<16xi32> to vector<16xi32>
      %max3A_1658 = arith.maxsi %max3A_1646, %get3A_1657 : vector<16xi32>
      %min3A_1659 = arith.minsi %max3A_1646, %get3A_1657 : vector<16xi32>
      %max3A_1660 = arith.maxsi %max3A_1648, %min3A_1659 : vector<16xi32>
      %min3A_1661 = arith.minsi %max3A_1648, %min3A_1659 : vector<16xi32>
      %max3A_1662 = arith.maxsi %max3A_1650, %min3A_1661 : vector<16xi32>
      %min3A_1663 = arith.minsi %max3A_1650, %min3A_1661 : vector<16xi32>
      %max3A_1664 = arith.maxsi %max3A_1652, %min3A_1663 : vector<16xi32>
      %min3A_1665 = arith.minsi %max3A_1652, %min3A_1663 : vector<16xi32>
      %max3A_1666 = arith.maxsi %max3A_1654, %min3A_1665 : vector<16xi32>
      %get3A_1667 = arith.constant 576 : index
      %get3A_1668 = tpu.vector_load %arg20[%get3A_1667] {strides = array<i32>} : memref<1280xi32, #tpu.memory_space<vmem>>, vector<16xi32>,
      %get3A_1669 = vector.shape_cast %get3A_1668 : vector<16xi32> to vector<16xi32>
      %max3A_1670 = arith.maxsi %max3A_1658, %get3A_1669 : vector<16xi32>
      %min3A_1671 = arith.minsi %max3A_1658, %get3A_1669 : vector<16xi32>
      %max3A_1672 = arith.maxsi %max3A_1660, %min3A_1671 : vector<16xi32>
      %min3A_1673 = arith.minsi %max3A_1660, %min3A_1671 : vector<16xi32>
      %max3A_1674 = arith.maxsi %max3A_1662, %min3A_1673 : vector<16xi32>
      %min3A_1675 = arith.minsi %max3A_1662, %min3A_1673 : vector<16xi32>
      %max3A_1676 = arith.maxsi %max3A_1664, %min3A_1675 : vector<16xi32>
      %min3A_1677 = arith.minsi %max3A_1664, %min3A_1675 : vector<16xi32>
      %max3A_1678 = arith.maxsi %max3A_1666, %min3A_1677 : vector<16xi32>
      %get3A_1679 = arith.constant 592 : index
      %get3A_1680 = tpu.vector_load %arg20[%get3A_1679] {strides = array<i32>} : memref<1280xi32, #tpu.memory_space<vmem>>, vector<16xi32>,
      %get3A_1681 = vector.shape_cast %get3A_1680 : vector<16xi32> to vector<16xi32>
      %max3A_1682 = arith.maxsi %max3A_1670, %get3A_1681 : vector<16xi32>
      %min3A_1683 = arith.minsi %max3A_1670, %get3A_1681 : vector<16xi32>
      %max3A_1684 = arith.maxsi %max3A_1672, %min3A_1683 : vector<16xi32>
      %min3A_1685 = arith.minsi %max3A_1672, %min3A_1683 : vector<16xi32>
      %max3A_1686 = arith.maxsi %max3A_1674, %min3A_1685 : vector<16xi32>
      %min3A_1687 = arith.minsi %max3A_1674, %min3A_1685 : vector<16xi32>
      %max3A_1688 = arith.maxsi %max3A_1676, %min3A_1687 : vector<16xi32>
      %min3A_1689 = arith.minsi %max3A_1676, %min3A_1687 : vector<16xi32>
      %max3A_1690 = arith.maxsi %max3A_1678, %min3A_1689 : vector<16xi32>
      %get3A_1691 = arith.constant 608 : index
      %get3A_1692 = tpu.vector_load %arg20[%get3A_1691] {strides = array<i32>} : memref<1280xi32, #tpu.memory_space<vmem>>, vector<16xi32>,
      %get3A_1693 = vector.shape_cast %get3A_1692 : vector<16xi32> to vector<16xi32>
      %max3A_1694 = arith.maxsi %max3A_1682, %get3A_1693 : vector<16xi32>
      %min3A_1695 = arith.minsi %max3A_1682, %get3A_1693 : vector<16xi32>
      %max3A_1696 = arith.maxsi %max3A_1684, %min3A_1695 : vector<16xi32>
      %min3A_1697 = arith.minsi %max3A_1684, %min3A_1695 : vector<16xi32>
      %max3A_1698 = arith.maxsi %max3A_1686, %min3A_1697 : vector<16xi32>
      %min3A_1699 = arith.minsi %max3A_1686, %min3A_1697 : vector<16xi32>
      %max3A_1700 = arith.maxsi %max3A_1688, %min3A_1699 : vector<16xi32>
      %min3A_1701 = arith.minsi %max3A_1688, %min3A_1699 : vector<16xi32>
      %max3A_1702 = arith.maxsi %max3A_1690, %min3A_1701 : vector<16xi32>
      %get3A_1703 = arith.constant 624 : index
      %get3A_1704 = tpu.vector_load %arg20[%get3A_1703] {strides = array<i32>} : memref<1280xi32, #tpu.memory_space<vmem>>, vector<16xi32>,
      %get3A_1705 = vector.shape_cast %get3A_1704 : vector<16xi32> to vector<16xi32>
      %max3A_1706 = arith.maxsi %max3A_1694, %get3A_1705 : vector<16xi32>
      %min3A_1707 = arith.minsi %max3A_1694, %get3A_1705 : vector<16xi32>
      %max3A_1708 = arith.maxsi %max3A_1696, %min3A_1707 : vector<16xi32>
      %min3A_1709 = arith.minsi %max3A_1696, %min3A_1707 : vector<16xi32>
      %max3A_1710 = arith.maxsi %max3A_1698, %min3A_1709 : vector<16xi32>
      %min3A_1711 = arith.minsi %max3A_1698, %min3A_1709 : vector<16xi32>
      %max3A_1712 = arith.maxsi %max3A_1700, %min3A_1711 : vector<16xi32>
      %min3A_1713 = arith.minsi %max3A_1700, %min3A_1711 : vector<16xi32>
      %max3A_1714 = arith.maxsi %max3A_1702, %min3A_1713 : vector<16xi32>
      %get3A_1715 = arith.constant 640 : index
      %get3A_1716 = tpu.vector_load %arg20[%get3A_1715] {strides = array<i32>} : memref<1280xi32, #tpu.memory_space<vmem>>, vector<16xi32>,
      %get3A_1717 = vector.shape_cast %get3A_1716 : vector<16xi32> to vector<16xi32>
      %max3A_1718 = arith.maxsi %max3A_1706, %get3A_1717 : vector<16xi32>
      %min3A_1719 = arith.minsi %max3A_1706, %get3A_1717 : vector<16xi32>
      %max3A_1720 = arith.maxsi %max3A_1708, %min3A_1719 : vector<16xi32>
      %min3A_1721 = arith.minsi %max3A_1708, %min3A_1719 : vector<16xi32>
      %max3A_1722 = arith.maxsi %max3A_1710, %min3A_1721 : vector<16xi32>
      %min3A_1723 = arith.minsi %max3A_1710, %min3A_1721 : vector<16xi32>
      %max3A_1724 = arith.maxsi %max3A_1712, %min3A_1723 : vector<16xi32>
      %min3A_1725 = arith.minsi %max3A_1712, %min3A_1723 : vector<16xi32>
      %max3A_1726 = arith.maxsi %max3A_1714, %min3A_1725 : vector<16xi32>
      %get3A_1727 = arith.constant 656 : index
      %get3A_1728 = tpu.vector_load %arg20[%get3A_1727] {strides = array<i32>} : memref<1280xi32, #tpu.memory_space<vmem>>, vector<16xi32>,
      %get3A_1729 = vector.shape_cast %get3A_1728 : vector<16xi32> to vector<16xi32>
      %max3A_1730 = arith.maxsi %max3A_1718, %get3A_1729 : vector<16xi32>
      %min3A_1731 = arith.minsi %max3A_1718, %get3A_1729 : vector<16xi32>
      %max3A_1732 = arith.maxsi %max3A_1720, %min3A_1731 : vector<16xi32>
      %min3A_1733 = arith.minsi %max3A_1720, %min3A_1731 : vector<16xi32>
      %max3A_1734 = arith.maxsi %max3A_1722, %min3A_1733 : vector<16xi32>
      %min3A_1735 = arith.minsi %max3A_1722, %min3A_1733 : vector<16xi32>
      %max3A_1736 = arith.maxsi %max3A_1724, %min3A_1735 : vector<16xi32>
      %min3A_1737 = arith.minsi %max3A_1724, %min3A_1735 : vector<16xi32>
      %max3A_1738 = arith.maxsi %max3A_1726, %min3A_1737 : vector<16xi32>
      %get3A_1739 = arith.constant 672 : index
      %get3A_1740 = tpu.vector_load %arg20[%get3A_1739] {strides = array<i32>} : memref<1280xi32, #tpu.memory_space<vmem>>, vector<16xi32>,
      %get3A_1741 = vector.shape_cast %get3A_1740 : vector<16xi32> to vector<16xi32>
      %max3A_1742 = arith.maxsi %max3A_1730, %get3A_1741 : vector<16xi32>
      %min3A_1743 = arith.minsi %max3A_1730, %get3A_1741 : vector<16xi32>
      %max3A_1744 = arith.maxsi %max3A_1732, %min3A_1743 : vector<16xi32>
      %min3A_1745 = arith.minsi %max3A_1732, %min3A_1743 : vector<16xi32>
      %max3A_1746 = arith.maxsi %max3A_1734, %min3A_1745 : vector<16xi32>
      %min3A_1747 = arith.minsi %max3A_1734, %min3A_1745 : vector<16xi32>
      %max3A_1748 = arith.maxsi %max3A_1736, %min3A_1747 : vector<16xi32>
      %min3A_1749 = arith.minsi %max3A_1736, %min3A_1747 : vector<16xi32>
      %max3A_1750 = arith.maxsi %max3A_1738, %min3A_1749 : vector<16xi32>
      %get3A_1751 = arith.constant 688 : index
      %get3A_1752 = tpu.vector_load %arg20[%get3A_1751] {strides = array<i32>} : memref<1280xi32, #tpu.memory_space<vmem>>, vector<16xi32>,
      %get3A_1753 = vector.shape_cast %get3A_1752 : vector<16xi32> to vector<16xi32>
      %max3A_1754 = arith.maxsi %max3A_1742, %get3A_1753 : vector<16xi32>
      %min3A_1755 = arith.minsi %max3A_1742, %get3A_1753 : vector<16xi32>
      %max3A_1756 = arith.maxsi %max3A_1744, %min3A_1755 : vector<16xi32>
      %min3A_1757 = arith.minsi %max3A_1744, %min3A_1755 : vector<16xi32>
      %max3A_1758 = arith.maxsi %max3A_1746, %min3A_1757 : vector<16xi32>
      %min3A_1759 = arith.minsi %max3A_1746, %min3A_1757 : vector<16xi32>
      %max3A_1760 = arith.maxsi %max3A_1748, %min3A_1759 : vector<16xi32>
      %min3A_1761 = arith.minsi %max3A_1748, %min3A_1759 : vector<16xi32>
      %max3A_1762 = arith.maxsi %max3A_1750, %min3A_1761 : vector<16xi32>
      %get3A_1763 = arith.constant 704 : index
      %get3A_1764 = tpu.vector_load %arg20[%get3A_1763] {strides = array<i32>} : memref<1280xi32, #tpu.memory_space<vmem>>, vector<16xi32>,
      %get3A_1765 = vector.shape_cast %get3A_1764 : vector<16xi32> to vector<16xi32>
      %max3A_1766 = arith.maxsi %max3A_1754, %get3A_1765 : vector<16xi32>
      %min3A_1767 = arith.minsi %max3A_1754, %get3A_1765 : vector<16xi32>
      %max3A_1768 = arith.maxsi %max3A_1756, %min3A_1767 : vector<16xi32>
      %min3A_1769 = arith.minsi %max3A_1756, %min3A_1767 : vector<16xi32>
      %max3A_1770 = arith.maxsi %max3A_1758, %min3A_1769 : vector<16xi32>
      %min3A_1771 = arith.minsi %max3A_1758, %min3A_1769 : vector<16xi32>
      %max3A_1772 = arith.maxsi %max3A_1760, %min3A_1771 : vector<16xi32>
      %min3A_1773 = arith.minsi %max3A_1760, %min3A_1771 : vector<16xi32>
      %max3A_1774 = arith.maxsi %max3A_1762, %min3A_1773 : vector<16xi32>
      %get3A_1775 = arith.constant 720 : index
      %get3A_1776 = tpu.vector_load %arg20[%get3A_1775] {strides = array<i32>} : memref<1280xi32, #tpu.memory_space<vmem>>, vector<16xi32>,
      %get3A_1777 = vector.shape_cast %get3A_1776 : vector<16xi32> to vector<16xi32>
      %max3A_1778 = arith.maxsi %max3A_1766, %get3A_1777 : vector<16xi32>
      %min3A_1779 = arith.minsi %max3A_1766, %get3A_1777 : vector<16xi32>
      %max3A_1780 = arith.maxsi %max3A_1768, %min3A_1779 : vector<16xi32>
      %min3A_1781 = arith.minsi %max3A_1768, %min3A_1779 : vector<16xi32>
      %max3A_1782 = arith.maxsi %max3A_1770, %min3A_1781 : vector<16xi32>
      %min3A_1783 = arith.minsi %max3A_1770, %min3A_1781 : vector<16xi32>
      %max3A_1784 = arith.maxsi %max3A_1772, %min3A_1783 : vector<16xi32>
      %min3A_1785 = arith.minsi %max3A_1772, %min3A_1783 : vector<16xi32>
      %max3A_1786 = arith.maxsi %max3A_1774, %min3A_1785 : vector<16xi32>
      %get3A_1787 = arith.constant 736 : index
      %get3A_1788 = tpu.vector_load %arg20[%get3A_1787] {strides = array<i32>} : memref<1280xi32, #tpu.memory_space<vmem>>, vector<16xi32>,
      %get3A_1789 = vector.shape_cast %get3A_1788 : vector<16xi32> to vector<16xi32>
      %max3A_1790 = arith.maxsi %max3A_1778, %get3A_1789 : vector<16xi32>
      %min3A_1791 = arith.minsi %max3A_1778, %get3A_1789 : vector<16xi32>
      %max3A_1792 = arith.maxsi %max3A_1780, %min3A_1791 : vector<16xi32>
      %min3A_1793 = arith.minsi %max3A_1780, %min3A_1791 : vector<16xi32>
      %max3A_1794 = arith.maxsi %max3A_1782, %min3A_1793 : vector<16xi32>
      %min3A_1795 = arith.minsi %max3A_1782, %min3A_1793 : vector<16xi32>
      %max3A_1796 = arith.maxsi %max3A_1784, %min3A_1795 : vector<16xi32>
      %min3A_1797 = arith.minsi %max3A_1784, %min3A_1795 : vector<16xi32>
      %max3A_1798 = arith.maxsi %max3A_1786, %min3A_1797 : vector<16xi32>
      %get3A_1799 = arith.constant 752 : index
      %get3A_1800 = tpu.vector_load %arg20[%get3A_1799] {strides = array<i32>} : memref<1280xi32, #tpu.memory_space<vmem>>, vector<16xi32>,
      %get3A_1801 = vector.shape_cast %get3A_1800 : vector<16xi32> to vector<16xi32>
      %max3A_1802 = arith.maxsi %max3A_1790, %get3A_1801 : vector<16xi32>
      %min3A_1803 = arith.minsi %max3A_1790, %get3A_1801 : vector<16xi32>
      %max3A_1804 = arith.maxsi %max3A_1792, %min3A_1803 : vector<16xi32>
      %min3A_1805 = arith.minsi %max3A_1792, %min3A_1803 : vector<16xi32>
      %max3A_1806 = arith.maxsi %max3A_1794, %min3A_1805 : vector<16xi32>
      %min3A_1807 = arith.minsi %max3A_1794, %min3A_1805 : vector<16xi32>
      %max3A_1808 = arith.maxsi %max3A_1796, %min3A_1807 : vector<16xi32>
      %min3A_1809 = arith.minsi %max3A_1796, %min3A_1807 : vector<16xi32>
      %max3A_1810 = arith.maxsi %max3A_1798, %min3A_1809 : vector<16xi32>
      %get3A_1811 = arith.constant 768 : index
      %get3A_1812 = tpu.vector_load %arg20[%get3A_1811] {strides = array<i32>} : memref<1280xi32, #tpu.memory_space<vmem>>, vector<16xi32>,
      %get3A_1813 = vector.shape_cast %get3A_1812 : vector<16xi32> to vector<16xi32>
      %max3A_1814 = arith.maxsi %max3A_1802, %get3A_1813 : vector<16xi32>
      %min3A_1815 = arith.minsi %max3A_1802, %get3A_1813 : vector<16xi32>
      %max3A_1816 = arith.maxsi %max3A_1804, %min3A_1815 : vector<16xi32>
      %min3A_1817 = arith.minsi %max3A_1804, %min3A_1815 : vector<16xi32>
      %max3A_1818 = arith.maxsi %max3A_1806, %min3A_1817 : vector<16xi32>
      %min3A_1819 = arith.minsi %max3A_1806, %min3A_1817 : vector<16xi32>
      %max3A_1820 = arith.maxsi %max3A_1808, %min3A_1819 : vector<16xi32>
      %min3A_1821 = arith.minsi %max3A_1808, %min3A_1819 : vector<16xi32>
      %max3A_1822 = arith.maxsi %max3A_1810, %min3A_1821 : vector<16xi32>
      %get3A_1823 = arith.constant 784 : index
      %get3A_1824 = tpu.vector_load %arg20[%get3A_1823] {strides = array<i32>} : memref<1280xi32, #tpu.memory_space<vmem>>, vector<16xi32>,
      %get3A_1825 = vector.shape_cast %get3A_1824 : vector<16xi32> to vector<16xi32>
      %max3A_1826 = arith.maxsi %max3A_1814, %get3A_1825 : vector<16xi32>
      %min3A_1827 = arith.minsi %max3A_1814, %get3A_1825 : vector<16xi32>
      %max3A_1828 = arith.maxsi %max3A_1816, %min3A_1827 : vector<16xi32>
      %min3A_1829 = arith.minsi %max3A_1816, %min3A_1827 : vector<16xi32>
      %max3A_1830 = arith.maxsi %max3A_1818, %min3A_1829 : vector<16xi32>
      %min3A_1831 = arith.minsi %max3A_1818, %min3A_1829 : vector<16xi32>
      %max3A_1832 = arith.maxsi %max3A_1820, %min3A_1831 : vector<16xi32>
      %min3A_1833 = arith.minsi %max3A_1820, %min3A_1831 : vector<16xi32>
      %max3A_1834 = arith.maxsi %max3A_1822, %min3A_1833 : vector<16xi32>
      %get3A_1835 = arith.constant 800 : index
      %get3A_1836 = tpu.vector_load %arg20[%get3A_1835] {strides = array<i32>} : memref<1280xi32, #tpu.memory_space<vmem>>, vector<16xi32>,
      %get3A_1837 = vector.shape_cast %get3A_1836 : vector<16xi32> to vector<16xi32>
      %max3A_1838 = arith.maxsi %max3A_1826, %get3A_1837 : vector<16xi32>
      %min3A_1839 = arith.minsi %max3A_1826, %get3A_1837 : vector<16xi32>
      %max3A_1840 = arith.maxsi %max3A_1828, %min3A_1839 : vector<16xi32>
      %min3A_1841 = arith.minsi %max3A_1828, %min3A_1839 : vector<16xi32>
      %max3A_1842 = arith.maxsi %max3A_1830, %min3A_1841 : vector<16xi32>
      %min3A_1843 = arith.minsi %max3A_1830, %min3A_1841 : vector<16xi32>
      %max3A_1844 = arith.maxsi %max3A_1832, %min3A_1843 : vector<16xi32>
      %min3A_1845 = arith.minsi %max3A_1832, %min3A_1843 : vector<16xi32>
      %max3A_1846 = arith.maxsi %max3A_1834, %min3A_1845 : vector<16xi32>
      %get3A_1847 = arith.constant 816 : index
      %get3A_1848 = tpu.vector_load %arg20[%get3A_1847] {strides = array<i32>} : memref<1280xi32, #tpu.memory_space<vmem>>, vector<16xi32>,
      %get3A_1849 = vector.shape_cast %get3A_1848 : vector<16xi32> to vector<16xi32>
      %max3A_1850 = arith.maxsi %max3A_1838, %get3A_1849 : vector<16xi32>
      %min3A_1851 = arith.minsi %max3A_1838, %get3A_1849 : vector<16xi32>
      %max3A_1852 = arith.maxsi %max3A_1840, %min3A_1851 : vector<16xi32>
      %min3A_1853 = arith.minsi %max3A_1840, %min3A_1851 : vector<16xi32>
      %max3A_1854 = arith.maxsi %max3A_1842, %min3A_1853 : vector<16xi32>
      %min3A_1855 = arith.minsi %max3A_1842, %min3A_1853 : vector<16xi32>
      %max3A_1856 = arith.maxsi %max3A_1844, %min3A_1855 : vector<16xi32>
      %min3A_1857 = arith.minsi %max3A_1844, %min3A_1855 : vector<16xi32>
      %max3A_1858 = arith.maxsi %max3A_1846, %min3A_1857 : vector<16xi32>
      %get3A_1859 = arith.constant 832 : index
      %get3A_1860 = tpu.vector_load %arg20[%get3A_1859] {strides = array<i32>} : memref<1280xi32, #tpu.memory_space<vmem>>, vector<16xi32>,
      %get3A_1861 = vector.shape_cast %get3A_1860 : vector<16xi32> to vector<16xi32>
      %max3A_1862 = arith.maxsi %max3A_1850, %get3A_1861 : vector<16xi32>
      %min3A_1863 = arith.minsi %max3A_1850, %get3A_1861 : vector<16xi32>
      %max3A_1864 = arith.maxsi %max3A_1852, %min3A_1863 : vector<16xi32>
      %min3A_1865 = arith.minsi %max3A_1852, %min3A_1863 : vector<16xi32>
      %max3A_1866 = arith.maxsi %max3A_1854, %min3A_1865 : vector<16xi32>
      %min3A_1867 = arith.minsi %max3A_1854, %min3A_1865 : vector<16xi32>
      %max3A_1868 = arith.maxsi %max3A_1856, %min3A_1867 : vector<16xi32>
      %min3A_1869 = arith.minsi %max3A_1856, %min3A_1867 : vector<16xi32>
      %max3A_1870 = arith.maxsi %max3A_1858, %min3A_1869 : vector<16xi32>
      %get3A_1871 = arith.constant 848 : index
      %get3A_1872 = tpu.vector_load %arg20[%get3A_1871] {strides = array<i32>} : memref<1280xi32, #tpu.memory_space<vmem>>, vector<16xi32>,
      %get3A_1873 = vector.shape_cast %get3A_1872 : vector<16xi32> to vector<16xi32>
      %max3A_1874 = arith.maxsi %max3A_1862, %get3A_1873 : vector<16xi32>
      %min3A_1875 = arith.minsi %max3A_1862, %get3A_1873 : vector<16xi32>
      %max3A_1876 = arith.maxsi %max3A_1864, %min3A_1875 : vector<16xi32>
      %min3A_1877 = arith.minsi %max3A_1864, %min3A_1875 : vector<16xi32>
      %max3A_1878 = arith.maxsi %max3A_1866, %min3A_1877 : vector<16xi32>
      %min3A_1879 = arith.minsi %max3A_1866, %min3A_1877 : vector<16xi32>
      %max3A_1880 = arith.maxsi %max3A_1868, %min3A_1879 : vector<16xi32>
      %min3A_1881 = arith.minsi %max3A_1868, %min3A_1879 : vector<16xi32>
      %max3A_1882 = arith.maxsi %max3A_1870, %min3A_1881 : vector<16xi32>
      %get3A_1883 = arith.constant 864 : index
      %get3A_1884 = tpu.vector_load %arg20[%get3A_1883] {strides = array<i32>} : memref<1280xi32, #tpu.memory_space<vmem>>, vector<16xi32>,
      %get3A_1885 = vector.shape_cast %get3A_1884 : vector<16xi32> to vector<16xi32>
      %max3A_1886 = arith.maxsi %max3A_1874, %get3A_1885 : vector<16xi32>
      %min3A_1887 = arith.minsi %max3A_1874, %get3A_1885 : vector<16xi32>
      %max3A_1888 = arith.maxsi %max3A_1876, %min3A_1887 : vector<16xi32>
      %min3A_1889 = arith.minsi %max3A_1876, %min3A_1887 : vector<16xi32>
      %max3A_1890 = arith.maxsi %max3A_1878, %min3A_1889 : vector<16xi32>
      %min3A_1891 = arith.minsi %max3A_1878, %min3A_1889 : vector<16xi32>
      %max3A_1892 = arith.maxsi %max3A_1880, %min3A_1891 : vector<16xi32>
      %min3A_1893 = arith.minsi %max3A_1880, %min3A_1891 : vector<16xi32>
      %max3A_1894 = arith.maxsi %max3A_1882, %min3A_1893 : vector<16xi32>
      %get3A_1895 = arith.constant 880 : index
      %get3A_1896 = tpu.vector_load %arg20[%get3A_1895] {strides = array<i32>} : memref<1280xi32, #tpu.memory_space<vmem>>, vector<16xi32>,
      %get3A_1897 = vector.shape_cast %get3A_1896 : vector<16xi32> to vector<16xi32>
      %max3A_1898 = arith.maxsi %max3A_1886, %get3A_1897 : vector<16xi32>
      %min3A_1899 = arith.minsi %max3A_1886, %get3A_1897 : vector<16xi32>
      %max3A_1900 = arith.maxsi %max3A_1888, %min3A_1899 : vector<16xi32>
      %min3A_1901 = arith.minsi %max3A_1888, %min3A_1899 : vector<16xi32>
      %max3A_1902 = arith.maxsi %max3A_1890, %min3A_1901 : vector<16xi32>
      %min3A_1903 = arith.minsi %max3A_1890, %min3A_1901 : vector<16xi32>
      %max3A_1904 = arith.maxsi %max3A_1892, %min3A_1903 : vector<16xi32>
      %min3A_1905 = arith.minsi %max3A_1892, %min3A_1903 : vector<16xi32>
      %max3A_1906 = arith.maxsi %max3A_1894, %min3A_1905 : vector<16xi32>
      %get3A_1907 = arith.constant 896 : index
      %get3A_1908 = tpu.vector_load %arg20[%get3A_1907] {strides = array<i32>} : memref<1280xi32, #tpu.memory_space<vmem>>, vector<16xi32>,
      %get3A_1909 = vector.shape_cast %get3A_1908 : vector<16xi32> to vector<16xi32>
      %max3A_1910 = arith.maxsi %max3A_1898, %get3A_1909 : vector<16xi32>
      %min3A_1911 = arith.minsi %max3A_1898, %get3A_1909 : vector<16xi32>
      %max3A_1912 = arith.maxsi %max3A_1900, %min3A_1911 : vector<16xi32>
      %min3A_1913 = arith.minsi %max3A_1900, %min3A_1911 : vector<16xi32>
      %max3A_1914 = arith.maxsi %max3A_1902, %min3A_1913 : vector<16xi32>
      %min3A_1915 = arith.minsi %max3A_1902, %min3A_1913 : vector<16xi32>
      %max3A_1916 = arith.maxsi %max3A_1904, %min3A_1915 : vector<16xi32>
      %min3A_1917 = arith.minsi %max3A_1904, %min3A_1915 : vector<16xi32>
      %max3A_1918 = arith.maxsi %max3A_1906, %min3A_1917 : vector<16xi32>
      %get3A_1919 = arith.constant 912 : index
      %get3A_1920 = tpu.vector_load %arg20[%get3A_1919] {strides = array<i32>} : memref<1280xi32, #tpu.memory_space<vmem>>, vector<16xi32>,
      %get3A_1921 = vector.shape_cast %get3A_1920 : vector<16xi32> to vector<16xi32>
      %max3A_1922 = arith.maxsi %max3A_1910, %get3A_1921 : vector<16xi32>
      %min3A_1923 = arith.minsi %max3A_1910, %get3A_1921 : vector<16xi32>
      %max3A_1924 = arith.maxsi %max3A_1912, %min3A_1923 : vector<16xi32>
      %min3A_1925 = arith.minsi %max3A_1912, %min3A_1923 : vector<16xi32>
      %max3A_1926 = arith.maxsi %max3A_1914, %min3A_1925 : vector<16xi32>
      %min3A_1927 = arith.minsi %max3A_1914, %min3A_1925 : vector<16xi32>
      %max3A_1928 = arith.maxsi %max3A_1916, %min3A_1927 : vector<16xi32>
      %min3A_1929 = arith.minsi %max3A_1916, %min3A_1927 : vector<16xi32>
      %max3A_1930 = arith.maxsi %max3A_1918, %min3A_1929 : vector<16xi32>
      %get3A_1931 = arith.constant 928 : index
      %get3A_1932 = tpu.vector_load %arg20[%get3A_1931] {strides = array<i32>} : memref<1280xi32, #tpu.memory_space<vmem>>, vector<16xi32>,
      %get3A_1933 = vector.shape_cast %get3A_1932 : vector<16xi32> to vector<16xi32>
      %max3A_1934 = arith.maxsi %max3A_1922, %get3A_1933 : vector<16xi32>
      %min3A_1935 = arith.minsi %max3A_1922, %get3A_1933 : vector<16xi32>
      %max3A_1936 = arith.maxsi %max3A_1924, %min3A_1935 : vector<16xi32>
      %min3A_1937 = arith.minsi %max3A_1924, %min3A_1935 : vector<16xi32>
      %max3A_1938 = arith.maxsi %max3A_1926, %min3A_1937 : vector<16xi32>
      %min3A_1939 = arith.minsi %max3A_1926, %min3A_1937 : vector<16xi32>
      %max3A_1940 = arith.maxsi %max3A_1928, %min3A_1939 : vector<16xi32>
      %min3A_1941 = arith.minsi %max3A_1928, %min3A_1939 : vector<16xi32>
      %max3A_1942 = arith.maxsi %max3A_1930, %min3A_1941 : vector<16xi32>
      %get3A_1943 = arith.constant 944 : index
      %get3A_1944 = tpu.vector_load %arg20[%get3A_1943] {strides = array<i32>} : memref<1280xi32, #tpu.memory_space<vmem>>, vector<16xi32>,
      %get3A_1945 = vector.shape_cast %get3A_1944 : vector<16xi32> to vector<16xi32>
      %max3A_1946 = arith.maxsi %max3A_1934, %get3A_1945 : vector<16xi32>
      %min3A_1947 = arith.minsi %max3A_1934, %get3A_1945 : vector<16xi32>
      %max3A_1948 = arith.maxsi %max3A_1936, %min3A_1947 : vector<16xi32>
      %min3A_1949 = arith.minsi %max3A_1936, %min3A_1947 : vector<16xi32>
      %max3A_1950 = arith.maxsi %max3A_1938, %min3A_1949 : vector<16xi32>
      %min3A_1951 = arith.minsi %max3A_1938, %min3A_1949 : vector<16xi32>
      %max3A_1952 = arith.maxsi %max3A_1940, %min3A_1951 : vector<16xi32>
      %min3A_1953 = arith.minsi %max3A_1940, %min3A_1951 : vector<16xi32>
      %max3A_1954 = arith.maxsi %max3A_1942, %min3A_1953 : vector<16xi32>
      %get3A_1955 = arith.constant 960 : index
      %get3A_1956 = tpu.vector_load %arg20[%get3A_1955] {strides = array<i32>} : memref<1280xi32, #tpu.memory_space<vmem>>, vector<16xi32>,
      %get3A_1957 = vector.shape_cast %get3A_1956 : vector<16xi32> to vector<16xi32>
      %max3A_1958 = arith.maxsi %max3A_1946, %get3A_1957 : vector<16xi32>
      %min3A_1959 = arith.minsi %max3A_1946, %get3A_1957 : vector<16xi32>
      %max3A_1960 = arith.maxsi %max3A_1948, %min3A_1959 : vector<16xi32>
      %min3A_1961 = arith.minsi %max3A_1948, %min3A_1959 : vector<16xi32>
      %max3A_1962 = arith.maxsi %max3A_1950, %min3A_1961 : vector<16xi32>
      %min3A_1963 = arith.minsi %max3A_1950, %min3A_1961 : vector<16xi32>
      %max3A_1964 = arith.maxsi %max3A_1952, %min3A_1963 : vector<16xi32>
      %min3A_1965 = arith.minsi %max3A_1952, %min3A_1963 : vector<16xi32>
      %max3A_1966 = arith.maxsi %max3A_1954, %min3A_1965 : vector<16xi32>
      %get3A_1967 = arith.constant 976 : index
      %get3A_1968 = tpu.vector_load %arg20[%get3A_1967] {strides = array<i32>} : memref<1280xi32, #tpu.memory_space<vmem>>, vector<16xi32>,
      %get3A_1969 = vector.shape_cast %get3A_1968 : vector<16xi32> to vector<16xi32>
      %max3A_1970 = arith.maxsi %max3A_1958, %get3A_1969 : vector<16xi32>
      %min3A_1971 = arith.minsi %max3A_1958, %get3A_1969 : vector<16xi32>
      %max3A_1972 = arith.maxsi %max3A_1960, %min3A_1971 : vector<16xi32>
      %min3A_1973 = arith.minsi %max3A_1960, %min3A_1971 : vector<16xi32>
      %max3A_1974 = arith.maxsi %max3A_1962, %min3A_1973 : vector<16xi32>
      %min3A_1975 = arith.minsi %max3A_1962, %min3A_1973 : vector<16xi32>
      %max3A_1976 = arith.maxsi %max3A_1964, %min3A_1975 : vector<16xi32>
      %min3A_1977 = arith.minsi %max3A_1964, %min3A_1975 : vector<16xi32>
      %max3A_1978 = arith.maxsi %max3A_1966, %min3A_1977 : vector<16xi32>
      %get3A_1979 = arith.constant 992 : index
      %get3A_1980 = tpu.vector_load %arg20[%get3A_1979] {strides = array<i32>} : memref<1280xi32, #tpu.memory_space<vmem>>, vector<16xi32>,
      %get3A_1981 = vector.shape_cast %get3A_1980 : vector<16xi32> to vector<16xi32>
      %max3A_1982 = arith.maxsi %max3A_1970, %get3A_1981 : vector<16xi32>
      %min3A_1983 = arith.minsi %max3A_1970, %get3A_1981 : vector<16xi32>
      %max3A_1984 = arith.maxsi %max3A_1972, %min3A_1983 : vector<16xi32>
      %min3A_1985 = arith.minsi %max3A_1972, %min3A_1983 : vector<16xi32>
      %max3A_1986 = arith.maxsi %max3A_1974, %min3A_1985 : vector<16xi32>
      %min3A_1987 = arith.minsi %max3A_1974, %min3A_1985 : vector<16xi32>
      %max3A_1988 = arith.maxsi %max3A_1976, %min3A_1987 : vector<16xi32>
      %min3A_1989 = arith.minsi %max3A_1976, %min3A_1987 : vector<16xi32>
      %max3A_1990 = arith.maxsi %max3A_1978, %min3A_1989 : vector<16xi32>
      %get3A_1991 = arith.constant 1008 : index
      %get3A_1992 = tpu.vector_load %arg20[%get3A_1991] {strides = array<i32>} : memref<1280xi32, #tpu.memory_space<vmem>>, vector<16xi32>,
      %get3A_1993 = vector.shape_cast %get3A_1992 : vector<16xi32> to vector<16xi32>
      %max3A_1994 = arith.maxsi %max3A_1982, %get3A_1993 : vector<16xi32>
      %min3A_1995 = arith.minsi %max3A_1982, %get3A_1993 : vector<16xi32>
      %max3A_1996 = arith.maxsi %max3A_1984, %min3A_1995 : vector<16xi32>
      %min3A_1997 = arith.minsi %max3A_1984, %min3A_1995 : vector<16xi32>
      %max3A_1998 = arith.maxsi %max3A_1986, %min3A_1997 : vector<16xi32>
      %min3A_1999 = arith.minsi %max3A_1986, %min3A_1997 : vector<16xi32>
      %max3A_2000 = arith.maxsi %max3A_1988, %min3A_1999 : vector<16xi32>
      %min3A_2001 = arith.minsi %max3A_1988, %min3A_1999 : vector<16xi32>
      %max3A_2002 = arith.maxsi %max3A_1990, %min3A_2001 : vector<16xi32>
      %get3A_2003 = arith.constant 1024 : index
      %get3A_2004 = tpu.vector_load %arg20[%get3A_2003] {strides = array<i32>} : memref<1280xi32, #tpu.memory_space<vmem>>, vector<16xi32>,
      %get3A_2005 = vector.shape_cast %get3A_2004 : vector<16xi32> to vector<16xi32>
      %max3A_2006 = arith.maxsi %max3A_1994, %get3A_2005 : vector<16xi32>
      %min3A_2007 = arith.minsi %max3A_1994, %get3A_2005 : vector<16xi32>
      %max3A_2008 = arith.maxsi %max3A_1996, %min3A_2007 : vector<16xi32>
      %min3A_2009 = arith.minsi %max3A_1996, %min3A_2007 : vector<16xi32>
      %max3A_2010 = arith.maxsi %max3A_1998, %min3A_2009 : vector<16xi32>
      %min3A_2011 = arith.minsi %max3A_1998, %min3A_2009 : vector<16xi32>
      %max3A_2012 = arith.maxsi %max3A_2000, %min3A_2011 : vector<16xi32>
      %min3A_2013 = arith.minsi %max3A_2000, %min3A_2011 : vector<16xi32>
      %max3A_2014 = arith.maxsi %max3A_2002, %min3A_2013 : vector<16xi32>
      %get3A_2015 = arith.constant 1040 : index
      %get3A_2016 = tpu.vector_load %arg20[%get3A_2015] {strides = array<i32>} : memref<1280xi32, #tpu.memory_space<vmem>>, vector<16xi32>,
      %get3A_2017 = vector.shape_cast %get3A_2016 : vector<16xi32> to vector<16xi32>
      %max3A_2018 = arith.maxsi %max3A_2006, %get3A_2017 : vector<16xi32>
      %min3A_2019 = arith.minsi %max3A_2006, %get3A_2017 : vector<16xi32>
      %max3A_2020 = arith.maxsi %max3A_2008, %min3A_2019 : vector<16xi32>
      %min3A_2021 = arith.minsi %max3A_2008, %min3A_2019 : vector<16xi32>
      %max3A_2022 = arith.maxsi %max3A_2010, %min3A_2021 : vector<16xi32>
      %min3A_2023 = arith.minsi %max3A_2010, %min3A_2021 : vector<16xi32>
      %max3A_2024 = arith.maxsi %max3A_2012, %min3A_2023 : vector<16xi32>
      %min3A_2025 = arith.minsi %max3A_2012, %min3A_2023 : vector<16xi32>
      %max3A_2026 = arith.maxsi %max3A_2014, %min3A_2025 : vector<16xi32>
      %get3A_2027 = arith.constant 1056 : index
      %get3A_2028 = tpu.vector_load %arg20[%get3A_2027] {strides = array<i32>} : memref<1280xi32, #tpu.memory_space<vmem>>, vector<16xi32>,
      %get3A_2029 = vector.shape_cast %get3A_2028 : vector<16xi32> to vector<16xi32>
      %max3A_2030 = arith.maxsi %max3A_2018, %get3A_2029 : vector<16xi32>
      %min3A_2031 = arith.minsi %max3A_2018, %get3A_2029 : vector<16xi32>
      %max3A_2032 = arith.maxsi %max3A_2020, %min3A_2031 : vector<16xi32>
      %min3A_2033 = arith.minsi %max3A_2020, %min3A_2031 : vector<16xi32>
      %max3A_2034 = arith.maxsi %max3A_2022, %min3A_2033 : vector<16xi32>
      %min3A_2035 = arith.minsi %max3A_2022, %min3A_2033 : vector<16xi32>
      %max3A_2036 = arith.maxsi %max3A_2024, %min3A_2035 : vector<16xi32>
      %min3A_2037 = arith.minsi %max3A_2024, %min3A_2035 : vector<16xi32>
      %max3A_2038 = arith.maxsi %max3A_2026, %min3A_2037 : vector<16xi32>
      %get3A_2039 = arith.constant 1072 : index
      %get3A_2040 = tpu.vector_load %arg20[%get3A_2039] {strides = array<i32>} : memref<1280xi32, #tpu.memory_space<vmem>>, vector<16xi32>,
      %get3A_2041 = vector.shape_cast %get3A_2040 : vector<16xi32> to vector<16xi32>
      %max3A_2042 = arith.maxsi %max3A_2030, %get3A_2041 : vector<16xi32>
      %min3A_2043 = arith.minsi %max3A_2030, %get3A_2041 : vector<16xi32>
      %max3A_2044 = arith.maxsi %max3A_2032, %min3A_2043 : vector<16xi32>
      %min3A_2045 = arith.minsi %max3A_2032, %min3A_2043 : vector<16xi32>
      %max3A_2046 = arith.maxsi %max3A_2034, %min3A_2045 : vector<16xi32>
      %min3A_2047 = arith.minsi %max3A_2034, %min3A_2045 : vector<16xi32>
      %max3A_2048 = arith.maxsi %max3A_2036, %min3A_2047 : vector<16xi32>
      %min3A_2049 = arith.minsi %max3A_2036, %min3A_2047 : vector<16xi32>
      %max3A_2050 = arith.maxsi %max3A_2038, %min3A_2049 : vector<16xi32>
      %get3A_2051 = arith.constant 1088 : index
      %get3A_2052 = tpu.vector_load %arg20[%get3A_2051] {strides = array<i32>} : memref<1280xi32, #tpu.memory_space<vmem>>, vector<16xi32>,
      %get3A_2053 = vector.shape_cast %get3A_2052 : vector<16xi32> to vector<16xi32>
      %max3A_2054 = arith.maxsi %max3A_2042, %get3A_2053 : vector<16xi32>
      %min3A_2055 = arith.minsi %max3A_2042, %get3A_2053 : vector<16xi32>
      %max3A_2056 = arith.maxsi %max3A_2044, %min3A_2055 : vector<16xi32>
      %min3A_2057 = arith.minsi %max3A_2044, %min3A_2055 : vector<16xi32>
      %max3A_2058 = arith.maxsi %max3A_2046, %min3A_2057 : vector<16xi32>
      %min3A_2059 = arith.minsi %max3A_2046, %min3A_2057 : vector<16xi32>
      %max3A_2060 = arith.maxsi %max3A_2048, %min3A_2059 : vector<16xi32>
      %min3A_2061 = arith.minsi %max3A_2048, %min3A_2059 : vector<16xi32>
      %max3A_2062 = arith.maxsi %max3A_2050, %min3A_2061 : vector<16xi32>
      %get3A_2063 = arith.constant 1104 : index
      %get3A_2064 = tpu.vector_load %arg20[%get3A_2063] {strides = array<i32>} : memref<1280xi32, #tpu.memory_space<vmem>>, vector<16xi32>,
      %get3A_2065 = vector.shape_cast %get3A_2064 : vector<16xi32> to vector<16xi32>
      %max3A_2066 = arith.maxsi %max3A_2054, %get3A_2065 : vector<16xi32>
      %min3A_2067 = arith.minsi %max3A_2054, %get3A_2065 : vector<16xi32>
      %max3A_2068 = arith.maxsi %max3A_2056, %min3A_2067 : vector<16xi32>
      %min3A_2069 = arith.minsi %max3A_2056, %min3A_2067 : vector<16xi32>
      %max3A_2070 = arith.maxsi %max3A_2058, %min3A_2069 : vector<16xi32>
      %min3A_2071 = arith.minsi %max3A_2058, %min3A_2069 : vector<16xi32>
      %max3A_2072 = arith.maxsi %max3A_2060, %min3A_2071 : vector<16xi32>
      %min3A_2073 = arith.minsi %max3A_2060, %min3A_2071 : vector<16xi32>
      %max3A_2074 = arith.maxsi %max3A_2062, %min3A_2073 : vector<16xi32>
      %get3A_2075 = arith.constant 1120 : index
      %get3A_2076 = tpu.vector_load %arg20[%get3A_2075] {strides = array<i32>} : memref<1280xi32, #tpu.memory_space<vmem>>, vector<16xi32>,
      %get3A_2077 = vector.shape_cast %get3A_2076 : vector<16xi32> to vector<16xi32>
      %max3A_2078 = arith.maxsi %max3A_2066, %get3A_2077 : vector<16xi32>
      %min3A_2079 = arith.minsi %max3A_2066, %get3A_2077 : vector<16xi32>
      %max3A_2080 = arith.maxsi %max3A_2068, %min3A_2079 : vector<16xi32>
      %min3A_2081 = arith.minsi %max3A_2068, %min3A_2079 : vector<16xi32>
      %max3A_2082 = arith.maxsi %max3A_2070, %min3A_2081 : vector<16xi32>
      %min3A_2083 = arith.minsi %max3A_2070, %min3A_2081 : vector<16xi32>
      %max3A_2084 = arith.maxsi %max3A_2072, %min3A_2083 : vector<16xi32>
      %min3A_2085 = arith.minsi %max3A_2072, %min3A_2083 : vector<16xi32>
      %max3A_2086 = arith.maxsi %max3A_2074, %min3A_2085 : vector<16xi32>
      %get3A_2087 = arith.constant 1136 : index
      %get3A_2088 = tpu.vector_load %arg20[%get3A_2087] {strides = array<i32>} : memref<1280xi32, #tpu.memory_space<vmem>>, vector<16xi32>,
      %get3A_2089 = vector.shape_cast %get3A_2088 : vector<16xi32> to vector<16xi32>
      %max3A_2090 = arith.maxsi %max3A_2078, %get3A_2089 : vector<16xi32>
      %min3A_2091 = arith.minsi %max3A_2078, %get3A_2089 : vector<16xi32>
      %max3A_2092 = arith.maxsi %max3A_2080, %min3A_2091 : vector<16xi32>
      %min3A_2093 = arith.minsi %max3A_2080, %min3A_2091 : vector<16xi32>
      %max3A_2094 = arith.maxsi %max3A_2082, %min3A_2093 : vector<16xi32>
      %min3A_2095 = arith.minsi %max3A_2082, %min3A_2093 : vector<16xi32>
      %max3A_2096 = arith.maxsi %max3A_2084, %min3A_2095 : vector<16xi32>
      %min3A_2097 = arith.minsi %max3A_2084, %min3A_2095 : vector<16xi32>
      %max3A_2098 = arith.maxsi %max3A_2086, %min3A_2097 : vector<16xi32>
      %get3A_2099 = arith.constant 1152 : index
      %get3A_2100 = tpu.vector_load %arg20[%get3A_2099] {strides = array<i32>} : memref<1280xi32, #tpu.memory_space<vmem>>, vector<16xi32>,
      %get3A_2101 = vector.shape_cast %get3A_2100 : vector<16xi32> to vector<16xi32>
      %max3A_2102 = arith.maxsi %max3A_2090, %get3A_2101 : vector<16xi32>
      %min3A_2103 = arith.minsi %max3A_2090, %get3A_2101 : vector<16xi32>
      %max3A_2104 = arith.maxsi %max3A_2092, %min3A_2103 : vector<16xi32>
      %min3A_2105 = arith.minsi %max3A_2092, %min3A_2103 : vector<16xi32>
      %max3A_2106 = arith.maxsi %max3A_2094, %min3A_2105 : vector<16xi32>
      %min3A_2107 = arith.minsi %max3A_2094, %min3A_2105 : vector<16xi32>
      %max3A_2108 = arith.maxsi %max3A_2096, %min3A_2107 : vector<16xi32>
      %min3A_2109 = arith.minsi %max3A_2096, %min3A_2107 : vector<16xi32>
      %max3A_2110 = arith.maxsi %max3A_2098, %min3A_2109 : vector<16xi32>
      %get3A_2111 = arith.constant 1168 : index
      %get3A_2112 = tpu.vector_load %arg20[%get3A_2111] {strides = array<i32>} : memref<1280xi32, #tpu.memory_space<vmem>>, vector<16xi32>,
      %get3A_2113 = vector.shape_cast %get3A_2112 : vector<16xi32> to vector<16xi32>
      %max3A_2114 = arith.maxsi %max3A_2102, %get3A_2113 : vector<16xi32>
      %min3A_2115 = arith.minsi %max3A_2102, %get3A_2113 : vector<16xi32>
      %max3A_2116 = arith.maxsi %max3A_2104, %min3A_2115 : vector<16xi32>
      %min3A_2117 = arith.minsi %max3A_2104, %min3A_2115 : vector<16xi32>
      %max3A_2118 = arith.maxsi %max3A_2106, %min3A_2117 : vector<16xi32>
      %min3A_2119 = arith.minsi %max3A_2106, %min3A_2117 : vector<16xi32>
      %max3A_2120 = arith.maxsi %max3A_2108, %min3A_2119 : vector<16xi32>
      %min3A_2121 = arith.minsi %max3A_2108, %min3A_2119 : vector<16xi32>
      %max3A_2122 = arith.maxsi %max3A_2110, %min3A_2121 : vector<16xi32>
      %get3A_2123 = arith.constant 1184 : index
      %get3A_2124 = tpu.vector_load %arg20[%get3A_2123] {strides = array<i32>} : memref<1280xi32, #tpu.memory_space<vmem>>, vector<16xi32>,
      %get3A_2125 = vector.shape_cast %get3A_2124 : vector<16xi32> to vector<16xi32>
      %max3A_2126 = arith.maxsi %max3A_2114, %get3A_2125 : vector<16xi32>
      %min3A_2127 = arith.minsi %max3A_2114, %get3A_2125 : vector<16xi32>
      %max3A_2128 = arith.maxsi %max3A_2116, %min3A_2127 : vector<16xi32>
      %min3A_2129 = arith.minsi %max3A_2116, %min3A_2127 : vector<16xi32>
      %max3A_2130 = arith.maxsi %max3A_2118, %min3A_2129 : vector<16xi32>
      %min3A_2131 = arith.minsi %max3A_2118, %min3A_2129 : vector<16xi32>
      %max3A_2132 = arith.maxsi %max3A_2120, %min3A_2131 : vector<16xi32>
      %min3A_2133 = arith.minsi %max3A_2120, %min3A_2131 : vector<16xi32>
      %max3A_2134 = arith.maxsi %max3A_2122, %min3A_2133 : vector<16xi32>
      %get3A_2135 = arith.constant 1200 : index
      %get3A_2136 = tpu.vector_load %arg20[%get3A_2135] {strides = array<i32>} : memref<1280xi32, #tpu.memory_space<vmem>>, vector<16xi32>,
      %get3A_2137 = vector.shape_cast %get3A_2136 : vector<16xi32> to vector<16xi32>
      %max3A_2138 = arith.maxsi %max3A_2126, %get3A_2137 : vector<16xi32>
      %min3A_2139 = arith.minsi %max3A_2126, %get3A_2137 : vector<16xi32>
      %max3A_2140 = arith.maxsi %max3A_2128, %min3A_2139 : vector<16xi32>
      %min3A_2141 = arith.minsi %max3A_2128, %min3A_2139 : vector<16xi32>
      %max3A_2142 = arith.maxsi %max3A_2130, %min3A_2141 : vector<16xi32>
      %min3A_2143 = arith.minsi %max3A_2130, %min3A_2141 : vector<16xi32>
      %max3A_2144 = arith.maxsi %max3A_2132, %min3A_2143 : vector<16xi32>
      %min3A_2145 = arith.minsi %max3A_2132, %min3A_2143 : vector<16xi32>
      %max3A_2146 = arith.maxsi %max3A_2134, %min3A_2145 : vector<16xi32>
      %get3A_2147 = arith.constant 1216 : index
      %get3A_2148 = tpu.vector_load %arg20[%get3A_2147] {strides = array<i32>} : memref<1280xi32, #tpu.memory_space<vmem>>, vector<16xi32>,
      %get3A_2149 = vector.shape_cast %get3A_2148 : vector<16xi32> to vector<16xi32>
      %max3A_2150 = arith.maxsi %max3A_2138, %get3A_2149 : vector<16xi32>
      %min3A_2151 = arith.minsi %max3A_2138, %get3A_2149 : vector<16xi32>
      %max3A_2152 = arith.maxsi %max3A_2140, %min3A_2151 : vector<16xi32>
      %min3A_2153 = arith.minsi %max3A_2140, %min3A_2151 : vector<16xi32>
      %max3A_2154 = arith.maxsi %max3A_2142, %min3A_2153 : vector<16xi32>
      %min3A_2155 = arith.minsi %max3A_2142, %min3A_2153 : vector<16xi32>
      %max3A_2156 = arith.maxsi %max3A_2144, %min3A_2155 : vector<16xi32>
      %min3A_2157 = arith.minsi %max3A_2144, %min3A_2155 : vector<16xi32>
      %max3A_2158 = arith.maxsi %max3A_2146, %min3A_2157 : vector<16xi32>
      %get3A_2159 = arith.constant 1232 : index
      %get3A_2160 = tpu.vector_load %arg20[%get3A_2159] {strides = array<i32>} : memref<1280xi32, #tpu.memory_space<vmem>>, vector<16xi32>,
      %get3A_2161 = vector.shape_cast %get3A_2160 : vector<16xi32> to vector<16xi32>
      %max3A_2162 = arith.maxsi %max3A_2150, %get3A_2161 : vector<16xi32>
      %min3A_2163 = arith.minsi %max3A_2150, %get3A_2161 : vector<16xi32>
      %max3A_2164 = arith.maxsi %max3A_2152, %min3A_2163 : vector<16xi32>
      %min3A_2165 = arith.minsi %max3A_2152, %min3A_2163 : vector<16xi32>
      %max3A_2166 = arith.maxsi %max3A_2154, %min3A_2165 : vector<16xi32>
      %min3A_2167 = arith.minsi %max3A_2154, %min3A_2165 : vector<16xi32>
      %max3A_2168 = arith.maxsi %max3A_2156, %min3A_2167 : vector<16xi32>
      %min3A_2169 = arith.minsi %max3A_2156, %min3A_2167 : vector<16xi32>
      %max3A_2170 = arith.maxsi %max3A_2158, %min3A_2169 : vector<16xi32>
      %get3A_2171 = arith.constant 1248 : index
      %get3A_2172 = tpu.vector_load %arg20[%get3A_2171] {strides = array<i32>} : memref<1280xi32, #tpu.memory_space<vmem>>, vector<16xi32>,
      %get3A_2173 = vector.shape_cast %get3A_2172 : vector<16xi32> to vector<16xi32>
      %max3A_2174 = arith.maxsi %max3A_2162, %get3A_2173 : vector<16xi32>
      %min3A_2175 = arith.minsi %max3A_2162, %get3A_2173 : vector<16xi32>
      %max3A_2176 = arith.maxsi %max3A_2164, %min3A_2175 : vector<16xi32>
      %min3A_2177 = arith.minsi %max3A_2164, %min3A_2175 : vector<16xi32>
      %max3A_2178 = arith.maxsi %max3A_2166, %min3A_2177 : vector<16xi32>
      %min3A_2179 = arith.minsi %max3A_2166, %min3A_2177 : vector<16xi32>
      %max3A_2180 = arith.maxsi %max3A_2168, %min3A_2179 : vector<16xi32>
      %min3A_2181 = arith.minsi %max3A_2168, %min3A_2179 : vector<16xi32>
      %max3A_2182 = arith.maxsi %max3A_2170, %min3A_2181 : vector<16xi32>
      %get3A_2183 = arith.constant 1264 : index
      %get3A_2184 = tpu.vector_load %arg20[%get3A_2183] {strides = array<i32>} : memref<1280xi32, #tpu.memory_space<vmem>>, vector<16xi32>,
      %get3A_2185 = vector.shape_cast %get3A_2184 : vector<16xi32> to vector<16xi32>
      %max3A_2186 = arith.maxsi %max3A_2174, %get3A_2185 : vector<16xi32>
      %min3A_2187 = arith.minsi %max3A_2174, %get3A_2185 : vector<16xi32>
      %max3A_2188 = arith.maxsi %max3A_2176, %min3A_2187 : vector<16xi32>
      %min3A_2189 = arith.minsi %max3A_2176, %min3A_2187 : vector<16xi32>
      %max3A_2190 = arith.maxsi %max3A_2178, %min3A_2189 : vector<16xi32>
      %min3A_2191 = arith.minsi %max3A_2178, %min3A_2189 : vector<16xi32>
      %max3A_2192 = arith.maxsi %max3A_2180, %min3A_2191 : vector<16xi32>
      %min3A_2193 = arith.minsi %max3A_2180, %min3A_2191 : vector<16xi32>
      %max3A_2194 = arith.maxsi %max3A_2182, %min3A_2193 : vector<16xi32>
      %add3A_2195 = arith.constant 102384 : i32
      %add3A_2196 = vector.broadcast %add3A_2195 : i32 to vector<16xi32>
      %add3A_2197 = arith.addi %add3A_2196, %iota3A : vector<16xi32>
      %xor3A_2198 = arith.constant 8 : i32
      %xor3A_2199 = vector.broadcast %xor3A_2198 : i32 to vector<16xi32>
      %xor3A_2200 = arith.xori %iota3A, %xor3A_2199 : vector<16xi32>
      %lt3A_2201 = arith.constant 0 : i32
      %lt3A_2202 = vector.broadcast %lt3A_2201 : i32 to vector<16xi32>
      %lt3A_2203 = arith.cmpi slt, %xor3A_2200, %lt3A_2202 : vector<16xi32>
      %add3A_2204 = arith.constant 16 : i32
      %add3A_2205 = vector.broadcast %add3A_2204 : i32 to vector<16xi32>
      %add3A_2206 = arith.addi %xor3A_2200, %add3A_2205 : vector<16xi32>
      %select_n3A_2207 = arith.select %lt3A_2203, %add3A_2206, %xor3A_2200 : vector<16xi1>, vector<16xi32>
      %broadcast_in_dim3A_2208 = vector.shape_cast %select_n3A_2207 : vector<16xi32> to vector<16x1xi32>
      %gather3A_2209 = vector.shape_cast %broadcast_in_dim3A_2208 : vector<16x1xi32> to vector<16xi32>
      %gather3A_2210 = tpu.dynamic_gather %max3A_2186[%gather3A_2209] in [0] : vector<16xi32>, vector<16xi32> -> vector<16xi32>
      %max3A_2211 = arith.maxsi %max3A_2186, %gather3A_2210 : vector<16xi32>
      %xor3A_2212 = arith.constant 4 : i32
      %xor3A_2213 = vector.broadcast %xor3A_2212 : i32 to vector<16xi32>
      %xor3A_2214 = arith.xori %iota3A, %xor3A_2213 : vector<16xi32>
      %lt3A_2215 = arith.constant 0 : i32
      %lt3A_2216 = vector.broadcast %lt3A_2215 : i32 to vector<16xi32>
      %lt3A_2217 = arith.cmpi slt, %xor3A_2214, %lt3A_2216 : vector<16xi32>
      %add3A_2218 = arith.constant 16 : i32
      %add3A_2219 = vector.broadcast %add3A_2218 : i32 to vector<16xi32>
      %add3A_2220 = arith.addi %xor3A_2214, %add3A_2219 : vector<16xi32>
      %select_n3A_2221 = arith.select %lt3A_2217, %add3A_2220, %xor3A_2214 : vector<16xi1>, vector<16xi32>
      %broadcast_in_dim3A_2222 = vector.shape_cast %select_n3A_2221 : vector<16xi32> to vector<16x1xi32>
      %gather3A_2223 = vector.shape_cast %broadcast_in_dim3A_2222 : vector<16x1xi32> to vector<16xi32>
      %gather3A_2224 = tpu.dynamic_gather %max3A_2211[%gather3A_2223] in [0] : vector<16xi32>, vector<16xi32> -> vector<16xi32>
      %max3A_2225 = arith.maxsi %max3A_2211, %gather3A_2224 : vector<16xi32>
      %xor3A_2226 = arith.constant 2 : i32
      %xor3A_2227 = vector.broadcast %xor3A_2226 : i32 to vector<16xi32>
      %xor3A_2228 = arith.xori %iota3A, %xor3A_2227 : vector<16xi32>
      %lt3A_2229 = arith.constant 0 : i32
      %lt3A_2230 = vector.broadcast %lt3A_2229 : i32 to vector<16xi32>
      %lt3A_2231 = arith.cmpi slt, %xor3A_2228, %lt3A_2230 : vector<16xi32>
      %add3A_2232 = arith.constant 16 : i32
      %add3A_2233 = vector.broadcast %add3A_2232 : i32 to vector<16xi32>
      %add3A_2234 = arith.addi %xor3A_2228, %add3A_2233 : vector<16xi32>
      %select_n3A_2235 = arith.select %lt3A_2231, %add3A_2234, %xor3A_2228 : vector<16xi1>, vector<16xi32>
      %broadcast_in_dim3A_2236 = vector.shape_cast %select_n3A_2235 : vector<16xi32> to vector<16x1xi32>
      %gather3A_2237 = vector.shape_cast %broadcast_in_dim3A_2236 : vector<16x1xi32> to vector<16xi32>
      %gather3A_2238 = tpu.dynamic_gather %max3A_2225[%gather3A_2237] in [0] : vector<16xi32>, vector<16xi32> -> vector<16xi32>
      %max3A_2239 = arith.maxsi %max3A_2225, %gather3A_2238 : vector<16xi32>
      %xor3A_2240 = arith.constant 1 : i32
      %xor3A_2241 = vector.broadcast %xor3A_2240 : i32 to vector<16xi32>
      %xor3A_2242 = arith.xori %iota3A, %xor3A_2241 : vector<16xi32>
      %lt3A_2243 = arith.constant 0 : i32
      %lt3A_2244 = vector.broadcast %lt3A_2243 : i32 to vector<16xi32>
      %lt3A_2245 = arith.cmpi slt, %xor3A_2242, %lt3A_2244 : vector<16xi32>
      %add3A_2246 = arith.constant 16 : i32
      %add3A_2247 = vector.broadcast %add3A_2246 : i32 to vector<16xi32>
      %add3A_2248 = arith.addi %xor3A_2242, %add3A_2247 : vector<16xi32>
      %select_n3A_2249 = arith.select %lt3A_2245, %add3A_2248, %xor3A_2242 : vector<16xi1>, vector<16xi32>
      %broadcast_in_dim3A_2250 = vector.shape_cast %select_n3A_2249 : vector<16xi32> to vector<16x1xi32>
      %gather3A_2251 = vector.shape_cast %broadcast_in_dim3A_2250 : vector<16x1xi32> to vector<16xi32>
      %gather3A_2252 = tpu.dynamic_gather %max3A_2239[%gather3A_2251] in [0] : vector<16xi32>, vector<16xi32> -> vector<16xi32>
      %max3A_2253 = arith.maxsi %max3A_2239, %gather3A_2252 : vector<16xi32>
      %ge3A = arith.constant 131072 : i32
      %ge3A_2254 = vector.broadcast %ge3A : i32 to vector<16xi32>
      %ge3A_2255 = arith.cmpi sge, %max3A_2253, %ge3A_2254 : vector<16xi32>
      %and3A_2256 = arith.constant 131071 : i32
      %and3A_2257 = vector.broadcast %and3A_2256 : i32 to vector<16xi32>
      %and3A_2258 = arith.andi %max3A_2253, %and3A_2257 : vector<16xi32>
      %sub3A_2259 = arith.constant 131071 : i32
      %sub3A_2260 = vector.broadcast %sub3A_2259 : i32 to vector<16xi32>
      %sub3A_2261 = arith.subi %sub3A_2260, %and3A_2258 : vector<16xi32>
      %eq3A_2262 = arith.constant 0 : i32
      %eq3A_2263 = vector.broadcast %eq3A_2262 : i32 to vector<16xi32>
      %eq3A_2264 = arith.cmpi eq, %iota3A, %eq3A_2263 : vector<16xi32>
      %and3A_2265 = arith.andi %eq3A_2264, %ge3A_2255 : vector<16xi1>
      %select_n3A_2266 = arith.select %and3A_2265, %sub3A_2261, %add3A_2197 : vector<16xi1>, vector<16xi32>
      %lt3A_2267 = arith.cmpi slt, %max3A_2186, %max3A_2253 : vector<16xi32>
      %jit3A_2268 = arith.constant 0 : i32
      %broadcast_in_dim3A_2269 = vector.broadcast %jit3A_2268 : i32 to vector<16xi32>
      %select_n3A_2270 = arith.select %lt3A_2267, %max3A_2186, %broadcast_in_dim3A_2269 : vector<16xi1>, vector<16xi32>
      %max3A_2271 = arith.maxsi %broadcast_in_dim3A_3, %select_n3A_2270 : vector<16xi32>
      %lt3A_2272 = arith.cmpi slt, %max3A_2188, %max3A_2253 : vector<16xi32>
      %jit3A_2273 = arith.constant 0 : i32
      %broadcast_in_dim3A_2274 = vector.broadcast %jit3A_2273 : i32 to vector<16xi32>
      %select_n3A_2275 = arith.select %lt3A_2272, %max3A_2188, %broadcast_in_dim3A_2274 : vector<16xi1>, vector<16xi32>
      %max3A_2276 = arith.maxsi %max3A_2271, %select_n3A_2275 : vector<16xi32>
      %lt3A_2277 = arith.cmpi slt, %max3A_2190, %max3A_2253 : vector<16xi32>
      %jit3A_2278 = arith.constant 0 : i32
      %broadcast_in_dim3A_2279 = vector.broadcast %jit3A_2278 : i32 to vector<16xi32>
      %select_n3A_2280 = arith.select %lt3A_2277, %max3A_2190, %broadcast_in_dim3A_2279 : vector<16xi1>, vector<16xi32>
      %max3A_2281 = arith.maxsi %max3A_2276, %select_n3A_2280 : vector<16xi32>
      %lt3A_2282 = arith.cmpi slt, %max3A_2192, %max3A_2253 : vector<16xi32>
      %jit3A_2283 = arith.constant 0 : i32
      %broadcast_in_dim3A_2284 = vector.broadcast %jit3A_2283 : i32 to vector<16xi32>
      %select_n3A_2285 = arith.select %lt3A_2282, %max3A_2192, %broadcast_in_dim3A_2284 : vector<16xi1>, vector<16xi32>
      %max3A_2286 = arith.maxsi %max3A_2281, %select_n3A_2285 : vector<16xi32>
      %lt3A_2287 = arith.cmpi slt, %max3A_2194, %max3A_2253 : vector<16xi32>
      %jit3A_2288 = arith.constant 0 : i32
      %broadcast_in_dim3A_2289 = vector.broadcast %jit3A_2288 : i32 to vector<16xi32>
      %select_n3A_2290 = arith.select %lt3A_2287, %max3A_2194, %broadcast_in_dim3A_2289 : vector<16xi1>, vector<16xi32>
      %max3A_2291 = arith.maxsi %max3A_2286, %select_n3A_2290 : vector<16xi32>
      %xor3A_2292 = arith.constant 8 : i32
      %xor3A_2293 = vector.broadcast %xor3A_2292 : i32 to vector<16xi32>
      %xor3A_2294 = arith.xori %iota3A, %xor3A_2293 : vector<16xi32>
      %lt3A_2295 = arith.constant 0 : i32
      %lt3A_2296 = vector.broadcast %lt3A_2295 : i32 to vector<16xi32>
      %lt3A_2297 = arith.cmpi slt, %xor3A_2294, %lt3A_2296 : vector<16xi32>
      %add3A_2298 = arith.constant 16 : i32
      %add3A_2299 = vector.broadcast %add3A_2298 : i32 to vector<16xi32>
      %add3A_2300 = arith.addi %xor3A_2294, %add3A_2299 : vector<16xi32>
      %select_n3A_2301 = arith.select %lt3A_2297, %add3A_2300, %xor3A_2294 : vector<16xi1>, vector<16xi32>
      %broadcast_in_dim3A_2302 = vector.shape_cast %select_n3A_2301 : vector<16xi32> to vector<16x1xi32>
      %gather3A_2303 = vector.shape_cast %broadcast_in_dim3A_2302 : vector<16x1xi32> to vector<16xi32>
      %gather3A_2304 = tpu.dynamic_gather %max3A_2291[%gather3A_2303] in [0] : vector<16xi32>, vector<16xi32> -> vector<16xi32>
      %max3A_2305 = arith.maxsi %max3A_2291, %gather3A_2304 : vector<16xi32>
      %xor3A_2306 = arith.constant 4 : i32
      %xor3A_2307 = vector.broadcast %xor3A_2306 : i32 to vector<16xi32>
      %xor3A_2308 = arith.xori %iota3A, %xor3A_2307 : vector<16xi32>
      %lt3A_2309 = arith.constant 0 : i32
      %lt3A_2310 = vector.broadcast %lt3A_2309 : i32 to vector<16xi32>
      %lt3A_2311 = arith.cmpi slt, %xor3A_2308, %lt3A_2310 : vector<16xi32>
      %add3A_2312 = arith.constant 16 : i32
      %add3A_2313 = vector.broadcast %add3A_2312 : i32 to vector<16xi32>
      %add3A_2314 = arith.addi %xor3A_2308, %add3A_2313 : vector<16xi32>
      %select_n3A_2315 = arith.select %lt3A_2311, %add3A_2314, %xor3A_2308 : vector<16xi1>, vector<16xi32>
      %broadcast_in_dim3A_2316 = vector.shape_cast %select_n3A_2315 : vector<16xi32> to vector<16x1xi32>
      %gather3A_2317 = vector.shape_cast %broadcast_in_dim3A_2316 : vector<16x1xi32> to vector<16xi32>
      %gather3A_2318 = tpu.dynamic_gather %max3A_2305[%gather3A_2317] in [0] : vector<16xi32>, vector<16xi32> -> vector<16xi32>
      %max3A_2319 = arith.maxsi %max3A_2305, %gather3A_2318 : vector<16xi32>
      %xor3A_2320 = arith.constant 2 : i32
      %xor3A_2321 = vector.broadcast %xor3A_2320 : i32 to vector<16xi32>
      %xor3A_2322 = arith.xori %iota3A, %xor3A_2321 : vector<16xi32>
      %lt3A_2323 = arith.constant 0 : i32
      %lt3A_2324 = vector.broadcast %lt3A_2323 : i32 to vector<16xi32>
      %lt3A_2325 = arith.cmpi slt, %xor3A_2322, %lt3A_2324 : vector<16xi32>
      %add3A_2326 = arith.constant 16 : i32
      %add3A_2327 = vector.broadcast %add3A_2326 : i32 to vector<16xi32>
      %add3A_2328 = arith.addi %xor3A_2322, %add3A_2327 : vector<16xi32>
      %select_n3A_2329 = arith.select %lt3A_2325, %add3A_2328, %xor3A_2322 : vector<16xi1>, vector<16xi32>
      %broadcast_in_dim3A_2330 = vector.shape_cast %select_n3A_2329 : vector<16xi32> to vector<16x1xi32>
      %gather3A_2331 = vector.shape_cast %broadcast_in_dim3A_2330 : vector<16x1xi32> to vector<16xi32>
      %gather3A_2332 = tpu.dynamic_gather %max3A_2319[%gather3A_2331] in [0] : vector<16xi32>, vector<16xi32> -> vector<16xi32>
      %max3A_2333 = arith.maxsi %max3A_2319, %gather3A_2332 : vector<16xi32>
      %xor3A_2334 = arith.constant 1 : i32
      %xor3A_2335 = vector.broadcast %xor3A_2334 : i32 to vector<16xi32>
      %xor3A_2336 = arith.xori %iota3A, %xor3A_2335 : vector<16xi32>
      %lt3A_2337 = arith.constant 0 : i32
      %lt3A_2338 = vector.broadcast %lt3A_2337 : i32 to vector<16xi32>
      %lt3A_2339 = arith.cmpi slt, %xor3A_2336, %lt3A_2338 : vector<16xi32>
      %add3A_2340 = arith.constant 16 : i32
      %add3A_2341 = vector.broadcast %add3A_2340 : i32 to vector<16xi32>
      %add3A_2342 = arith.addi %xor3A_2336, %add3A_2341 : vector<16xi32>
      %select_n3A_2343 = arith.select %lt3A_2339, %add3A_2342, %xor3A_2336 : vector<16xi1>, vector<16xi32>
      %broadcast_in_dim3A_2344 = vector.shape_cast %select_n3A_2343 : vector<16xi32> to vector<16x1xi32>
      %gather3A_2345 = vector.shape_cast %broadcast_in_dim3A_2344 : vector<16x1xi32> to vector<16xi32>
      %gather3A_2346 = tpu.dynamic_gather %max3A_2333[%gather3A_2345] in [0] : vector<16xi32>, vector<16xi32> -> vector<16xi32>
      %max3A_2347 = arith.maxsi %max3A_2333, %gather3A_2346 : vector<16xi32>
      %ge3A_2348 = arith.constant 131072 : i32
      %ge3A_2349 = vector.broadcast %ge3A_2348 : i32 to vector<16xi32>
      %ge3A_2350 = arith.cmpi sge, %max3A_2347, %ge3A_2349 : vector<16xi32>
      %and3A_2351 = arith.constant 131071 : i32
      %and3A_2352 = vector.broadcast %and3A_2351 : i32 to vector<16xi32>
      %and3A_2353 = arith.andi %max3A_2347, %and3A_2352 : vector<16xi32>
      %sub3A_2354 = arith.constant 131071 : i32
      %sub3A_2355 = vector.broadcast %sub3A_2354 : i32 to vector<16xi32>
      %sub3A_2356 = arith.subi %sub3A_2355, %and3A_2353 : vector<16xi32>
      %eq3A_2357 = arith.constant 1 : i32
      %eq3A_2358 = vector.broadcast %eq3A_2357 : i32 to vector<16xi32>
      %eq3A_2359 = arith.cmpi eq, %iota3A, %eq3A_2358 : vector<16xi32>
      %and3A_2360 = arith.andi %eq3A_2359, %ge3A_2350 : vector<16xi1>
      %select_n3A_2361 = arith.select %and3A_2360, %sub3A_2356, %select_n3A_2266 : vector<16xi1>, vector<16xi32>
      %lt3A_2362 = arith.cmpi slt, %max3A_2186, %max3A_2347 : vector<16xi32>
      %jit3A_2363 = arith.constant 0 : i32
      %broadcast_in_dim3A_2364 = vector.broadcast %jit3A_2363 : i32 to vector<16xi32>
      %select_n3A_2365 = arith.select %lt3A_2362, %max3A_2186, %broadcast_in_dim3A_2364 : vector<16xi1>, vector<16xi32>
      %max3A_2366 = arith.maxsi %broadcast_in_dim3A_3, %select_n3A_2365 : vector<16xi32>
      %lt3A_2367 = arith.cmpi slt, %max3A_2188, %max3A_2347 : vector<16xi32>
      %jit3A_2368 = arith.constant 0 : i32
      %broadcast_in_dim3A_2369 = vector.broadcast %jit3A_2368 : i32 to vector<16xi32>
      %select_n3A_2370 = arith.select %lt3A_2367, %max3A_2188, %broadcast_in_dim3A_2369 : vector<16xi1>, vector<16xi32>
      %max3A_2371 = arith.maxsi %max3A_2366, %select_n3A_2370 : vector<16xi32>
      %lt3A_2372 = arith.cmpi slt, %max3A_2190, %max3A_2347 : vector<16xi32>
      %jit3A_2373 = arith.constant 0 : i32
      %broadcast_in_dim3A_2374 = vector.broadcast %jit3A_2373 : i32 to vector<16xi32>
      %select_n3A_2375 = arith.select %lt3A_2372, %max3A_2190, %broadcast_in_dim3A_2374 : vector<16xi1>, vector<16xi32>
      %max3A_2376 = arith.maxsi %max3A_2371, %select_n3A_2375 : vector<16xi32>
      %lt3A_2377 = arith.cmpi slt, %max3A_2192, %max3A_2347 : vector<16xi32>
      %jit3A_2378 = arith.constant 0 : i32
      %broadcast_in_dim3A_2379 = vector.broadcast %jit3A_2378 : i32 to vector<16xi32>
      %select_n3A_2380 = arith.select %lt3A_2377, %max3A_2192, %broadcast_in_dim3A_2379 : vector<16xi1>, vector<16xi32>
      %max3A_2381 = arith.maxsi %max3A_2376, %select_n3A_2380 : vector<16xi32>
      %lt3A_2382 = arith.cmpi slt, %max3A_2194, %max3A_2347 : vector<16xi32>
      %jit3A_2383 = arith.constant 0 : i32
      %broadcast_in_dim3A_2384 = vector.broadcast %jit3A_2383 : i32 to vector<16xi32>
      %select_n3A_2385 = arith.select %lt3A_2382, %max3A_2194, %broadcast_in_dim3A_2384 : vector<16xi1>, vector<16xi32>
      %max3A_2386 = arith.maxsi %max3A_2381, %select_n3A_2385 : vector<16xi32>
      %xor3A_2387 = arith.constant 8 : i32
      %xor3A_2388 = vector.broadcast %xor3A_2387 : i32 to vector<16xi32>
      %xor3A_2389 = arith.xori %iota3A, %xor3A_2388 : vector<16xi32>
      %lt3A_2390 = arith.constant 0 : i32
      %lt3A_2391 = vector.broadcast %lt3A_2390 : i32 to vector<16xi32>
      %lt3A_2392 = arith.cmpi slt, %xor3A_2389, %lt3A_2391 : vector<16xi32>
      %add3A_2393 = arith.constant 16 : i32
      %add3A_2394 = vector.broadcast %add3A_2393 : i32 to vector<16xi32>
      %add3A_2395 = arith.addi %xor3A_2389, %add3A_2394 : vector<16xi32>
      %select_n3A_2396 = arith.select %lt3A_2392, %add3A_2395, %xor3A_2389 : vector<16xi1>, vector<16xi32>
      %broadcast_in_dim3A_2397 = vector.shape_cast %select_n3A_2396 : vector<16xi32> to vector<16x1xi32>
      %gather3A_2398 = vector.shape_cast %broadcast_in_dim3A_2397 : vector<16x1xi32> to vector<16xi32>
      %gather3A_2399 = tpu.dynamic_gather %max3A_2386[%gather3A_2398] in [0] : vector<16xi32>, vector<16xi32> -> vector<16xi32>
      %max3A_2400 = arith.maxsi %max3A_2386, %gather3A_2399 : vector<16xi32>
      %xor3A_2401 = arith.constant 4 : i32
      %xor3A_2402 = vector.broadcast %xor3A_2401 : i32 to vector<16xi32>
      %xor3A_2403 = arith.xori %iota3A, %xor3A_2402 : vector<16xi32>
      %lt3A_2404 = arith.constant 0 : i32
      %lt3A_2405 = vector.broadcast %lt3A_2404 : i32 to vector<16xi32>
      %lt3A_2406 = arith.cmpi slt, %xor3A_2403, %lt3A_2405 : vector<16xi32>
      %add3A_2407 = arith.constant 16 : i32
      %add3A_2408 = vector.broadcast %add3A_2407 : i32 to vector<16xi32>
      %add3A_2409 = arith.addi %xor3A_2403, %add3A_2408 : vector<16xi32>
      %select_n3A_2410 = arith.select %lt3A_2406, %add3A_2409, %xor3A_2403 : vector<16xi1>, vector<16xi32>
      %broadcast_in_dim3A_2411 = vector.shape_cast %select_n3A_2410 : vector<16xi32> to vector<16x1xi32>
      %gather3A_2412 = vector.shape_cast %broadcast_in_dim3A_2411 : vector<16x1xi32> to vector<16xi32>
      %gather3A_2413 = tpu.dynamic_gather %max3A_2400[%gather3A_2412] in [0] : vector<16xi32>, vector<16xi32> -> vector<16xi32>
      %max3A_2414 = arith.maxsi %max3A_2400, %gather3A_2413 : vector<16xi32>
      %xor3A_2415 = arith.constant 2 : i32
      %xor3A_2416 = vector.broadcast %xor3A_2415 : i32 to vector<16xi32>
      %xor3A_2417 = arith.xori %iota3A, %xor3A_2416 : vector<16xi32>
      %lt3A_2418 = arith.constant 0 : i32
      %lt3A_2419 = vector.broadcast %lt3A_2418 : i32 to vector<16xi32>
      %lt3A_2420 = arith.cmpi slt, %xor3A_2417, %lt3A_2419 : vector<16xi32>
      %add3A_2421 = arith.constant 16 : i32
      %add3A_2422 = vector.broadcast %add3A_2421 : i32 to vector<16xi32>
      %add3A_2423 = arith.addi %xor3A_2417, %add3A_2422 : vector<16xi32>
      %select_n3A_2424 = arith.select %lt3A_2420, %add3A_2423, %xor3A_2417 : vector<16xi1>, vector<16xi32>
      %broadcast_in_dim3A_2425 = vector.shape_cast %select_n3A_2424 : vector<16xi32> to vector<16x1xi32>
      %gather3A_2426 = vector.shape_cast %broadcast_in_dim3A_2425 : vector<16x1xi32> to vector<16xi32>
      %gather3A_2427 = tpu.dynamic_gather %max3A_2414[%gather3A_2426] in [0] : vector<16xi32>, vector<16xi32> -> vector<16xi32>
      %max3A_2428 = arith.maxsi %max3A_2414, %gather3A_2427 : vector<16xi32>
      %xor3A_2429 = arith.constant 1 : i32
      %xor3A_2430 = vector.broadcast %xor3A_2429 : i32 to vector<16xi32>
      %xor3A_2431 = arith.xori %iota3A, %xor3A_2430 : vector<16xi32>
      %lt3A_2432 = arith.constant 0 : i32
      %lt3A_2433 = vector.broadcast %lt3A_2432 : i32 to vector<16xi32>
      %lt3A_2434 = arith.cmpi slt, %xor3A_2431, %lt3A_2433 : vector<16xi32>
      %add3A_2435 = arith.constant 16 : i32
      %add3A_2436 = vector.broadcast %add3A_2435 : i32 to vector<16xi32>
      %add3A_2437 = arith.addi %xor3A_2431, %add3A_2436 : vector<16xi32>
      %select_n3A_2438 = arith.select %lt3A_2434, %add3A_2437, %xor3A_2431 : vector<16xi1>, vector<16xi32>
      %broadcast_in_dim3A_2439 = vector.shape_cast %select_n3A_2438 : vector<16xi32> to vector<16x1xi32>
      %gather3A_2440 = vector.shape_cast %broadcast_in_dim3A_2439 : vector<16x1xi32> to vector<16xi32>
      %gather3A_2441 = tpu.dynamic_gather %max3A_2428[%gather3A_2440] in [0] : vector<16xi32>, vector<16xi32> -> vector<16xi32>
      %max3A_2442 = arith.maxsi %max3A_2428, %gather3A_2441 : vector<16xi32>
      %ge3A_2443 = arith.constant 131072 : i32
      %ge3A_2444 = vector.broadcast %ge3A_2443 : i32 to vector<16xi32>
      %ge3A_2445 = arith.cmpi sge, %max3A_2442, %ge3A_2444 : vector<16xi32>
      %and3A_2446 = arith.constant 131071 : i32
      %and3A_2447 = vector.broadcast %and3A_2446 : i32 to vector<16xi32>
      %and3A_2448 = arith.andi %max3A_2442, %and3A_2447 : vector<16xi32>
      %sub3A_2449 = arith.constant 131071 : i32
      %sub3A_2450 = vector.broadcast %sub3A_2449 : i32 to vector<16xi32>
      %sub3A_2451 = arith.subi %sub3A_2450, %and3A_2448 : vector<16xi32>
      %eq3A_2452 = arith.constant 2 : i32
      %eq3A_2453 = vector.broadcast %eq3A_2452 : i32 to vector<16xi32>
      %eq3A_2454 = arith.cmpi eq, %iota3A, %eq3A_2453 : vector<16xi32>
      %and3A_2455 = arith.andi %eq3A_2454, %ge3A_2445 : vector<16xi1>
      %select_n3A_2456 = arith.select %and3A_2455, %sub3A_2451, %select_n3A_2361 : vector<16xi1>, vector<16xi32>
      %lt3A_2457 = arith.cmpi slt, %max3A_2186, %max3A_2442 : vector<16xi32>
      %jit3A_2458 = arith.constant 0 : i32
      %broadcast_in_dim3A_2459 = vector.broadcast %jit3A_2458 : i32 to vector<16xi32>
      %select_n3A_2460 = arith.select %lt3A_2457, %max3A_2186, %broadcast_in_dim3A_2459 : vector<16xi1>, vector<16xi32>
      %max3A_2461 = arith.maxsi %broadcast_in_dim3A_3, %select_n3A_2460 : vector<16xi32>
      %lt3A_2462 = arith.cmpi slt, %max3A_2188, %max3A_2442 : vector<16xi32>
      %jit3A_2463 = arith.constant 0 : i32
      %broadcast_in_dim3A_2464 = vector.broadcast %jit3A_2463 : i32 to vector<16xi32>
      %select_n3A_2465 = arith.select %lt3A_2462, %max3A_2188, %broadcast_in_dim3A_2464 : vector<16xi1>, vector<16xi32>
      %max3A_2466 = arith.maxsi %max3A_2461, %select_n3A_2465 : vector<16xi32>
      %lt3A_2467 = arith.cmpi slt, %max3A_2190, %max3A_2442 : vector<16xi32>
      %jit3A_2468 = arith.constant 0 : i32
      %broadcast_in_dim3A_2469 = vector.broadcast %jit3A_2468 : i32 to vector<16xi32>
      %select_n3A_2470 = arith.select %lt3A_2467, %max3A_2190, %broadcast_in_dim3A_2469 : vector<16xi1>, vector<16xi32>
      %max3A_2471 = arith.maxsi %max3A_2466, %select_n3A_2470 : vector<16xi32>
      %lt3A_2472 = arith.cmpi slt, %max3A_2192, %max3A_2442 : vector<16xi32>
      %jit3A_2473 = arith.constant 0 : i32
      %broadcast_in_dim3A_2474 = vector.broadcast %jit3A_2473 : i32 to vector<16xi32>
      %select_n3A_2475 = arith.select %lt3A_2472, %max3A_2192, %broadcast_in_dim3A_2474 : vector<16xi1>, vector<16xi32>
      %max3A_2476 = arith.maxsi %max3A_2471, %select_n3A_2475 : vector<16xi32>
      %lt3A_2477 = arith.cmpi slt, %max3A_2194, %max3A_2442 : vector<16xi32>
      %jit3A_2478 = arith.constant 0 : i32
      %broadcast_in_dim3A_2479 = vector.broadcast %jit3A_2478 : i32 to vector<16xi32>
      %select_n3A_2480 = arith.select %lt3A_2477, %max3A_2194, %broadcast_in_dim3A_2479 : vector<16xi1>, vector<16xi32>
      %max3A_2481 = arith.maxsi %max3A_2476, %select_n3A_2480 : vector<16xi32>
      %xor3A_2482 = arith.constant 8 : i32
      %xor3A_2483 = vector.broadcast %xor3A_2482 : i32 to vector<16xi32>
      %xor3A_2484 = arith.xori %iota3A, %xor3A_2483 : vector<16xi32>
      %lt3A_2485 = arith.constant 0 : i32
      %lt3A_2486 = vector.broadcast %lt3A_2485 : i32 to vector<16xi32>
      %lt3A_2487 = arith.cmpi slt, %xor3A_2484, %lt3A_2486 : vector<16xi32>
      %add3A_2488 = arith.constant 16 : i32
      %add3A_2489 = vector.broadcast %add3A_2488 : i32 to vector<16xi32>
      %add3A_2490 = arith.addi %xor3A_2484, %add3A_2489 : vector<16xi32>
      %select_n3A_2491 = arith.select %lt3A_2487, %add3A_2490, %xor3A_2484 : vector<16xi1>, vector<16xi32>
      %broadcast_in_dim3A_2492 = vector.shape_cast %select_n3A_2491 : vector<16xi32> to vector<16x1xi32>
      %gather3A_2493 = vector.shape_cast %broadcast_in_dim3A_2492 : vector<16x1xi32> to vector<16xi32>
      %gather3A_2494 = tpu.dynamic_gather %max3A_2481[%gather3A_2493] in [0] : vector<16xi32>, vector<16xi32> -> vector<16xi32>
      %max3A_2495 = arith.maxsi %max3A_2481, %gather3A_2494 : vector<16xi32>
      %xor3A_2496 = arith.constant 4 : i32
      %xor3A_2497 = vector.broadcast %xor3A_2496 : i32 to vector<16xi32>
      %xor3A_2498 = arith.xori %iota3A, %xor3A_2497 : vector<16xi32>
      %lt3A_2499 = arith.constant 0 : i32
      %lt3A_2500 = vector.broadcast %lt3A_2499 : i32 to vector<16xi32>
      %lt3A_2501 = arith.cmpi slt, %xor3A_2498, %lt3A_2500 : vector<16xi32>
      %add3A_2502 = arith.constant 16 : i32
      %add3A_2503 = vector.broadcast %add3A_2502 : i32 to vector<16xi32>
      %add3A_2504 = arith.addi %xor3A_2498, %add3A_2503 : vector<16xi32>
      %select_n3A_2505 = arith.select %lt3A_2501, %add3A_2504, %xor3A_2498 : vector<16xi1>, vector<16xi32>
      %broadcast_in_dim3A_2506 = vector.shape_cast %select_n3A_2505 : vector<16xi32> to vector<16x1xi32>
      %gather3A_2507 = vector.shape_cast %broadcast_in_dim3A_2506 : vector<16x1xi32> to vector<16xi32>
      %gather3A_2508 = tpu.dynamic_gather %max3A_2495[%gather3A_2507] in [0] : vector<16xi32>, vector<16xi32> -> vector<16xi32>
      %max3A_2509 = arith.maxsi %max3A_2495, %gather3A_2508 : vector<16xi32>
      %xor3A_2510 = arith.constant 2 : i32
      %xor3A_2511 = vector.broadcast %xor3A_2510 : i32 to vector<16xi32>
      %xor3A_2512 = arith.xori %iota3A, %xor3A_2511 : vector<16xi32>
      %lt3A_2513 = arith.constant 0 : i32
      %lt3A_2514 = vector.broadcast %lt3A_2513 : i32 to vector<16xi32>
      %lt3A_2515 = arith.cmpi slt, %xor3A_2512, %lt3A_2514 : vector<16xi32>
      %add3A_2516 = arith.constant 16 : i32
      %add3A_2517 = vector.broadcast %add3A_2516 : i32 to vector<16xi32>
      %add3A_2518 = arith.addi %xor3A_2512, %add3A_2517 : vector<16xi32>
      %select_n3A_2519 = arith.select %lt3A_2515, %add3A_2518, %xor3A_2512 : vector<16xi1>, vector<16xi32>
      %broadcast_in_dim3A_2520 = vector.shape_cast %select_n3A_2519 : vector<16xi32> to vector<16x1xi32>
      %gather3A_2521 = vector.shape_cast %broadcast_in_dim3A_2520 : vector<16x1xi32> to vector<16xi32>
      %gather3A_2522 = tpu.dynamic_gather %max3A_2509[%gather3A_2521] in [0] : vector<16xi32>, vector<16xi32> -> vector<16xi32>
      %max3A_2523 = arith.maxsi %max3A_2509, %gather3A_2522 : vector<16xi32>
      %xor3A_2524 = arith.constant 1 : i32
      %xor3A_2525 = vector.broadcast %xor3A_2524 : i32 to vector<16xi32>
      %xor3A_2526 = arith.xori %iota3A, %xor3A_2525 : vector<16xi32>
      %lt3A_2527 = arith.constant 0 : i32
      %lt3A_2528 = vector.broadcast %lt3A_2527 : i32 to vector<16xi32>
      %lt3A_2529 = arith.cmpi slt, %xor3A_2526, %lt3A_2528 : vector<16xi32>
      %add3A_2530 = arith.constant 16 : i32
      %add3A_2531 = vector.broadcast %add3A_2530 : i32 to vector<16xi32>
      %add3A_2532 = arith.addi %xor3A_2526, %add3A_2531 : vector<16xi32>
      %select_n3A_2533 = arith.select %lt3A_2529, %add3A_2532, %xor3A_2526 : vector<16xi1>, vector<16xi32>
      %broadcast_in_dim3A_2534 = vector.shape_cast %select_n3A_2533 : vector<16xi32> to vector<16x1xi32>
      %gather3A_2535 = vector.shape_cast %broadcast_in_dim3A_2534 : vector<16x1xi32> to vector<16xi32>
      %gather3A_2536 = tpu.dynamic_gather %max3A_2523[%gather3A_2535] in [0] : vector<16xi32>, vector<16xi32> -> vector<16xi32>
      %max3A_2537 = arith.maxsi %max3A_2523, %gather3A_2536 : vector<16xi32>
      %ge3A_2538 = arith.constant 131072 : i32
      %ge3A_2539 = vector.broadcast %ge3A_2538 : i32 to vector<16xi32>
      %ge3A_2540 = arith.cmpi sge, %max3A_2537, %ge3A_2539 : vector<16xi32>
      %and3A_2541 = arith.constant 131071 : i32
      %and3A_2542 = vector.broadcast %and3A_2541 : i32 to vector<16xi32>
      %and3A_2543 = arith.andi %max3A_2537, %and3A_2542 : vector<16xi32>
      %sub3A_2544 = arith.constant 131071 : i32
      %sub3A_2545 = vector.broadcast %sub3A_2544 : i32 to vector<16xi32>
      %sub3A_2546 = arith.subi %sub3A_2545, %and3A_2543 : vector<16xi32>
      %eq3A_2547 = arith.constant 3 : i32
      %eq3A_2548 = vector.broadcast %eq3A_2547 : i32 to vector<16xi32>
      %eq3A_2549 = arith.cmpi eq, %iota3A, %eq3A_2548 : vector<16xi32>
      %and3A_2550 = arith.andi %eq3A_2549, %ge3A_2540 : vector<16xi1>
      %select_n3A_2551 = arith.select %and3A_2550, %sub3A_2546, %select_n3A_2456 : vector<16xi1>, vector<16xi32>
      %lt3A_2552 = arith.cmpi slt, %max3A_2186, %max3A_2537 : vector<16xi32>
      %jit3A_2553 = arith.constant 0 : i32
      %broadcast_in_dim3A_2554 = vector.broadcast %jit3A_2553 : i32 to vector<16xi32>
      %select_n3A_2555 = arith.select %lt3A_2552, %max3A_2186, %broadcast_in_dim3A_2554 : vector<16xi1>, vector<16xi32>
      %max3A_2556 = arith.maxsi %broadcast_in_dim3A_3, %select_n3A_2555 : vector<16xi32>
      %lt3A_2557 = arith.cmpi slt, %max3A_2188, %max3A_2537 : vector<16xi32>
      %jit3A_2558 = arith.constant 0 : i32
      %broadcast_in_dim3A_2559 = vector.broadcast %jit3A_2558 : i32 to vector<16xi32>
      %select_n3A_2560 = arith.select %lt3A_2557, %max3A_2188, %broadcast_in_dim3A_2559 : vector<16xi1>, vector<16xi32>
      %max3A_2561 = arith.maxsi %max3A_2556, %select_n3A_2560 : vector<16xi32>
      %lt3A_2562 = arith.cmpi slt, %max3A_2190, %max3A_2537 : vector<16xi32>
      %jit3A_2563 = arith.constant 0 : i32
      %broadcast_in_dim3A_2564 = vector.broadcast %jit3A_2563 : i32 to vector<16xi32>
      %select_n3A_2565 = arith.select %lt3A_2562, %max3A_2190, %broadcast_in_dim3A_2564 : vector<16xi1>, vector<16xi32>
      %max3A_2566 = arith.maxsi %max3A_2561, %select_n3A_2565 : vector<16xi32>
      %lt3A_2567 = arith.cmpi slt, %max3A_2192, %max3A_2537 : vector<16xi32>
      %jit3A_2568 = arith.constant 0 : i32
      %broadcast_in_dim3A_2569 = vector.broadcast %jit3A_2568 : i32 to vector<16xi32>
      %select_n3A_2570 = arith.select %lt3A_2567, %max3A_2192, %broadcast_in_dim3A_2569 : vector<16xi1>, vector<16xi32>
      %max3A_2571 = arith.maxsi %max3A_2566, %select_n3A_2570 : vector<16xi32>
      %lt3A_2572 = arith.cmpi slt, %max3A_2194, %max3A_2537 : vector<16xi32>
      %jit3A_2573 = arith.constant 0 : i32
      %broadcast_in_dim3A_2574 = vector.broadcast %jit3A_2573 : i32 to vector<16xi32>
      %select_n3A_2575 = arith.select %lt3A_2572, %max3A_2194, %broadcast_in_dim3A_2574 : vector<16xi1>, vector<16xi32>
      %max3A_2576 = arith.maxsi %max3A_2571, %select_n3A_2575 : vector<16xi32>
      %xor3A_2577 = arith.constant 8 : i32
      %xor3A_2578 = vector.broadcast %xor3A_2577 : i32 to vector<16xi32>
      %xor3A_2579 = arith.xori %iota3A, %xor3A_2578 : vector<16xi32>
      %lt3A_2580 = arith.constant 0 : i32
      %lt3A_2581 = vector.broadcast %lt3A_2580 : i32 to vector<16xi32>
      %lt3A_2582 = arith.cmpi slt, %xor3A_2579, %lt3A_2581 : vector<16xi32>
      %add3A_2583 = arith.constant 16 : i32
      %add3A_2584 = vector.broadcast %add3A_2583 : i32 to vector<16xi32>
      %add3A_2585 = arith.addi %xor3A_2579, %add3A_2584 : vector<16xi32>
      %select_n3A_2586 = arith.select %lt3A_2582, %add3A_2585, %xor3A_2579 : vector<16xi1>, vector<16xi32>
      %broadcast_in_dim3A_2587 = vector.shape_cast %select_n3A_2586 : vector<16xi32> to vector<16x1xi32>
      %gather3A_2588 = vector.shape_cast %broadcast_in_dim3A_2587 : vector<16x1xi32> to vector<16xi32>
      %gather3A_2589 = tpu.dynamic_gather %max3A_2576[%gather3A_2588] in [0] : vector<16xi32>, vector<16xi32> -> vector<16xi32>
      %max3A_2590 = arith.maxsi %max3A_2576, %gather3A_2589 : vector<16xi32>
      %xor3A_2591 = arith.constant 4 : i32
      %xor3A_2592 = vector.broadcast %xor3A_2591 : i32 to vector<16xi32>
      %xor3A_2593 = arith.xori %iota3A, %xor3A_2592 : vector<16xi32>
      %lt3A_2594 = arith.constant 0 : i32
      %lt3A_2595 = vector.broadcast %lt3A_2594 : i32 to vector<16xi32>
      %lt3A_2596 = arith.cmpi slt, %xor3A_2593, %lt3A_2595 : vector<16xi32>
      %add3A_2597 = arith.constant 16 : i32
      %add3A_2598 = vector.broadcast %add3A_2597 : i32 to vector<16xi32>
      %add3A_2599 = arith.addi %xor3A_2593, %add3A_2598 : vector<16xi32>
      %select_n3A_2600 = arith.select %lt3A_2596, %add3A_2599, %xor3A_2593 : vector<16xi1>, vector<16xi32>
      %broadcast_in_dim3A_2601 = vector.shape_cast %select_n3A_2600 : vector<16xi32> to vector<16x1xi32>
      %gather3A_2602 = vector.shape_cast %broadcast_in_dim3A_2601 : vector<16x1xi32> to vector<16xi32>
      %gather3A_2603 = tpu.dynamic_gather %max3A_2590[%gather3A_2602] in [0] : vector<16xi32>, vector<16xi32> -> vector<16xi32>
      %max3A_2604 = arith.maxsi %max3A_2590, %gather3A_2603 : vector<16xi32>
      %xor3A_2605 = arith.constant 2 : i32
      %xor3A_2606 = vector.broadcast %xor3A_2605 : i32 to vector<16xi32>
      %xor3A_2607 = arith.xori %iota3A, %xor3A_2606 : vector<16xi32>
      %lt3A_2608 = arith.constant 0 : i32
      %lt3A_2609 = vector.broadcast %lt3A_2608 : i32 to vector<16xi32>
      %lt3A_2610 = arith.cmpi slt, %xor3A_2607, %lt3A_2609 : vector<16xi32>
      %add3A_2611 = arith.constant 16 : i32
      %add3A_2612 = vector.broadcast %add3A_2611 : i32 to vector<16xi32>
      %add3A_2613 = arith.addi %xor3A_2607, %add3A_2612 : vector<16xi32>
      %select_n3A_2614 = arith.select %lt3A_2610, %add3A_2613, %xor3A_2607 : vector<16xi1>, vector<16xi32>
      %broadcast_in_dim3A_2615 = vector.shape_cast %select_n3A_2614 : vector<16xi32> to vector<16x1xi32>
      %gather3A_2616 = vector.shape_cast %broadcast_in_dim3A_2615 : vector<16x1xi32> to vector<16xi32>
      %gather3A_2617 = tpu.dynamic_gather %max3A_2604[%gather3A_2616] in [0] : vector<16xi32>, vector<16xi32> -> vector<16xi32>
      %max3A_2618 = arith.maxsi %max3A_2604, %gather3A_2617 : vector<16xi32>
      %xor3A_2619 = arith.constant 1 : i32
      %xor3A_2620 = vector.broadcast %xor3A_2619 : i32 to vector<16xi32>
      %xor3A_2621 = arith.xori %iota3A, %xor3A_2620 : vector<16xi32>
      %lt3A_2622 = arith.constant 0 : i32
      %lt3A_2623 = vector.broadcast %lt3A_2622 : i32 to vector<16xi32>
      %lt3A_2624 = arith.cmpi slt, %xor3A_2621, %lt3A_2623 : vector<16xi32>
      %add3A_2625 = arith.constant 16 : i32
      %add3A_2626 = vector.broadcast %add3A_2625 : i32 to vector<16xi32>
      %add3A_2627 = arith.addi %xor3A_2621, %add3A_2626 : vector<16xi32>
      %select_n3A_2628 = arith.select %lt3A_2624, %add3A_2627, %xor3A_2621 : vector<16xi1>, vector<16xi32>
      %broadcast_in_dim3A_2629 = vector.shape_cast %select_n3A_2628 : vector<16xi32> to vector<16x1xi32>
      %gather3A_2630 = vector.shape_cast %broadcast_in_dim3A_2629 : vector<16x1xi32> to vector<16xi32>
      %gather3A_2631 = tpu.dynamic_gather %max3A_2618[%gather3A_2630] in [0] : vector<16xi32>, vector<16xi32> -> vector<16xi32>
      %max3A_2632 = arith.maxsi %max3A_2618, %gather3A_2631 : vector<16xi32>
      %ge3A_2633 = arith.constant 131072 : i32
      %ge3A_2634 = vector.broadcast %ge3A_2633 : i32 to vector<16xi32>
      %ge3A_2635 = arith.cmpi sge, %max3A_2632, %ge3A_2634 : vector<16xi32>
      %and3A_2636 = arith.constant 131071 : i32
      %and3A_2637 = vector.broadcast %and3A_2636 : i32 to vector<16xi32>
      %and3A_2638 = arith.andi %max3A_2632, %and3A_2637 : vector<16xi32>
      %sub3A_2639 = arith.constant 131071 : i32
      %sub3A_2640 = vector.broadcast %sub3A_2639 : i32 to vector<16xi32>
      %sub3A_2641 = arith.subi %sub3A_2640, %and3A_2638 : vector<16xi32>
      %eq3A_2642 = arith.constant 4 : i32
      %eq3A_2643 = vector.broadcast %eq3A_2642 : i32 to vector<16xi32>
      %eq3A_2644 = arith.cmpi eq, %iota3A, %eq3A_2643 : vector<16xi32>
      %and3A_2645 = arith.andi %eq3A_2644, %ge3A_2635 : vector<16xi1>
      %select_n3A_2646 = arith.select %and3A_2645, %sub3A_2641, %select_n3A_2551 : vector<16xi1>, vector<16xi32>
      %swap3A_2647 = arith.constant 0 : index
      %swap3A_2648 = tpu.vector_load %arg22[%swap3A_2647] {strides = array<i32>} : memref<16xi32, #tpu.memory_space<vmem>>, vector<16xi32>,
      %swap3A_2649 = vector.shape_cast %swap3A_2648 : vector<16xi32> to vector<16xi32>
      %swap3A_2650 = vector.shape_cast %select_n3A_2646 : vector<16xi32> to vector<16xi32>
      tpu.vector_store %arg22[%swap3A_2647], %swap3A_2650 {strides = array<i32>} : memref<16xi32, #tpu.memory_space<vmem>>, vector<16xi32>,
      %broadcast_in_dim3A_2651 = arith.constant 1.500000e+00 : f32
      %broadcast_in_dim3A_2652 = vector.broadcast %broadcast_in_dim3A_2651 : f32 to vector<16xf32>
      %swap3A_2653 = arith.constant 0 : index
      %swap3A_2654 = tpu.vector_load %arg23[%swap3A_2653] {strides = array<i32>} : memref<16xf32, #tpu.memory_space<vmem>>, vector<16xf32>,
      %swap3A_2655 = vector.shape_cast %swap3A_2654 : vector<16xf32> to vector<16xf32>
      %swap3A_2656 = vector.shape_cast %broadcast_in_dim3A_2652 : vector<16xf32> to vector<16xf32>
      tpu.vector_store %arg23[%swap3A_2653], %swap3A_2656 {strides = array<i32>} : memref<16xf32, #tpu.memory_space<vmem>>, vector<16xf32>,
      %dma_start3A = arith.constant 0 : i32
      %dma_start3A_2657 = tpu.memref_slice %arg6[%dma_start3A] : memref<102400xf32, #tpu.memory_space<hbm>> -> memref<102400xf32, #tpu.memory_space<hbm>>
      tpu.enqueue_indirect_dma source(%arg23 : memref<16xf32, #tpu.memory_space<vmem>>) target(%dma_start3A_2657 : memref<102400xf32, #tpu.memory_space<hbm>>) offsets(%arg22 : memref<16xi32, #tpu.memory_space<vmem>>) semaphore(%arg25 : memref<!tpu.dma_semaphore, #tpu.memory_space<semaphore_mem>>)
      %dma_wait3A = arith.constant 0 : i32
      %dma_wait3A_2658 = tpu.memref_slice %arg6[%dma_wait3A] : memref<102400xf32, #tpu.memory_space<hbm>> -> memref<102400xf32, #tpu.memory_space<hbm>>
      tpu.wait_indirect_dma semaphore(%arg25 : memref<!tpu.dma_semaphore, #tpu.memory_space<semaphore_mem>>) src(%arg23 : memref<16xf32, #tpu.memory_space<vmem>>) dst(%dma_wait3A_2658 : memref<102400xf32, #tpu.memory_space<hbm>>)
      %get3A_2659 = arith.constant 0 : index
      %get3A_2660 = tpu.vector_load %arg21[%get3A_2659] {strides = array<i32>} : memref<256xf32, #tpu.memory_space<vmem>>, vector<16xf32>,
      %get3A_2661 = vector.shape_cast %get3A_2660 : vector<16xf32> to vector<16xf32>
      %add3A_2662 = arith.addf %broadcast_in_dim3A_1, %get3A_2661 : vector<16xf32>
      %get3A_2663 = arith.constant 16 : index
      %get3A_2664 = tpu.vector_load %arg21[%get3A_2663] {strides = array<i32>} : memref<256xf32, #tpu.memory_space<vmem>>, vector<16xf32>,
      %get3A_2665 = vector.shape_cast %get3A_2664 : vector<16xf32> to vector<16xf32>
      %add3A_2666 = arith.addf %add3A_2662, %get3A_2665 : vector<16xf32>
      %get3A_2667 = arith.constant 32 : index
      %get3A_2668 = tpu.vector_load %arg21[%get3A_2667] {strides = array<i32>} : memref<256xf32, #tpu.memory_space<vmem>>, vector<16xf32>,
      %get3A_2669 = vector.shape_cast %get3A_2668 : vector<16xf32> to vector<16xf32>
      %add3A_2670 = arith.addf %add3A_2666, %get3A_2669 : vector<16xf32>
      %get3A_2671 = arith.constant 48 : index
      %get3A_2672 = tpu.vector_load %arg21[%get3A_2671] {strides = array<i32>} : memref<256xf32, #tpu.memory_space<vmem>>, vector<16xf32>,
      %get3A_2673 = vector.shape_cast %get3A_2672 : vector<16xf32> to vector<16xf32>
      %add3A_2674 = arith.addf %add3A_2670, %get3A_2673 : vector<16xf32>
      %get3A_2675 = arith.constant 64 : index
      %get3A_2676 = tpu.vector_load %arg21[%get3A_2675] {strides = array<i32>} : memref<256xf32, #tpu.memory_space<vmem>>, vector<16xf32>,
      %get3A_2677 = vector.shape_cast %get3A_2676 : vector<16xf32> to vector<16xf32>
      %add3A_2678 = arith.addf %add3A_2674, %get3A_2677 : vector<16xf32>
      %get3A_2679 = arith.constant 80 : index
      %get3A_2680 = tpu.vector_load %arg21[%get3A_2679] {strides = array<i32>} : memref<256xf32, #tpu.memory_space<vmem>>, vector<16xf32>,
      %get3A_2681 = vector.shape_cast %get3A_2680 : vector<16xf32> to vector<16xf32>
      %add3A_2682 = arith.addf %add3A_2678, %get3A_2681 : vector<16xf32>
      %get3A_2683 = arith.constant 96 : index
      %get3A_2684 = tpu.vector_load %arg21[%get3A_2683] {strides = array<i32>} : memref<256xf32, #tpu.memory_space<vmem>>, vector<16xf32>,
      %get3A_2685 = vector.shape_cast %get3A_2684 : vector<16xf32> to vector<16xf32>
      %add3A_2686 = arith.addf %add3A_2682, %get3A_2685 : vector<16xf32>
      %get3A_2687 = arith.constant 112 : index
      %get3A_2688 = tpu.vector_load %arg21[%get3A_2687] {strides = array<i32>} : memref<256xf32, #tpu.memory_space<vmem>>, vector<16xf32>,
      %get3A_2689 = vector.shape_cast %get3A_2688 : vector<16xf32> to vector<16xf32>
      %add3A_2690 = arith.addf %add3A_2686, %get3A_2689 : vector<16xf32>
      %get3A_2691 = arith.constant 128 : index
      %get3A_2692 = tpu.vector_load %arg21[%get3A_2691] {strides = array<i32>} : memref<256xf32, #tpu.memory_space<vmem>>, vector<16xf32>,
      %get3A_2693 = vector.shape_cast %get3A_2692 : vector<16xf32> to vector<16xf32>
      %add3A_2694 = arith.addf %add3A_2690, %get3A_2693 : vector<16xf32>
      %get3A_2695 = arith.constant 144 : index
      %get3A_2696 = tpu.vector_load %arg21[%get3A_2695] {strides = array<i32>} : memref<256xf32, #tpu.memory_space<vmem>>, vector<16xf32>,
      %get3A_2697 = vector.shape_cast %get3A_2696 : vector<16xf32> to vector<16xf32>
      %add3A_2698 = arith.addf %add3A_2694, %get3A_2697 : vector<16xf32>
      %get3A_2699 = arith.constant 160 : index
      %get3A_2700 = tpu.vector_load %arg21[%get3A_2699] {strides = array<i32>} : memref<256xf32, #tpu.memory_space<vmem>>, vector<16xf32>,
      %get3A_2701 = vector.shape_cast %get3A_2700 : vector<16xf32> to vector<16xf32>
      %add3A_2702 = arith.addf %add3A_2698, %get3A_2701 : vector<16xf32>
      %get3A_2703 = arith.constant 176 : index
      %get3A_2704 = tpu.vector_load %arg21[%get3A_2703] {strides = array<i32>} : memref<256xf32, #tpu.memory_space<vmem>>, vector<16xf32>,
      %get3A_2705 = vector.shape_cast %get3A_2704 : vector<16xf32> to vector<16xf32>
      %add3A_2706 = arith.addf %add3A_2702, %get3A_2705 : vector<16xf32>
      %get3A_2707 = arith.constant 192 : index
      %get3A_2708 = tpu.vector_load %arg21[%get3A_2707] {strides = array<i32>} : memref<256xf32, #tpu.memory_space<vmem>>, vector<16xf32>,
      %get3A_2709 = vector.shape_cast %get3A_2708 : vector<16xf32> to vector<16xf32>
      %add3A_2710 = arith.addf %add3A_2706, %get3A_2709 : vector<16xf32>
      %get3A_2711 = arith.constant 208 : index
      %get3A_2712 = tpu.vector_load %arg21[%get3A_2711] {strides = array<i32>} : memref<256xf32, #tpu.memory_space<vmem>>, vector<16xf32>,
      %get3A_2713 = vector.shape_cast %get3A_2712 : vector<16xf32> to vector<16xf32>
      %add3A_2714 = arith.addf %add3A_2710, %get3A_2713 : vector<16xf32>
      %get3A_2715 = arith.constant 224 : index
      %get3A_2716 = tpu.vector_load %arg21[%get3A_2715] {strides = array<i32>} : memref<256xf32, #tpu.memory_space<vmem>>, vector<16xf32>,
      %get3A_2717 = vector.shape_cast %get3A_2716 : vector<16xf32> to vector<16xf32>
      %add3A_2718 = arith.addf %add3A_2714, %get3A_2717 : vector<16xf32>
      %get3A_2719 = arith.constant 240 : index
      %get3A_2720 = tpu.vector_load %arg21[%get3A_2719] {strides = array<i32>} : memref<256xf32, #tpu.memory_space<vmem>>, vector<16xf32>,
      %get3A_2721 = vector.shape_cast %get3A_2720 : vector<16xf32> to vector<16xf32>
      %add3A_2722 = arith.addf %add3A_2718, %get3A_2721 : vector<16xf32>
      %swap3A_2723 = arith.constant 0 : index
      %swap3A_2724 = tpu.vector_load %arg24[%swap3A_2723] {strides = array<i32>} : memref<16xf32, #tpu.memory_space<vmem>>, vector<16xf32>,
      %swap3A_2725 = vector.shape_cast %swap3A_2724 : vector<16xf32> to vector<16xf32>
      %swap3A_2726 = vector.shape_cast %add3A_2722 : vector<16xf32> to vector<16xf32>
      tpu.vector_store %arg24[%swap3A_2723], %swap3A_2726 {strides = array<i32>} : memref<16xf32, #tpu.memory_space<vmem>>, vector<16xf32>,
      "tpu.region"() ({
        %run_scoped3A_2727 = tpu.sem_alloc : memref<!tpu.dma_semaphore, #tpu.memory_space<semaphore_mem>>
        tpu.enqueue_dma source(%arg24 : memref<16xf32, #tpu.memory_space<vmem>>) target(%arg7 : memref<16xf32, #tpu.memory_space<hbm>>) target_semaphore(%run_scoped3A_2727 : memref<!tpu.dma_semaphore, #tpu.memory_space<semaphore_mem>>)
        tpu.wait_dma2 semaphore(%run_scoped3A_2727 : memref<!tpu.dma_semaphore, #tpu.memory_space<semaphore_mem>>) src(%arg24 : memref<16xf32, #tpu.memory_space<vmem>>) dst(%arg7 : memref<16xf32, #tpu.memory_space<hbm>>)
        tpu.yield
      }) : () -> ()
    } else {
    }
    return
  }
}

</mosaic_0001>

<sc_bundles>
// kernel: kernel.3.cloned.1.call-start
scs
__scs_entry_jumppad:
0x0: {  	(pc) =	sbr.rel $0x88, $3  }
0x1: {  	(tag) =	ssettag $0x0;
	lr =	simm.s32 $0x1  }
0x2: {  	[smem:$0x3F9F] =	sst lr;
	_ =	strace $0xD0000000  }
0x3: {  	_ = 	snop  }
0x4: {  	_ = 	snop  }
0x5: {  	_ = 	snop  }
0x6: {  	_ = 	snop  }
0x7: {  	_ = 	snop  }
__scs_overlays_trampoline_lowered:
0x8: {  	[smem:$0x3FAE] =	sst s0  }
0x9: {  	[smem:$0x3FAF] =	sst s1  }
0xa: {  	[smem:$0x3FB0] =	sst s2  }
0xb: {  	[smem:$0x3FB1] =	sst s3  }
0xc: {  	[smem:$0x3FB2] =	sst s4  }
0xd: {  	[smem:$0x3FB3] =	sst s5  }
0xe: {  	[smem:$0x3FB4] =	sst s6  }
0xf: {  	[smem:$0x3FB5] =	sst s7  }
0x10: {  	[smem:$0x3FB6] =	sst s8  }
0x11: {  	[smem:$0x3FB7] =	sst s9;
	s0 =	simm.s32 @!p0 $0x0  }
0x12: {  	s1 =	sld [smem:$0x3F9D];
	s0 =	simm.s32 @p0 $0x1  }
0x13: {  	[smem:$0x3FB8] =	sst s0;
	s0 =	simm.s32 @!p1 $0x0  }
0x14: {  	s2 =	sld [smem:$0x3F9C];
	s0 =	simm.s32 @p1 $0x1  }
0x15: {  	[smem:$0x3FB9] =	sst s0;
	s0 =	simm.s32 @!p2 $0x0  }
0x16: {  	s3 =	sld [smem:$0x3FDB];
	s0 =	simm.s32 @p2 $0x1  }
0x17: {  	s4 =	simm.s32 $0x1BF5;
	[smem:$0x3FBB] =	sst s0  }
0x18: {  	s0 =	sld [smem:$0x3F9E];
	_ =	swait.ge [sflag:s4], $0x0  }
0x19: {  	s7 =	sld [smem:$0x3F9F]  }
0x1a: {  	s8 =	sadd.s32 $0xFFFFE003, lr  }
0x1b: {  	s9 =	sadd.s32 $0xFFFFFEF7, lr;
	s5 =	simm.s32 $0xFFFFFFFF;
	p2 =	slt.u32 s8, $0xFFFFF086  }
0x1c: {  	p1 =	slt.u32 s9, $0xF7A;
	s5 =	simm.s32 @!p2 $0x0  }
0x1d: {  	s5 =	simm.s32 @p1 $0x1;
	p0 =	seq.s32 s7, s2  }
0x1e: {  	s7 =	smul.u32 @!p0 $0xF7A, s2;
	p2 =	seq.s32 @!p0 s5, $0x0  }
0x1f: {  	s9 =	smul.u32 $0xF7A, s1;
	s8 =	simm.s32 @!p0 $0x1BF5;
	p2 =	por !p2, p0  }
0x20: {  	[sflag:s8] =	ssyncset.s32 @!p0 $0xFFFFF086;
	s6 =	sadd.s32 @!p0 s3, s7;
	s7 =	simm.s32 @!p0 $0x108  }
0x21: {  	s3 =	sadd.s32 s3, s9;
	s6 =	sadd.s32 @!p0 $0x88, s6;
	s7 =	simm.s32 @p2 $0x1082  }
0x22: {  	[simem:s7], [sflag:s8] =	dma.local @!p0 [hbm:s6], $0xF7A  }
0x23: {  	s9 =	sor.u32 $0xD0000000, s2;
	s6 =	simm.s32 $0x108;
	_ =	swait.ge @!p0 [sflag:s8], $0x0  }
0x24: {  	s3 =	sadd.s32 $0x88, s3;
	s6 =	simm.s32 @!p1 $0x1082;
	[sflag:s4] =	ssyncset.s32 $0xFFFFF086  }
0x25: {  	[simem:s6], [sflag:s4] =	dma.local [hbm:s3], $0xF7A  }
0x26: {  	[smem:$0x3F9F] =	sst s1;
	(tag) =	ssettag s2;
	_ =	strace s9  }
0x27: {  	s1 =	sld [smem:$0x3FAF]  }
0x28: {  	s2 =	sld [smem:$0x3FB0]  }
0x29: {  	s4 =	sld [smem:$0x3FB2]  }
0x2a: {  	p0 =	seq.s32 s5, $0x0;
	s5 =	sld [smem:$0x3FB3]  }
0x2b: {  	s6 =	sld [smem:$0x3FB4]  }
0x2c: {  	s7 =	sld [smem:$0x3FB5]  }
0x2d: {  	s3 =	simm.s32 $0x108;
	s8 =	sld [smem:$0x3FB6]  }
0x2e: {  	s3 =	simm.s32 @!p0 $0x1082;
	s9 =	sld [smem:$0x3FB7]  }
0x2f: {  	lr =	sadd.s32 s0, s3;
	s0 =	sld [smem:$0x3FAE]  }
0x30: {  	s3 =	sld [smem:$0x3FB1]  }
0x31: {  	[smem:$0x3FBA] =	sst s10  }
0x32: {  	s10 =	sld [smem:$0x3FB8];
	_ =	sdelay $0x3  }
0x33: {  	p0 =	seq.s32 s10, $0x1;
	s10 =	sld [smem:$0x3FBA];
	_ =	sdelay $0x3  }
0x34: {  	[smem:$0x3FBA] =	sst s10  }
0x35: {  	s10 =	sld [smem:$0x3FB9];
	_ =	sdelay $0x3  }
0x36: {  	p1 =	seq.s32 s10, $0x1;
	s10 =	sld [smem:$0x3FBA];
	_ =	sdelay $0x3  }
0x37: {  	[smem:$0x3FBA] =	sst s10  }
0x38: {  	s10 =	sld [smem:$0x3FBB]  }
0x39: {  	_ = 	snop;
	(pc) =	sbr.ind lr, $3  }
0x3a: {  	_ = 	snop  }
0x3b: {  	_ = 	snop  }
0x3c: {  	p2 =	seq.s32 s10, $0x1;
	s10 =	sld [smem:$0x3FBA]  }
0x3d: {  	_ =	shalt  }
0x3e: {  	_ =	shalt  }
0x3f: {  	_ =	shalt  }
0x40: {  	_ =	shalt  }
0x41: {  	_ =	shalt  }
0x42: {  	_ =	shalt  }
0x43: {  	_ =	shalt  }
0x44: {  	_ =	shalt  }
0x45: {  	_ =	shalt  }
0x46: {  	_ =	shalt  }
0x47: {  	_ =	shalt  }
0x48: {  	_ =	shalt  }
0x49: {  	_ =	shalt  }
0x4a: {  	_ =	shalt  }
0x4b: {  	_ =	shalt  }
0x4c: {  	_ =	shalt  }
0x4d: {  	_ =	shalt  }
0x4e: {  	_ =	shalt  }
0x4f: {  	_ =	shalt  }
0x50: {  	_ =	shalt  }
0x51: {  	_ =	shalt  }
0x52: {  	_ =	shalt  }
0x53: {  	_ =	shalt  }
0x54: {  	_ =	shalt  }
0x55: {  	_ =	shalt  }
0x56: {  	_ =	shalt  }
0x57: {  	_ =	shalt  }
0x58: {  	_ =	shalt  }
0x59: {  	_ =	shalt  }
0x5a: {  	_ =	shalt  }
0x5b: {  	_ =	shalt  }
0x5c: {  	_ =	shalt  }
0x5d: {  	_ =	shalt  }
0x5e: {  	_ =	shalt  }
0x5f: {  	_ =	shalt  }
0x60: {  	_ =	shalt  }
0x61: {  	_ =	shalt  }
0x62: {  	_ =	shalt  }
0x63: {  	_ =	shalt  }
0x64: {  	_ =	shalt  }
0x65: {  	_ =	shalt  }
0x66: {  	_ =	shalt  }
0x67: {  	_ =	shalt  }
0x68: {  	_ =	shalt  }
0x69: {  	_ =	shalt  }
0x6a: {  	_ =	shalt  }
0x6b: {  	_ =	shalt  }
0x6c: {  	_ =	shalt  }
0x6d: {  	_ =	shalt  }
0x6e: {  	_ =	shalt  }
0x6f: {  	_ =	shalt  }
0x70: {  	_ =	shalt  }
0x71: {  	_ =	shalt  }
0x72: {  	_ =	shalt  }
0x73: {  	_ =	shalt  }
0x74: {  	_ =	shalt  }
0x75: {  	_ =	shalt  }
0x76: {  	_ =	shalt  }
0x77: {  	_ =	shalt  }
0x78: {  	_ =	shalt  }
0x79: {  	_ =	shalt  }
0x7a: {  	_ =	shalt  }
0x7b: {  	_ =	shalt  }
0x7c: {  	_ =	shalt  }
0x7d: {  	_ =	shalt  }
0x7e: {  	_ =	shalt  }
0x7f: {  	_ =	shalt  }
0x80: {  	_ =	shalt  }
0x81: {  	_ =	shalt  }
0x82: {  	_ =	shalt  }
0x83: {  	_ =	shalt  }
0x84: {  	_ =	shalt  }
0x85: {  	_ =	shalt  }
0x86: {  	_ =	shalt  }
0x87: {  	_ =	shalt  }
.Lfunc_end0:
.L_simem_size_0:
called_computation_lowered:
.L_overlay_start_0:
0x88: {  	s2 =	sld [smem:$0x3FD9]  }
0x89: {  	s3 =	sld [smem:$0x3FFE];
	_ =	sdelay $0x1  }
0x8a: {  	s1 =	srdreg.scid  }
0x8b: {  	s0 =	sand.u32 $0x1, s1  }
0x8c: {  	s14 =	sshll.u32 s0, $0xA;
	s2 =	sadd.s32 s3, s2  }
0x8d: {  	s2 =	sadd.s32 s2, s14  }
0x8e: {  	[smem:$0x3FC6] =	sst s2  }
0x8f: {  	_ = 	snop  }
0x90: {  	s2 =	sld [smem:$0x3FD0];
	_ =	sdelay $0x2  }
0x91: {  	s4 =	simm.s32 $0xA;
	s5 =	simm.s32 $0x10;
	s15 =	sld [smem:$0x3FC9]  }
0x92: {  	[smem:s5], [sflag:s4] =	dma.local [hbm:s2], $0x1  }
0x93: {  	_ =	swait.eq [sflag:s4], $0x1  }
0x94: {  	[sflag:s4] =	ssyncset.done $0x0  }
0x95: {  	s16 =	sld [smem:$0x10];
	[sflag:s4] =	ssyncadd.s32 $0xFFFFFFFF  }
0x96: {  	s17 =	sld [smem:$0x11];
	(tm) =	ssettm $0x1  }
0x97: {  	s18 =	sld [smem:$0x3FFB];
	_ =	sdelay $0x3  }
0x98: {  	_ =	strace s18  }
0x99: {  	s5 =	sld [smem:$0x3FFC];
	_ =	sdelay $0x3  }
0x9a: {  	_ =	strace s5  }
0x9b: {  	s5 =	sld [smem:$0x3FFD];
	_ =	sdelay $0x3  }
0x9c: {  	_ =	strace s5  }
0x9d: {  	_ =	strace $0x8FFFFFFF  }
0x9e: {  	s19 =	sld [smem:$0x3FDB];
	_ =	sdelay $0x1  }
0x9f: {  	s6 =	simm.s32 $_scs_section_size  }
0xa0: {  	s7 =	simm.s32 $_size__tile_overlayer_lowered;
	s8 =	simm.s32 $_tile_overlayer_lowered  }
0xa1: {  	s22 =	simm.s32 $0x1BFF;
	s21 =	sshll.u32 s8, $0x1;
	s5 =	sadd.s32 s6, s19  }
0xa2: {  	s9 =	simm.s32 $0x0;
	s20 =	sshll.u32 s7, $0x1;
	s7 =	sadd.s32 s21, s5  }
0xa3: {  	[timem:s9], [sflag:s22] =	dma.local [hbm:s7], s20  }
0xa4: {  	_ =	swait.ge [sflag:s22], s20  }
0xa5: {  	s6 =	ssub.s32 $0x0, s20;
	[sflag:s22] =	ssyncset.done $0x0  }
0xa6: {  	[sflag:s22] =	ssyncadd.s32 s6;
	_ =	sdelay $0x1  }
0xa7: {  	s23 =	simm.s32 $0x1B8B  }
0xa8: {  	_ =	swait.ge [sflag:s23], $0x1  }
0xa9: {  	[sflag:s23] =	ssyncset.done $0x0  }
0xaa: {  	s25 =	simm.s32 $0x1B8E;
	s24 =	sld [smem:$0x3FFE];
	[sflag:s23] =	ssyncadd.s32 $0xFFFFFFFF  }
0xab: {  	s26 =	simm.s32 $execute0_lowered;
	[smem:$0x3FD2] =	sst s25  }
0xac: {  	s7 =	sshll.u32 s26, $0x1;
	_ =	strace $0x80000046;
	[dreg:$0x1] =	wrdreg $0xFFFFFFFF  }
0xad: {  	s28 =	simm.s32 $_size_execute0_lowered;
	s5 =	sadd.s32 s5, s7;
	[dreg:$0x0] =	wrdreg $0x0  }
0xae: {  	s7 =	sshll.u32 s28, $0x1;
	[dreg:$0x2] =	wrdreg s5  }
0xaf: {  	[dreg:$0x3] =	wrdreg s7  }
0xb0: {  	[dreg:$0x4] =	wrdreg $0xC0  }
0xb1: {  	_ =	task [dreg:s9], $0x5FFFF  }
0xb2: {  	[dreg:$0x1] =	wrdreg $0xFFFFFFFF  }
0xb3: {  	[dreg:$0x0] =	wrdreg $0x60  }
0xb4: {  	[dreg:$0x2] =	wrdreg s15  }
0xb5: {  	[dreg:$0x3] =	wrdreg s24  }
0xb6: {  	[dreg:$0x4] =	wrdreg s16  }
0xb7: {  	[dreg:$0x5] =	wrdreg s17  }
0xb8: {  	[dreg:$0x6] =	wrdreg $0x0  }
0xb9: {  	[dreg:$0x7] =	wrdreg $0x19000  }
0xba: {  	[dreg:$0x8] =	wrdreg $0x19500  }
0xbb: {  	[dreg:$0x9] =	wrdreg $0x9  }
0xbc: {  	_ =	task.clear_ibuf [dreg:s9], $0xAFFFF;
	_ =	strace $0x90000046  }
0xbd: {  	s29 =	simm.s32 $0x9;
	_ =	strace $0x80000048  }
0xbe: {  	_ =	swait.ge [sflag:s29], $0x1  }
0xbf: {  	[sflag:s29] =	ssyncadd.s32 $0xFFFFFFFF  }
0xc0: {  	_ =	strace $0x90000048  }
0xc1: {  	_ =	sfence  }
0xc2: {  	s30 =	sld [smem:$0x0];
	_ =	sdelay $0x2  }
0xc3: {  	s31 =	sshll.u32 s1, $0xD;
	s1 =	sshrl.u32 s1, $0x2  }
0xc4: {  	s3 =	sand.u32 $0x4000, s31;
	s1 =	sadd.s32 s1, s30  }
0xc5: {  	s0 =	sor.u32 s3, s0;
	s1 =	sshll.u32 s1, $0x11  }
0xc6: {  	s0 =	sor.u32 s1, s0  }
0xc7: {  	s0 =	sadd.s32 $0x8F2B, s0  }
0xc8: {  	[sflag:s0] =	ssyncadd.remote.s32 $0x1  }
0xc9: {  	_ =	sfence.sel $0xFFFF  }
0xca: {  	[dreg:$0x0] =	wrdreg $0xFFFFFFFF;
	(pc) =	sbr.abs _section_cstart, $3  }
0xcb: {  	[dreg:$0x1] =	wrdreg $0xFFFFFFFF  }
0xcc: {  	_ =	task.clear_ibuf [dreg:s9], $0x2FFFF;
	_ =	strace $0x9FFFFFFF  }
0xcd: {  	(tm) =	ssettm $0x7FFFFFFF  }
tec
execute0_lowered:
.L_overlay_start_1:
0x0: {  	(tag) =	ssettag $0x1  }
0x1: {  	s0 =	rddreg [dreg:$0x0]  }
0x2: {  	s1 =	rddreg [dreg:$0x1]  }
0x3: {  	s3 =	rddreg [dreg:$0x2]  }
0x4: {  	s2 =	rddreg [dreg:$0x4]  }
0x5: {  	s14 =	rddreg [dreg:$0x5]  }
0x6: {  	s15 =	rddreg [dreg:$0x6];
	s4 =	simm.s32 $0x0;
	s21 =	srdreg.scid;
	v2 =	vimm.s32 $0x76543210  }
0x7: {  	s16 =	stileid.u32;
	v3 =	vimm.s32 $0xFEDCBA98;
	v4 =	vimm.s32 $0xBA98FEDC;
	s17 =	simm.s32 $0x2560;
	s18 =	simm.s32 $0x2  }
0x8: {  	v5 =	vimm.s32 $0x32107654;
	v6 =	vimm.s32 $0xDCFE98BA;
	s19 =	simm.s32 $0x1960;
	s20 =	simm.s32 $0x80;
	s29 =	simm.s32 $0x1D60  }
0x9: {  	v7 =	vimm.s32 $0x54761032;
	s30 =	simm.s32 $0x1DE0;
	s31 =	simm.s32 $0x1E60;
	[smem:$0x7FF] =	sst s4  }
0xa: {  	v0 =	vlaneseq.u32;
	v8 =	vimm.s32 $0xEFCDAB89;
	v9 =	vimm.s32 $0x67452301;
	s4 =	sand.u32 $0x1, s21;
	s5 =	sshll.u32 s16, $0x6;
	s7 =	smul.u32 $0x1900, s16  }
0xb: {  	s13 =	sadd.s32 $0x1200, s1;
	v1 =	vmul.u32 $0xFFFFFFFF, v0;
	s24 =	smul.u32 $0x140, s16;
	v4 =	vunpack.c.l.s4.s8 v4;
	v5 =	vunpack.c.l.s4.s8 v5;
	s21 =	simm.s32 $0x0  }
0xc: {  	v2 =	vunpack.c.l.s4.s8 v2;
	v3 =	vunpack.c.l.s4.s8 v3;
	v6 =	vunpack.c.l.s4.s8 v6;
	_ =	strace $0x80000047;
	s6 =	ssub.s32 $0x2, s4;
	s11 =	sadd.s32 s5, s1  }
0xd: {  	v7 =	vunpack.c.l.s4.s8 v7;
	s9 =	sadd.s32 s0, s5;
	s12 =	sadd.s32 s3, s5;
	[dreg:$0x8] =	wrdreg s13;
	v4 =	vunpack.c.0.s8.s32 v4;
	v5 =	vunpack.c.0.s8.s32 v5  }
0xe: {  	v8 =	vunpack.c.l.s4.s8 v8;
	v9 =	vunpack.c.l.s4.s8 v9;
	s26 =	sshrl.u32 s5, $0x2;
	s28 =	sor.u32 s16, s4;
	p0 =	sne.s32 s4, $0x0;
	v3 =	vunpack.c.0.s8.s32 v3  }
0xf: {  	s5 =	simm.s32 $0x1F60;
	s3 =	simm.s32 $0x2360;
	s23 =	sxor.u32 $0x1FFFF, s7;
	v6 =	vunpack.c.0.s8.s32 v6;
	v5 =	vcombine.low v5, v4;
	v4 =	vunpack.c.0.s8.s32 v2  }
0x10: {  	s4 =	simm.s32 $0x5760;
	s22 =	sshrl.u32 s6, $0x1;
	s8 =	sadd.s32 s7, s2;
	v7 =	vunpack.c.0.s8.s32 v7;
	v0 =	vadd.s32 s23, v1;
	v63 =	vand.u32 $0xF, v3  }
0x11: {  	s10 =	sadd.s32 $0xE00, s11;
	s11 =	sadd.s32 $0xA00, s11;
	s25 =	sshrl.u32 s7, $0x3;
	v8 =	vunpack.c.0.s8.s32 v8;
	v9 =	vunpack.c.0.s8.s32 v9;
	[tilespmem:$0x1FFB0] =	vst v0;
	v0 =	vcombine.low v63, v4  }
.Ltmp0:
0x12: {  	s0 =	sshrl.u32 s24, $0x2;
	s15 =	sadd.s32 s26, s15;
	v6 =	vcombine.low v7, v6;
	(pc) =	sbr.rel .LBB2_1-.Ltmp0, $4  }
0x13: {  	vm0 =	vcmask $0x3F0C;
	s24 =	simm.s32 $0x1A60;
	p1 =	sne.s32 s28, $0x0;
	s26 =	simm.s32 $0x1AE0;
	v8 =	vcombine.low v9, v8;
	[tilespmem:$0x1FFC0] =	vst v0;
	v0 =	vand.u32 $0xF, v5  }
0x14: {  	vm1 =	vcmask $0x3F08;
	vm2 =	vcmask $0x704;
	s7 =	simm.s32 $0x1;
	s1 =	ssub.s32 s6, s22;
	s13 =	sadd.s32 s13, s25;
	[tilespmem:$0x1FFD0] =	vst v0;
	v0 =	vand.u32 $0xF, v6  }
0x15: {  	vm3 =	vcmask $0xB08;
	vm4 =	vcmask $0xF0C;
	s14 =	sadd.s32 s0, s14;
	s22 =	simm.s32 $0x19E0;
	s0 =	simm.s32 $0x1EE0;
	[tilespmem:$0x1FFE0] =	vst v0;
	v0 =	vand.u32 $0xF, v8  }
0x16: {  	vm5 =	vcmask $0x1310;
	s6 =	simm.s32 $0x5EE0;
	s16 =	smax.u32 s1, $0x1;
	v2 =	vimm.f32 $0.0e+00;
	v3 =	vimm.f32 $1.000000000e+00;
	s1 =	simm.s32 $0x2160;
	[tilespmem:$0x1FFF0] =	vst v0  }
.LBB2_7:
0x17: {  	s21 =	sadd.s32 $0x1, s21  }
0x18: {  	p2 =	sne.s32 s21, s16  }
.Ltmp1:
0x19: {  	_ = 	snop;
	(pc) =	sbr.rel @!p2 .LBB2_8-.Ltmp1, $1  }
0x1a: {  	_ =	sdelay $0x3  }
.LBB2_1:
0x1b: {  	s25 =	simm.s32 $0x100;
	s23 =	simm.s32 $0x0  }
.LBB2_2:
0x1c: {  	p2 =	sne.s32 s25, $0x6300;
	[tilespmem:s23+$0x2590] =	vst v2;
	s28 =	smov.u32 s25;
	s25 =	sadd.s32 $0x100, s25  }
.Ltmp2:
0x1d: {  	[tilespmem:s23+$0x2580] =	vst v2;
	(pc) =	sbr.rel @p2 .LBB2_2-.Ltmp2, $3  }
0x1e: {  	[tilespmem:s23+$0x2560] =	vst v2  }
0x1f: {  	[tilespmem:s23+$0x2570] =	vst v2;
	_ =	sdelay $0x1  }
0x20: {  	s23 =	sshra.s32 s28, $0x2  }
0x21: {  	[tilespmem:s23+$0x2590] =	vst v2  }
0x22: {  	[tilespmem:s23+$0x2580] =	vst v2  }
0x23: {  	[tilespmem:s23+$0x2560] =	vst v2  }
0x24: {  	[tilespmem:s23+$0x2570] =	vst v2  }
0x25: {  	[spmem:s8] =	stream.linear.scatter [tilespmem:s17], [sflag:$0x2], $0x1900, $0x38;
	[tilespmem:$0x5F60] =	vst v63  }
0x26: {  	_ =	swait.ge [sflag:s18], $0x1900  }
0x27: {  	[sflag:s18] =	ssyncset.done $0x0  }
0x28: {  	[sflag:s18] =	ssyncadd.s32 $0xFFFFE700  }
0x29: {  	s23 =	simm.s32 $0x0;
	[bflag:$0x0] =	sbarrier.arrive $0xFFFF  }
0x2a: {  	[tilespmem:s19], [sflag:$0x2] =	stream.linear.gather [hbm4b:s9+s23], $0x200, $0x38;
	[tilespmem:$0x5F60] =	vst v63  }
0x2b: {  	_ =	swait.ge [sflag:s18], $0x200  }
0x2c: {  	[sflag:s18] =	ssyncset.done $0x0  }
0x2d: {  	[sflag:s18] =	ssyncadd.s32 $0xFFFFFE00  }
0x2e: {  	[tilespmem:$0x1B60] =	vst v3  }
0x2f: {  	[tilespmem:$0x1B70] =	vst v3  }
0x30: {  	[tilespmem:$0x1B80] =	vst v3  }
0x31: {  	[tilespmem:$0x1B90] =	vst v3  }
0x32: {  	[tilespmem:$0x1BA0] =	vst v3  }
0x33: {  	[tilespmem:$0x1BB0] =	vst v3  }
0x34: {  	[tilespmem:$0x1BC0] =	vst v3  }
0x35: {  	[tilespmem:$0x1BD0] =	vst v3  }
0x36: {  	[tilespmem:$0x1BE0] =	vst v3  }
0x37: {  	[tilespmem:$0x1BF0] =	vst v3  }
0x38: {  	[tilespmem:$0x1C00] =	vst v3  }
0x39: {  	[tilespmem:$0x1C10] =	vst v3  }
0x3a: {  	[tilespmem:$0x1C20] =	vst v3  }
0x3b: {  	[tilespmem:$0x1C30] =	vst v3  }
0x3c: {  	[tilespmem:$0x1C40] =	vst v3  }
0x3d: {  	[tilespmem:$0x1C50] =	vst v3  }
0x3e: {  	[tilespmem:$0x1C60] =	vst v3  }
0x3f: {  	[tilespmem:$0x1C70] =	vst v3  }
0x40: {  	[tilespmem:$0x1C80] =	vst v3  }
0x41: {  	[tilespmem:$0x1C90] =	vst v3  }
0x42: {  	[tilespmem:$0x1CA0] =	vst v3  }
0x43: {  	[tilespmem:$0x1CB0] =	vst v3  }
0x44: {  	[tilespmem:$0x1CC0] =	vst v3  }
0x45: {  	[tilespmem:$0x1CD0] =	vst v3  }
0x46: {  	[tilespmem:$0x1CE0] =	vst v3  }
0x47: {  	[tilespmem:$0x1CF0] =	vst v3  }
0x48: {  	[tilespmem:$0x1D00] =	vst v3  }
0x49: {  	[tilespmem:$0x1D10] =	vst v3  }
0x4a: {  	[tilespmem:$0x1D20] =	vst v3  }
0x4b: {  	[tilespmem:$0x1D30] =	vst v3  }
0x4c: {  	[tilespmem:$0x1D40] =	vst v3  }
0x4d: {  	s25 =	simm.s32 $0x1B60;
	[tilespmem:$0x1D50] =	vst v3  }
0x4e: {  	[spmem:s2] =	stream.indirect.scatter.add.f32 [tilespmem:s25], [sflag:$0x2], $0x1, s19, s20, $0xb8;
	[tilespmem:$0x5F60] =	vst v63  }
0x4f: {  	_ =	swait.ge [sflag:s18], $0x80  }
0x50: {  	[sflag:s18] =	ssyncset.done $0x0  }
0x51: {  	s28 =	simm.s32 $0x1BE0;
	[sflag:s18] =	ssyncadd.s32 $0xFFFFFF80  }
0x52: {  	[spmem:s2] =	stream.indirect.scatter.add.f32 [tilespmem:s28], [sflag:$0x2], $0x1, s22, s20, $0xb8;
	[tilespmem:$0x5F60] =	vst v63  }
0x53: {  	_ =	swait.ge [sflag:s18], $0x80  }
0x54: {  	[sflag:s18] =	ssyncset.done $0x0  }
0x55: {  	s28 =	simm.s32 $0x1C60;
	[sflag:s18] =	ssyncadd.s32 $0xFFFFFF80  }
0x56: {  	[spmem:s2] =	stream.indirect.scatter.add.f32 [tilespmem:s28], [sflag:$0x2], $0x1, s24, s20, $0xb8;
	[tilespmem:$0x5F60] =	vst v63  }
0x57: {  	_ =	swait.ge [sflag:s18], $0x80  }
0x58: {  	[sflag:s18] =	ssyncset.done $0x0  }
0x59: {  	s28 =	simm.s32 $0x1CE0;
	[sflag:s18] =	ssyncadd.s32 $0xFFFFFF80  }
0x5a: {  	[spmem:s2] =	stream.indirect.scatter.add.f32 [tilespmem:s28], [sflag:$0x2], $0x1, s26, s20, $0xb8;
	[tilespmem:$0x5F60] =	vst v63  }
0x5b: {  	_ =	swait.ge [sflag:s18], $0x80  }
0x5c: {  	[sflag:s18] =	ssyncset.done $0x0  }
0x5d: {  	[sflag:s18] =	ssyncadd.s32 $0xFFFFFF80  }
0x5e: {  	[bflag:$0x0] =	sbarrier.arrive $0xFFFF  }
0x5f: {  	[tilespmem:s17], [sflag:$0x2] =	stream.linear.gather [spmem:s8], $0x1900, $0x38;
	[tilespmem:$0x5F60] =	vst v63  }
0x60: {  	_ =	swait.ge [sflag:s18], $0x1900  }
0x61: {  	[sflag:s18] =	ssyncset.done $0x0  }
0x62: {  	[sflag:s18] =	ssyncadd.s32 $0xFFFFE700  }
0x63: {  	[tilespmem:s29], [sflag:$0x2] =	stream.indirect.gather [spmem:s2], $0x1, s19, s20, $0xb8;
	[tilespmem:$0x5F60] =	vst v63  }
0x64: {  	_ =	swait.ge [sflag:s18], $0x80  }
0x65: {  	[sflag:s18] =	ssyncset.done $0x0  }
0x66: {  	[sflag:s18] =	ssyncadd.s32 $0xFFFFFF80  }
0x67: {  	[tilespmem:s30], [sflag:$0x2] =	stream.indirect.gather [spmem:s2], $0x1, s22, s20, $0xb8;
	[tilespmem:$0x5F60] =	vst v63  }
0x68: {  	_ =	swait.ge [sflag:s18], $0x80  }
0x69: {  	[sflag:s18] =	ssyncset.done $0x0  }
0x6a: {  	[sflag:s18] =	ssyncadd.s32 $0xFFFFFF80  }
0x6b: {  	[tilespmem:s31], [sflag:$0x2] =	stream.indirect.gather [spmem:s2], $0x1, s24, s20, $0xb8;
	[tilespmem:$0x5F60] =	vst v63  }
0x6c: {  	_ =	swait.ge [sflag:s18], $0x80  }
0x6d: {  	[sflag:s18] =	ssyncset.done $0x0  }
0x6e: {  	[sflag:s18] =	ssyncadd.s32 $0xFFFFFF80  }
0x6f: {  	[tilespmem:s0], [sflag:$0x2] =	stream.indirect.gather [spmem:s2], $0x1, s26, s20, $0xb8;
	[tilespmem:$0x5F60] =	vst v63  }
0x70: {  	_ =	swait.ge [sflag:s18], $0x80  }
0x71: {  	[sflag:s18] =	ssyncset.done $0x0  }
0x72: {  	[sflag:s18] =	ssyncadd.s32 $0xFFFFFF80  }
0x73: {  	[tilespmem:s5], [sflag:$0x2] =	stream.linear.gather [hbm4b:s10+s23], $0x200, $0x38;
	[tilespmem:$0x5F60] =	vst v63  }
0x74: {  	_ =	swait.ge [sflag:s18], $0x200  }
0x75: {  	[sflag:s18] =	ssyncset.done $0x0  }
0x76: {  	[sflag:s18] =	ssyncadd.s32 $0xFFFFFE00  }
0x77: {  	[tilespmem:s1], [sflag:$0x2] =	stream.linear.gather [hbm4b:s11+s23], $0x200, $0x38;
	[tilespmem:$0x5F60] =	vst v63  }
0x78: {  	_ =	swait.ge [sflag:s18], $0x200  }
0x79: {  	[sflag:s18] =	ssyncset.done $0x0  }
0x7a: {  	[sflag:s18] =	ssyncadd.s32 $0xFFFFFE00  }
0x7b: {  	[tilespmem:s3], [sflag:$0x2] =	stream.linear.gather [hbm4b:s12+s23], $0x200, $0x38;
	[tilespmem:$0x5F60] =	vst v63  }
0x7c: {  	_ =	swait.ge [sflag:s18], $0x200  }
0x7d: {  	[sflag:s18] =	ssyncset.done $0x0  }
0x7e: {  	s23 =	simm.s32 $0x0;
	v0 =	vld [tilespmem:$0x1FFB0];
	[sflag:s18] =	ssyncadd.s32 $0xFFFFFE00  }
0x7f: {  	v10 =	vld [tilespmem:s23+$0x25D0]  }
0x80: {  	v11 =	vld [tilespmem:s23+$0x25A0]  }
0x81: {  	v12 =	vld [tilespmem:s23+$0x2590]  }
0x82: {  	v13 =	vld [tilespmem:s23+$0x2560]  }
0x83: {  	v14 =	vld [tilespmem:s23+$0x2580]  }
0x84: {  	v16 =	vld [tilespmem:s23+$0x2570]  }
0x85: {  	v15 =	vimm.s32 $0x0;
	v9 =	vadd.s32 $0xFFFFFF80, v0  }
0x86: {  	v17 =	vadd.s32 $0xFFFFFFC0, v0;
	v18 =	vadd.s32 $0xFFFFFF90, v0;
	v19 =	vadd.s32 $0xFFFFFFB0, v0  }
0x87: {  	v45 =	vld [tilespmem:s23+$0x25C0];
	vm6 =	vgt.f32 v10, $0.0e+00;
	v10 =	vtrunc.f32 v10;
	v21 =	vtrunc.f32 v11  }
0x88: {  	v20 =	vadd.s32 $0xFFFFFFD0, v0;
	v22 =	vtrunc.f32 v13;
	v23 =	vtrunc.f32 v12  }
0x89: {  	vm7 =	vgt.f32 v11, $0.0e+00;
	v11 =	vtrunc.f32 v14;
	v24 =	vtrunc.f32 v16  }
0x8a: {  	v42 =	vadd.s32 $0xFFFFFFF0, v0;
	v10 =	vcvt.f32.s32 v10;
	v22 =	vcvt.f32.s32 v22  }
0x8b: {  	v25 =	vadd.s32 $0xFFFFFFE0, v0;
	v21 =	vcvt.f32.s32 v21;
	v11 =	vcvt.f32.s32 v11  }
0x8c: {  	v23 =	vcvt.f32.s32 v23;
	v50 =	vsel vm6, $0x3F19999A, v3;
	vm6 =	vgt.f32 v45, $0.0e+00  }
0x8d: {  	v59 =	vsel vm7, $0x3F19999A, v3;
	v10 =	vshll.u32 v10, $0x11;
	v22 =	vshll.u32 v22, $0x11  }
0x8e: {  	v11 =	vshll.u32 v11, $0x11;
	v23 =	vshll.u32 v23, $0x11;
	v21 =	vshll.u32 v21, $0x11  }
0x8f: {  	v10 =	vor.u32 v18, v10;
	v18 =	vcvt.f32.s32 v24;
	v22 =	vor.u32 v0, v22  }
0x90: {  	v11 =	vor.u32 v25, v11;
	v20 =	vor.u32 v20, v23;
	v17 =	vor.u32 v17, v21  }
0x91: {  	v24 =	vtrunc.f32 v45;
	vm8 =	vlt.s32 v15, v22;
	v18 =	vshll.u32 v18, $0x11  }
0x92: {  	v43 =	vsel vm8, v22, v15;
	v22 =	vsel vm8, v15, v22;
	v18 =	vor.u32 v42, v18  }
0x93: {  	v24 =	vcvt.f32.s32 v24;
	vm8 =	vlt.s32 v15, v22;
	vm9 =	vlt.s32 v43, v18  }
0x94: {  	v26 =	vsel vm8, v22, v15;
	v44 =	vsel vm9, v18, v43;
	v18 =	vsel vm9, v43, v18  }
0x95: {  	v24 =	vshll.u32 v24, $0x11;
	vm10 =	vlt.s32 v44, v11;
	vm9 =	vlt.s32 v26, v18  }
0x96: {  	v22 =	vsel vm8, v15, v22;
	v27 =	vsel vm10, v11, v44;
	v46 =	vsel vm9, v26, v18  }
0x97: {  	v18 =	vsel vm9, v18, v26;
	v25 =	vsel vm10, v44, v11;
	vm8 =	vlt.s32 v27, v20  }
0x98: {  	v23 =	vsel vm8, v20, v27;
	v20 =	vsel vm8, v27, v20;
	vm8 =	vlt.s32 v15, v22  }
0x99: {  	vm10 =	vgt.f32 v13, $0.0e+00;
	v47 =	vsel vm8, v22, v15;
	vm9 =	vlt.s32 v23, v17  }
0x9a: {  	vm11 =	vlt.s32 v47, v46;
	v49 =	vsel vm9, v17, v23;
	v17 =	vsel vm9, v23, v17  }
0x9b: {  	v11 =	vld [tilespmem:s23+$0x25B0];
	vm9 =	vlt.s32 v18, v25;
	v48 =	vsel vm11, v46, v47;
	v21 =	vsel vm11, v47, v46  }
0x9c: {  	v13 =	vsel vm9, v25, v18;
	v18 =	vsel vm9, v18, v25;
	vm11 =	vgt.f32 v14, $0.0e+00  }
0x9d: {  	v14 =	vsel vm8, v15, v22;
	vm9 =	vlt.s32 v13, v20;
	v52 =	vsel vm11, $0x3F19999A, v3  }
0x9e: {  	vm8 =	vlt.s32 v15, v14;
	vm11 =	vgt.f32 v12, $0.0e+00;
	v51 =	vsel vm9, v20, v13  }
0x9f: {  	v13 =	vsel vm9, v13, v20;
	v20 =	vadd.s32 $0xFFFFFFA0, v0;
	vm9 =	vgt.f32 v16, $0.0e+00  }
0xa0: {  	v16 =	vtrunc.f32 v11;
	v53 =	vsel vm8, v14, v15;
	v12 =	vsel vm8, v15, v14  }
0xa1: {  	v56 =	vsel vm11, $0x3F19999A, v3;
	v16 =	vcvt.f32.s32 v16;
	vm8 =	vgt.s32 v15, v12  }
0xa2: {  	v20 =	vor.u32 v20, v24;
	v12 =	vsel vm8, v15, v12;
	vm8 =	vlt.s32 v48, v18  }
0xa3: {  	v54 =	vsel vm9, $0x3F19999A, v3;
	v16 =	vshll.u32 v16, $0x11;
	v55 =	vsel vm8, v18, v48  }
0xa4: {  	v16 =	vor.u32 v19, v16;
	v19 =	vsel vm10, $0x3F19999A, v3;
	vm10 =	vlt.s32 v53, v21  }
0xa5: {  	v18 =	vsel vm8, v48, v18;
	v14 =	vsel vm10, v53, v21;
	vm9 =	vlt.s32 v49, v16  }
0xa6: {  	v21 =	vsel vm10, v21, v53;
	vm10 =	vlt.s32 v55, v13;
	v15 =	vsel vm9, v16, v49  }
0xa7: {  	v16 =	vsel vm9, v49, v16;
	vm8 =	vgt.s32 v12, v14;
	vm9 =	vlt.s32 v51, v17  }
0xa8: {  	v58 =	vsel vm10, v13, v55;
	v13 =	vsel vm10, v55, v13;
	v12 =	vsel vm8, v12, v14  }
0xa9: {  	v14 =	vsel vm9, v17, v51;
	vm8 =	vlt.s32 v21, v18;
	v17 =	vsel vm9, v51, v17  }
0xaa: {  	vm7 =	vlt.s32 v15, v20;
	v57 =	vsel vm8, v18, v21;
	v18 =	vsel vm8, v21, v18  }
0xab: {  	vm8 =	vlt.s32 v58, v17;
	v61 =	vsel vm7, v15, v20;
	vm9 =	vgt.s32 v12, v18  }
0xac: {  	vm10 =	vlt.s32 v57, v13;
	v28 =	vsel vm8, v58, v17;
	v17 =	vsel vm8, v17, v58  }
0xad: {  	v12 =	vsel vm9, v12, v18;
	vm9 =	vlt.s32 v14, v16;
	v18 =	vsel vm10, v13, v57  }
0xae: {  	v13 =	vsel vm10, v57, v13;
	v60 =	vsel vm9, v14, v16;
	v16 =	vsel vm9, v16, v14  }
0xaf: {  	vm8 =	vlt.s32 v18, v28;
	vm9 =	vgt.s32 v12, v13;
	v14 =	vsel vm7, v20, v15  }
0xb0: {  	vm10 =	vlt.s32 v16, v61;
	vm7 =	vlt.s32 v14, v10;
	v12 =	vsel vm9, v12, v13  }
0xb1: {  	v20 =	vsel vm10, v16, v61;
	v15 =	vsel vm10, v61, v16;
	v16 =	vsel vm8, v18, v28  }
0xb2: {  	[tilespmem:s23+$0x3ED0] =	vst v50;
	vm10 =	vlt.s32 v17, v60;
	v63 =	vsel vm7, v14, v10;
	v18 =	vsel vm8, v28, v18  }
0xb3: {  	[tilespmem:s23+$0x3EA0] =	vst v59;
	v62 =	vsel vm10, v17, v60;
	vm8 =	vgt.s32 v12, v16;
	vm9 =	vlt.s32 v15, v63  }
0xb4: {  	[tilespmem:s23+$0x3E60] =	vst v19;
	v19 =	vsel vm10, v60, v17;
	v16 =	vsel vm8, v12, v16;
	v13 =	vsel vm9, v15, v63  }
0xb5: {  	[tilespmem:s23+$0x3E80] =	vst v52;
	vm8 =	vlt.s32 v18, v62;
	vm10 =	vlt.s32 v19, v20;
	v12 =	vsel vm9, v63, v15  }
0xb6: {  	[tilespmem:s23+$0x3E90] =	vst v56;
	v17 =	vsel vm8, v62, v18;
	v18 =	vsel vm8, v18, v62;
	v15 =	vsel vm10, v20, v19  }
0xb7: {  	s25 =	simm.s32 $0x200;
	[tilespmem:s23+$0x3E70] =	vst v54;
	v19 =	vsel vm10, v19, v20;
	vm9 =	vgt.s32 v16, v18;
	vm8 =	vlt.s32 v15, v13  }
.LBB2_4:
0xb8: {  	s28 =	sshra.s32 s25, $0x2;
	p2 =	sne.s32 s25, $0x6200;
	s25 =	sadd.s32 $0x200, s25;
	vm10 =	vgt.f32 v11, $0.0e+00;
	v11 =	vsel vm6, $0x3F19999A, v3;
	v14 =	vsel vm7, v10, v14;
	v20 =	vmovc v9  }
0xb9: {  	vm6 =	vlt.s32 v17, v19;
	v22 =	vsel vm8, v15, v13;
	v10 =	vld [tilespmem:s28+$0x25D0];
	v21 =	vsel vm10, $0x3F19999A, v3;
	[tilespmem:s23+$0x3EC0] =	vst v11  }
0xba: {  	v16 =	vsel vm9, v16, v18;
	v18 =	vsel vm6, v19, v17;
	v17 =	vsel vm6, v17, v19;
	v11 =	vld [tilespmem:s28+$0x25B0];
	[tilespmem:s23+$0x3EB0] =	vst v21;
	s23 =	smov.u32 s28  }
0xbb: {  	v9 =	vadd.s32 $0xFFFFFF80, v9;
	vm6 =	vgt.s32 v16, v17;
	vm7 =	vlt.s32 v18, v22;
	v19 =	vld [tilespmem:s23+$0x25C0]  }
0xbc: {  	v16 =	vsel vm6, v16, v17;
	v17 =	vsel vm7, v22, v18;
	v18 =	vsel vm7, v18, v22;
	v21 =	vld [tilespmem:s23+$0x25A0]  }
0xbd: {  	v13 =	vsel vm8, v13, v15;
	v23 =	vadd.s32 $0xFFFFFFC0, v20;
	vm6 =	vgt.s32 v16, v18;
	v22 =	vld [tilespmem:s23+$0x2590]  }
0xbe: {  	v24 =	vadd.s32 $0xFFFFFF90, v20;
	v15 =	vld [tilespmem:s23+$0x2580];
	vm7 =	vgt.f32 v10, $0.0e+00;
	v10 =	vtrunc.f32 v10  }
0xbf: {  	v26 =	vadd.s32 $0xFFFFFFB0, v20;
	v25 =	vld [tilespmem:s23+$0x2560];
	v27 =	vsel vm7, $0x3F19999A, v3;
	v10 =	vcvt.f32.s32 v10  }
0xc0: {  	v29 =	vadd.s32 $0xFFFFFFD0, v20;
	v16 =	vsel vm6, v16, v18;
	v28 =	vld [tilespmem:s23+$0x2570];
	v30 =	vtrunc.f32 v19;
	[tilespmem:s23+$0x3ED0] =	vst v27  }
0xc1: {  	vm6 =	vgt.f32 v19, $0.0e+00;
	v18 =	vtrunc.f32 v21;
	v10 =	vshll.u32 v10, $0x11  }
0xc2: {  	vm7 =	vgt.f32 v21, $0.0e+00;
	v21 =	vadd.s32 $0xFFFFFFA0, v20;
	v19 =	vtrunc.f32 v22  }
0xc3: {  	v31 =	vtrunc.f32 v11;
	v10 =	vor.u32 v24, v10;
	v27 =	vtrunc.f32 v15  }
0xc4: {  	v31 =	vcvt.f32.s32 v31;
	v24 =	vadd.s32 $0xFFFFFFF0, v20;
	v18 =	vcvt.f32.s32 v18  }
0xc5: {  	v30 =	vcvt.f32.s32 v30;
	vm8 =	vgt.f32 v25, $0.0e+00;
	v32 =	vtrunc.f32 v28  }
0xc6: {  	v25 =	vtrunc.f32 v25;
	v27 =	vcvt.f32.s32 v27;
	vm9 =	vgt.f32 v28, $0.0e+00  }
0xc7: {  	v25 =	vcvt.f32.s32 v25;
	v28 =	vcvt.f32.s32 v32;
	v32 =	vadd.s32 $0xFFFFFFE0, v20  }
0xc8: {  	vm10 =	vgt.f32 v15, $0.0e+00;
	v19 =	vcvt.f32.s32 v19;
	v15 =	vshll.u32 v27, $0x11  }
0xc9: {  	v25 =	vshll.u32 v25, $0x11;
	v15 =	vor.u32 v32, v15;
	v27 =	vshll.u32 v28, $0x11  }
0xca: {  	v20 =	vor.u32 v20, v25;
	v25 =	vsel vm10, $0x3F19999A, v3;
	v24 =	vor.u32 v24, v27  }
0xcb: {  	v27 =	vsel vm8, $0x3F19999A, v3;
	vm8 =	vlt.s32 v14, v20;
	[tilespmem:s23+$0x3E80] =	vst v25;
	v25 =	vshll.u32 v30, $0x11  }
0xcc: {  	[tilespmem:s23+$0x3E60] =	vst v27;
	v27 =	vsel vm8, v20, v14;
	v14 =	vsel vm8, v14, v20;
	v20 =	vsel vm9, $0x3F19999A, v3  }
0xcd: {  	vm10 =	vgt.f32 v22, $0.0e+00;
	vm8 =	vlt.s32 v12, v14;
	[tilespmem:s23+$0x3E70] =	vst v20;
	vm9 =	vlt.s32 v27, v24  }
0xce: {  	v22 =	vsel vm10, $0x3F19999A, v3;
	v21 =	vor.u32 v21, v25;
	v20 =	vsel vm9, v24, v27  }
0xcf: {  	v25 =	vsel vm8, v14, v12;
	v12 =	vsel vm8, v12, v14;
	vm8 =	vlt.s32 v20, v15;
	[tilespmem:s23+$0x3E90] =	vst v22  }
0xd0: {  	v14 =	vshll.u32 v19, $0x11;
	v19 =	vshll.u32 v31, $0x11;
	vm10 =	vlt.s32 v13, v12  }
0xd1: {  	v14 =	vor.u32 v29, v14;
	v19 =	vor.u32 v26, v19;
	v22 =	vsel vm8, v15, v20  }
0xd2: {  	v18 =	vshll.u32 v18, $0x11;
	v24 =	vsel vm9, v27, v24;
	vm9 =	vlt.s32 v22, v14  }
0xd3: {  	vm11 =	vlt.s32 v25, v24;
	v26 =	vsel vm9, v14, v22;
	v14 =	vsel vm9, v22, v14  }
0xd4: {  	v18 =	vor.u32 v23, v18;
	v27 =	vsel vm11, v25, v24;
	v22 =	vsel vm10, v13, v12  }
0xd5: {  	v23 =	vsel vm7, $0x3F19999A, v3;
	vm9 =	vlt.s32 v17, v22;
	vm7 =	vlt.s32 v26, v18  }
0xd6: {  	v12 =	vsel vm10, v12, v13;
	v13 =	vsel vm9, v17, v22;
	[tilespmem:s23+$0x3EA0] =	vst v23;
	v23 =	vsel vm7, v18, v26  }
0xd7: {  	v24 =	vsel vm11, v24, v25;
	v15 =	vsel vm8, v20, v15;
	vm10 =	vlt.s32 v12, v27  }
0xd8: {  	vm8 =	vlt.s32 v24, v15;
	v20 =	vsel vm10, v27, v12;
	vm11 =	vlt.s32 v23, v19  }
0xd9: {  	v17 =	vsel vm9, v22, v17;
	v22 =	vsel vm8, v15, v24;
	v25 =	vsel vm11, v19, v23  }
0xda: {  	v12 =	vsel vm10, v12, v27;
	vm9 =	vlt.s32 v22, v14;
	v18 =	vsel vm7, v26, v18  }
0xdb: {  	v15 =	vsel vm8, v24, v15;
	vm7 =	vlt.s32 v17, v12;
	v24 =	vsel vm9, v14, v22  }
0xdc: {  	v14 =	vsel vm9, v22, v14;
	v26 =	vsel vm7, v17, v12;
	vm8 =	vlt.s32 v24, v18  }
0xdd: {  	vm10 =	vlt.s32 v20, v15;
	vm9 =	vgt.s32 v16, v13;
	v12 =	vsel vm7, v12, v17  }
0xde: {  	v13 =	vsel vm9, v16, v13;
	v16 =	vsel vm10, v15, v20;
	vm7 =	vlt.s32 v25, v21  }
0xdf: {  	vm9 =	vlt.s32 v16, v14;
	v17 =	vsel vm8, v18, v24;
	v19 =	vsel vm11, v23, v19  }
0xe0: {  	v15 =	vsel vm10, v20, v15;
	vm11 =	vgt.s32 v13, v26;
	v20 =	vsel vm9, v14, v16  }
0xe1: {  	vm10 =	vlt.s32 v12, v15;
	v18 =	vsel vm8, v24, v18;
	v13 =	vsel vm11, v13, v26  }
0xe2: {  	v22 =	vsel vm10, v15, v12;
	v12 =	vsel vm10, v12, v15;
	vm8 =	vlt.s32 v20, v18  }
0xe3: {  	v14 =	vsel vm9, v16, v14;
	vm10 =	vgt.s32 v13, v12;
	v15 =	vsel vm8, v20, v18  }
0xe4: {  	vm9 =	vlt.s32 v22, v14;
	v12 =	vsel vm10, v13, v12;
	vm10 =	vlt.s32 v17, v19  }
0xe5: {  	v13 =	vsel vm9, v14, v22;
	v16 =	vsel vm9, v22, v14;
	v22 =	vsel vm10, v17, v19  }
0xe6: {  	vm9 =	vlt.s32 v13, v15;
	v17 =	vsel vm10, v19, v17;
	v19 =	vsel vm7, v25, v21  }
0xe7: {  	vm10 =	vgt.s32 v12, v16;
	v23 =	vsel vm9, v13, v15;
	vm11 =	vlt.s32 v17, v19  }
0xe8: {  	v18 =	vsel vm8, v18, v20;
	v14 =	vsel vm7, v21, v25;
	v20 =	vsel vm11, v17, v19  }
0xe9: {  	vm7 =	vlt.s32 v14, v10;
	vm8 =	vlt.s32 v18, v22;
	v17 =	vsel vm11, v19, v17  }
0xea: {  	v12 =	vsel vm10, v12, v16;
	v21 =	vsel vm7, v14, v10;
	v19 =	vsel vm8, v18, v22  }
.Ltmp3:
0xeb: {  	v15 =	vsel vm9, v15, v13;
	vm9 =	vgt.s32 v12, v23;
	vm10 =	vlt.s32 v17, v21;
	(pc) =	sbr.rel @p2 .LBB2_4-.Ltmp3, $4  }
0xec: {  	v22 =	vsel vm8, v22, v18;
	v16 =	vsel vm9, v12, v23;
	v13 =	vsel vm10, v17, v21  }
0xed: {  	vm8 =	vlt.s32 v15, v19;
	vm11 =	vlt.s32 v22, v20;
	v12 =	vsel vm10, v21, v17  }
0xee: {  	v17 =	vsel vm8, v19, v15;
	v18 =	vsel vm8, v15, v19;
	v15 =	vsel vm11, v20, v22  }
0xef: {  	v19 =	vsel vm11, v22, v20;
	vm9 =	vgt.s32 v16, v18;
	vm8 =	vlt.s32 v15, v13  }
0xf0: {  	vm10 =	vgt.f32 v11, $0.0e+00;
	v9 =	vsel vm6, $0x3F19999A, v3  }
0xf1: {  	v11 =	vsel vm10, $0x3F19999A, v3;
	[tilespmem:s23+$0x3EC0] =	vst v9  }
0xf2: {  	s25 =	simm.s32 @!p0 $0x3E60;
	[tilespmem:s23+$0x3EB0] =	vst v11;
	s23 =	simm.s32 @!p0 $0x0  }
0xf3: {  	[hbm4b:s13+s23] =	stream.linear.scatter @!p0 [tilespmem:s25], [sflag:$0x2], $0x1900, $0x38;
	[tilespmem:$0x5F60] =	vst v63  }
0xf4: {  	s23 =	simm.s32 @!p0 $0x2  }
0xf5: {  	_ =	swait.ge @!p0 [sflag:s23], $0x1900  }
0xf6: {  	v62 =	vsel vm7, v10, v14;
	vm6 =	vlt.s32 v17, v19;
	v63 =	vsel vm8, v15, v13;
	[sflag:s23] =	ssyncset.done @!p0 $0x0  }
0xf7: {  	v6 =	vsel vm9, v16, v18;
	v7 =	vsel vm6, v19, v17;
	v20 =	vsel vm6, v17, v19;
	[sflag:s23] =	ssyncadd.s32 @!p0 $0xFFFFE700  }
0xf8: {  	vm6 =	vgt.s32 v6, v20;
	vm7 =	vlt.s32 v7, v63;
	[tilespmem:$0x5760] =	vst v62  }
0xf9: {  	v23 =	vsel vm8, v13, v15;
	v21 =	vsel vm6, v6, v20;
	v22 =	vsel vm7, v7, v63;
	[tilespmem:$0x5770] =	vst v12  }
0xfa: {  	v10 =	vsel vm7, v63, v7;
	vm6 =	vgt.s32 v21, v22;
	[tilespmem:$0x5780] =	vst v23  }
0xfb: {  	v9 =	vsel vm6, v21, v22;
	[tilespmem:$0x5790] =	vst v10  }
0xfc: {  	[tilespmem:$0x57A0] =	vst v9  }
0xfd: {  	[spmem:s14] =	stream.linear.scatter [tilespmem:s4], [sflag:$0x2], $0x50, $0x38;
	[tilespmem:$0x5F60] =	vst v63  }
0xfe: {  	_ =	swait.ge [sflag:s18], $0x50  }
0xff: {  	[sflag:s18] =	ssyncset.done $0x0  }
0x100: {  	[sflag:s18] =	ssyncadd.s32 $0xFFFFFFB0  }
0x101: {  	v10 =	vld [tilespmem:$0x1D60]  }
0x102: {  	v11 =	vld [tilespmem:$0x1F60]  }
0x103: {  	v12 =	vld [tilespmem:$0x2160]  }
0x104: {  	v13 =	vld [tilespmem:$0x2360]  }
0x105: {  	v14 =	vld [tilespmem:$0x1D70]  }
0x106: {  	v15 =	vld [tilespmem:$0x1F70]  }
0x107: {  	v16 =	vld [tilespmem:$0x2170]  }
0x108: {  	v17 =	vld [tilespmem:$0x2370]  }
0x109: {  	v18 =	vld [tilespmem:$0x1D80]  }
0x10a: {  	v19 =	vld [tilespmem:$0x1F80]  }
0x10b: {  	v20 =	vld [tilespmem:$0x2180]  }
0x10c: {  	v21 =	vld [tilespmem:$0x2380]  }
0x10d: {  	v22 =	vld [tilespmem:$0x1D90]  }
0x10e: {  	v23 =	vld [tilespmem:$0x1F90]  }
0x10f: {  	v24 =	vld [tilespmem:$0x2190]  }
0x110: {  	v25 =	vld [tilespmem:$0x2390]  }
0x111: {  	v26 =	vld [tilespmem:$0x1DA0]  }
0x112: {  	v27 =	vld [tilespmem:$0x1FA0]  }
0x113: {  	v28 =	vld [tilespmem:$0x21A0]  }
0x114: {  	v29 =	vld [tilespmem:$0x23A0]  }
0x115: {  	v30 =	vld [tilespmem:$0x1DB0]  }
0x116: {  	v31 =	vld [tilespmem:$0x1FB0]  }
0x117: {  	v32 =	vld [tilespmem:$0x21B0]  }
0x118: {  	v33 =	vld [tilespmem:$0x23B0]  }
0x119: {  	v34 =	vld [tilespmem:$0x1DC0]  }
0x11a: {  	v35 =	vld [tilespmem:$0x1FC0]  }
0x11b: {  	v36 =	vld [tilespmem:$0x21C0]  }
0x11c: {  	v37 =	vld [tilespmem:$0x23C0]  }
0x11d: {  	v38 =	vld [tilespmem:$0x1DD0]  }
0x11e: {  	v39 =	vld [tilespmem:$0x1FD0]  }
0x11f: {  	v40 =	vld [tilespmem:$0x21D0]  }
0x120: {  	v41 =	vld [tilespmem:$0x23D0]  }
0x121: {  	v42 =	vld [tilespmem:$0x1DE0]  }
0x122: {  	v43 =	vld [tilespmem:$0x1FE0]  }
0x123: {  	v44 =	vld [tilespmem:$0x21E0]  }
0x124: {  	v45 =	vld [tilespmem:$0x23E0]  }
0x125: {  	v46 =	vld [tilespmem:$0x1DF0]  }
0x126: {  	v47 =	vld [tilespmem:$0x1FF0]  }
0x127: {  	v48 =	vld [tilespmem:$0x21F0]  }
0x128: {  	v49 =	vld [tilespmem:$0x23F0]  }
0x129: {  	v50 =	vld [tilespmem:$0x1E00]  }
0x12a: {  	v51 =	vld [tilespmem:$0x2000]  }
0x12b: {  	v52 =	vld [tilespmem:$0x2200]  }
0x12c: {  	v53 =	vld [tilespmem:$0x2400]  }
0x12d: {  	v54 =	vld [tilespmem:$0x1E10]  }
0x12e: {  	v55 =	vld [tilespmem:$0x2010]  }
0x12f: {  	v56 =	vld [tilespmem:$0x2210]  }
0x130: {  	v57 =	vld [tilespmem:$0x2410]  }
0x131: {  	v58 =	vld [tilespmem:$0x1E20]  }
0x132: {  	v59 =	vld [tilespmem:$0x2020]  }
0x133: {  	v60 =	vld [tilespmem:$0x2220]  }
0x134: {  	v61 =	vld [tilespmem:$0x2420]  }
0x135: {  	v62 =	vld [tilespmem:$0x1E30]  }
0x136: {  	v63 =	vld [tilespmem:$0x2030]  }
0x137: {  	v8 =	vld [tilespmem:$0x2230]  }
0x138: {  	v0 =	vld [tilespmem:$0x2430]  }
0x139: {  	v4 =	vld [tilespmem:$0x1E40];
	v11 =	vmul.f32 v11, v10;
	v12 =	vmul.f32 v12, v10  }
0x13a: {  	v1 =	vld [tilespmem:$0x2440];
	v10 =	vmul.f32 v13, v10;
	v15 =	vmul.f32 v15, v14  }
0x13b: {  	v5 =	vld [tilespmem:$0x2040];
	v16 =	vmul.f32 v16, v14;
	v14 =	vmul.f32 v17, v14  }
0x13c: {  	v6 =	vld [tilespmem:$0x2240];
	v24 =	vmul.f32 v24, v22;
	v25 =	vmul.f32 v25, v22;
	v11 =	vadd.f32 $0.0e+00, v11  }
0x13d: {  	v9 =	vld [tilespmem:$0x1E50];
	v8 =	vmul.f32 v8, v62;
	v12 =	vadd.f32 $0.0e+00, v12;
	v10 =	vadd.f32 $0.0e+00, v10  }
0x13e: {  	v7 =	vld [tilespmem:$0x2450];
	v0 =	vmul.f32 v0, v62;
	v11 =	vadd.f32 v15, v11;
	v15 =	vmul.f32 v19, v18  }
0x13f: {  	[tilespmem:$0x1FFA0] =	vst v1;
	v1 =	vld [tilespmem:$0x2050];
	v12 =	vadd.f32 v16, v12;
	v10 =	vadd.f32 v14, v10;
	v14 =	vmul.f32 v20, v18  }
0x140: {  	v13 =	vld [tilespmem:$0x2250];
	v11 =	vadd.f32 v15, v11;
	v15 =	vmul.f32 v21, v18;
	v18 =	vmul.f32 v23, v22  }
0x141: {  	v17 =	vld [tilespmem:$0x1E60];
	v12 =	vadd.f32 v14, v12;
	v14 =	vmul.f32 v27, v26;
	v22 =	vmul.f32 v28, v26  }
0x142: {  	v19 =	vld [tilespmem:$0x2060];
	v28 =	vmul.f32 v29, v26;
	v29 =	vmul.f32 v31, v30  }
0x143: {  	v16 =	vld [tilespmem:$0x2260];
	v31 =	vmul.f32 v33, v30;
	v33 =	vmul.f32 v36, v34  }
0x144: {  	v20 =	vld [tilespmem:$0x2460];
	v36 =	vmul.f32 v39, v38;
	v39 =	vmul.f32 v41, v38  }
0x145: {  	v21 =	vld [tilespmem:$0x1E70];
	v41 =	vmul.f32 v44, v42;
	v44 =	vmul.f32 v47, v46  }
0x146: {  	v23 =	vld [tilespmem:$0x2270];
	v47 =	vmul.f32 v49, v46;
	v49 =	vmul.f32 v52, v50  }
0x147: {  	v26 =	vld [tilespmem:$0x2080];
	v52 =	vmul.f32 v55, v54;
	v55 =	vmul.f32 v59, v58  }
0x148: {  	v27 =	vld [tilespmem:$0x2280];
	v59 =	vmul.f32 v63, v62;
	v62 =	vmul.f32 v13, v9  }
0x149: {  	v13 =	vld [tilespmem:$0x22E0];
	v10 =	vadd.f32 v15, v10;
	v15 =	vmul.f32 v32, v30;
	v32 =	vmul.f32 v35, v34  }
0x14a: {  	v11 =	vadd.f32 v18, v11;
	v18 =	vld [tilespmem:$0x2070];
	v35 =	vmul.f32 v37, v34;
	v37 =	vmul.f32 v40, v38  }
0x14b: {  	v12 =	vadd.f32 v24, v12;
	v24 =	vld [tilespmem:$0x2470];
	v40 =	vmul.f32 v43, v42;
	v43 =	vmul.f32 v45, v42  }
0x14c: {  	v30 =	vld [tilespmem:$0x2090];
	v45 =	vmul.f32 v48, v46;
	v48 =	vmul.f32 v51, v50  }
0x14d: {  	v34 =	vld [tilespmem:$0x1EB0];
	v51 =	vmul.f32 v53, v50;
	v53 =	vmul.f32 v56, v54  }
0x14e: {  	v38 =	vld [tilespmem:$0x20B0];
	v54 =	vmul.f32 v57, v54;
	v56 =	vmul.f32 v60, v58;
	v10 =	vadd.f32 v25, v10  }
0x14f: {  	v57 =	vmul.f32 v61, v58;
	v58 =	vld [tilespmem:$0x20C0];
	v11 =	vadd.f32 v14, v11;
	v12 =	vadd.f32 v22, v12  }
0x150: {  	v60 =	vld [tilespmem:$0x22C0];
	v10 =	vadd.f32 v28, v10  }
0x151: {  	v61 =	vld [tilespmem:$0x1FFA0];
	v11 =	vadd.f32 v29, v11;
	v12 =	vadd.f32 v15, v12  }
0x152: {  	v50 =	vld [tilespmem:$0x2300];
	v10 =	vadd.f32 v31, v10  }
0x153: {  	v42 =	vld [tilespmem:$0x1F40];
	v11 =	vadd.f32 v32, v11;
	v12 =	vadd.f32 v33, v12  }
0x154: {  	v63 =	vmul.f32 v19, v17;
	v19 =	vmul.f32 v16, v17;
	v16 =	vld [tilespmem:$0x22F0];
	v10 =	vadd.f32 v35, v10  }
0x155: {  	v22 =	vld [tilespmem:$0x1E80];
	v11 =	vadd.f32 v36, v11;
	v12 =	vadd.f32 v37, v12  }
0x156: {  	v25 =	vld [tilespmem:$0x2480];
	v10 =	vadd.f32 v39, v10  }
0x157: {  	v14 =	vld [tilespmem:$0x1ED0];
	v11 =	vadd.f32 v40, v11;
	v12 =	vadd.f32 v41, v12  }
0x158: {  	v29 =	vld [tilespmem:$0x1E90];
	v10 =	vadd.f32 v43, v10  }
0x159: {  	v28 =	vld [tilespmem:$0x2290];
	v11 =	vadd.f32 v44, v11;
	v12 =	vadd.f32 v45, v12  }
0x15a: {  	v5 =	vmul.f32 v5, v4;
	v6 =	vmul.f32 v6, v4;
	v15 =	vld [tilespmem:$0x24C0];
	v10 =	vadd.f32 v47, v10  }
0x15b: {  	v4 =	vmul.f32 v61, v4;
	v61 =	vld [tilespmem:$0x2510];
	v11 =	vadd.f32 v48, v11;
	v12 =	vadd.f32 v49, v12  }
0x15c: {  	v32 =	vld [tilespmem:$0x2490];
	v10 =	vadd.f32 v51, v10  }
0x15d: {  	v33 =	vld [tilespmem:$0x1EA0];
	v11 =	vadd.f32 v52, v11;
	v12 =	vadd.f32 v53, v12  }
0x15e: {  	v31 =	vld [tilespmem:$0x20A0];
	v10 =	vadd.f32 v54, v10  }
0x15f: {  	v35 =	vld [tilespmem:$0x22A0];
	v11 =	vadd.f32 v55, v11;
	v12 =	vadd.f32 v56, v12  }
0x160: {  	v36 =	vld [tilespmem:$0x24A0];
	v10 =	vadd.f32 v57, v10  }
0x161: {  	v37 =	vld [tilespmem:$0x24B0];
	v11 =	vadd.f32 v59, v11;
	v8 =	vadd.f32 v8, v12  }
0x162: {  	v1 =	vmul.f32 v1, v9;
	v30 =	vmul.f32 v30, v29;
	v39 =	vld [tilespmem:$0x22B0];
	v0 =	vadd.f32 v0, v10  }
0x163: {  	v41 =	vld [tilespmem:$0x1EC0];
	v46 =	vmul.f32 v32, v29;
	v5 =	vadd.f32 v5, v11;
	v6 =	vadd.f32 v6, v8  }
0x164: {  	v43 =	vld [tilespmem:$0x24F0];
	v44 =	vmul.f32 v28, v29;
	v0 =	vadd.f32 v4, v0;
	v4 =	vmul.f32 v7, v9  }
0x165: {  	v45 =	vld [tilespmem:$0x1F00];
	v48 =	vmul.f32 v31, v33;
	v1 =	vadd.f32 v1, v5;
	v6 =	vadd.f32 v62, v6  }
0x166: {  	v29 =	vld [tilespmem:$0x2120];
	v49 =	vmul.f32 v35, v33;
	v0 =	vadd.f32 v4, v0;
	v4 =	vmul.f32 v20, v17  }
0x167: {  	v47 =	vld [tilespmem:$0x2100];
	v1 =	vadd.f32 v63, v1;
	v6 =	vadd.f32 v19, v6;
	v20 =	vmul.f32 v18, v21  }
0x168: {  	v31 =	vld [tilespmem:$0x2320];
	v0 =	vadd.f32 v4, v0;
	v4 =	vmul.f32 v23, v21;
	v23 =	vmul.f32 v24, v21  }
0x169: {  	v35 =	vld [tilespmem:$0x1F30];
	v1 =	vadd.f32 v20, v1;
	v24 =	vmul.f32 v26, v22;
	v26 =	vmul.f32 v27, v22  }
0x16a: {  	v52 =	vld [tilespmem:$0x2500];
	v27 =	vmul.f32 v25, v22;
	v4 =	vadd.f32 v4, v6;
	v0 =	vadd.f32 v23, v0  }
0x16b: {  	v12 =	vld [tilespmem:$0x24D0];
	v1 =	vadd.f32 v24, v1  }
0x16c: {  	v10 =	vld [tilespmem:$0x20D0];
	v4 =	vadd.f32 v26, v4;
	v0 =	vadd.f32 v27, v0  }
0x16d: {  	v11 =	vld [tilespmem:$0x22D0];
	v1 =	vadd.f32 v30, v1  }
0x16e: {  	v51 =	vmul.f32 v36, v33;
	v8 =	vld [tilespmem:$0x24E0];
	v4 =	vadd.f32 v44, v4;
	v0 =	vadd.f32 v46, v0  }
0x16f: {  	v53 =	vmul.f32 v38, v34;
	v55 =	vmul.f32 v39, v34;
	v5 =	vld [tilespmem:$0x1EE0];
	v1 =	vadd.f32 v48, v1  }
0x170: {  	v56 =	vmul.f32 v37, v34;
	v9 =	vld [tilespmem:$0x20E0];
	v4 =	vadd.f32 v49, v4;
	v0 =	vadd.f32 v51, v0  }
0x171: {  	v58 =	vmul.f32 v58, v41;
	v60 =	vmul.f32 v60, v41;
	v17 =	vld [tilespmem:$0x1EF0];
	v1 =	vadd.f32 v53, v1  }
0x172: {  	v62 =	vmul.f32 v15, v41;
	v18 =	vld [tilespmem:$0x20F0];
	v4 =	vadd.f32 v55, v4;
	v0 =	vadd.f32 v56, v0  }
0x173: {  	v54 =	vld [tilespmem:$0x1F10];
	v10 =	vmul.f32 v10, v14;
	v28 =	vmul.f32 v11, v14;
	v1 =	vadd.f32 v58, v1  }
0x174: {  	v34 =	vld [tilespmem:$0x2520];
	v30 =	vmul.f32 v12, v14;
	v4 =	vadd.f32 v60, v4;
	v0 =	vadd.f32 v62, v0  }
0x175: {  	v37 =	vld [tilespmem:$0x2130];
	v32 =	vmul.f32 v9, v5;
	v33 =	vmul.f32 v13, v5;
	v1 =	vadd.f32 v10, v1  }
0x176: {  	v57 =	vld [tilespmem:$0x2110];
	v5 =	vmul.f32 v8, v5;
	v4 =	vadd.f32 v28, v4;
	v0 =	vadd.f32 v30, v0  }
0x177: {  	v59 =	vld [tilespmem:$0x2310];
	v36 =	vmul.f32 v18, v17;
	v38 =	vmul.f32 v43, v17;
	v1 =	vadd.f32 v32, v1  }
0x178: {  	v63 =	vld [tilespmem:$0x1F20];
	v4 =	vadd.f32 v33, v4;
	v0 =	vadd.f32 v5, v0;
	v5 =	vmul.f32 v16, v17  }
0x179: {  	v39 =	vld [tilespmem:$0x2330];
	v40 =	vmul.f32 v47, v45;
	v1 =	vadd.f32 v36, v1  }
0x17a: {  	v41 =	vld [tilespmem:$0x2530];
	v4 =	vadd.f32 v5, v4;
	v0 =	vadd.f32 v38, v0;
	v5 =	vmul.f32 v52, v45  }
0x17b: {  	v43 =	vmul.f32 v50, v45;
	v50 =	vld [tilespmem:$0x1F50];
	v44 =	vmul.f32 v57, v54  }
0x17c: {  	v46 =	vld [tilespmem:$0x2340];
	v1 =	vadd.f32 v40, v1;
	v0 =	vadd.f32 v5, v0;
	v5 =	vmul.f32 v61, v54  }
0x17d: {  	v47 =	vmul.f32 v59, v54;
	v48 =	vld [tilespmem:$0x2540];
	v49 =	vmul.f32 v34, v63;
	v4 =	vadd.f32 v43, v4  }
0x17e: {  	v45 =	vld [tilespmem:$0x2140];
	v1 =	vadd.f32 v44, v1;
	v0 =	vadd.f32 v5, v0;
	v5 =	vmul.f32 v29, v63  }
0x17f: {  	v51 =	vmul.f32 v31, v63;
	v52 =	vld [tilespmem:$0x2550];
	v4 =	vadd.f32 v47, v4  }
0x180: {  	v53 =	vld [tilespmem:$0x2350];
	v1 =	vadd.f32 v5, v1;
	v0 =	vadd.f32 v49, v0;
	v5 =	vmul.f32 v41, v35  }
0x181: {  	v6 =	vmul.f32 v39, v35;
	v55 =	vld [tilespmem:$0x2150];
	v4 =	vadd.f32 v51, v4  }
0x182: {  	v54 =	vmul.f32 v37, v35;
	v0 =	vadd.f32 v5, v0;
	v5 =	vmul.f32 v48, v42  }
0x183: {  	v56 =	vmul.f32 v46, v42;
	v60 =	vld [tilespmem:$0x1FFC0];
	v57 =	vmul.f32 v45, v42;
	v4 =	vadd.f32 v6, v4  }
0x184: {  	v1 =	vadd.f32 v54, v1;
	v0 =	vadd.f32 v5, v0;
	v5 =	vmul.f32 v52, v50  }
0x185: {  	v58 =	vmul.f32 v53, v50;
	v4 =	vadd.f32 v56, v4  }
0x186: {  	v59 =	vmul.f32 v55, v50;
	v1 =	vadd.f32 v57, v1;
	v0 =	vadd.f32 v5, v0  }
0x187: {  	v61 =	vld [tilespmem:$0x1FFD0];
	v4 =	vadd.f32 v58, v4  }
0x188: {  	v1 =	vadd.f32 v59, v1;
	v5 =	vperm.xlane v0, v60  }
0x189: {  	v6 =	vperm.xlane v4, v60  }
0x18a: {  	v7 =	vperm.xlane v1, v60;
	v0 =	vadd.f32 v5, v0  }
0x18b: {  	v62 =	vld [tilespmem:$0x1FFE0];
	v4 =	vadd.f32 v6, v4  }
0x18c: {  	v1 =	vadd.f32 v7, v1;
	v5 =	vperm.xlane v0, v61  }
0x18d: {  	v6 =	vperm.xlane v4, v61  }
0x18e: {  	v7 =	vperm.xlane v1, v61;
	v0 =	vadd.f32 v5, v0  }
0x18f: {  	v63 =	vld [tilespmem:$0x1FFF0];
	v4 =	vadd.f32 v6, v4  }
0x190: {  	v1 =	vadd.f32 v7, v1;
	v5 =	vperm.xlane v0, v62  }
0x191: {  	v6 =	vperm.xlane v4, v62  }
0x192: {  	v7 =	vperm.xlane v1, v62;
	v0 =	vadd.f32 v5, v0  }
0x193: {  	v4 =	vadd.f32 v6, v4  }
0x194: {  	v1 =	vadd.f32 v7, v1;
	v5 =	vperm.xlane v0, v63  }
0x195: {  	v6 =	vperm.xlane v4, v63  }
0x196: {  	v7 =	vperm.xlane v1, v63;
	v0 =	vadd.f32 v5, v0  }
0x197: {  	v4 =	vadd.f32 v6, v4  }
0x198: {  	v1 =	vadd.f32 v7, v1;
	v0 =	vsel vm0, $0x0, v0  }
0x199: {  	vm6 =	vmmov $0x1;
	v0 =	vsel vm1, v0, v4  }
0x19a: {  	v0 =	vsel vm6, v1, v0  }
0x19b: {  	[tilespmem:$0x5EE0] =	vst v0  }
0x19c: {  	[spmem:s15] =	stream.linear.scatter [tilespmem:s6], [sflag:$0x2], $0x10, $0x38;
	[tilespmem:$0x5F60] =	vst v63  }
.Ltmp4:
0x19d: {  	_ =	swait.ge [sflag:s18], $0x10;
	(pc) =	sbr.rel @p1 .LBB2_7-.Ltmp4, $3  }
0x19e: {  	[sflag:s18] =	ssyncset.done $0x0  }
0x19f: {  	[sflag:s18] =	ssyncadd.s32 $0xFFFFFFF0  }
0x1a0: {  	[bflag:$0x0] =	sbarrier.arrive $0xFFFF;
	_ =	sdelay $0x1  }
0x1a1: {  	s23 =	rddreg [dreg:$0x5];
	s25 =	simm.s32 $0x57E0  }
0x1a2: {  	[tilespmem:s25], [sflag:$0x2] =	stream.linear.gather [spmem:s23], $0x500, $0x38;
	[tilespmem:$0x5F60] =	vst v63  }
0x1a3: {  	_ =	swait.ge [sflag:s18], $0x500  }
0x1a4: {  	[sflag:s18] =	ssyncset.done $0x0  }
0x1a5: {  	[sflag:s18] =	ssyncadd.s32 $0xFFFFFB00  }
0x1a6: {  	s28 =	simm.s32 $0x5CE0;
	s25 =	rddreg [dreg:$0x6]  }
0x1a7: {  	[tilespmem:s28], [sflag:$0x2] =	stream.linear.gather [spmem:s25], $0x100, $0x38;
	[tilespmem:$0x5F60] =	vst v63  }
0x1a8: {  	_ =	swait.ge [sflag:s18], $0x100  }
0x1a9: {  	[sflag:s18] =	ssyncset.done $0x0  }
0x1aa: {  	[sflag:s18] =	ssyncadd.s32 $0xFFFFFF00  }
0x1ab: {  	v0 =	vld [tilespmem:$0x57E0]  }
0x1ac: {  	v1 =	vld [tilespmem:$0x5830];
	_ =	sdelay $0x1  }
0x1ad: {  	v4 =	vld [tilespmem:$0x57F0]  }
0x1ae: {  	v5 =	vld [tilespmem:$0x5800]  }
0x1af: {  	v6 =	vld [tilespmem:$0x5840]  }
0x1b0: {  	vm7 =	vlt.s32 v0, v1  }
0x1b1: {  	v7 =	vld [tilespmem:$0x5810];
	v8 =	vsel vm7, v0, v1  }
0x1b2: {  	v11 =	vld [tilespmem:$0x5850];
	vm8 =	vlt.s32 v4, v8  }
0x1b3: {  	v0 =	vsel vm7, v1, v0;
	v10 =	vsel vm8, v4, v8  }
0x1b4: {  	v9 =	vld [tilespmem:$0x5820];
	vm9 =	vlt.s32 v0, v6;
	v4 =	vsel vm8, v8, v4;
	vm7 =	vlt.s32 v5, v10  }
0x1b5: {  	v43 =	vsel vm9, v0, v6;
	v0 =	vsel vm9, v6, v0;
	v1 =	vsel vm7, v5, v10  }
0x1b6: {  	v46 =	vld [tilespmem:$0x5860];
	v5 =	vsel vm7, v10, v5;
	vm7 =	vlt.s32 v4, v43;
	vm14 =	vlt.s32 v7, v1  }
0x1b7: {  	v45 =	vsel vm7, v4, v43;
	v4 =	vsel vm7, v43, v4;
	vm7 =	vlt.s32 v0, v11  }
0x1b8: {  	v44 =	vsel vm14, v7, v1;
	v1 =	vsel vm14, v1, v7;
	vm12 =	vlt.s32 v5, v45  }
0x1b9: {  	v48 =	vsel vm7, v0, v11;
	v0 =	vsel vm7, v11, v0;
	vm15 =	vgt.s32 v9, v44  }
0x1ba: {  	v47 =	vsel vm12, v5, v45;
	v5 =	vsel vm12, v45, v5;
	vm14 =	vlt.s32 v4, v48  }
0x1bb: {  	vm12 =	vlt.s32 v0, v46;
	v9 =	vsel vm15, v9, v44;
	vm13 =	vlt.s32 v1, v47  }
0x1bc: {  	v50 =	vsel vm14, v4, v48;
	v4 =	vsel vm14, v48, v4;
	v11 =	vsel vm12, v0, v46  }
0x1bd: {  	v51 =	vld [tilespmem:$0x5870];
	v0 =	vsel vm12, v46, v0;
	v49 =	vsel vm13, v47, v1;
	vm7 =	vlt.s32 v5, v50  }
0x1be: {  	v1 =	vsel vm13, v1, v47;
	vm8 =	vlt.s32 v4, v11;
	v52 =	vsel vm7, v5, v50  }
0x1bf: {  	vm15 =	vgt.s32 v9, v1;
	v5 =	vsel vm7, v50, v5;
	vm7 =	vlt.s32 v49, v52  }
0x1c0: {  	v54 =	vsel vm8, v4, v11;
	v1 =	vsel vm15, v9, v1;
	v7 =	vsel vm7, v49, v52  }
0x1c1: {  	v56 =	vld [tilespmem:$0x5880];
	vm13 =	vlt.s32 v5, v54;
	v53 =	vsel vm7, v52, v49;
	vm7 =	vgt.s32 v1, v7  }
0x1c2: {  	v55 =	vsel vm13, v5, v54;
	v1 =	vsel vm7, v1, v7;
	vm7 =	vlt.s32 v0, v51  }
0x1c3: {  	v4 =	vsel vm8, v11, v4;
	vm14 =	vlt.s32 v53, v55;
	v57 =	vsel vm7, v0, v51  }
0x1c4: {  	v5 =	vsel vm13, v54, v5;
	v58 =	vsel vm14, v53, v55;
	vm15 =	vlt.s32 v4, v57  }
0x1c5: {  	v60 =	vld [tilespmem:$0x5890];
	v6 =	vsel vm14, v55, v53;
	v0 =	vsel vm7, v51, v0;
	v59 =	vsel vm15, v4, v57  }
0x1c6: {  	vm12 =	vgt.s32 v1, v58;
	vm13 =	vlt.s32 v0, v56;
	vm7 =	vlt.s32 v5, v59  }
0x1c7: {  	v4 =	vsel vm15, v57, v4;
	v62 =	vsel vm13, v0, v56;
	v61 =	vsel vm7, v5, v59  }
0x1c8: {  	v0 =	vsel vm13, v56, v0;
	v5 =	vsel vm7, v59, v5;
	vm7 =	vlt.s32 v6, v61  }
0x1c9: {  	v63 =	vsel vm7, v61, v6;
	v6 =	vsel vm7, v6, v61;
	vm7 =	vlt.s32 v4, v62  }
0x1ca: {  	v1 =	vsel vm12, v1, v58;
	vm12 =	vlt.s32 v0, v60;
	v12 =	vsel vm7, v4, v62  }
0x1cb: {  	v13 =	vld [tilespmem:$0x58A0];
	v15 =	vsel vm12, v0, v60;
	v0 =	vsel vm12, v60, v0;
	vm15 =	vlt.s32 v5, v12  }
0x1cc: {  	vm14 =	vgt.s32 v1, v6;
	v4 =	vsel vm7, v62, v4;
	v14 =	vsel vm15, v5, v12  }
0x1cd: {  	v1 =	vsel vm14, v1, v6;
	vm13 =	vlt.s32 v4, v15;
	vm7 =	vlt.s32 v63, v14  }
0x1ce: {  	v5 =	vsel vm15, v12, v5;
	v17 =	vsel vm13, v4, v15;
	v8 =	vsel vm7, v63, v14  }
0x1cf: {  	v19 =	vld [tilespmem:$0x58B0];
	vm14 =	vlt.s32 v5, v17;
	v16 =	vsel vm7, v14, v63;
	vm7 =	vgt.s32 v1, v8  }
0x1d0: {  	v18 =	vsel vm14, v5, v17;
	v1 =	vsel vm7, v1, v8;
	vm7 =	vlt.s32 v0, v13  }
0x1d1: {  	v4 =	vsel vm13, v15, v4;
	vm15 =	vlt.s32 v16, v18;
	v20 =	vsel vm7, v0, v13  }
0x1d2: {  	v5 =	vsel vm14, v17, v5;
	v21 =	vsel vm15, v16, v18;
	vm12 =	vlt.s32 v4, v20  }
0x1d3: {  	v23 =	vld [tilespmem:$0x58C0];
	v7 =	vsel vm15, v18, v16;
	v0 =	vsel vm7, v13, v0;
	v22 =	vsel vm12, v4, v20  }
0x1d4: {  	vm13 =	vgt.s32 v1, v21;
	vm14 =	vlt.s32 v0, v19;
	vm7 =	vlt.s32 v5, v22  }
0x1d5: {  	v4 =	vsel vm12, v20, v4;
	v25 =	vsel vm14, v0, v19;
	v24 =	vsel vm7, v5, v22  }
0x1d6: {  	v0 =	vsel vm14, v19, v0;
	v5 =	vsel vm7, v22, v5;
	vm7 =	vlt.s32 v7, v24  }
0x1d7: {  	v26 =	vsel vm7, v24, v7;
	v7 =	vsel vm7, v7, v24;
	vm7 =	vlt.s32 v4, v25  }
0x1d8: {  	v1 =	vsel vm13, v1, v21;
	vm13 =	vlt.s32 v0, v23;
	v27 =	vsel vm7, v4, v25  }
0x1d9: {  	v28 =	vld [tilespmem:$0x58D0];
	v30 =	vsel vm13, v0, v23;
	v0 =	vsel vm13, v23, v0;
	vm12 =	vlt.s32 v5, v27  }
0x1da: {  	vm15 =	vgt.s32 v1, v7;
	v4 =	vsel vm7, v25, v4;
	v29 =	vsel vm12, v5, v27  }
0x1db: {  	v1 =	vsel vm15, v1, v7;
	vm14 =	vlt.s32 v4, v30;
	vm7 =	vlt.s32 v26, v29  }
0x1dc: {  	v5 =	vsel vm12, v27, v5;
	v32 =	vsel vm14, v4, v30;
	v8 =	vsel vm7, v26, v29  }
0x1dd: {  	v34 =	vld [tilespmem:$0x58E0];
	vm15 =	vlt.s32 v5, v32;
	v31 =	vsel vm7, v29, v26;
	vm7 =	vgt.s32 v1, v8  }
0x1de: {  	v33 =	vsel vm15, v5, v32;
	v1 =	vsel vm7, v1, v8;
	vm7 =	vlt.s32 v0, v28  }
0x1df: {  	v4 =	vsel vm14, v30, v4;
	vm12 =	vlt.s32 v31, v33;
	v35 =	vsel vm7, v0, v28  }
0x1e0: {  	v5 =	vsel vm15, v32, v5;
	v36 =	vsel vm12, v31, v33;
	vm13 =	vlt.s32 v4, v35  }
0x1e1: {  	v38 =	vld [tilespmem:$0x58F0];
	v6 =	vsel vm12, v33, v31;
	v0 =	vsel vm7, v28, v0;
	v37 =	vsel vm13, v4, v35  }
0x1e2: {  	vm14 =	vgt.s32 v1, v36;
	vm15 =	vlt.s32 v0, v34;
	vm7 =	vlt.s32 v5, v37  }
0x1e3: {  	v4 =	vsel vm13, v35, v4;
	v40 =	vsel vm15, v0, v34;
	v39 =	vsel vm7, v5, v37  }
0x1e4: {  	v0 =	vsel vm15, v34, v0;
	v5 =	vsel vm7, v37, v5;
	vm7 =	vlt.s32 v6, v39  }
0x1e5: {  	v41 =	vsel vm7, v39, v6;
	v6 =	vsel vm7, v6, v39;
	vm7 =	vlt.s32 v4, v40  }
0x1e6: {  	v1 =	vsel vm14, v1, v36;
	vm14 =	vlt.s32 v0, v38;
	v42 =	vsel vm7, v4, v40  }
0x1e7: {  	v43 =	vld [tilespmem:$0x5900];
	v45 =	vsel vm14, v0, v38;
	v0 =	vsel vm14, v38, v0;
	vm13 =	vlt.s32 v5, v42  }
0x1e8: {  	vm12 =	vgt.s32 v1, v6;
	v4 =	vsel vm7, v40, v4;
	v44 =	vsel vm13, v5, v42  }
0x1e9: {  	v1 =	vsel vm12, v1, v6;
	vm15 =	vlt.s32 v4, v45;
	vm7 =	vlt.s32 v41, v44  }
0x1ea: {  	v5 =	vsel vm13, v42, v5;
	v47 =	vsel vm15, v4, v45;
	v9 =	vsel vm7, v41, v44  }
0x1eb: {  	v49 =	vld [tilespmem:$0x5910];
	vm12 =	vlt.s32 v5, v47;
	v46 =	vsel vm7, v44, v41;
	vm7 =	vgt.s32 v1, v9  }
0x1ec: {  	v48 =	vsel vm12, v5, v47;
	v1 =	vsel vm7, v1, v9;
	vm7 =	vlt.s32 v0, v43  }
0x1ed: {  	v4 =	vsel vm15, v45, v4;
	vm13 =	vlt.s32 v46, v48;
	v50 =	vsel vm7, v0, v43  }
0x1ee: {  	v5 =	vsel vm12, v47, v5;
	v51 =	vsel vm13, v46, v48;
	vm14 =	vlt.s32 v4, v50  }
0x1ef: {  	v53 =	vld [tilespmem:$0x5920];
	v7 =	vsel vm13, v48, v46;
	v0 =	vsel vm7, v43, v0;
	v52 =	vsel vm14, v4, v50  }
0x1f0: {  	vm15 =	vgt.s32 v1, v51;
	vm12 =	vlt.s32 v0, v49;
	vm7 =	vlt.s32 v5, v52  }
0x1f1: {  	v4 =	vsel vm14, v50, v4;
	v55 =	vsel vm12, v0, v49;
	v54 =	vsel vm7, v5, v52  }
0x1f2: {  	v0 =	vsel vm12, v49, v0;
	v5 =	vsel vm7, v52, v5;
	vm7 =	vlt.s32 v7, v54  }
0x1f3: {  	v56 =	vsel vm7, v54, v7;
	v7 =	vsel vm7, v7, v54;
	vm7 =	vlt.s32 v4, v55  }
0x1f4: {  	v1 =	vsel vm15, v1, v51;
	vm15 =	vlt.s32 v0, v53;
	v57 =	vsel vm7, v4, v55  }
0x1f5: {  	v58 =	vld [tilespmem:$0x5930];
	v60 =	vsel vm15, v0, v53;
	v0 =	vsel vm15, v53, v0;
	vm14 =	vlt.s32 v5, v57  }
0x1f6: {  	vm13 =	vgt.s32 v1, v7;
	v4 =	vsel vm7, v55, v4;
	v59 =	vsel vm14, v5, v57  }
0x1f7: {  	v1 =	vsel vm13, v1, v7;
	vm12 =	vlt.s32 v4, v60;
	vm7 =	vlt.s32 v56, v59  }
0x1f8: {  	v5 =	vsel vm14, v57, v5;
	v62 =	vsel vm12, v4, v60;
	v8 =	vsel vm7, v56, v59  }
0x1f9: {  	v12 =	vld [tilespmem:$0x5940];
	vm13 =	vlt.s32 v5, v62;
	v61 =	vsel vm7, v59, v56;
	vm7 =	vgt.s32 v1, v8  }
0x1fa: {  	v63 =	vsel vm13, v5, v62;
	v1 =	vsel vm7, v1, v8;
	vm7 =	vlt.s32 v0, v58  }
0x1fb: {  	v4 =	vsel vm12, v60, v4;
	vm14 =	vlt.s32 v61, v63;
	v13 =	vsel vm7, v0, v58  }
0x1fc: {  	v5 =	vsel vm13, v62, v5;
	v14 =	vsel vm14, v61, v63;
	vm15 =	vlt.s32 v4, v13  }
0x1fd: {  	v16 =	vld [tilespmem:$0x5950];
	v6 =	vsel vm14, v63, v61;
	v0 =	vsel vm7, v58, v0;
	v15 =	vsel vm15, v4, v13  }
0x1fe: {  	vm12 =	vgt.s32 v1, v14;
	vm13 =	vlt.s32 v0, v12;
	vm7 =	vlt.s32 v5, v15  }
0x1ff: {  	v4 =	vsel vm15, v13, v4;
	v18 =	vsel vm13, v0, v12;
	v17 =	vsel vm7, v5, v15  }
0x200: {  	v0 =	vsel vm13, v12, v0;
	v5 =	vsel vm7, v15, v5;
	vm7 =	vlt.s32 v6, v17  }
0x201: {  	v19 =	vsel vm7, v17, v6;
	v6 =	vsel vm7, v6, v17;
	vm7 =	vlt.s32 v4, v18  }
0x202: {  	v1 =	vsel vm12, v1, v14;
	vm12 =	vlt.s32 v0, v16;
	v20 =	vsel vm7, v4, v18  }
0x203: {  	v21 =	vld [tilespmem:$0x5960];
	v23 =	vsel vm12, v0, v16;
	v0 =	vsel vm12, v16, v0;
	vm15 =	vlt.s32 v5, v20  }
0x204: {  	vm14 =	vgt.s32 v1, v6;
	v4 =	vsel vm7, v18, v4;
	v22 =	vsel vm15, v5, v20  }
0x205: {  	v1 =	vsel vm14, v1, v6;
	vm13 =	vlt.s32 v4, v23;
	vm7 =	vlt.s32 v19, v22  }
0x206: {  	v5 =	vsel vm15, v20, v5;
	v25 =	vsel vm13, v4, v23;
	v9 =	vsel vm7, v19, v22  }
0x207: {  	v27 =	vld [tilespmem:$0x5970];
	vm14 =	vlt.s32 v5, v25;
	v24 =	vsel vm7, v22, v19;
	vm7 =	vgt.s32 v1, v9  }
0x208: {  	v26 =	vsel vm14, v5, v25;
	v1 =	vsel vm7, v1, v9;
	vm7 =	vlt.s32 v0, v21  }
0x209: {  	v4 =	vsel vm13, v23, v4;
	vm15 =	vlt.s32 v24, v26;
	v28 =	vsel vm7, v0, v21  }
0x20a: {  	v5 =	vsel vm14, v25, v5;
	v29 =	vsel vm15, v24, v26;
	vm12 =	vlt.s32 v4, v28  }
0x20b: {  	v31 =	vld [tilespmem:$0x5980];
	v7 =	vsel vm15, v26, v24;
	v0 =	vsel vm7, v21, v0;
	v30 =	vsel vm12, v4, v28  }
0x20c: {  	vm13 =	vgt.s32 v1, v29;
	vm14 =	vlt.s32 v0, v27;
	vm7 =	vlt.s32 v5, v30  }
0x20d: {  	v4 =	vsel vm12, v28, v4;
	v33 =	vsel vm14, v0, v27;
	v32 =	vsel vm7, v5, v30  }
0x20e: {  	v0 =	vsel vm14, v27, v0;
	v5 =	vsel vm7, v30, v5;
	vm7 =	vlt.s32 v7, v32  }
0x20f: {  	v34 =	vsel vm7, v32, v7;
	v7 =	vsel vm7, v7, v32;
	vm7 =	vlt.s32 v4, v33  }
0x210: {  	v1 =	vsel vm13, v1, v29;
	vm13 =	vlt.s32 v0, v31;
	v35 =	vsel vm7, v4, v33  }
0x211: {  	v36 =	vld [tilespmem:$0x5990];
	v38 =	vsel vm13, v0, v31;
	v0 =	vsel vm13, v31, v0;
	vm12 =	vlt.s32 v5, v35  }
0x212: {  	vm15 =	vgt.s32 v1, v7;
	v4 =	vsel vm7, v33, v4;
	v37 =	vsel vm12, v5, v35  }
0x213: {  	v1 =	vsel vm15, v1, v7;
	vm14 =	vlt.s32 v4, v38;
	vm7 =	vlt.s32 v34, v37  }
0x214: {  	v5 =	vsel vm12, v35, v5;
	v40 =	vsel vm14, v4, v38;
	v8 =	vsel vm7, v34, v37  }
0x215: {  	v42 =	vld [tilespmem:$0x59A0];
	vm15 =	vlt.s32 v5, v40;
	v39 =	vsel vm7, v37, v34;
	vm7 =	vgt.s32 v1, v8  }
0x216: {  	v41 =	vsel vm15, v5, v40;
	v1 =	vsel vm7, v1, v8;
	vm7 =	vlt.s32 v0, v36  }
0x217: {  	v4 =	vsel vm14, v38, v4;
	vm12 =	vlt.s32 v39, v41;
	v43 =	vsel vm7, v0, v36  }
0x218: {  	v5 =	vsel vm15, v40, v5;
	v44 =	vsel vm12, v39, v41;
	vm13 =	vlt.s32 v4, v43  }
0x219: {  	v46 =	vld [tilespmem:$0x59B0];
	v6 =	vsel vm12, v41, v39;
	v0 =	vsel vm7, v36, v0;
	v45 =	vsel vm13, v4, v43  }
0x21a: {  	vm14 =	vgt.s32 v1, v44;
	vm15 =	vlt.s32 v0, v42;
	vm7 =	vlt.s32 v5, v45  }
0x21b: {  	v4 =	vsel vm13, v43, v4;
	v48 =	vsel vm15, v0, v42;
	v47 =	vsel vm7, v5, v45  }
0x21c: {  	v0 =	vsel vm15, v42, v0;
	v5 =	vsel vm7, v45, v5;
	vm7 =	vlt.s32 v6, v47  }
0x21d: {  	v49 =	vsel vm7, v47, v6;
	v6 =	vsel vm7, v6, v47;
	vm7 =	vlt.s32 v4, v48  }
0x21e: {  	v1 =	vsel vm14, v1, v44;
	vm14 =	vlt.s32 v0, v46;
	v50 =	vsel vm7, v4, v48  }
0x21f: {  	v51 =	vld [tilespmem:$0x59C0];
	v53 =	vsel vm14, v0, v46;
	v0 =	vsel vm14, v46, v0;
	vm13 =	vlt.s32 v5, v50  }
0x220: {  	vm12 =	vgt.s32 v1, v6;
	v4 =	vsel vm7, v48, v4;
	v52 =	vsel vm13, v5, v50  }
0x221: {  	v1 =	vsel vm12, v1, v6;
	vm15 =	vlt.s32 v4, v53;
	vm7 =	vlt.s32 v49, v52  }
0x222: {  	v5 =	vsel vm13, v50, v5;
	v55 =	vsel vm15, v4, v53;
	v9 =	vsel vm7, v49, v52  }
0x223: {  	v57 =	vld [tilespmem:$0x59D0];
	vm12 =	vlt.s32 v5, v55;
	v54 =	vsel vm7, v52, v49;
	vm7 =	vgt.s32 v1, v9  }
0x224: {  	v56 =	vsel vm12, v5, v55;
	v1 =	vsel vm7, v1, v9;
	vm7 =	vlt.s32 v0, v51  }
0x225: {  	v4 =	vsel vm15, v53, v4;
	vm13 =	vlt.s32 v54, v56;
	v58 =	vsel vm7, v0, v51  }
0x226: {  	v5 =	vsel vm12, v55, v5;
	v59 =	vsel vm13, v54, v56;
	vm14 =	vlt.s32 v4, v58  }
0x227: {  	v61 =	vld [tilespmem:$0x59E0];
	v7 =	vsel vm13, v56, v54;
	v0 =	vsel vm7, v51, v0;
	v60 =	vsel vm14, v4, v58  }
0x228: {  	vm15 =	vgt.s32 v1, v59;
	vm12 =	vlt.s32 v0, v57;
	vm7 =	vlt.s32 v5, v60  }
0x229: {  	v4 =	vsel vm14, v58, v4;
	v63 =	vsel vm12, v0, v57;
	v62 =	vsel vm7, v5, v60  }
0x22a: {  	v0 =	vsel vm12, v57, v0;
	v5 =	vsel vm7, v60, v5;
	vm7 =	vlt.s32 v7, v62  }
0x22b: {  	v12 =	vsel vm7, v62, v7;
	v7 =	vsel vm7, v7, v62;
	vm7 =	vlt.s32 v4, v63  }
0x22c: {  	v1 =	vsel vm15, v1, v59;
	vm15 =	vlt.s32 v0, v61;
	v13 =	vsel vm7, v4, v63  }
0x22d: {  	v14 =	vld [tilespmem:$0x59F0];
	v16 =	vsel vm15, v0, v61;
	v0 =	vsel vm15, v61, v0;
	vm14 =	vlt.s32 v5, v13  }
0x22e: {  	vm13 =	vgt.s32 v1, v7;
	v4 =	vsel vm7, v63, v4;
	v15 =	vsel vm14, v5, v13  }
0x22f: {  	v1 =	vsel vm13, v1, v7;
	vm12 =	vlt.s32 v4, v16;
	vm7 =	vlt.s32 v12, v15  }
0x230: {  	v5 =	vsel vm14, v13, v5;
	v18 =	vsel vm12, v4, v16;
	v8 =	vsel vm7, v12, v15  }
0x231: {  	v20 =	vld [tilespmem:$0x5A00];
	vm13 =	vlt.s32 v5, v18;
	v17 =	vsel vm7, v15, v12;
	vm7 =	vgt.s32 v1, v8  }
0x232: {  	v19 =	vsel vm13, v5, v18;
	v1 =	vsel vm7, v1, v8;
	vm7 =	vlt.s32 v0, v14  }
0x233: {  	v4 =	vsel vm12, v16, v4;
	vm14 =	vlt.s32 v17, v19;
	v21 =	vsel vm7, v0, v14  }
0x234: {  	v5 =	vsel vm13, v18, v5;
	v22 =	vsel vm14, v17, v19;
	vm15 =	vlt.s32 v4, v21  }
0x235: {  	v24 =	vld [tilespmem:$0x5A10];
	v6 =	vsel vm14, v19, v17;
	v0 =	vsel vm7, v14, v0;
	v23 =	vsel vm15, v4, v21  }
0x236: {  	vm12 =	vgt.s32 v1, v22;
	vm13 =	vlt.s32 v0, v20;
	vm7 =	vlt.s32 v5, v23  }
0x237: {  	v4 =	vsel vm15, v21, v4;
	v26 =	vsel vm13, v0, v20;
	v25 =	vsel vm7, v5, v23  }
0x238: {  	v0 =	vsel vm13, v20, v0;
	v5 =	vsel vm7, v23, v5;
	vm7 =	vlt.s32 v6, v25  }
0x239: {  	v27 =	vsel vm7, v25, v6;
	v6 =	vsel vm7, v6, v25;
	vm7 =	vlt.s32 v4, v26  }
0x23a: {  	v1 =	vsel vm12, v1, v22;
	vm12 =	vlt.s32 v0, v24;
	v28 =	vsel vm7, v4, v26  }
0x23b: {  	v29 =	vld [tilespmem:$0x5A20];
	v31 =	vsel vm12, v0, v24;
	v0 =	vsel vm12, v24, v0;
	vm15 =	vlt.s32 v5, v28  }
0x23c: {  	vm14 =	vgt.s32 v1, v6;
	v4 =	vsel vm7, v26, v4;
	v30 =	vsel vm15, v5, v28  }
0x23d: {  	v1 =	vsel vm14, v1, v6;
	vm13 =	vlt.s32 v4, v31;
	vm7 =	vlt.s32 v27, v30  }
0x23e: {  	v5 =	vsel vm15, v28, v5;
	v33 =	vsel vm13, v4, v31;
	v9 =	vsel vm7, v27, v30  }
0x23f: {  	v35 =	vld [tilespmem:$0x5A30];
	vm14 =	vlt.s32 v5, v33;
	v32 =	vsel vm7, v30, v27;
	vm7 =	vgt.s32 v1, v9  }
0x240: {  	v34 =	vsel vm14, v5, v33;
	v1 =	vsel vm7, v1, v9;
	vm7 =	vlt.s32 v0, v29  }
0x241: {  	v4 =	vsel vm13, v31, v4;
	vm15 =	vlt.s32 v32, v34;
	v36 =	vsel vm7, v0, v29  }
0x242: {  	v5 =	vsel vm14, v33, v5;
	v37 =	vsel vm15, v32, v34;
	vm12 =	vlt.s32 v4, v36  }
0x243: {  	v39 =	vld [tilespmem:$0x5A40];
	v7 =	vsel vm15, v34, v32;
	v0 =	vsel vm7, v29, v0;
	v38 =	vsel vm12, v4, v36  }
0x244: {  	vm13 =	vgt.s32 v1, v37;
	vm14 =	vlt.s32 v0, v35;
	vm7 =	vlt.s32 v5, v38  }
0x245: {  	v4 =	vsel vm12, v36, v4;
	v41 =	vsel vm14, v0, v35;
	v40 =	vsel vm7, v5, v38  }
0x246: {  	v0 =	vsel vm14, v35, v0;
	v5 =	vsel vm7, v38, v5;
	vm7 =	vlt.s32 v7, v40  }
0x247: {  	v42 =	vsel vm7, v40, v7;
	v7 =	vsel vm7, v7, v40;
	vm7 =	vlt.s32 v4, v41  }
0x248: {  	v1 =	vsel vm13, v1, v37;
	vm13 =	vlt.s32 v0, v39;
	v43 =	vsel vm7, v4, v41  }
0x249: {  	v44 =	vld [tilespmem:$0x5A50];
	v46 =	vsel vm13, v0, v39;
	v0 =	vsel vm13, v39, v0;
	vm12 =	vlt.s32 v5, v43  }
0x24a: {  	vm15 =	vgt.s32 v1, v7;
	v4 =	vsel vm7, v41, v4;
	v45 =	vsel vm12, v5, v43  }
0x24b: {  	v1 =	vsel vm15, v1, v7;
	vm14 =	vlt.s32 v4, v46;
	vm7 =	vlt.s32 v42, v45  }
0x24c: {  	v5 =	vsel vm12, v43, v5;
	v48 =	vsel vm14, v4, v46;
	v8 =	vsel vm7, v42, v45  }
0x24d: {  	v50 =	vld [tilespmem:$0x5A60];
	vm15 =	vlt.s32 v5, v48;
	v47 =	vsel vm7, v45, v42;
	vm7 =	vgt.s32 v1, v8  }
0x24e: {  	v49 =	vsel vm15, v5, v48;
	v1 =	vsel vm7, v1, v8;
	vm7 =	vlt.s32 v0, v44  }
0x24f: {  	v4 =	vsel vm14, v46, v4;
	vm12 =	vlt.s32 v47, v49;
	v51 =	vsel vm7, v0, v44  }
0x250: {  	v5 =	vsel vm15, v48, v5;
	v52 =	vsel vm12, v47, v49;
	vm13 =	vlt.s32 v4, v51  }
0x251: {  	v54 =	vld [tilespmem:$0x5A70];
	v6 =	vsel vm12, v49, v47;
	v0 =	vsel vm7, v44, v0;
	v53 =	vsel vm13, v4, v51  }
0x252: {  	vm14 =	vgt.s32 v1, v52;
	vm15 =	vlt.s32 v0, v50;
	vm7 =	vlt.s32 v5, v53  }
0x253: {  	v4 =	vsel vm13, v51, v4;
	v56 =	vsel vm15, v0, v50;
	v55 =	vsel vm7, v5, v53  }
0x254: {  	v0 =	vsel vm15, v50, v0;
	v5 =	vsel vm7, v53, v5;
	vm7 =	vlt.s32 v6, v55  }
0x255: {  	v57 =	vsel vm7, v55, v6;
	v6 =	vsel vm7, v6, v55;
	vm7 =	vlt.s32 v4, v56  }
0x256: {  	v1 =	vsel vm14, v1, v52;
	vm14 =	vlt.s32 v0, v54;
	v58 =	vsel vm7, v4, v56  }
0x257: {  	v59 =	vld [tilespmem:$0x5A80];
	v61 =	vsel vm14, v0, v54;
	v0 =	vsel vm14, v54, v0;
	vm13 =	vlt.s32 v5, v58  }
0x258: {  	vm12 =	vgt.s32 v1, v6;
	v4 =	vsel vm7, v56, v4;
	v60 =	vsel vm13, v5, v58  }
0x259: {  	v1 =	vsel vm12, v1, v6;
	vm15 =	vlt.s32 v4, v61;
	vm7 =	vlt.s32 v57, v60  }
0x25a: {  	v5 =	vsel vm13, v58, v5;
	v63 =	vsel vm15, v4, v61;
	v9 =	vsel vm7, v57, v60  }
0x25b: {  	v13 =	vld [tilespmem:$0x5A90];
	vm12 =	vlt.s32 v5, v63;
	v62 =	vsel vm7, v60, v57;
	vm7 =	vgt.s32 v1, v9  }
0x25c: {  	v12 =	vsel vm12, v5, v63;
	v1 =	vsel vm7, v1, v9;
	vm7 =	vlt.s32 v0, v59  }
0x25d: {  	v4 =	vsel vm15, v61, v4;
	vm13 =	vlt.s32 v62, v12;
	v14 =	vsel vm7, v0, v59  }
0x25e: {  	v5 =	vsel vm12, v63, v5;
	v15 =	vsel vm13, v62, v12;
	vm14 =	vlt.s32 v4, v14  }
0x25f: {  	v17 =	vld [tilespmem:$0x5AA0];
	v7 =	vsel vm13, v12, v62;
	v0 =	vsel vm7, v59, v0;
	v16 =	vsel vm14, v4, v14  }
0x260: {  	vm15 =	vgt.s32 v1, v15;
	vm12 =	vlt.s32 v0, v13;
	vm7 =	vlt.s32 v5, v16  }
0x261: {  	v4 =	vsel vm14, v14, v4;
	v19 =	vsel vm12, v0, v13;
	v18 =	vsel vm7, v5, v16  }
0x262: {  	v0 =	vsel vm12, v13, v0;
	v5 =	vsel vm7, v16, v5;
	vm7 =	vlt.s32 v7, v18  }
0x263: {  	v20 =	vsel vm7, v18, v7;
	v7 =	vsel vm7, v7, v18;
	vm7 =	vlt.s32 v4, v19  }
0x264: {  	v1 =	vsel vm15, v1, v15;
	vm15 =	vlt.s32 v0, v17;
	v21 =	vsel vm7, v4, v19  }
0x265: {  	v22 =	vld [tilespmem:$0x5AB0];
	v24 =	vsel vm15, v0, v17;
	v0 =	vsel vm15, v17, v0;
	vm14 =	vlt.s32 v5, v21  }
0x266: {  	vm13 =	vgt.s32 v1, v7;
	v4 =	vsel vm7, v19, v4;
	v23 =	vsel vm14, v5, v21  }
0x267: {  	v1 =	vsel vm13, v1, v7;
	vm12 =	vlt.s32 v4, v24;
	vm7 =	vlt.s32 v20, v23  }
0x268: {  	v5 =	vsel vm14, v21, v5;
	v26 =	vsel vm12, v4, v24;
	v8 =	vsel vm7, v20, v23  }
0x269: {  	v28 =	vld [tilespmem:$0x5AC0];
	vm13 =	vlt.s32 v5, v26;
	v25 =	vsel vm7, v23, v20;
	vm7 =	vgt.s32 v1, v8  }
0x26a: {  	v27 =	vsel vm13, v5, v26;
	v1 =	vsel vm7, v1, v8;
	vm7 =	vlt.s32 v0, v22  }
0x26b: {  	v4 =	vsel vm12, v24, v4;
	vm14 =	vlt.s32 v25, v27;
	v29 =	vsel vm7, v0, v22  }
0x26c: {  	v5 =	vsel vm13, v26, v5;
	v30 =	vsel vm14, v25, v27;
	vm15 =	vlt.s32 v4, v29  }
0x26d: {  	v32 =	vld [tilespmem:$0x5AD0];
	v6 =	vsel vm14, v27, v25;
	v0 =	vsel vm7, v22, v0;
	v31 =	vsel vm15, v4, v29  }
0x26e: {  	vm12 =	vgt.s32 v1, v30;
	vm13 =	vlt.s32 v0, v28;
	vm7 =	vlt.s32 v5, v31  }
0x26f: {  	v4 =	vsel vm15, v29, v4;
	v34 =	vsel vm13, v0, v28;
	v33 =	vsel vm7, v5, v31  }
0x270: {  	v0 =	vsel vm13, v28, v0;
	v5 =	vsel vm7, v31, v5;
	vm7 =	vlt.s32 v6, v33  }
0x271: {  	v35 =	vsel vm7, v33, v6;
	v6 =	vsel vm7, v6, v33;
	vm7 =	vlt.s32 v4, v34  }
0x272: {  	v1 =	vsel vm12, v1, v30;
	vm12 =	vlt.s32 v0, v32;
	v36 =	vsel vm7, v4, v34  }
0x273: {  	v37 =	vld [tilespmem:$0x5AE0];
	v39 =	vsel vm12, v0, v32;
	v0 =	vsel vm12, v32, v0;
	vm15 =	vlt.s32 v5, v36  }
0x274: {  	vm14 =	vgt.s32 v1, v6;
	v4 =	vsel vm7, v34, v4;
	v38 =	vsel vm15, v5, v36  }
0x275: {  	v1 =	vsel vm14, v1, v6;
	vm13 =	vlt.s32 v4, v39;
	vm7 =	vlt.s32 v35, v38  }
0x276: {  	v5 =	vsel vm15, v36, v5;
	v41 =	vsel vm13, v4, v39;
	v9 =	vsel vm7, v35, v38  }
0x277: {  	v43 =	vld [tilespmem:$0x5AF0];
	vm14 =	vlt.s32 v5, v41;
	v40 =	vsel vm7, v38, v35;
	vm7 =	vgt.s32 v1, v9  }
0x278: {  	v42 =	vsel vm14, v5, v41;
	v1 =	vsel vm7, v1, v9;
	vm7 =	vlt.s32 v0, v37  }
0x279: {  	v4 =	vsel vm13, v39, v4;
	vm15 =	vlt.s32 v40, v42;
	v44 =	vsel vm7, v0, v37  }
0x27a: {  	v5 =	vsel vm14, v41, v5;
	v45 =	vsel vm15, v40, v42;
	vm12 =	vlt.s32 v4, v44  }
0x27b: {  	v47 =	vld [tilespmem:$0x5B00];
	v7 =	vsel vm15, v42, v40;
	v0 =	vsel vm7, v37, v0;
	v46 =	vsel vm12, v4, v44  }
0x27c: {  	vm13 =	vgt.s32 v1, v45;
	vm14 =	vlt.s32 v0, v43;
	vm7 =	vlt.s32 v5, v46  }
0x27d: {  	v4 =	vsel vm12, v44, v4;
	v49 =	vsel vm14, v0, v43;
	v48 =	vsel vm7, v5, v46  }
0x27e: {  	v0 =	vsel vm14, v43, v0;
	v5 =	vsel vm7, v46, v5;
	vm7 =	vlt.s32 v7, v48  }
0x27f: {  	v50 =	vsel vm7, v48, v7;
	v7 =	vsel vm7, v7, v48;
	vm7 =	vlt.s32 v4, v49  }
0x280: {  	v1 =	vsel vm13, v1, v45;
	vm13 =	vlt.s32 v0, v47;
	v51 =	vsel vm7, v4, v49  }
0x281: {  	v52 =	vld [tilespmem:$0x5B10];
	v54 =	vsel vm13, v0, v47;
	v0 =	vsel vm13, v47, v0;
	vm12 =	vlt.s32 v5, v51  }
0x282: {  	vm15 =	vgt.s32 v1, v7;
	v4 =	vsel vm7, v49, v4;
	v53 =	vsel vm12, v5, v51  }
0x283: {  	v1 =	vsel vm15, v1, v7;
	vm14 =	vlt.s32 v4, v54;
	vm7 =	vlt.s32 v50, v53  }
0x284: {  	v5 =	vsel vm12, v51, v5;
	v56 =	vsel vm14, v4, v54;
	v8 =	vsel vm7, v50, v53  }
0x285: {  	v58 =	vld [tilespmem:$0x5B20];
	vm15 =	vlt.s32 v5, v56;
	v55 =	vsel vm7, v53, v50;
	vm7 =	vgt.s32 v1, v8  }
0x286: {  	v57 =	vsel vm15, v5, v56;
	v1 =	vsel vm7, v1, v8;
	vm7 =	vlt.s32 v0, v52  }
0x287: {  	v4 =	vsel vm14, v54, v4;
	vm12 =	vlt.s32 v55, v57;
	v59 =	vsel vm7, v0, v52  }
0x288: {  	v5 =	vsel vm15, v56, v5;
	v60 =	vsel vm12, v55, v57;
	vm13 =	vlt.s32 v4, v59  }
0x289: {  	v62 =	vld [tilespmem:$0x5B30];
	v6 =	vsel vm12, v57, v55;
	v0 =	vsel vm7, v52, v0;
	v61 =	vsel vm13, v4, v59  }
0x28a: {  	vm14 =	vgt.s32 v1, v60;
	vm15 =	vlt.s32 v0, v58;
	vm7 =	vlt.s32 v5, v61  }
0x28b: {  	v4 =	vsel vm13, v59, v4;
	v12 =	vsel vm15, v0, v58;
	v63 =	vsel vm7, v5, v61  }
0x28c: {  	v0 =	vsel vm15, v58, v0;
	v5 =	vsel vm7, v61, v5;
	vm7 =	vlt.s32 v6, v63  }
0x28d: {  	v13 =	vsel vm7, v63, v6;
	v6 =	vsel vm7, v6, v63;
	vm7 =	vlt.s32 v4, v12  }
0x28e: {  	v1 =	vsel vm14, v1, v60;
	vm14 =	vlt.s32 v0, v62;
	v14 =	vsel vm7, v4, v12  }
0x28f: {  	v15 =	vld [tilespmem:$0x5B40];
	v17 =	vsel vm14, v0, v62;
	v0 =	vsel vm14, v62, v0;
	vm13 =	vlt.s32 v5, v14  }
0x290: {  	vm12 =	vgt.s32 v1, v6;
	v4 =	vsel vm7, v12, v4;
	v16 =	vsel vm13, v5, v14  }
0x291: {  	v1 =	vsel vm12, v1, v6;
	vm15 =	vlt.s32 v4, v17;
	vm7 =	vlt.s32 v13, v16  }
0x292: {  	v5 =	vsel vm13, v14, v5;
	v19 =	vsel vm15, v4, v17;
	v9 =	vsel vm7, v13, v16  }
0x293: {  	v21 =	vld [tilespmem:$0x5B50];
	vm12 =	vlt.s32 v5, v19;
	v18 =	vsel vm7, v16, v13;
	vm7 =	vgt.s32 v1, v9  }
0x294: {  	v20 =	vsel vm12, v5, v19;
	v1 =	vsel vm7, v1, v9;
	vm7 =	vlt.s32 v0, v15  }
0x295: {  	v4 =	vsel vm15, v17, v4;
	vm13 =	vlt.s32 v18, v20;
	v22 =	vsel vm7, v0, v15  }
0x296: {  	v5 =	vsel vm12, v19, v5;
	v23 =	vsel vm13, v18, v20;
	vm14 =	vlt.s32 v4, v22  }
0x297: {  	v25 =	vld [tilespmem:$0x5B60];
	v7 =	vsel vm13, v20, v18;
	v0 =	vsel vm7, v15, v0;
	v24 =	vsel vm14, v4, v22  }
0x298: {  	vm15 =	vgt.s32 v1, v23;
	vm12 =	vlt.s32 v0, v21;
	vm7 =	vlt.s32 v5, v24  }
0x299: {  	v4 =	vsel vm14, v22, v4;
	v27 =	vsel vm12, v0, v21;
	v26 =	vsel vm7, v5, v24  }
0x29a: {  	v0 =	vsel vm12, v21, v0;
	v5 =	vsel vm7, v24, v5;
	vm7 =	vlt.s32 v7, v26  }
0x29b: {  	v28 =	vsel vm7, v26, v7;
	v7 =	vsel vm7, v7, v26;
	vm7 =	vlt.s32 v4, v27  }
0x29c: {  	v1 =	vsel vm15, v1, v23;
	vm15 =	vlt.s32 v0, v25;
	v29 =	vsel vm7, v4, v27  }
0x29d: {  	v30 =	vld [tilespmem:$0x5B70];
	v32 =	vsel vm15, v0, v25;
	v0 =	vsel vm15, v25, v0;
	vm14 =	vlt.s32 v5, v29  }
0x29e: {  	vm13 =	vgt.s32 v1, v7;
	v4 =	vsel vm7, v27, v4;
	v31 =	vsel vm14, v5, v29  }
0x29f: {  	v1 =	vsel vm13, v1, v7;
	vm12 =	vlt.s32 v4, v32;
	vm7 =	vlt.s32 v28, v31  }
0x2a0: {  	v5 =	vsel vm14, v29, v5;
	v34 =	vsel vm12, v4, v32;
	v8 =	vsel vm7, v28, v31  }
0x2a1: {  	v36 =	vld [tilespmem:$0x5B80];
	vm13 =	vlt.s32 v5, v34;
	v33 =	vsel vm7, v31, v28;
	vm7 =	vgt.s32 v1, v8  }
0x2a2: {  	v35 =	vsel vm13, v5, v34;
	v1 =	vsel vm7, v1, v8;
	vm7 =	vlt.s32 v0, v30  }
0x2a3: {  	v4 =	vsel vm12, v32, v4;
	vm14 =	vlt.s32 v33, v35;
	v37 =	vsel vm7, v0, v30  }
0x2a4: {  	v5 =	vsel vm13, v34, v5;
	v38 =	vsel vm14, v33, v35;
	vm15 =	vlt.s32 v4, v37  }
0x2a5: {  	v40 =	vld [tilespmem:$0x5B90];
	v6 =	vsel vm14, v35, v33;
	v0 =	vsel vm7, v30, v0;
	v39 =	vsel vm15, v4, v37  }
0x2a6: {  	vm12 =	vgt.s32 v1, v38;
	vm13 =	vlt.s32 v0, v36;
	vm7 =	vlt.s32 v5, v39  }
0x2a7: {  	v4 =	vsel vm15, v37, v4;
	v42 =	vsel vm13, v0, v36;
	v41 =	vsel vm7, v5, v39  }
0x2a8: {  	v0 =	vsel vm13, v36, v0;
	v5 =	vsel vm7, v39, v5;
	vm7 =	vlt.s32 v6, v41  }
0x2a9: {  	v43 =	vsel vm7, v41, v6;
	v6 =	vsel vm7, v6, v41;
	vm7 =	vlt.s32 v4, v42  }
0x2aa: {  	v1 =	vsel vm12, v1, v38;
	vm12 =	vlt.s32 v0, v40;
	v44 =	vsel vm7, v4, v42  }
0x2ab: {  	v45 =	vld [tilespmem:$0x5BA0];
	v47 =	vsel vm12, v0, v40;
	v0 =	vsel vm12, v40, v0;
	vm15 =	vlt.s32 v5, v44  }
0x2ac: {  	vm14 =	vgt.s32 v1, v6;
	v4 =	vsel vm7, v42, v4;
	v46 =	vsel vm15, v5, v44  }
0x2ad: {  	v1 =	vsel vm14, v1, v6;
	vm13 =	vlt.s32 v4, v47;
	vm7 =	vlt.s32 v43, v46  }
0x2ae: {  	v5 =	vsel vm15, v44, v5;
	v49 =	vsel vm13, v4, v47;
	v9 =	vsel vm7, v43, v46  }
0x2af: {  	v51 =	vld [tilespmem:$0x5BB0];
	vm14 =	vlt.s32 v5, v49;
	v48 =	vsel vm7, v46, v43;
	vm7 =	vgt.s32 v1, v9  }
0x2b0: {  	v50 =	vsel vm14, v5, v49;
	v1 =	vsel vm7, v1, v9;
	vm7 =	vlt.s32 v0, v45  }
0x2b1: {  	v4 =	vsel vm13, v47, v4;
	vm15 =	vlt.s32 v48, v50;
	v52 =	vsel vm7, v0, v45  }
0x2b2: {  	v5 =	vsel vm14, v49, v5;
	v53 =	vsel vm15, v48, v50;
	vm12 =	vlt.s32 v4, v52  }
0x2b3: {  	v55 =	vld [tilespmem:$0x5BC0];
	v7 =	vsel vm15, v50, v48;
	v0 =	vsel vm7, v45, v0;
	v54 =	vsel vm12, v4, v52  }
0x2b4: {  	vm13 =	vgt.s32 v1, v53;
	vm14 =	vlt.s32 v0, v51;
	vm7 =	vlt.s32 v5, v54  }
0x2b5: {  	v4 =	vsel vm12, v52, v4;
	v57 =	vsel vm14, v0, v51;
	v56 =	vsel vm7, v5, v54  }
0x2b6: {  	v0 =	vsel vm14, v51, v0;
	v5 =	vsel vm7, v54, v5;
	vm7 =	vlt.s32 v7, v56  }
0x2b7: {  	v58 =	vsel vm7, v56, v7;
	v7 =	vsel vm7, v7, v56;
	vm7 =	vlt.s32 v4, v57  }
0x2b8: {  	v1 =	vsel vm13, v1, v53;
	vm13 =	vlt.s32 v0, v55;
	v59 =	vsel vm7, v4, v57  }
0x2b9: {  	v60 =	vld [tilespmem:$0x5BD0];
	v62 =	vsel vm13, v0, v55;
	v0 =	vsel vm13, v55, v0;
	vm12 =	vlt.s32 v5, v59  }
0x2ba: {  	vm15 =	vgt.s32 v1, v7;
	v4 =	vsel vm7, v57, v4;
	v61 =	vsel vm12, v5, v59  }
0x2bb: {  	v1 =	vsel vm15, v1, v7;
	vm14 =	vlt.s32 v4, v62;
	vm7 =	vlt.s32 v58, v61  }
0x2bc: {  	v5 =	vsel vm12, v59, v5;
	v12 =	vsel vm14, v4, v62;
	v8 =	vsel vm7, v58, v61  }
0x2bd: {  	v14 =	vld [tilespmem:$0x5BE0];
	vm15 =	vlt.s32 v5, v12;
	v63 =	vsel vm7, v61, v58;
	vm7 =	vgt.s32 v1, v8  }
0x2be: {  	v13 =	vsel vm15, v5, v12;
	v1 =	vsel vm7, v1, v8;
	vm7 =	vlt.s32 v0, v60  }
0x2bf: {  	v4 =	vsel vm14, v62, v4;
	vm12 =	vlt.s32 v63, v13;
	v15 =	vsel vm7, v0, v60  }
0x2c0: {  	v5 =	vsel vm15, v12, v5;
	v16 =	vsel vm12, v63, v13;
	vm13 =	vlt.s32 v4, v15  }
0x2c1: {  	v18 =	vld [tilespmem:$0x5BF0];
	v6 =	vsel vm12, v13, v63;
	v0 =	vsel vm7, v60, v0;
	v17 =	vsel vm13, v4, v15  }
0x2c2: {  	vm14 =	vgt.s32 v1, v16;
	vm15 =	vlt.s32 v0, v14;
	vm7 =	vlt.s32 v5, v17  }
0x2c3: {  	v4 =	vsel vm13, v15, v4;
	v20 =	vsel vm15, v0, v14;
	v19 =	vsel vm7, v5, v17  }
0x2c4: {  	v0 =	vsel vm15, v14, v0;
	v5 =	vsel vm7, v17, v5;
	vm7 =	vlt.s32 v6, v19  }
0x2c5: {  	v21 =	vsel vm7, v19, v6;
	v6 =	vsel vm7, v6, v19;
	vm7 =	vlt.s32 v4, v20  }
0x2c6: {  	v1 =	vsel vm14, v1, v16;
	vm14 =	vlt.s32 v0, v18;
	v22 =	vsel vm7, v4, v20  }
0x2c7: {  	v23 =	vld [tilespmem:$0x5C00];
	v25 =	vsel vm14, v0, v18;
	v0 =	vsel vm14, v18, v0;
	vm13 =	vlt.s32 v5, v22  }
0x2c8: {  	vm12 =	vgt.s32 v1, v6;
	v4 =	vsel vm7, v20, v4;
	v24 =	vsel vm13, v5, v22  }
0x2c9: {  	v1 =	vsel vm12, v1, v6;
	vm15 =	vlt.s32 v4, v25;
	vm7 =	vlt.s32 v21, v24  }
0x2ca: {  	v5 =	vsel vm13, v22, v5;
	v27 =	vsel vm15, v4, v25;
	v9 =	vsel vm7, v21, v24  }
0x2cb: {  	v29 =	vld [tilespmem:$0x5C10];
	vm12 =	vlt.s32 v5, v27;
	v26 =	vsel vm7, v24, v21;
	vm7 =	vgt.s32 v1, v9  }
0x2cc: {  	v28 =	vsel vm12, v5, v27;
	v1 =	vsel vm7, v1, v9;
	vm7 =	vlt.s32 v0, v23  }
0x2cd: {  	v4 =	vsel vm15, v25, v4;
	vm13 =	vlt.s32 v26, v28;
	v30 =	vsel vm7, v0, v23  }
0x2ce: {  	v5 =	vsel vm12, v27, v5;
	v31 =	vsel vm13, v26, v28;
	vm14 =	vlt.s32 v4, v30  }
0x2cf: {  	v33 =	vld [tilespmem:$0x5C20];
	v7 =	vsel vm13, v28, v26;
	v0 =	vsel vm7, v23, v0;
	v32 =	vsel vm14, v4, v30  }
0x2d0: {  	vm15 =	vgt.s32 v1, v31;
	vm12 =	vlt.s32 v0, v29;
	vm7 =	vlt.s32 v5, v32  }
0x2d1: {  	v4 =	vsel vm14, v30, v4;
	v35 =	vsel vm12, v0, v29;
	v34 =	vsel vm7, v5, v32  }
0x2d2: {  	v0 =	vsel vm12, v29, v0;
	v5 =	vsel vm7, v32, v5;
	vm7 =	vlt.s32 v7, v34  }
0x2d3: {  	v36 =	vsel vm7, v34, v7;
	v7 =	vsel vm7, v7, v34;
	vm7 =	vlt.s32 v4, v35  }
0x2d4: {  	v1 =	vsel vm15, v1, v31;
	vm15 =	vlt.s32 v0, v33;
	v37 =	vsel vm7, v4, v35  }
0x2d5: {  	v38 =	vld [tilespmem:$0x5C30];
	v40 =	vsel vm15, v0, v33;
	v0 =	vsel vm15, v33, v0;
	vm14 =	vlt.s32 v5, v37  }
0x2d6: {  	vm13 =	vgt.s32 v1, v7;
	v4 =	vsel vm7, v35, v4;
	v39 =	vsel vm14, v5, v37  }
0x2d7: {  	v1 =	vsel vm13, v1, v7;
	vm12 =	vlt.s32 v4, v40;
	vm7 =	vlt.s32 v36, v39  }
0x2d8: {  	v5 =	vsel vm14, v37, v5;
	v42 =	vsel vm12, v4, v40;
	v8 =	vsel vm7, v36, v39  }
0x2d9: {  	v44 =	vld [tilespmem:$0x5C40];
	vm13 =	vlt.s32 v5, v42;
	v41 =	vsel vm7, v39, v36;
	vm7 =	vgt.s32 v1, v8  }
0x2da: {  	v43 =	vsel vm13, v5, v42;
	v1 =	vsel vm7, v1, v8;
	vm7 =	vlt.s32 v0, v38  }
0x2db: {  	v4 =	vsel vm12, v40, v4;
	vm14 =	vlt.s32 v41, v43;
	v45 =	vsel vm7, v0, v38  }
0x2dc: {  	v5 =	vsel vm13, v42, v5;
	v46 =	vsel vm14, v41, v43;
	vm15 =	vlt.s32 v4, v45  }
0x2dd: {  	v48 =	vld [tilespmem:$0x5C50];
	v6 =	vsel vm14, v43, v41;
	v0 =	vsel vm7, v38, v0;
	v47 =	vsel vm15, v4, v45  }
0x2de: {  	vm12 =	vgt.s32 v1, v46;
	vm13 =	vlt.s32 v0, v44;
	vm7 =	vlt.s32 v5, v47  }
0x2df: {  	v4 =	vsel vm15, v45, v4;
	v50 =	vsel vm13, v0, v44;
	v49 =	vsel vm7, v5, v47  }
0x2e0: {  	v0 =	vsel vm13, v44, v0;
	v5 =	vsel vm7, v47, v5;
	vm7 =	vlt.s32 v6, v49  }
0x2e1: {  	v51 =	vsel vm7, v49, v6;
	v6 =	vsel vm7, v6, v49;
	vm7 =	vlt.s32 v4, v50  }
0x2e2: {  	v1 =	vsel vm12, v1, v46;
	vm12 =	vlt.s32 v0, v48;
	v52 =	vsel vm7, v4, v50  }
0x2e3: {  	v53 =	vld [tilespmem:$0x5C60];
	v55 =	vsel vm12, v0, v48;
	v0 =	vsel vm12, v48, v0;
	vm15 =	vlt.s32 v5, v52  }
0x2e4: {  	vm14 =	vgt.s32 v1, v6;
	v4 =	vsel vm7, v50, v4;
	v54 =	vsel vm15, v5, v52  }
0x2e5: {  	v1 =	vsel vm14, v1, v6;
	vm13 =	vlt.s32 v4, v55;
	vm7 =	vlt.s32 v51, v54  }
0x2e6: {  	v5 =	vsel vm15, v52, v5;
	v57 =	vsel vm13, v4, v55;
	v9 =	vsel vm7, v51, v54  }
0x2e7: {  	v59 =	vld [tilespmem:$0x5C70];
	vm14 =	vlt.s32 v5, v57;
	v56 =	vsel vm7, v54, v51;
	vm7 =	vgt.s32 v1, v9  }
0x2e8: {  	v58 =	vsel vm14, v5, v57;
	v1 =	vsel vm7, v1, v9;
	vm7 =	vlt.s32 v0, v53  }
0x2e9: {  	v4 =	vsel vm13, v55, v4;
	vm15 =	vlt.s32 v56, v58;
	v60 =	vsel vm7, v0, v53  }
0x2ea: {  	v5 =	vsel vm14, v57, v5;
	v61 =	vsel vm15, v56, v58;
	vm12 =	vlt.s32 v4, v60  }
0x2eb: {  	v63 =	vld [tilespmem:$0x5C80];
	v7 =	vsel vm15, v58, v56;
	v0 =	vsel vm7, v53, v0;
	v62 =	vsel vm12, v4, v60  }
0x2ec: {  	vm13 =	vgt.s32 v1, v61;
	vm14 =	vlt.s32 v0, v59;
	vm7 =	vlt.s32 v5, v62  }
0x2ed: {  	v4 =	vsel vm12, v60, v4;
	v16 =	vsel vm14, v0, v59;
	v15 =	vsel vm7, v5, v62  }
0x2ee: {  	v0 =	vsel vm14, v59, v0;
	v5 =	vsel vm7, v62, v5;
	vm7 =	vlt.s32 v7, v15  }
0x2ef: {  	v17 =	vsel vm7, v15, v7;
	v7 =	vsel vm7, v7, v15;
	vm7 =	vlt.s32 v4, v16  }
0x2f0: {  	v1 =	vsel vm13, v1, v61;
	vm13 =	vlt.s32 v0, v63;
	v18 =	vsel vm7, v4, v16  }
0x2f1: {  	v19 =	vld [tilespmem:$0x5C90];
	v21 =	vsel vm13, v0, v63;
	v0 =	vsel vm13, v63, v0;
	vm12 =	vlt.s32 v5, v18  }
0x2f2: {  	vm15 =	vgt.s32 v1, v7;
	v4 =	vsel vm7, v16, v4;
	v20 =	vsel vm12, v5, v18  }
0x2f3: {  	v22 =	vld [tilespmem:$0x5CA0];
	v1 =	vsel vm15, v1, v7;
	vm14 =	vlt.s32 v4, v21;
	vm7 =	vlt.s32 v17, v20  }
0x2f4: {  	v5 =	vsel vm12, v18, v5;
	v23 =	vsel vm14, v4, v21;
	v8 =	vsel vm7, v17, v20  }
0x2f5: {  	v24 =	vld [tilespmem:$0x5CB0];
	vm15 =	vlt.s32 v5, v23;
	v12 =	vsel vm7, v20, v17;
	vm7 =	vgt.s32 v1, v8  }
0x2f6: {  	v25 =	vsel vm15, v5, v23;
	v1 =	vsel vm7, v1, v8;
	vm7 =	vlt.s32 v0, v19  }
0x2f7: {  	v13 =	vld [tilespmem:$0x5CC0];
	v4 =	vsel vm14, v21, v4;
	vm12 =	vlt.s32 v12, v25;
	v26 =	vsel vm7, v19, v0  }
0x2f8: {  	v5 =	vsel vm15, v23, v5;
	v27 =	vsel vm12, v25, v12;
	vm13 =	vlt.s32 v26, v22  }
0x2f9: {  	v29 =	vld [tilespmem:$0x5CD0];
	v8 =	vsel vm12, v12, v25;
	v0 =	vsel vm7, v0, v19;
	v28 =	vsel vm13, v22, v26  }
0x2fa: {  	vm7 =	vgt.s32 v1, v8;
	vm14 =	vlt.s32 v4, v0;
	vm10 =	vlt.s32 v28, v24  }
0x2fb: {  	v18 =	vld [tilespmem:$0x1FFC0];
	v1 =	vsel vm7, v1, v8;
	v30 =	vsel vm14, v4, v0;
	v14 =	vsel vm10, v24, v28  }
0x2fc: {  	v0 =	vsel vm14, v0, v4;
	v10 =	vsel vm13, v26, v22;
	vm8 =	vlt.s32 v14, v13  }
0x2fd: {  	vm7 =	vlt.s32 v5, v30;
	vm9 =	vlt.s32 v0, v10;
	v31 =	vsel vm8, v13, v14  }
0x2fe: {  	v4 =	vsel vm7, v30, v5;
	v5 =	vsel vm7, v5, v30;
	vm7 =	vlt.s32 v31, v29  }
0x2ff: {  	v35 =	vld [tilespmem:$0x1FFD0];
	v16 =	vsel vm9, v0, v10;
	vm11 =	vlt.s32 v27, v5;
	v32 =	vsel vm7, v29, v31  }
0x300: {  	v0 =	vsel vm9, v10, v0;
	v15 =	vsel vm11, v27, v5;
	v17 =	vperm.xlane v32, v18  }
0x301: {  	v6 =	vsel vm10, v28, v24;
	vm15 =	vlt.s32 v4, v16;
	vm12 =	vgt.s32 v1, v15  }
0x302: {  	v5 =	vsel vm11, v5, v27;
	v1 =	vsel vm12, v1, v15;
	vm12 =	vgt.s32 v32, v17  }
0x303: {  	v39 =	vld [tilespmem:$0x1FFE0];
	v33 =	vsel vm15, v16, v4;
	v4 =	vsel vm15, v4, v16;
	v34 =	vsel vm12, v32, v17  }
0x304: {  	vm10 =	vlt.s32 v0, v6;
	vm13 =	vlt.s32 v5, v4;
	v36 =	vperm.xlane v34, v35  }
0x305: {  	v41 =	vsel vm8, v14, v13;
	v37 =	vsel vm13, v4, v5;
	v4 =	vsel vm13, v5, v4  }
0x306: {  	v5 =	vsel vm10, v0, v6;
	vm9 =	vgt.s32 v1, v4;
	vm12 =	vgt.s32 v34, v36  }
0x307: {  	v44 =	vld [tilespmem:$0x1FFF0];
	v0 =	vsel vm10, v6, v0;
	v1 =	vsel vm9, v1, v4;
	v4 =	vsel vm12, v34, v36  }
0x308: {  	v47 =	vsel vm7, v31, v29;
	vm11 =	vlt.s32 v33, v5;
	v40 =	vperm.xlane v4, v39  }
0x309: {  	vm8 =	vlt.s32 v0, v41;
	v38 =	vsel vm11, v33, v5;
	v5 =	vsel vm11, v5, v33  }
0x30a: {  	v43 =	vsel vm8, v0, v41;
	vm14 =	vlt.s32 v37, v38;
	vm15 =	vgt.s32 v4, v40  }
0x30b: {  	vm13 =	vlt.s32 v5, v43;
	v42 =	vsel vm14, v38, v37;
	v4 =	vsel vm15, v4, v40  }
0x30c: {  	v46 =	vsel vm13, v43, v5;
	v5 =	vsel vm13, v5, v43;
	v45 =	vperm.xlane v4, v44  }
0x30d: {  	v0 =	vsel vm8, v41, v0;
	v7 =	vsel vm14, v37, v38;
	vm14 =	vlt.s32 v42, v5  }
0x30e: {  	v50 =	vsel vm14, v5, v42;
	v5 =	vsel vm14, v42, v5;
	vm7 =	vgt.s32 v4, v45  }
0x30f: {  	vm12 =	vgt.s32 v1, v7;
	v48 =	vsel vm7, v4, v45;
	vm7 =	vgt.s32 v32, $0x0  }
0x310: {  	vm15 =	vlt.s32 v0, v47;
	v49 =	vnsel vm7, $0x0, v32;
	vm7 =	vlt.s32 v32, v48  }
0x311: {  	v4 =	vsel vm15, v47, v0;
	v0 =	vsel vm15, v0, v47;
	v51 =	vnsel vm7, $0x0, v49  }
0x312: {  	v1 =	vsel vm12, v1, v7;
	vm7 =	vlt.s32 v46, v0;
	vm12 =	vgt.s32 v51, v4  }
0x313: {  	vm13 =	vlt.s32 v4, v48;
	v52 =	vsel vm7, v0, v46;
	v53 =	vsel vm12, v51, v4  }
0x314: {  	v0 =	vsel vm7, v46, v0;
	vm7 =	vgt.s32 v1, v5;
	v8 =	vsel vm13, v53, v51  }
0x315: {  	v1 =	vsel vm7, v1, v5;
	vm7 =	vlt.s32 v50, v0;
	vm8 =	vgt.s32 v8, v52  }
0x316: {  	vm14 =	vlt.s32 v52, v48;
	v5 =	vsel vm7, v50, v0;
	v12 =	vsel vm8, v8, v52  }
0x317: {  	v0 =	vsel vm7, v0, v50;
	vm7 =	vgt.s32 v1, v5;
	v54 =	vsel vm14, v12, v8  }
0x318: {  	v1 =	vsel vm7, v1, v5;
	vm7 =	vgt.s32 v54, v0  }
0x319: {  	vm15 =	vlt.s32 v0, v48;
	v5 =	vsel vm7, v54, v0;
	vm7 =	vlt.s32 v1, v48  }
0x31a: {  	v5 =	vsel vm15, v5, v54;
	v55 =	vnsel vm7, $0x0, v1  }
0x31b: {  	vm7 =	vgt.s32 v5, v55  }
0x31c: {  	v5 =	vsel vm7, v5, v55  }
0x31d: {  	v6 =	vperm.xlane v5, v18;
	_ =	sdelay $0x1  }
0x31e: {  	vm7 =	vgt.s32 v5, v6  }
0x31f: {  	v5 =	vsel vm7, v5, v6  }
0x320: {  	v6 =	vperm.xlane v5, v35;
	_ =	sdelay $0x1  }
0x321: {  	vm7 =	vgt.s32 v5, v6  }
0x322: {  	v5 =	vsel vm7, v5, v6  }
0x323: {  	v6 =	vperm.xlane v5, v39;
	_ =	sdelay $0x1  }
0x324: {  	vm7 =	vgt.s32 v5, v6  }
0x325: {  	v5 =	vsel vm7, v5, v6  }
0x326: {  	v6 =	vperm.xlane v5, v44;
	_ =	sdelay $0x1  }
0x327: {  	vm7 =	vgt.s32 v5, v6  }
0x328: {  	v5 =	vsel vm7, v5, v6  }
0x329: {  	vm7 =	vlt.s32 v32, v5  }
0x32a: {  	v56 =	vnsel vm7, $0x0, v49  }
0x32b: {  	vm7 =	vgt.s32 v56, v4  }
0x32c: {  	vm12 =	vlt.s32 v4, v5;
	v57 =	vsel vm7, v56, v4  }
0x32d: {  	v6 =	vsel vm12, v57, v56  }
0x32e: {  	vm7 =	vgt.s32 v6, v52  }
0x32f: {  	vm13 =	vlt.s32 v52, v5;
	v8 =	vsel vm7, v6, v52  }
0x330: {  	v6 =	vsel vm13, v8, v6  }
0x331: {  	vm7 =	vgt.s32 v6, v0  }
0x332: {  	vm14 =	vlt.s32 v0, v5;
	v8 =	vsel vm7, v6, v0;
	vm7 =	vlt.s32 v1, v5  }
0x333: {  	v6 =	vsel vm14, v8, v6;
	v58 =	vnsel vm7, $0x0, v1  }
0x334: {  	vm7 =	vgt.s32 v6, v58  }
0x335: {  	v6 =	vsel vm7, v6, v58  }
0x336: {  	v8 =	vperm.xlane v6, v18;
	_ =	sdelay $0x1  }
0x337: {  	vm7 =	vgt.s32 v6, v8  }
0x338: {  	v6 =	vsel vm7, v6, v8  }
0x339: {  	v8 =	vperm.xlane v6, v35;
	_ =	sdelay $0x1  }
0x33a: {  	vm7 =	vgt.s32 v6, v8  }
0x33b: {  	v6 =	vsel vm7, v6, v8  }
0x33c: {  	v8 =	vperm.xlane v6, v39;
	_ =	sdelay $0x1  }
0x33d: {  	vm7 =	vgt.s32 v6, v8  }
0x33e: {  	v6 =	vsel vm7, v6, v8  }
0x33f: {  	v8 =	vperm.xlane v6, v44;
	_ =	sdelay $0x1  }
0x340: {  	vm7 =	vgt.s32 v6, v8  }
0x341: {  	v6 =	vsel vm7, v6, v8  }
0x342: {  	vm7 =	vlt.s32 v32, v6  }
0x343: {  	v59 =	vnsel vm7, $0x0, v49  }
0x344: {  	vm7 =	vgt.s32 v59, v4  }
0x345: {  	vm15 =	vlt.s32 v4, v6;
	v60 =	vsel vm7, v59, v4  }
0x346: {  	v8 =	vsel vm15, v60, v59  }
0x347: {  	vm7 =	vgt.s32 v8, v52  }
0x348: {  	vm12 =	vlt.s32 v52, v6;
	v12 =	vsel vm7, v8, v52  }
0x349: {  	v8 =	vsel vm12, v12, v8  }
0x34a: {  	vm7 =	vgt.s32 v8, v0  }
0x34b: {  	vm13 =	vlt.s32 v0, v6;
	v12 =	vsel vm7, v8, v0;
	vm7 =	vlt.s32 v1, v6  }
0x34c: {  	v8 =	vsel vm13, v12, v8;
	v61 =	vnsel vm7, $0x0, v1  }
0x34d: {  	vm7 =	vgt.s32 v8, v61  }
0x34e: {  	v8 =	vsel vm7, v8, v61  }
0x34f: {  	v12 =	vperm.xlane v8, v18;
	_ =	sdelay $0x1  }
0x350: {  	vm7 =	vgt.s32 v8, v12  }
0x351: {  	v8 =	vsel vm7, v8, v12  }
0x352: {  	v12 =	vperm.xlane v8, v35;
	_ =	sdelay $0x1  }
0x353: {  	vm7 =	vgt.s32 v8, v12  }
0x354: {  	v8 =	vsel vm7, v8, v12  }
0x355: {  	v12 =	vperm.xlane v8, v39;
	_ =	sdelay $0x1  }
0x356: {  	vm7 =	vgt.s32 v8, v12  }
0x357: {  	v8 =	vsel vm7, v8, v12  }
0x358: {  	v12 =	vperm.xlane v8, v44;
	_ =	sdelay $0x1  }
0x359: {  	vm7 =	vgt.s32 v8, v12  }
0x35a: {  	v8 =	vsel vm7, v8, v12  }
0x35b: {  	vm7 =	vlt.s32 v32, v8  }
0x35c: {  	v7 =	vnsel vm7, $0x0, v49  }
0x35d: {  	vm7 =	vgt.s32 v7, v4  }
0x35e: {  	v62 =	vsel vm7, v7, v4;
	vm7 =	vlt.s32 v4, v8  }
0x35f: {  	v4 =	vsel vm7, v62, v7  }
0x360: {  	vm7 =	vgt.s32 v4, v52  }
0x361: {  	vm14 =	vlt.s32 v52, v8;
	v7 =	vsel vm7, v4, v52  }
0x362: {  	v4 =	vsel vm14, v7, v4  }
0x363: {  	vm7 =	vgt.s32 v4, v0  }
0x364: {  	vm15 =	vlt.s32 v0, v8;
	v0 =	vsel vm7, v4, v0;
	vm7 =	vlt.s32 v1, v8  }
0x365: {  	v0 =	vsel vm15, v0, v4;
	v1 =	vnsel vm7, $0x0, v1  }
0x366: {  	vm7 =	vgt.s32 v0, v1  }
0x367: {  	v0 =	vsel vm7, v0, v1  }
0x368: {  	v1 =	vperm.xlane v0, v18;
	_ =	sdelay $0x1  }
0x369: {  	vm7 =	vgt.s32 v0, v1  }
0x36a: {  	v0 =	vsel vm7, v0, v1  }
0x36b: {  	v1 =	vperm.xlane v0, v35;
	_ =	sdelay $0x1  }
0x36c: {  	vm7 =	vgt.s32 v0, v1  }
0x36d: {  	v0 =	vsel vm7, v0, v1  }
0x36e: {  	v63 =	vlaneseq.u32;
	v1 =	vperm.xlane v0, v39  }
0x36f: {  	v7 =	vor.u32 $0x18FF0, v63;
	vm7 =	vgt.s32 v48, $0x1FFFF  }
0x370: {  	v4 =	vandn.u32 $0x1FFFF, v48;
	vm6 =	vmand vm7, vm6;
	vm7 =	vgt.s32 v0, v1  }
0x371: {  	v4 =	vsel vm6, v4, v7;
	vm6 =	vgt.u32 v5, $0x1FFFF;
	v0 =	vsel vm7, v0, v1  }
0x372: {  	vm6 =	vmand vm6, vm2;
	v1 =	vandn.u32 $0x1FFFF, v5;
	v5 =	vperm.xlane v0, v44  }
0x373: {  	v1 =	vsel vm6, v1, v4;
	vm6 =	vgt.u32 v6, $0x1FFFF  }
0x374: {  	v4 =	vandn.u32 $0x1FFFF, v6;
	vm6 =	vmand vm6, vm3;
	vm7 =	vgt.s32 v0, v5  }
0x375: {  	v1 =	vsel vm6, v4, v1;
	vm6 =	vgt.u32 v8, $0x1FFFF;
	v0 =	vsel vm7, v0, v5  }
0x376: {  	v4 =	vandn.u32 $0x1FFFF, v8;
	vm6 =	vmand vm6, vm4;
	vm7 =	vgt.u32 v0, $0x1FFFF  }
0x377: {  	v1 =	vsel vm6, v4, v1;
	v0 =	vandn.u32 $0x1FFFF, v0;
	vm6 =	vmand vm7, vm5  }
0x378: {  	v0 =	vsel vm6, v0, v1  }
0x379: {  	s29 =	simm.s32 $0x5E60;
	[tilespmem:$0x5DE0] =	vst v0;
	v0 =	vimm.f32 $1.500000000e+00  }
0x37a: {  	s25 =	simm.s32 $0x10;
	s28 =	simm.s32 $0x5DE0;
	s23 =	rddreg [dreg:$0x8];
	[tilespmem:$0x5E60] =	vst v0  }
0x37b: {  	[hbm4b:s23+s25] =	stream.indirect.scatter [tilespmem:s29], [sflag:$0x1], $0x1, s28, s25, $0xb8;
	[tilespmem:$0x5F60] =	vst v63  }
0x37c: {  	_ =	swait.ge [sflag:s7], $0x10  }
0x37d: {  	[sflag:s7] =	ssyncset.done $0x0  }
0x37e: {  	[sflag:s7] =	ssyncadd.s32 $0xFFFFFFF0  }
0x37f: {  	v0 =	vld [tilespmem:$0x5CE0];
	_ =	sdelay $0x1  }
0x380: {  	v1 =	vld [tilespmem:$0x5CF0];
	_ =	sdelay $0x1  }
0x381: {  	v4 =	vld [tilespmem:$0x5D00]  }
0x382: {  	v0 =	vadd.f32 $0.0e+00, v0  }
0x383: {  	v5 =	vld [tilespmem:$0x5D10]  }
0x384: {  	v0 =	vadd.f32 v1, v0  }
0x385: {  	v1 =	vld [tilespmem:$0x5D20]  }
0x386: {  	v0 =	vadd.f32 v4, v0  }
0x387: {  	v4 =	vld [tilespmem:$0x5D30]  }
0x388: {  	v0 =	vadd.f32 v5, v0  }
0x389: {  	v5 =	vld [tilespmem:$0x5D40]  }
0x38a: {  	v0 =	vadd.f32 v1, v0  }
0x38b: {  	v1 =	vld [tilespmem:$0x5D50]  }
0x38c: {  	v0 =	vadd.f32 v4, v0  }
0x38d: {  	v4 =	vld [tilespmem:$0x5D60]  }
0x38e: {  	v0 =	vadd.f32 v5, v0  }
0x38f: {  	v5 =	vld [tilespmem:$0x5D70]  }
0x390: {  	v0 =	vadd.f32 v1, v0  }
0x391: {  	v1 =	vld [tilespmem:$0x5D80]  }
0x392: {  	v0 =	vadd.f32 v4, v0  }
0x393: {  	v4 =	vld [tilespmem:$0x5D90]  }
0x394: {  	v0 =	vadd.f32 v5, v0  }
0x395: {  	v5 =	vld [tilespmem:$0x5DA0]  }
0x396: {  	v0 =	vadd.f32 v1, v0  }
0x397: {  	v1 =	vld [tilespmem:$0x5DB0]  }
0x398: {  	v0 =	vadd.f32 v4, v0  }
0x399: {  	v4 =	vld [tilespmem:$0x5DC0]  }
0x39a: {  	v0 =	vadd.f32 v5, v0  }
0x39b: {  	v5 =	vld [tilespmem:$0x5DD0]  }
0x39c: {  	v0 =	vadd.f32 v1, v0;
	_ =	sdelay $0x1  }
0x39d: {  	v0 =	vadd.f32 v4, v0;
	_ =	sdelay $0x1  }
0x39e: {  	v0 =	vadd.f32 v5, v0;
	_ =	sdelay $0x1  }
.Ltmp5:
0x39f: {  	s28 =	simm.s32 $0x0;
	s25 =	rddreg [dreg:$0x3];
	[tilespmem:$0x5EE0] =	vst v0;
	(pc) =	sbr.rel .LBB2_7-.Ltmp5, $4  }
0x3a0: {  	[hbm4b:s25+s28] =	stream.linear.scatter [tilespmem:s6], [sflag:$0x2], $0x80, $0x38;
	[tilespmem:$0x5F60] =	vst v63  }
0x3a1: {  	_ =	swait.ge [sflag:s18], $0x80  }
0x3a2: {  	[sflag:s18] =	ssyncset.done $0x0  }
0x3a3: {  	s29 =	simm.s32 $0x1D60;
	[sflag:s18] =	ssyncadd.s32 $0xFFFFFF80  }
.LBB2_8:
0x3a4: {  	_ =	sfence.sel $0x180000  }
0x3a5: {  	[bflag:$0x0] =	sbarrier.arrive $0xFFFF  }
0x3a6: {  	_ =	strace $0x90000047  }
0x3a7: {  	s0 =	stileid.u32;
	[bflag:$0x2] =	sbarrier.arrive $0xFFFF  }
0x3a8: {  	p0 =	sne.s32 s0, $0x0;
	s0 =	rddreg [dreg:$0x7]  }
0x3a9: {  	s0 =	sadd.s32 @!p0 $0x100000, s0  }
0x3aa: {  	[sflag:s0] =	ssyncadd.tile.s32 @!p0 $0x1;
	_ =	shalt  }
.Lfunc_end2:
_tile_overlayer_lowered:
.L_overlay_start_2:
0x3ab: {  	(tag) =	ssettag $0x2  }
0x3ac: {  	s0 =	rddreg [dreg:$0x0];
	s2 =	stileid.u32  }
0x3ad: {  	s1 =	rddreg [dreg:$0x1];
	p0 =	sne.s32 s2, $0x0  }
0x3ae: {  	s3 =	rddreg [dreg:$0x2];
	[bflag:$0x3] =	sbarrier.arrive $0xFFFF;
	s2 =	simm.s32 @!p0 $0x1C02  }
0x3af: {  	[timem:s3], [sflag:s2] =	dma.local @!p0 [hbm:s0], s1  }
0x3b0: {  	s0 =	simm.s32 @!p0 $0x2  }
0x3b1: {  	_ =	swait.ge @!p0 [sflag:s0], s1  }
0x3b2: {  	s1 =	ssub.s32 @!p0 $0x0, s1;
	[sflag:s0] =	ssyncset.done @!p0 $0x0  }
0x3b3: {  	[sflag:s0] =	ssyncadd.s32 @!p0 s1  }
0x3b4: {  	[bflag:$0x3] =	sbarrier.arrive $0xFFFF  }
0x3b5: {  	_ =	shalt  }

</sc_bundles>
